<compile_context>
chip_gen: v7x
topology: tpu7x:2x2x1
jax: 0.10.2.dev20260603
libtpu: 0.0.44.dev20260713+nightly
codegen_flags: <defaults>
</compile_context>

<pallas_src>
import functools

import jax
import jax.numpy as jnp
from jax import lax
from jax.experimental import pallas as pl
from jax.experimental.pallas import tpu as pltpu
from jax.experimental.pallas import tpu_sc as plsc

_N = 100000
_E = 3200000
_D = 16

_NC = 2
_NS = 16
_NW = _NC * _NS

_IW = 128
_CR = 6
_CB = _IW * _CR
_NCHUNK = 131
_EPW = _NCHUNK * _CB
_EP = _EPW * _NW
_RPT = 6256
_NPAD = _RPT * _NS
_ZCOPIES = _RPT // _CB
_ZTAIL = _RPT - _ZCOPIES * _CB

_PACK = 8
_NP = _N // _PACK
_NPP = _NPAD // _PACK
_DP = _D * _PACK


def _sc_body(g_hbm, idx_hbm, out0_hbm, out1_hbm,
             acc, comb0, comb1, rows0, rows1,
             isem0, isem1, gsem0, gsem1, ssem0, ssem1):
    c = lax.axis_index("c")
    s = lax.axis_index("s")
    wid = c * _NS + s
    comb = (comb0, comb1)
    rows = (rows0, rows1)
    isem = (isem0, isem1)
    gsem = (gsem0, gsem1)
    ssem = (ssem0, ssem1)

    def _zfill(i, carry):
        rows0[i] = jnp.zeros((_D,), jnp.float32)
        return carry

    lax.fori_loop(0, _CB, _zfill, 0, unroll=8)
    row0 = s * _RPT
    for k in range(_ZCOPIES):
        pltpu.sync_copy(rows0, acc.at[pl.ds(row0 + k * _CB, _CB)])
    pltpu.sync_copy(rows0.at[pl.ds(0, _ZTAIL)],
                    acc.at[pl.ds(row0 + _ZCOPIES * _CB, _ZTAIL)])
    plsc.subcore_barrier()

    irow0 = wid * (_EPW // _IW)

    def _load_idx(k, si):
        pltpu.async_copy(idx_hbm.at[pl.ds(irow0 + k * _CR, _CR)],
                         comb[si], isem[si])

    def _wait_idx(k, si):
        pltpu.make_async_copy(idx_hbm.at[pl.ds(irow0 + k * _CR, _CR)],
                              comb[si], isem[si]).wait()

    def _fire_gather(si, b):
        for j in range(_CR):
            pltpu.async_copy(g_hbm.at[comb[si].at[j, 0]],
                             rows[b].at[pl.ds(j * _IW, _IW)], gsem[b])

    def _wait_gather(si, b):
        for j in range(_CR):
            pltpu.make_async_copy(g_hbm.at[comb[si].at[j, 0]],
                                  rows[b].at[pl.ds(j * _IW, _IW)],
                                  gsem[b]).wait()

    def _fire_scatter(si, b):
        for j in range(_CR):
            pltpu.async_copy(rows[b].at[pl.ds(j * _IW, _IW)],
                             acc.at[comb[si].at[j, 1]], ssem[b], add=True)

    def _wait_scatter(si, b):
        for j in range(_CR):
            pltpu.make_async_copy(rows[b].at[pl.ds(j * _IW, _IW)],
                                  acc.at[comb[si].at[j, 1]],
                                  ssem[b]).wait()

    def _scale(si, b):
        rb = rows[b]
        cb = comb[si]

        @plsc.parallel_loop(0, _CB // 16, unroll=2)
        def _sc16(t):
            j = t // 8
            g = t - j * 8
            w16 = lax.bitcast_convert_type(cb[j, 2, pl.ds(g * 16, 16)],
                                           jnp.float32)
            for i in range(16):
                e = t * 16 + i
                rb[e] = rb[e] * w16[i]

    _load_idx(0, 0)
    _wait_idx(0, 0)
    _fire_gather(0, 0)

    def _pair(i, carry):
        for b in range(2):
            k = 2 * i + b
            bn = 1 - b

            @pl.when(k < _NCHUNK)
            def _():
                @pl.when(k + 1 < _NCHUNK)
                def _():
                    @pl.when(k > 0)
                    def _():
                        _wait_scatter(bn, bn)

                    _load_idx(k + 1, bn)

                _wait_gather(b, b)
                _scale(b, b)
                _fire_scatter(b, b)

                @pl.when(k + 1 < _NCHUNK)
                def _():
                    _wait_idx(k + 1, bn)
                    _fire_gather(bn, bn)

        return carry

    lax.fori_loop(0, (_NCHUNK + 1) // 2, _pair, 0)
    _wait_scatter(_NCHUNK % 2, _NCHUNK % 2)
    _wait_scatter((_NCHUNK - 1) % 2, (_NCHUNK - 1) % 2)
    plsc.subcore_barrier()

    @pl.when(c == 0)
    def _():
        pltpu.sync_copy(acc.at[pl.ds(row0, _RPT)],
                        out0_hbm.at[pl.ds(row0, _RPT)])

    @pl.when(c == 1)
    def _():
        pltpu.sync_copy(acc.at[pl.ds(row0, _RPT)],
                        out1_hbm.at[pl.ds(row0, _RPT)])


_sc_scatter = functools.partial(
    pl.kernel,
    out_type=[
        jax.ShapeDtypeStruct((_NPAD, _D), jnp.float32),
        jax.ShapeDtypeStruct((_NPAD, _D), jnp.float32),
    ],
    mesh=plsc.VectorSubcoreMesh(core_axis_name="c", subcore_axis_name="s"),
    scratch_types=[
        pltpu.VMEM_SHARED((_NPAD, _D), jnp.float32),
        pltpu.VMEM((_CR, 3, _IW), jnp.int32),
        pltpu.VMEM((_CR, 3, _IW), jnp.int32),
        pltpu.VMEM((_CB, _D), jnp.float32),
        pltpu.VMEM((_CB, _D), jnp.float32),
        pltpu.SemaphoreType.DMA,
        pltpu.SemaphoreType.DMA,
        pltpu.SemaphoreType.DMA,
        pltpu.SemaphoreType.DMA,
        pltpu.SemaphoreType.DMA,
        pltpu.SemaphoreType.DMA,
    ],
    compiler_params=pltpu.CompilerParams(use_tc_tiling_on_sc=False),
)(_sc_body)


_BL = 1024


def _mm_body(x_ref, w_ref, o_ref):
    o_ref[...] = jnp.dot(x_ref[...], w_ref[...],
                         preferred_element_type=jnp.float32)


def _mid_body(x_ref, p0_ref, p1_ref, ws_ref, b_ref, wn_ref, h_ref, g_ref):
    t = jnp.dot(x_ref[...], ws_ref[...], preferred_element_type=jnp.float32)
    t = t + p0_ref[...] + p1_ref[...] + b_ref[...]
    t = jnp.maximum(t, 0.0)
    h_ref[...] = t
    g_ref[...] = jnp.dot(t, wn_ref[...], preferred_element_type=jnp.float32)


def _fin_body(h_ref, p0_ref, p1_ref, ws_ref, b_ref, o_ref):
    t = jnp.dot(h_ref[...], ws_ref[...], preferred_element_type=jnp.float32)
    o_ref[...] = t + p0_ref[...] + p1_ref[...] + b_ref[...]


def _row_spec():
    return pl.BlockSpec((_BL, _DP), lambda i: (i, 0))


def _w_spec():
    return pl.BlockSpec((_DP, _DP), lambda i: (0, 0))


def _b_spec():
    return pl.BlockSpec((1, _DP), lambda i: (0, 0))


_GRID = ((_NP + _BL - 1) // _BL,)

_tc_mm = pl.pallas_call(
    _mm_body, grid=_GRID,
    in_specs=[_row_spec(), _w_spec()],
    out_specs=_row_spec(),
    out_shape=jax.ShapeDtypeStruct((_NP, _DP), jnp.float32),
)

_tc_mid = pl.pallas_call(
    _mid_body, grid=_GRID,
    in_specs=[_row_spec(), _row_spec(), _row_spec(),
              _w_spec(), _b_spec(), _w_spec()],
    out_specs=[_row_spec(), _row_spec()],
    out_shape=[jax.ShapeDtypeStruct((_NP, _DP), jnp.float32),
               jax.ShapeDtypeStruct((_NP, _DP), jnp.float32)],
)

_tc_fin = pl.pallas_call(
    _fin_body, grid=_GRID,
    in_specs=[_row_spec(), _row_spec(), _row_spec(), _w_spec(), _b_spec()],
    out_specs=_row_spec(),
    out_shape=jax.ShapeDtypeStruct((_NP, _DP), jnp.float32),
)


def _pack_w(w):
    return jnp.kron(jnp.eye(_PACK, dtype=jnp.float32), w)


def kernel(x, edge_index, edge_weight, W_self0, W_neigh0, b0,
           W_self1, W_neigh1, b1):
    pad = jnp.zeros((_EP - _E,), jnp.int32)
    wbits = lax.bitcast_convert_type(edge_weight, jnp.int32)
    idx_comb = jnp.stack(
        [jnp.concatenate([edge_index[0], pad]).reshape(_EP // _IW, _IW),
         jnp.concatenate([edge_index[1], pad]).reshape(_EP // _IW, _IW),
         jnp.concatenate([wbits, pad]).reshape(_EP // _IW, _IW)], axis=1)

    xp = x.reshape(_NP, _DP)
    Kn0 = _pack_w(W_neigh0)
    Ks0 = _pack_w(W_self0)
    Kn1 = _pack_w(W_neigh1)
    Ks1 = _pack_w(W_self1)
    b0p = jnp.tile(b0, _PACK).reshape(1, _DP)
    b1p = jnp.tile(b1, _PACK).reshape(1, _DP)

    def _pk(p):
        return p.reshape(_NPP, _DP)

    g0 = _tc_mm(xp, Kn0)
    p0a, p0b = _sc_scatter(g0.reshape(_N, _D), idx_comb)
    h1, g1 = _tc_mid(xp, _pk(p0a), _pk(p0b), Ks0, b0p, Kn1)
    p1a, p1b = _sc_scatter(g1.reshape(_N, _D), idx_comb)
    out = _tc_fin(h1, _pk(p1a), _pk(p1b), Ks1, b1p)
    return out.reshape(_N, _D)

# --- scband reference (transcript-rebuilt; emitter-appended) ---
"""Pipeline reference for scband-graph-sagemodel-29901562315009 (READ-ONLY COPY).

The authoritative reference and input builder live on the scoring server;
editing this copy changes nothing except your own understanding.
"""

import jax, jax.numpy as jnp
import numpy as np

N = 100000
E = 3200000
D = 16


def setup_inputs(seed: int = 0) -> dict:
    key = jax.random.key(seed)
    ks = jax.random.split(key, 10)
    x = jax.random.normal(ks[0], (N, D), dtype=jnp.float32)
    edge_index = jax.random.randint(ks[1], (2, E), 0, N, dtype=jnp.int32)
    edge_weight = jax.random.uniform(ks[2], (E,), dtype=jnp.float32)
    # SAGEConv layer 0 (in_feats=16 -> n_hidden=16, activation=relu)
    W_self0 = jax.random.normal(ks[3], (D, D), dtype=jnp.float32) * 0.1
    W_neigh0 = jax.random.normal(ks[4], (D, D), dtype=jnp.float32) * 0.1
    b0 = jnp.zeros((D,), dtype=jnp.float32)
    # SAGEConv layer 1 (n_hidden=16 -> out_dim=16, no activation)
    W_self1 = jax.random.normal(ks[5], (D, D), dtype=jnp.float32) * 0.1
    W_neigh1 = jax.random.normal(ks[6], (D, D), dtype=jnp.float32) * 0.1
    b1 = jnp.zeros((D,), dtype=jnp.float32)
    return {
        "x": x,
        "edge_index": edge_index,
        "edge_weight": edge_weight,
        "W_self0": W_self0,
        "W_neigh0": W_neigh0,
        "b0": b0,
        "W_self1": W_self1,
        "W_neigh1": W_neigh1,
        "b1": b1,
    }


def _sage_layer(h, src, dst, edge_weight, W_self, W_neigh, b, activation):
    # DGL SAGEConv with 'sum' aggregator and per-edge weights (g.edata['similarity']):
    # aggregate: h_neigh[v] = sum_{(u->v)} w_uv * h[u]
    msg = jnp.take(h, src, axis=0) * edge_weight[:, None]
    h_neigh = jax.ops.segment_sum(msg, dst, num_segments=h.shape[0])
    out = h @ W_self + h_neigh @ W_neigh + b
    if activation:
        out = jax.nn.relu(out)
    return out


def reference(x, edge_index, edge_weight, W_self0, W_neigh0, b0, W_self1, W_neigh1, b1):
    src = edge_index[0]
    dst = edge_index[1]
    # dropout=0.0 at inference; n_layers=1 means [input layer, output layer]
    h = _sage_layer(x, src, dst, edge_weight, W_self0, W_neigh0, b0, activation=True)
    h = _sage_layer(h, src, dst, edge_weight, W_self1, W_neigh1, b1, activation=False)
    return h

if __name__ == "__main__":
    import jax
    _d = setup_inputs()
    print(jax.jit(kernel)(*tuple(_d.values())))

</pallas_src>

<mosaic_0001>
#map = affine_map<(d0, d1) -> (0, 0)>
#map1 = affine_map<(d0, d1) -> (0, 0, 0)>
module attributes {stable_mosaic.version = 14 : i64} {
  func.func @_sc_body(%arg0: i32, %arg1: i32, %arg2: memref<100000x16xf32, #tpu.memory_space<hbm>>, %arg3: memref<25152x3x128xi32, #tpu.memory_space<hbm>>, %arg4: memref<100096x16xf32, #tpu.memory_space<hbm>>, %arg5: memref<100096x16xf32, #tpu.memory_space<hbm>>, %arg6: memref<100096x16xf32, #tpu.memory_space<vmem_shared>>, %arg7: memref<6x3x128xi32, #tpu.memory_space<vmem>>, %arg8: memref<6x3x128xi32, #tpu.memory_space<vmem>>, %arg9: memref<768x16xf32, #tpu.memory_space<vmem>>, %arg10: memref<768x16xf32, #tpu.memory_space<vmem>>, %arg11: memref<!tpu.dma_semaphore, #tpu.memory_space<semaphore_mem>>, %arg12: memref<!tpu.dma_semaphore, #tpu.memory_space<semaphore_mem>>, %arg13: memref<!tpu.dma_semaphore, #tpu.memory_space<semaphore_mem>>, %arg14: memref<!tpu.dma_semaphore, #tpu.memory_space<semaphore_mem>>, %arg15: memref<!tpu.dma_semaphore, #tpu.memory_space<semaphore_mem>>, %arg16: memref<!tpu.dma_semaphore, #tpu.memory_space<semaphore_mem>>) attributes {dimension_semantics = [#tpu.dimension_semantics<core_parallel>, #tpu.dimension_semantics<subcore_parallel>], iteration_bounds = array<i64: 2, 16>, scalar_prefetch = 0 : i64, scratch_operands = 11 : i64, tpu.core_type = #tpu.core_type<sc_vector_subcore>, window_params = [{transform_indices = #map}, {transform_indices = #map1}, {transform_indices = #map}, {transform_indices = #map}]} {
    %mul3A = arith.constant 16 : i32
    %mul3A_0 = arith.muli %arg0, %mul3A : i32
    %add3A = arith.addi %mul3A_0, %arg1 : i32
    %scan3A = arith.constant 0 : i32
    %scan3A_1 = arith.constant 0 : i32
    %scan3A_2 = arith.constant 768 : i32
    %scan3A_3 = arith.addi %scan3A_1, %scan3A_2 : i32
    %scan3A_4 = arith.constant 8 : i32
    scf.for %scan3A_254 = %scan3A_1 to %scan3A_3 step %scan3A_4  : i32 {
      %broadcast_in_dim3A = arith.constant 0.000000e+00 : f32
      %broadcast_in_dim3A_255 = vector.broadcast %broadcast_in_dim3A : f32 to vector<16xf32>
      %swap3A = arith.index_cast %scan3A_254 : i32 to index
      %swap3A_256 = arith.constant 0 : index
      %swap3A_257 = tpu.vector_load %arg9[%swap3A, %swap3A_256] {strides = array<i32>} : memref<768x16xf32, #tpu.memory_space<vmem>>, vector<1x16xf32>,
      %swap3A_258 = vector.shape_cast %swap3A_257 : vector<1x16xf32> to vector<16xf32>
      %swap3A_259 = vector.shape_cast %broadcast_in_dim3A_255 : vector<16xf32> to vector<1x16xf32>
      tpu.vector_store %arg9[%swap3A, %swap3A_256], %swap3A_259 {strides = array<i32>} : memref<768x16xf32, #tpu.memory_space<vmem>>, vector<1x16xf32>,
      %scan3A_260 = arith.constant 1 : i32
      %scan3A_261 = arith.addi %scan3A_254, %scan3A_260 : i32
      %broadcast_in_dim3A_262 = arith.constant 0.000000e+00 : f32
      %broadcast_in_dim3A_263 = vector.broadcast %broadcast_in_dim3A_262 : f32 to vector<16xf32>
      %swap3A_264 = arith.index_cast %scan3A_261 : i32 to index
      %swap3A_265 = arith.constant 0 : index
      %swap3A_266 = tpu.vector_load %arg9[%swap3A_264, %swap3A_265] {strides = array<i32>} : memref<768x16xf32, #tpu.memory_space<vmem>>, vector<1x16xf32>,
      %swap3A_267 = vector.shape_cast %swap3A_266 : vector<1x16xf32> to vector<16xf32>
      %swap3A_268 = vector.shape_cast %broadcast_in_dim3A_263 : vector<16xf32> to vector<1x16xf32>
      tpu.vector_store %arg9[%swap3A_264, %swap3A_265], %swap3A_268 {strides = array<i32>} : memref<768x16xf32, #tpu.memory_space<vmem>>, vector<1x16xf32>,
      %scan3A_269 = arith.constant 2 : i32
      %scan3A_270 = arith.addi %scan3A_254, %scan3A_269 : i32
      %broadcast_in_dim3A_271 = arith.constant 0.000000e+00 : f32
      %broadcast_in_dim3A_272 = vector.broadcast %broadcast_in_dim3A_271 : f32 to vector<16xf32>
      %swap3A_273 = arith.index_cast %scan3A_270 : i32 to index
      %swap3A_274 = arith.constant 0 : index
      %swap3A_275 = tpu.vector_load %arg9[%swap3A_273, %swap3A_274] {strides = array<i32>} : memref<768x16xf32, #tpu.memory_space<vmem>>, vector<1x16xf32>,
      %swap3A_276 = vector.shape_cast %swap3A_275 : vector<1x16xf32> to vector<16xf32>
      %swap3A_277 = vector.shape_cast %broadcast_in_dim3A_272 : vector<16xf32> to vector<1x16xf32>
      tpu.vector_store %arg9[%swap3A_273, %swap3A_274], %swap3A_277 {strides = array<i32>} : memref<768x16xf32, #tpu.memory_space<vmem>>, vector<1x16xf32>,
      %scan3A_278 = arith.constant 3 : i32
      %scan3A_279 = arith.addi %scan3A_254, %scan3A_278 : i32
      %broadcast_in_dim3A_280 = arith.constant 0.000000e+00 : f32
      %broadcast_in_dim3A_281 = vector.broadcast %broadcast_in_dim3A_280 : f32 to vector<16xf32>
      %swap3A_282 = arith.index_cast %scan3A_279 : i32 to index
      %swap3A_283 = arith.constant 0 : index
      %swap3A_284 = tpu.vector_load %arg9[%swap3A_282, %swap3A_283] {strides = array<i32>} : memref<768x16xf32, #tpu.memory_space<vmem>>, vector<1x16xf32>,
      %swap3A_285 = vector.shape_cast %swap3A_284 : vector<1x16xf32> to vector<16xf32>
      %swap3A_286 = vector.shape_cast %broadcast_in_dim3A_281 : vector<16xf32> to vector<1x16xf32>
      tpu.vector_store %arg9[%swap3A_282, %swap3A_283], %swap3A_286 {strides = array<i32>} : memref<768x16xf32, #tpu.memory_space<vmem>>, vector<1x16xf32>,
      %scan3A_287 = arith.constant 4 : i32
      %scan3A_288 = arith.addi %scan3A_254, %scan3A_287 : i32
      %broadcast_in_dim3A_289 = arith.constant 0.000000e+00 : f32
      %broadcast_in_dim3A_290 = vector.broadcast %broadcast_in_dim3A_289 : f32 to vector<16xf32>
      %swap3A_291 = arith.index_cast %scan3A_288 : i32 to index
      %swap3A_292 = arith.constant 0 : index
      %swap3A_293 = tpu.vector_load %arg9[%swap3A_291, %swap3A_292] {strides = array<i32>} : memref<768x16xf32, #tpu.memory_space<vmem>>, vector<1x16xf32>,
      %swap3A_294 = vector.shape_cast %swap3A_293 : vector<1x16xf32> to vector<16xf32>
      %swap3A_295 = vector.shape_cast %broadcast_in_dim3A_290 : vector<16xf32> to vector<1x16xf32>
      tpu.vector_store %arg9[%swap3A_291, %swap3A_292], %swap3A_295 {strides = array<i32>} : memref<768x16xf32, #tpu.memory_space<vmem>>, vector<1x16xf32>,
      %scan3A_296 = arith.constant 5 : i32
      %scan3A_297 = arith.addi %scan3A_254, %scan3A_296 : i32
      %broadcast_in_dim3A_298 = arith.constant 0.000000e+00 : f32
      %broadcast_in_dim3A_299 = vector.broadcast %broadcast_in_dim3A_298 : f32 to vector<16xf32>
      %swap3A_300 = arith.index_cast %scan3A_297 : i32 to index
      %swap3A_301 = arith.constant 0 : index
      %swap3A_302 = tpu.vector_load %arg9[%swap3A_300, %swap3A_301] {strides = array<i32>} : memref<768x16xf32, #tpu.memory_space<vmem>>, vector<1x16xf32>,
      %swap3A_303 = vector.shape_cast %swap3A_302 : vector<1x16xf32> to vector<16xf32>
      %swap3A_304 = vector.shape_cast %broadcast_in_dim3A_299 : vector<16xf32> to vector<1x16xf32>
      tpu.vector_store %arg9[%swap3A_300, %swap3A_301], %swap3A_304 {strides = array<i32>} : memref<768x16xf32, #tpu.memory_space<vmem>>, vector<1x16xf32>,
      %scan3A_305 = arith.constant 6 : i32
      %scan3A_306 = arith.addi %scan3A_254, %scan3A_305 : i32
      %broadcast_in_dim3A_307 = arith.constant 0.000000e+00 : f32
      %broadcast_in_dim3A_308 = vector.broadcast %broadcast_in_dim3A_307 : f32 to vector<16xf32>
      %swap3A_309 = arith.index_cast %scan3A_306 : i32 to index
      %swap3A_310 = arith.constant 0 : index
      %swap3A_311 = tpu.vector_load %arg9[%swap3A_309, %swap3A_310] {strides = array<i32>} : memref<768x16xf32, #tpu.memory_space<vmem>>, vector<1x16xf32>,
      %swap3A_312 = vector.shape_cast %swap3A_311 : vector<1x16xf32> to vector<16xf32>
      %swap3A_313 = vector.shape_cast %broadcast_in_dim3A_308 : vector<16xf32> to vector<1x16xf32>
      tpu.vector_store %arg9[%swap3A_309, %swap3A_310], %swap3A_313 {strides = array<i32>} : memref<768x16xf32, #tpu.memory_space<vmem>>, vector<1x16xf32>,
      %scan3A_314 = arith.constant 7 : i32
      %scan3A_315 = arith.addi %scan3A_254, %scan3A_314 : i32
      %broadcast_in_dim3A_316 = arith.constant 0.000000e+00 : f32
      %broadcast_in_dim3A_317 = vector.broadcast %broadcast_in_dim3A_316 : f32 to vector<16xf32>
      %swap3A_318 = arith.index_cast %scan3A_315 : i32 to index
      %swap3A_319 = arith.constant 0 : index
      %swap3A_320 = tpu.vector_load %arg9[%swap3A_318, %swap3A_319] {strides = array<i32>} : memref<768x16xf32, #tpu.memory_space<vmem>>, vector<1x16xf32>,
      %swap3A_321 = vector.shape_cast %swap3A_320 : vector<1x16xf32> to vector<16xf32>
      %swap3A_322 = vector.shape_cast %broadcast_in_dim3A_317 : vector<16xf32> to vector<1x16xf32>
      tpu.vector_store %arg9[%swap3A_318, %swap3A_319], %swap3A_322 {strides = array<i32>} : memref<768x16xf32, #tpu.memory_space<vmem>>, vector<1x16xf32>,
    }
    %scan3A_5 = arith.constant 768 : i32
    %mul3A_6 = arith.constant 6256 : i32
    %mul3A_7 = arith.muli %arg1, %mul3A_6 : i32
    %add3A_8 = arith.constant 0 : i32
    %add3A_9 = arith.addi %mul3A_7, %add3A_8 : i32
    "tpu.region"() ({
      %run_scoped3A = tpu.sem_alloc : memref<!tpu.dma_semaphore, #tpu.memory_space<semaphore_mem>>
      %dma_start3A_254 = arith.constant 0 : i32
      %dma_start3A_255 = tpu.memref_slice %arg6[%add3A_9, %dma_start3A_254] : memref<100096x16xf32, #tpu.memory_space<vmem_shared>> -> memref<768x16xf32, #tpu.memory_space<vmem_shared>>
      %dma_start3A_256 = arith.constant 0 : i32
      %dma_start3A_257 = tpu.memref_slice %arg6[%add3A_9, %dma_start3A_256] : memref<100096x16xf32, #tpu.memory_space<vmem_shared>> -> memref<768x16xf32, #tpu.memory_space<vmem_shared>>
      tpu.enqueue_dma source(%arg9 : memref<768x16xf32, #tpu.memory_space<vmem>>) target(%dma_start3A_257 : memref<768x16xf32, #tpu.memory_space<vmem_shared>>) target_semaphore(%run_scoped3A : memref<!tpu.dma_semaphore, #tpu.memory_space<semaphore_mem>>)
      %dma_wait3A_258 = arith.constant 0 : i32
      %dma_wait3A_259 = tpu.memref_slice %arg6[%add3A_9, %dma_wait3A_258] : memref<100096x16xf32, #tpu.memory_space<vmem_shared>> -> memref<768x16xf32, #tpu.memory_space<vmem_shared>>
      %dma_wait3A_260 = arith.constant 0 : i32
      %dma_wait3A_261 = tpu.memref_slice %arg6[%add3A_9, %dma_wait3A_260] : memref<100096x16xf32, #tpu.memory_space<vmem_shared>> -> memref<768x16xf32, #tpu.memory_space<vmem_shared>>
      tpu.wait_dma2 semaphore(%run_scoped3A : memref<!tpu.dma_semaphore, #tpu.memory_space<semaphore_mem>>) src(%arg9 : memref<768x16xf32, #tpu.memory_space<vmem>>) dst(%dma_wait3A_261 : memref<768x16xf32, #tpu.memory_space<vmem_shared>>)
      tpu.yield
    }) : () -> ()
    %add3A_10 = arith.constant 768 : i32
    %add3A_11 = arith.addi %mul3A_7, %add3A_10 : i32
    "tpu.region"() ({
      %run_scoped3A = tpu.sem_alloc : memref<!tpu.dma_semaphore, #tpu.memory_space<semaphore_mem>>
      %dma_start3A_254 = arith.constant 0 : i32
      %dma_start3A_255 = tpu.memref_slice %arg6[%add3A_11, %dma_start3A_254] : memref<100096x16xf32, #tpu.memory_space<vmem_shared>> -> memref<768x16xf32, #tpu.memory_space<vmem_shared>>
      %dma_start3A_256 = arith.constant 0 : i32
      %dma_start3A_257 = tpu.memref_slice %arg6[%add3A_11, %dma_start3A_256] : memref<100096x16xf32, #tpu.memory_space<vmem_shared>> -> memref<768x16xf32, #tpu.memory_space<vmem_shared>>
      tpu.enqueue_dma source(%arg9 : memref<768x16xf32, #tpu.memory_space<vmem>>) target(%dma_start3A_257 : memref<768x16xf32, #tpu.memory_space<vmem_shared>>) target_semaphore(%run_scoped3A : memref<!tpu.dma_semaphore, #tpu.memory_space<semaphore_mem>>)
      %dma_wait3A_258 = arith.constant 0 : i32
      %dma_wait3A_259 = tpu.memref_slice %arg6[%add3A_11, %dma_wait3A_258] : memref<100096x16xf32, #tpu.memory_space<vmem_shared>> -> memref<768x16xf32, #tpu.memory_space<vmem_shared>>
      %dma_wait3A_260 = arith.constant 0 : i32
      %dma_wait3A_261 = tpu.memref_slice %arg6[%add3A_11, %dma_wait3A_260] : memref<100096x16xf32, #tpu.memory_space<vmem_shared>> -> memref<768x16xf32, #tpu.memory_space<vmem_shared>>
      tpu.wait_dma2 semaphore(%run_scoped3A : memref<!tpu.dma_semaphore, #tpu.memory_space<semaphore_mem>>) src(%arg9 : memref<768x16xf32, #tpu.memory_space<vmem>>) dst(%dma_wait3A_261 : memref<768x16xf32, #tpu.memory_space<vmem_shared>>)
      tpu.yield
    }) : () -> ()
    %add3A_12 = arith.constant 1536 : i32
    %add3A_13 = arith.addi %mul3A_7, %add3A_12 : i32
    "tpu.region"() ({
      %run_scoped3A = tpu.sem_alloc : memref<!tpu.dma_semaphore, #tpu.memory_space<semaphore_mem>>
      %dma_start3A_254 = arith.constant 0 : i32
      %dma_start3A_255 = tpu.memref_slice %arg6[%add3A_13, %dma_start3A_254] : memref<100096x16xf32, #tpu.memory_space<vmem_shared>> -> memref<768x16xf32, #tpu.memory_space<vmem_shared>>
      %dma_start3A_256 = arith.constant 0 : i32
      %dma_start3A_257 = tpu.memref_slice %arg6[%add3A_13, %dma_start3A_256] : memref<100096x16xf32, #tpu.memory_space<vmem_shared>> -> memref<768x16xf32, #tpu.memory_space<vmem_shared>>
      tpu.enqueue_dma source(%arg9 : memref<768x16xf32, #tpu.memory_space<vmem>>) target(%dma_start3A_257 : memref<768x16xf32, #tpu.memory_space<vmem_shared>>) target_semaphore(%run_scoped3A : memref<!tpu.dma_semaphore, #tpu.memory_space<semaphore_mem>>)
      %dma_wait3A_258 = arith.constant 0 : i32
      %dma_wait3A_259 = tpu.memref_slice %arg6[%add3A_13, %dma_wait3A_258] : memref<100096x16xf32, #tpu.memory_space<vmem_shared>> -> memref<768x16xf32, #tpu.memory_space<vmem_shared>>
      %dma_wait3A_260 = arith.constant 0 : i32
      %dma_wait3A_261 = tpu.memref_slice %arg6[%add3A_13, %dma_wait3A_260] : memref<100096x16xf32, #tpu.memory_space<vmem_shared>> -> memref<768x16xf32, #tpu.memory_space<vmem_shared>>
      tpu.wait_dma2 semaphore(%run_scoped3A : memref<!tpu.dma_semaphore, #tpu.memory_space<semaphore_mem>>) src(%arg9 : memref<768x16xf32, #tpu.memory_space<vmem>>) dst(%dma_wait3A_261 : memref<768x16xf32, #tpu.memory_space<vmem_shared>>)
      tpu.yield
    }) : () -> ()
    %add3A_14 = arith.constant 2304 : i32
    %add3A_15 = arith.addi %mul3A_7, %add3A_14 : i32
    "tpu.region"() ({
      %run_scoped3A = tpu.sem_alloc : memref<!tpu.dma_semaphore, #tpu.memory_space<semaphore_mem>>
      %dma_start3A_254 = arith.constant 0 : i32
      %dma_start3A_255 = tpu.memref_slice %arg6[%add3A_15, %dma_start3A_254] : memref<100096x16xf32, #tpu.memory_space<vmem_shared>> -> memref<768x16xf32, #tpu.memory_space<vmem_shared>>
      %dma_start3A_256 = arith.constant 0 : i32
      %dma_start3A_257 = tpu.memref_slice %arg6[%add3A_15, %dma_start3A_256] : memref<100096x16xf32, #tpu.memory_space<vmem_shared>> -> memref<768x16xf32, #tpu.memory_space<vmem_shared>>
      tpu.enqueue_dma source(%arg9 : memref<768x16xf32, #tpu.memory_space<vmem>>) target(%dma_start3A_257 : memref<768x16xf32, #tpu.memory_space<vmem_shared>>) target_semaphore(%run_scoped3A : memref<!tpu.dma_semaphore, #tpu.memory_space<semaphore_mem>>)
      %dma_wait3A_258 = arith.constant 0 : i32
      %dma_wait3A_259 = tpu.memref_slice %arg6[%add3A_15, %dma_wait3A_258] : memref<100096x16xf32, #tpu.memory_space<vmem_shared>> -> memref<768x16xf32, #tpu.memory_space<vmem_shared>>
      %dma_wait3A_260 = arith.constant 0 : i32
      %dma_wait3A_261 = tpu.memref_slice %arg6[%add3A_15, %dma_wait3A_260] : memref<100096x16xf32, #tpu.memory_space<vmem_shared>> -> memref<768x16xf32, #tpu.memory_space<vmem_shared>>
      tpu.wait_dma2 semaphore(%run_scoped3A : memref<!tpu.dma_semaphore, #tpu.memory_space<semaphore_mem>>) src(%arg9 : memref<768x16xf32, #tpu.memory_space<vmem>>) dst(%dma_wait3A_261 : memref<768x16xf32, #tpu.memory_space<vmem_shared>>)
      tpu.yield
    }) : () -> ()
    %add3A_16 = arith.constant 3072 : i32
    %add3A_17 = arith.addi %mul3A_7, %add3A_16 : i32
    "tpu.region"() ({
      %run_scoped3A = tpu.sem_alloc : memref<!tpu.dma_semaphore, #tpu.memory_space<semaphore_mem>>
      %dma_start3A_254 = arith.constant 0 : i32
      %dma_start3A_255 = tpu.memref_slice %arg6[%add3A_17, %dma_start3A_254] : memref<100096x16xf32, #tpu.memory_space<vmem_shared>> -> memref<768x16xf32, #tpu.memory_space<vmem_shared>>
      %dma_start3A_256 = arith.constant 0 : i32
      %dma_start3A_257 = tpu.memref_slice %arg6[%add3A_17, %dma_start3A_256] : memref<100096x16xf32, #tpu.memory_space<vmem_shared>> -> memref<768x16xf32, #tpu.memory_space<vmem_shared>>
      tpu.enqueue_dma source(%arg9 : memref<768x16xf32, #tpu.memory_space<vmem>>) target(%dma_start3A_257 : memref<768x16xf32, #tpu.memory_space<vmem_shared>>) target_semaphore(%run_scoped3A : memref<!tpu.dma_semaphore, #tpu.memory_space<semaphore_mem>>)
      %dma_wait3A_258 = arith.constant 0 : i32
      %dma_wait3A_259 = tpu.memref_slice %arg6[%add3A_17, %dma_wait3A_258] : memref<100096x16xf32, #tpu.memory_space<vmem_shared>> -> memref<768x16xf32, #tpu.memory_space<vmem_shared>>
      %dma_wait3A_260 = arith.constant 0 : i32
      %dma_wait3A_261 = tpu.memref_slice %arg6[%add3A_17, %dma_wait3A_260] : memref<100096x16xf32, #tpu.memory_space<vmem_shared>> -> memref<768x16xf32, #tpu.memory_space<vmem_shared>>
      tpu.wait_dma2 semaphore(%run_scoped3A : memref<!tpu.dma_semaphore, #tpu.memory_space<semaphore_mem>>) src(%arg9 : memref<768x16xf32, #tpu.memory_space<vmem>>) dst(%dma_wait3A_261 : memref<768x16xf32, #tpu.memory_space<vmem_shared>>)
      tpu.yield
    }) : () -> ()
    %add3A_18 = arith.constant 3840 : i32
    %add3A_19 = arith.addi %mul3A_7, %add3A_18 : i32
    "tpu.region"() ({
      %run_scoped3A = tpu.sem_alloc : memref<!tpu.dma_semaphore, #tpu.memory_space<semaphore_mem>>
      %dma_start3A_254 = arith.constant 0 : i32
      %dma_start3A_255 = tpu.memref_slice %arg6[%add3A_19, %dma_start3A_254] : memref<100096x16xf32, #tpu.memory_space<vmem_shared>> -> memref<768x16xf32, #tpu.memory_space<vmem_shared>>
      %dma_start3A_256 = arith.constant 0 : i32
      %dma_start3A_257 = tpu.memref_slice %arg6[%add3A_19, %dma_start3A_256] : memref<100096x16xf32, #tpu.memory_space<vmem_shared>> -> memref<768x16xf32, #tpu.memory_space<vmem_shared>>
      tpu.enqueue_dma source(%arg9 : memref<768x16xf32, #tpu.memory_space<vmem>>) target(%dma_start3A_257 : memref<768x16xf32, #tpu.memory_space<vmem_shared>>) target_semaphore(%run_scoped3A : memref<!tpu.dma_semaphore, #tpu.memory_space<semaphore_mem>>)
      %dma_wait3A_258 = arith.constant 0 : i32
      %dma_wait3A_259 = tpu.memref_slice %arg6[%add3A_19, %dma_wait3A_258] : memref<100096x16xf32, #tpu.memory_space<vmem_shared>> -> memref<768x16xf32, #tpu.memory_space<vmem_shared>>
      %dma_wait3A_260 = arith.constant 0 : i32
      %dma_wait3A_261 = tpu.memref_slice %arg6[%add3A_19, %dma_wait3A_260] : memref<100096x16xf32, #tpu.memory_space<vmem_shared>> -> memref<768x16xf32, #tpu.memory_space<vmem_shared>>
      tpu.wait_dma2 semaphore(%run_scoped3A : memref<!tpu.dma_semaphore, #tpu.memory_space<semaphore_mem>>) src(%arg9 : memref<768x16xf32, #tpu.memory_space<vmem>>) dst(%dma_wait3A_261 : memref<768x16xf32, #tpu.memory_space<vmem_shared>>)
      tpu.yield
    }) : () -> ()
    %add3A_20 = arith.constant 4608 : i32
    %add3A_21 = arith.addi %mul3A_7, %add3A_20 : i32
    "tpu.region"() ({
      %run_scoped3A = tpu.sem_alloc : memref<!tpu.dma_semaphore, #tpu.memory_space<semaphore_mem>>
      %dma_start3A_254 = arith.constant 0 : i32
      %dma_start3A_255 = tpu.memref_slice %arg6[%add3A_21, %dma_start3A_254] : memref<100096x16xf32, #tpu.memory_space<vmem_shared>> -> memref<768x16xf32, #tpu.memory_space<vmem_shared>>
      %dma_start3A_256 = arith.constant 0 : i32
      %dma_start3A_257 = tpu.memref_slice %arg6[%add3A_21, %dma_start3A_256] : memref<100096x16xf32, #tpu.memory_space<vmem_shared>> -> memref<768x16xf32, #tpu.memory_space<vmem_shared>>
      tpu.enqueue_dma source(%arg9 : memref<768x16xf32, #tpu.memory_space<vmem>>) target(%dma_start3A_257 : memref<768x16xf32, #tpu.memory_space<vmem_shared>>) target_semaphore(%run_scoped3A : memref<!tpu.dma_semaphore, #tpu.memory_space<semaphore_mem>>)
      %dma_wait3A_258 = arith.constant 0 : i32
      %dma_wait3A_259 = tpu.memref_slice %arg6[%add3A_21, %dma_wait3A_258] : memref<100096x16xf32, #tpu.memory_space<vmem_shared>> -> memref<768x16xf32, #tpu.memory_space<vmem_shared>>
      %dma_wait3A_260 = arith.constant 0 : i32
      %dma_wait3A_261 = tpu.memref_slice %arg6[%add3A_21, %dma_wait3A_260] : memref<100096x16xf32, #tpu.memory_space<vmem_shared>> -> memref<768x16xf32, #tpu.memory_space<vmem_shared>>
      tpu.wait_dma2 semaphore(%run_scoped3A : memref<!tpu.dma_semaphore, #tpu.memory_space<semaphore_mem>>) src(%arg9 : memref<768x16xf32, #tpu.memory_space<vmem>>) dst(%dma_wait3A_261 : memref<768x16xf32, #tpu.memory_space<vmem_shared>>)
      tpu.yield
    }) : () -> ()
    %add3A_22 = arith.constant 5376 : i32
    %add3A_23 = arith.addi %mul3A_7, %add3A_22 : i32
    "tpu.region"() ({
      %run_scoped3A = tpu.sem_alloc : memref<!tpu.dma_semaphore, #tpu.memory_space<semaphore_mem>>
      %dma_start3A_254 = arith.constant 0 : i32
      %dma_start3A_255 = tpu.memref_slice %arg6[%add3A_23, %dma_start3A_254] : memref<100096x16xf32, #tpu.memory_space<vmem_shared>> -> memref<768x16xf32, #tpu.memory_space<vmem_shared>>
      %dma_start3A_256 = arith.constant 0 : i32
      %dma_start3A_257 = tpu.memref_slice %arg6[%add3A_23, %dma_start3A_256] : memref<100096x16xf32, #tpu.memory_space<vmem_shared>> -> memref<768x16xf32, #tpu.memory_space<vmem_shared>>
      tpu.enqueue_dma source(%arg9 : memref<768x16xf32, #tpu.memory_space<vmem>>) target(%dma_start3A_257 : memref<768x16xf32, #tpu.memory_space<vmem_shared>>) target_semaphore(%run_scoped3A : memref<!tpu.dma_semaphore, #tpu.memory_space<semaphore_mem>>)
      %dma_wait3A_258 = arith.constant 0 : i32
      %dma_wait3A_259 = tpu.memref_slice %arg6[%add3A_23, %dma_wait3A_258] : memref<100096x16xf32, #tpu.memory_space<vmem_shared>> -> memref<768x16xf32, #tpu.memory_space<vmem_shared>>
      %dma_wait3A_260 = arith.constant 0 : i32
      %dma_wait3A_261 = tpu.memref_slice %arg6[%add3A_23, %dma_wait3A_260] : memref<100096x16xf32, #tpu.memory_space<vmem_shared>> -> memref<768x16xf32, #tpu.memory_space<vmem_shared>>
      tpu.wait_dma2 semaphore(%run_scoped3A : memref<!tpu.dma_semaphore, #tpu.memory_space<semaphore_mem>>) src(%arg9 : memref<768x16xf32, #tpu.memory_space<vmem>>) dst(%dma_wait3A_261 : memref<768x16xf32, #tpu.memory_space<vmem_shared>>)
      tpu.yield
    }) : () -> ()
    %add3A_24 = arith.constant 6144 : i32
    %add3A_25 = arith.addi %mul3A_7, %add3A_24 : i32
    "tpu.region"() ({
      %run_scoped3A = tpu.sem_alloc : memref<!tpu.dma_semaphore, #tpu.memory_space<semaphore_mem>>
      %dma_start3A_254 = arith.constant 0 : i32
      %dma_start3A_255 = arith.constant 0 : i32
      %dma_start3A_256 = tpu.memref_slice %arg9[%dma_start3A_254, %dma_start3A_255] : memref<768x16xf32, #tpu.memory_space<vmem>> -> memref<112x16xf32, #tpu.memory_space<vmem>>
      %dma_start3A_257 = arith.constant 0 : i32
      %dma_start3A_258 = tpu.memref_slice %arg6[%add3A_25, %dma_start3A_257] : memref<100096x16xf32, #tpu.memory_space<vmem_shared>> -> memref<112x16xf32, #tpu.memory_space<vmem_shared>>
      %dma_start3A_259 = arith.constant 0 : i32
      %dma_start3A_260 = tpu.memref_slice %arg6[%add3A_25, %dma_start3A_259] : memref<100096x16xf32, #tpu.memory_space<vmem_shared>> -> memref<112x16xf32, #tpu.memory_space<vmem_shared>>
      %dma_start3A_261 = arith.constant 0 : i32
      %dma_start3A_262 = arith.constant 0 : i32
      %dma_start3A_263 = tpu.memref_slice %arg9[%dma_start3A_261, %dma_start3A_262] : memref<768x16xf32, #tpu.memory_space<vmem>> -> memref<112x16xf32, #tpu.memory_space<vmem>>
      tpu.enqueue_dma source(%dma_start3A_263 : memref<112x16xf32, #tpu.memory_space<vmem>>) target(%dma_start3A_260 : memref<112x16xf32, #tpu.memory_space<vmem_shared>>) target_semaphore(%run_scoped3A : memref<!tpu.dma_semaphore, #tpu.memory_space<semaphore_mem>>)
      %dma_wait3A_264 = arith.constant 0 : i32
      %dma_wait3A_265 = arith.constant 0 : i32
      %dma_wait3A_266 = tpu.memref_slice %arg9[%dma_wait3A_264, %dma_wait3A_265] : memref<768x16xf32, #tpu.memory_space<vmem>> -> memref<112x16xf32, #tpu.memory_space<vmem>>
      %dma_wait3A_267 = arith.constant 0 : i32
      %dma_wait3A_268 = tpu.memref_slice %arg6[%add3A_25, %dma_wait3A_267] : memref<100096x16xf32, #tpu.memory_space<vmem_shared>> -> memref<112x16xf32, #tpu.memory_space<vmem_shared>>
      %dma_wait3A_269 = arith.constant 0 : i32
      %dma_wait3A_270 = tpu.memref_slice %arg6[%add3A_25, %dma_wait3A_269] : memref<100096x16xf32, #tpu.memory_space<vmem_shared>> -> memref<112x16xf32, #tpu.memory_space<vmem_shared>>
      %dma_wait3A_271 = arith.constant 0 : i32
      %dma_wait3A_272 = arith.constant 0 : i32
      %dma_wait3A_273 = tpu.memref_slice %arg9[%dma_wait3A_271, %dma_wait3A_272] : memref<768x16xf32, #tpu.memory_space<vmem>> -> memref<112x16xf32, #tpu.memory_space<vmem>>
      tpu.wait_dma2 semaphore(%run_scoped3A : memref<!tpu.dma_semaphore, #tpu.memory_space<semaphore_mem>>) src(%dma_wait3A_273 : memref<112x16xf32, #tpu.memory_space<vmem>>) dst(%dma_wait3A_270 : memref<112x16xf32, #tpu.memory_space<vmem_shared>>)
      tpu.yield
    }) : () -> ()
    %barrier3A = arith.constant 0 : index
    tpu.barrier barrier_id(%barrier3A)
    %mul3A_26 = arith.constant 786 : i32
    %mul3A_27 = arith.muli %add3A, %mul3A_26 : i32
    %add3A_28 = arith.constant 0 : i32
    %add3A_29 = arith.addi %mul3A_27, %add3A_28 : i32
    %dma_start3A = arith.constant 0 : i32
    %dma_start3A_30 = arith.constant 0 : i32
    %dma_start3A_31 = tpu.memref_slice %arg3[%add3A_29, %dma_start3A, %dma_start3A_30] : memref<25152x3x128xi32, #tpu.memory_space<hbm>> -> memref<6x3x128xi32, #tpu.memory_space<hbm>>
    %dma_start3A_32 = arith.constant 0 : i32
    %dma_start3A_33 = arith.constant 0 : i32
    %dma_start3A_34 = tpu.memref_slice %arg3[%add3A_29, %dma_start3A_32, %dma_start3A_33] : memref<25152x3x128xi32, #tpu.memory_space<hbm>> -> memref<6x3x128xi32, #tpu.memory_space<hbm>>
    tpu.enqueue_dma source(%dma_start3A_34 : memref<6x3x128xi32, #tpu.memory_space<hbm>>) target(%arg7 : memref<6x3x128xi32, #tpu.memory_space<vmem>>) target_semaphore(%arg11 : memref<!tpu.dma_semaphore, #tpu.memory_space<semaphore_mem>>)
    %add3A_35 = arith.constant 0 : i32
    %add3A_36 = arith.addi %mul3A_27, %add3A_35 : i32
    %dma_wait3A = arith.constant 0 : i32
    %dma_wait3A_37 = arith.constant 0 : i32
    %dma_wait3A_38 = tpu.memref_slice %arg3[%add3A_36, %dma_wait3A, %dma_wait3A_37] : memref<25152x3x128xi32, #tpu.memory_space<hbm>> -> memref<6x3x128xi32, #tpu.memory_space<hbm>>
    %dma_wait3A_39 = arith.constant 0 : i32
    %dma_wait3A_40 = arith.constant 0 : i32
    %dma_wait3A_41 = tpu.memref_slice %arg3[%add3A_36, %dma_wait3A_39, %dma_wait3A_40] : memref<25152x3x128xi32, #tpu.memory_space<hbm>> -> memref<6x3x128xi32, #tpu.memory_space<hbm>>
    tpu.wait_dma2 semaphore(%arg11 : memref<!tpu.dma_semaphore, #tpu.memory_space<semaphore_mem>>) src(%dma_wait3A_41 : memref<6x3x128xi32, #tpu.memory_space<hbm>>) dst(%arg7 : memref<6x3x128xi32, #tpu.memory_space<vmem>>)
    %dma_start3A_42 = arith.constant 0 : i32
    %dma_start3A_43 = arith.constant 0 : i32
    %dma_start3A_44 = arith.constant 0 : i32
    %dma_start3A_45 = arith.constant 0 : i32
    %dma_start3A_46 = tpu.memref_slice %arg9[%dma_start3A_44, %dma_start3A_45] : memref<768x16xf32, #tpu.memory_space<vmem>> -> memref<128x16xf32, #tpu.memory_space<vmem>>
    %dma_start3A_47 = arith.constant 0 : i32
    %dma_start3A_48 = tpu.memref_slice %arg7[%dma_start3A_42, %dma_start3A_43, %dma_start3A_47] : memref<6x3x128xi32, #tpu.memory_space<vmem>> -> memref<1x1x128xi32, #tpu.memory_space<vmem>>
    %dma_start3A_49 = tpu.memref_squeeze %dma_start3A_48 : memref<1x1x128xi32, #tpu.memory_space<vmem>> -> memref<128xi32, #tpu.memory_space<vmem>>
    %dma_start3A_50 = arith.constant 0 : i32
    %dma_start3A_51 = arith.constant 0 : i32
    %dma_start3A_52 = tpu.memref_slice %arg2[%dma_start3A_50, %dma_start3A_51] : memref<100000x16xf32, #tpu.memory_space<hbm>> -> memref<100000x16xf32, #tpu.memory_space<hbm>>
    tpu.enqueue_indirect_dma source(%dma_start3A_52 : memref<100000x16xf32, #tpu.memory_space<hbm>>) target(%dma_start3A_46 : memref<128x16xf32, #tpu.memory_space<vmem>>) offsets(%dma_start3A_49 : memref<128xi32, #tpu.memory_space<vmem>>) semaphore(%arg13 : memref<!tpu.dma_semaphore, #tpu.memory_space<semaphore_mem>>)
    %dma_start3A_53 = arith.constant 1 : i32
    %dma_start3A_54 = arith.constant 0 : i32
    %dma_start3A_55 = arith.constant 128 : i32
    %dma_start3A_56 = arith.constant 0 : i32
    %dma_start3A_57 = tpu.memref_slice %arg9[%dma_start3A_55, %dma_start3A_56] : memref<768x16xf32, #tpu.memory_space<vmem>> -> memref<128x16xf32, #tpu.memory_space<vmem>>
    %dma_start3A_58 = arith.constant 0 : i32
    %dma_start3A_59 = tpu.memref_slice %arg7[%dma_start3A_53, %dma_start3A_54, %dma_start3A_58] : memref<6x3x128xi32, #tpu.memory_space<vmem>> -> memref<1x1x128xi32, #tpu.memory_space<vmem>>
    %dma_start3A_60 = tpu.memref_squeeze %dma_start3A_59 : memref<1x1x128xi32, #tpu.memory_space<vmem>> -> memref<128xi32, #tpu.memory_space<vmem>>
    %dma_start3A_61 = arith.constant 0 : i32
    %dma_start3A_62 = arith.constant 0 : i32
    %dma_start3A_63 = tpu.memref_slice %arg2[%dma_start3A_61, %dma_start3A_62] : memref<100000x16xf32, #tpu.memory_space<hbm>> -> memref<100000x16xf32, #tpu.memory_space<hbm>>
    tpu.enqueue_indirect_dma source(%dma_start3A_63 : memref<100000x16xf32, #tpu.memory_space<hbm>>) target(%dma_start3A_57 : memref<128x16xf32, #tpu.memory_space<vmem>>) offsets(%dma_start3A_60 : memref<128xi32, #tpu.memory_space<vmem>>) semaphore(%arg13 : memref<!tpu.dma_semaphore, #tpu.memory_space<semaphore_mem>>)
    %dma_start3A_64 = arith.constant 2 : i32
    %dma_start3A_65 = arith.constant 0 : i32
    %dma_start3A_66 = arith.constant 256 : i32
    %dma_start3A_67 = arith.constant 0 : i32
    %dma_start3A_68 = tpu.memref_slice %arg9[%dma_start3A_66, %dma_start3A_67] : memref<768x16xf32, #tpu.memory_space<vmem>> -> memref<128x16xf32, #tpu.memory_space<vmem>>
    %dma_start3A_69 = arith.constant 0 : i32
    %dma_start3A_70 = tpu.memref_slice %arg7[%dma_start3A_64, %dma_start3A_65, %dma_start3A_69] : memref<6x3x128xi32, #tpu.memory_space<vmem>> -> memref<1x1x128xi32, #tpu.memory_space<vmem>>
    %dma_start3A_71 = tpu.memref_squeeze %dma_start3A_70 : memref<1x1x128xi32, #tpu.memory_space<vmem>> -> memref<128xi32, #tpu.memory_space<vmem>>
    %dma_start3A_72 = arith.constant 0 : i32
    %dma_start3A_73 = arith.constant 0 : i32
    %dma_start3A_74 = tpu.memref_slice %arg2[%dma_start3A_72, %dma_start3A_73] : memref<100000x16xf32, #tpu.memory_space<hbm>> -> memref<100000x16xf32, #tpu.memory_space<hbm>>
    tpu.enqueue_indirect_dma source(%dma_start3A_74 : memref<100000x16xf32, #tpu.memory_space<hbm>>) target(%dma_start3A_68 : memref<128x16xf32, #tpu.memory_space<vmem>>) offsets(%dma_start3A_71 : memref<128xi32, #tpu.memory_space<vmem>>) semaphore(%arg13 : memref<!tpu.dma_semaphore, #tpu.memory_space<semaphore_mem>>)
    %dma_start3A_75 = arith.constant 3 : i32
    %dma_start3A_76 = arith.constant 0 : i32
    %dma_start3A_77 = arith.constant 384 : i32
    %dma_start3A_78 = arith.constant 0 : i32
    %dma_start3A_79 = tpu.memref_slice %arg9[%dma_start3A_77, %dma_start3A_78] : memref<768x16xf32, #tpu.memory_space<vmem>> -> memref<128x16xf32, #tpu.memory_space<vmem>>
    %dma_start3A_80 = arith.constant 0 : i32
    %dma_start3A_81 = tpu.memref_slice %arg7[%dma_start3A_75, %dma_start3A_76, %dma_start3A_80] : memref<6x3x128xi32, #tpu.memory_space<vmem>> -> memref<1x1x128xi32, #tpu.memory_space<vmem>>
    %dma_start3A_82 = tpu.memref_squeeze %dma_start3A_81 : memref<1x1x128xi32, #tpu.memory_space<vmem>> -> memref<128xi32, #tpu.memory_space<vmem>>
    %dma_start3A_83 = arith.constant 0 : i32
    %dma_start3A_84 = arith.constant 0 : i32
    %dma_start3A_85 = tpu.memref_slice %arg2[%dma_start3A_83, %dma_start3A_84] : memref<100000x16xf32, #tpu.memory_space<hbm>> -> memref<100000x16xf32, #tpu.memory_space<hbm>>
    tpu.enqueue_indirect_dma source(%dma_start3A_85 : memref<100000x16xf32, #tpu.memory_space<hbm>>) target(%dma_start3A_79 : memref<128x16xf32, #tpu.memory_space<vmem>>) offsets(%dma_start3A_82 : memref<128xi32, #tpu.memory_space<vmem>>) semaphore(%arg13 : memref<!tpu.dma_semaphore, #tpu.memory_space<semaphore_mem>>)
    %dma_start3A_86 = arith.constant 4 : i32
    %dma_start3A_87 = arith.constant 0 : i32
    %dma_start3A_88 = arith.constant 512 : i32
    %dma_start3A_89 = arith.constant 0 : i32
    %dma_start3A_90 = tpu.memref_slice %arg9[%dma_start3A_88, %dma_start3A_89] : memref<768x16xf32, #tpu.memory_space<vmem>> -> memref<128x16xf32, #tpu.memory_space<vmem>>
    %dma_start3A_91 = arith.constant 0 : i32
    %dma_start3A_92 = tpu.memref_slice %arg7[%dma_start3A_86, %dma_start3A_87, %dma_start3A_91] : memref<6x3x128xi32, #tpu.memory_space<vmem>> -> memref<1x1x128xi32, #tpu.memory_space<vmem>>
    %dma_start3A_93 = tpu.memref_squeeze %dma_start3A_92 : memref<1x1x128xi32, #tpu.memory_space<vmem>> -> memref<128xi32, #tpu.memory_space<vmem>>
    %dma_start3A_94 = arith.constant 0 : i32
    %dma_start3A_95 = arith.constant 0 : i32
    %dma_start3A_96 = tpu.memref_slice %arg2[%dma_start3A_94, %dma_start3A_95] : memref<100000x16xf32, #tpu.memory_space<hbm>> -> memref<100000x16xf32, #tpu.memory_space<hbm>>
    tpu.enqueue_indirect_dma source(%dma_start3A_96 : memref<100000x16xf32, #tpu.memory_space<hbm>>) target(%dma_start3A_90 : memref<128x16xf32, #tpu.memory_space<vmem>>) offsets(%dma_start3A_93 : memref<128xi32, #tpu.memory_space<vmem>>) semaphore(%arg13 : memref<!tpu.dma_semaphore, #tpu.memory_space<semaphore_mem>>)
    %dma_start3A_97 = arith.constant 5 : i32
    %dma_start3A_98 = arith.constant 0 : i32
    %dma_start3A_99 = arith.constant 640 : i32
    %dma_start3A_100 = arith.constant 0 : i32
    %dma_start3A_101 = tpu.memref_slice %arg9[%dma_start3A_99, %dma_start3A_100] : memref<768x16xf32, #tpu.memory_space<vmem>> -> memref<128x16xf32, #tpu.memory_space<vmem>>
    %dma_start3A_102 = arith.constant 0 : i32
    %dma_start3A_103 = tpu.memref_slice %arg7[%dma_start3A_97, %dma_start3A_98, %dma_start3A_102] : memref<6x3x128xi32, #tpu.memory_space<vmem>> -> memref<1x1x128xi32, #tpu.memory_space<vmem>>
    %dma_start3A_104 = tpu.memref_squeeze %dma_start3A_103 : memref<1x1x128xi32, #tpu.memory_space<vmem>> -> memref<128xi32, #tpu.memory_space<vmem>>
    %dma_start3A_105 = arith.constant 0 : i32
    %dma_start3A_106 = arith.constant 0 : i32
    %dma_start3A_107 = tpu.memref_slice %arg2[%dma_start3A_105, %dma_start3A_106] : memref<100000x16xf32, #tpu.memory_space<hbm>> -> memref<100000x16xf32, #tpu.memory_space<hbm>>
    tpu.enqueue_indirect_dma source(%dma_start3A_107 : memref<100000x16xf32, #tpu.memory_space<hbm>>) target(%dma_start3A_101 : memref<128x16xf32, #tpu.memory_space<vmem>>) offsets(%dma_start3A_104 : memref<128xi32, #tpu.memory_space<vmem>>) semaphore(%arg13 : memref<!tpu.dma_semaphore, #tpu.memory_space<semaphore_mem>>)
    %scan3A_108 = arith.constant 0 : i32
    %scan3A_109 = arith.constant 0 : i32
    %scan3A_110 = arith.constant 66 : i32
    %scan3A_111 = arith.addi %scan3A_109, %scan3A_110 : i32
    %scan3A_112 = arith.constant 1 : i32
    scf.for %scan3A_254 = %scan3A_109 to %scan3A_111 step %scan3A_112  : i32 {
      %mul3A_255 = arith.constant 2 : i32
      %mul3A_256 = arith.muli %mul3A_255, %scan3A_254 : i32
      %add3A_257 = arith.constant 0 : i32
      %add3A_258 = arith.addi %mul3A_256, %add3A_257 : i32
      %lt3A = arith.constant 131 : i32
      %lt3A_259 = arith.cmpi slt, %add3A_258, %lt3A : i32
      %convert_element_type3A_260 = arith.extui %lt3A_259 : i1 to i32
      %cond3A_261 = arith.constant 0 : i32
      %cond3A_262 = arith.cmpi ne, %convert_element_type3A_260, %cond3A_261 : i32
      scf.if %cond3A_262 {
        %add3A_272 = arith.constant 1 : i32
        %add3A_273 = arith.addi %add3A_258, %add3A_272 : i32
        %lt3A_274 = arith.constant 131 : i32
        %lt3A_275 = arith.cmpi slt, %add3A_273, %lt3A_274 : i32
        %convert_element_type3A_276 = arith.extui %lt3A_275 : i1 to i32
        %cond3A_277 = arith.constant 0 : i32
        %cond3A_278 = arith.cmpi ne, %convert_element_type3A_276, %cond3A_277 : i32
        scf.if %cond3A_278 {
          %gt3A = arith.constant 0 : i32
          %gt3A_420 = arith.cmpi sgt, %add3A_258, %gt3A : i32
          %convert_element_type3A_421 = arith.extui %gt3A_420 : i1 to i32
          %cond3A_422 = arith.constant 0 : i32
          %cond3A_423 = arith.cmpi ne, %convert_element_type3A_421, %cond3A_422 : i32
          scf.if %cond3A_423 {
            %dma_wait3A_435 = arith.constant 0 : i32
            %dma_wait3A_436 = arith.constant 1 : i32
            %dma_wait3A_437 = arith.constant 0 : i32
            %dma_wait3A_438 = arith.constant 0 : i32
            %dma_wait3A_439 = tpu.memref_slice %arg10[%dma_wait3A_437, %dma_wait3A_438] : memref<768x16xf32, #tpu.memory_space<vmem>> -> memref<128x16xf32, #tpu.memory_space<vmem>>
            %dma_wait3A_440 = arith.constant 0 : i32
            %dma_wait3A_441 = tpu.memref_slice %arg8[%dma_wait3A_435, %dma_wait3A_436, %dma_wait3A_440] : memref<6x3x128xi32, #tpu.memory_space<vmem>> -> memref<1x1x128xi32, #tpu.memory_space<vmem>>
            %dma_wait3A_442 = tpu.memref_squeeze %dma_wait3A_441 : memref<1x1x128xi32, #tpu.memory_space<vmem>> -> memref<128xi32, #tpu.memory_space<vmem>>
            %dma_wait3A_443 = arith.constant 0 : i32
            %dma_wait3A_444 = arith.constant 0 : i32
            %dma_wait3A_445 = tpu.memref_slice %arg6[%dma_wait3A_443, %dma_wait3A_444] : memref<100096x16xf32, #tpu.memory_space<vmem_shared>> -> memref<100096x16xf32, #tpu.memory_space<vmem_shared>>
            tpu.wait_indirect_dma semaphore(%arg16 : memref<!tpu.dma_semaphore, #tpu.memory_space<semaphore_mem>>) src(%dma_wait3A_439 : memref<128x16xf32, #tpu.memory_space<vmem>>) dst(%dma_wait3A_445 : memref<100096x16xf32, #tpu.memory_space<vmem_shared>>)
            %dma_wait3A_446 = arith.constant 1 : i32
            %dma_wait3A_447 = arith.constant 1 : i32
            %dma_wait3A_448 = arith.constant 128 : i32
            %dma_wait3A_449 = arith.constant 0 : i32
            %dma_wait3A_450 = tpu.memref_slice %arg10[%dma_wait3A_448, %dma_wait3A_449] : memref<768x16xf32, #tpu.memory_space<vmem>> -> memref<128x16xf32, #tpu.memory_space<vmem>>
            %dma_wait3A_451 = arith.constant 0 : i32
            %dma_wait3A_452 = tpu.memref_slice %arg8[%dma_wait3A_446, %dma_wait3A_447, %dma_wait3A_451] : memref<6x3x128xi32, #tpu.memory_space<vmem>> -> memref<1x1x128xi32, #tpu.memory_space<vmem>>
            %dma_wait3A_453 = tpu.memref_squeeze %dma_wait3A_452 : memref<1x1x128xi32, #tpu.memory_space<vmem>> -> memref<128xi32, #tpu.memory_space<vmem>>
            %dma_wait3A_454 = arith.constant 0 : i32
            %dma_wait3A_455 = arith.constant 0 : i32
            %dma_wait3A_456 = tpu.memref_slice %arg6[%dma_wait3A_454, %dma_wait3A_455] : memref<100096x16xf32, #tpu.memory_space<vmem_shared>> -> memref<100096x16xf32, #tpu.memory_space<vmem_shared>>
            tpu.wait_indirect_dma semaphore(%arg16 : memref<!tpu.dma_semaphore, #tpu.memory_space<semaphore_mem>>) src(%dma_wait3A_450 : memref<128x16xf32, #tpu.memory_space<vmem>>) dst(%dma_wait3A_456 : memref<100096x16xf32, #tpu.memory_space<vmem_shared>>)
            %dma_wait3A_457 = arith.constant 2 : i32
            %dma_wait3A_458 = arith.constant 1 : i32
            %dma_wait3A_459 = arith.constant 256 : i32
            %dma_wait3A_460 = arith.constant 0 : i32
            %dma_wait3A_461 = tpu.memref_slice %arg10[%dma_wait3A_459, %dma_wait3A_460] : memref<768x16xf32, #tpu.memory_space<vmem>> -> memref<128x16xf32, #tpu.memory_space<vmem>>
            %dma_wait3A_462 = arith.constant 0 : i32
            %dma_wait3A_463 = tpu.memref_slice %arg8[%dma_wait3A_457, %dma_wait3A_458, %dma_wait3A_462] : memref<6x3x128xi32, #tpu.memory_space<vmem>> -> memref<1x1x128xi32, #tpu.memory_space<vmem>>
            %dma_wait3A_464 = tpu.memref_squeeze %dma_wait3A_463 : memref<1x1x128xi32, #tpu.memory_space<vmem>> -> memref<128xi32, #tpu.memory_space<vmem>>
            %dma_wait3A_465 = arith.constant 0 : i32
            %dma_wait3A_466 = arith.constant 0 : i32
            %dma_wait3A_467 = tpu.memref_slice %arg6[%dma_wait3A_465, %dma_wait3A_466] : memref<100096x16xf32, #tpu.memory_space<vmem_shared>> -> memref<100096x16xf32, #tpu.memory_space<vmem_shared>>
            tpu.wait_indirect_dma semaphore(%arg16 : memref<!tpu.dma_semaphore, #tpu.memory_space<semaphore_mem>>) src(%dma_wait3A_461 : memref<128x16xf32, #tpu.memory_space<vmem>>) dst(%dma_wait3A_467 : memref<100096x16xf32, #tpu.memory_space<vmem_shared>>)
            %dma_wait3A_468 = arith.constant 3 : i32
            %dma_wait3A_469 = arith.constant 1 : i32
            %dma_wait3A_470 = arith.constant 384 : i32
            %dma_wait3A_471 = arith.constant 0 : i32
            %dma_wait3A_472 = tpu.memref_slice %arg10[%dma_wait3A_470, %dma_wait3A_471] : memref<768x16xf32, #tpu.memory_space<vmem>> -> memref<128x16xf32, #tpu.memory_space<vmem>>
            %dma_wait3A_473 = arith.constant 0 : i32
            %dma_wait3A_474 = tpu.memref_slice %arg8[%dma_wait3A_468, %dma_wait3A_469, %dma_wait3A_473] : memref<6x3x128xi32, #tpu.memory_space<vmem>> -> memref<1x1x128xi32, #tpu.memory_space<vmem>>
            %dma_wait3A_475 = tpu.memref_squeeze %dma_wait3A_474 : memref<1x1x128xi32, #tpu.memory_space<vmem>> -> memref<128xi32, #tpu.memory_space<vmem>>
            %dma_wait3A_476 = arith.constant 0 : i32
            %dma_wait3A_477 = arith.constant 0 : i32
            %dma_wait3A_478 = tpu.memref_slice %arg6[%dma_wait3A_476, %dma_wait3A_477] : memref<100096x16xf32, #tpu.memory_space<vmem_shared>> -> memref<100096x16xf32, #tpu.memory_space<vmem_shared>>
            tpu.wait_indirect_dma semaphore(%arg16 : memref<!tpu.dma_semaphore, #tpu.memory_space<semaphore_mem>>) src(%dma_wait3A_472 : memref<128x16xf32, #tpu.memory_space<vmem>>) dst(%dma_wait3A_478 : memref<100096x16xf32, #tpu.memory_space<vmem_shared>>)
            %dma_wait3A_479 = arith.constant 4 : i32
            %dma_wait3A_480 = arith.constant 1 : i32
            %dma_wait3A_481 = arith.constant 512 : i32
            %dma_wait3A_482 = arith.constant 0 : i32
            %dma_wait3A_483 = tpu.memref_slice %arg10[%dma_wait3A_481, %dma_wait3A_482] : memref<768x16xf32, #tpu.memory_space<vmem>> -> memref<128x16xf32, #tpu.memory_space<vmem>>
            %dma_wait3A_484 = arith.constant 0 : i32
            %dma_wait3A_485 = tpu.memref_slice %arg8[%dma_wait3A_479, %dma_wait3A_480, %dma_wait3A_484] : memref<6x3x128xi32, #tpu.memory_space<vmem>> -> memref<1x1x128xi32, #tpu.memory_space<vmem>>
            %dma_wait3A_486 = tpu.memref_squeeze %dma_wait3A_485 : memref<1x1x128xi32, #tpu.memory_space<vmem>> -> memref<128xi32, #tpu.memory_space<vmem>>
            %dma_wait3A_487 = arith.constant 0 : i32
            %dma_wait3A_488 = arith.constant 0 : i32
            %dma_wait3A_489 = tpu.memref_slice %arg6[%dma_wait3A_487, %dma_wait3A_488] : memref<100096x16xf32, #tpu.memory_space<vmem_shared>> -> memref<100096x16xf32, #tpu.memory_space<vmem_shared>>
            tpu.wait_indirect_dma semaphore(%arg16 : memref<!tpu.dma_semaphore, #tpu.memory_space<semaphore_mem>>) src(%dma_wait3A_483 : memref<128x16xf32, #tpu.memory_space<vmem>>) dst(%dma_wait3A_489 : memref<100096x16xf32, #tpu.memory_space<vmem_shared>>)
            %dma_wait3A_490 = arith.constant 5 : i32
            %dma_wait3A_491 = arith.constant 1 : i32
            %dma_wait3A_492 = arith.constant 640 : i32
            %dma_wait3A_493 = arith.constant 0 : i32
            %dma_wait3A_494 = tpu.memref_slice %arg10[%dma_wait3A_492, %dma_wait3A_493] : memref<768x16xf32, #tpu.memory_space<vmem>> -> memref<128x16xf32, #tpu.memory_space<vmem>>
            %dma_wait3A_495 = arith.constant 0 : i32
            %dma_wait3A_496 = tpu.memref_slice %arg8[%dma_wait3A_490, %dma_wait3A_491, %dma_wait3A_495] : memref<6x3x128xi32, #tpu.memory_space<vmem>> -> memref<1x1x128xi32, #tpu.memory_space<vmem>>
            %dma_wait3A_497 = tpu.memref_squeeze %dma_wait3A_496 : memref<1x1x128xi32, #tpu.memory_space<vmem>> -> memref<128xi32, #tpu.memory_space<vmem>>
            %dma_wait3A_498 = arith.constant 0 : i32
            %dma_wait3A_499 = arith.constant 0 : i32
            %dma_wait3A_500 = tpu.memref_slice %arg6[%dma_wait3A_498, %dma_wait3A_499] : memref<100096x16xf32, #tpu.memory_space<vmem_shared>> -> memref<100096x16xf32, #tpu.memory_space<vmem_shared>>
            tpu.wait_indirect_dma semaphore(%arg16 : memref<!tpu.dma_semaphore, #tpu.memory_space<semaphore_mem>>) src(%dma_wait3A_494 : memref<128x16xf32, #tpu.memory_space<vmem>>) dst(%dma_wait3A_500 : memref<100096x16xf32, #tpu.memory_space<vmem_shared>>)
          } else {
          }
          %add3A_424 = arith.constant 1 : i32
          %add3A_425 = arith.addi %add3A_258, %add3A_424 : i32
          %mul3A_426 = arith.constant 6 : i32
          %mul3A_427 = arith.muli %add3A_425, %mul3A_426 : i32
          %add3A_428 = arith.addi %mul3A_27, %mul3A_427 : i32
          %dma_start3A_429 = arith.constant 0 : i32
          %dma_start3A_430 = arith.constant 0 : i32
          %dma_start3A_431 = tpu.memref_slice %arg3[%add3A_428, %dma_start3A_429, %dma_start3A_430] : memref<25152x3x128xi32, #tpu.memory_space<hbm>> -> memref<6x3x128xi32, #tpu.memory_space<hbm>>
          %dma_start3A_432 = arith.constant 0 : i32
          %dma_start3A_433 = arith.constant 0 : i32
          %dma_start3A_434 = tpu.memref_slice %arg3[%add3A_428, %dma_start3A_432, %dma_start3A_433] : memref<25152x3x128xi32, #tpu.memory_space<hbm>> -> memref<6x3x128xi32, #tpu.memory_space<hbm>>
          tpu.enqueue_dma source(%dma_start3A_434 : memref<6x3x128xi32, #tpu.memory_space<hbm>>) target(%arg8 : memref<6x3x128xi32, #tpu.memory_space<vmem>>) target_semaphore(%arg12 : memref<!tpu.dma_semaphore, #tpu.memory_space<semaphore_mem>>)
        } else {
        }
        %dma_wait3A_279 = arith.constant 0 : i32
        %dma_wait3A_280 = arith.constant 0 : i32
        %dma_wait3A_281 = arith.constant 0 : i32
        %dma_wait3A_282 = arith.constant 0 : i32
        %dma_wait3A_283 = tpu.memref_slice %arg9[%dma_wait3A_281, %dma_wait3A_282] : memref<768x16xf32, #tpu.memory_space<vmem>> -> memref<128x16xf32, #tpu.memory_space<vmem>>
        %dma_wait3A_284 = arith.constant 0 : i32
        %dma_wait3A_285 = tpu.memref_slice %arg7[%dma_wait3A_279, %dma_wait3A_280, %dma_wait3A_284] : memref<6x3x128xi32, #tpu.memory_space<vmem>> -> memref<1x1x128xi32, #tpu.memory_space<vmem>>
        %dma_wait3A_286 = tpu.memref_squeeze %dma_wait3A_285 : memref<1x1x128xi32, #tpu.memory_space<vmem>> -> memref<128xi32, #tpu.memory_space<vmem>>
        %dma_wait3A_287 = arith.constant 0 : i32
        %dma_wait3A_288 = arith.constant 0 : i32
        %dma_wait3A_289 = tpu.memref_slice %arg2[%dma_wait3A_287, %dma_wait3A_288] : memref<100000x16xf32, #tpu.memory_space<hbm>> -> memref<100000x16xf32, #tpu.memory_space<hbm>>
        tpu.wait_indirect_dma semaphore(%arg13 : memref<!tpu.dma_semaphore, #tpu.memory_space<semaphore_mem>>) src(%dma_wait3A_289 : memref<100000x16xf32, #tpu.memory_space<hbm>>) dst(%dma_wait3A_283 : memref<128x16xf32, #tpu.memory_space<vmem>>)
        %dma_wait3A_290 = arith.constant 1 : i32
        %dma_wait3A_291 = arith.constant 0 : i32
        %dma_wait3A_292 = arith.constant 128 : i32
        %dma_wait3A_293 = arith.constant 0 : i32
        %dma_wait3A_294 = tpu.memref_slice %arg9[%dma_wait3A_292, %dma_wait3A_293] : memref<768x16xf32, #tpu.memory_space<vmem>> -> memref<128x16xf32, #tpu.memory_space<vmem>>
        %dma_wait3A_295 = arith.constant 0 : i32
        %dma_wait3A_296 = tpu.memref_slice %arg7[%dma_wait3A_290, %dma_wait3A_291, %dma_wait3A_295] : memref<6x3x128xi32, #tpu.memory_space<vmem>> -> memref<1x1x128xi32, #tpu.memory_space<vmem>>
        %dma_wait3A_297 = tpu.memref_squeeze %dma_wait3A_296 : memref<1x1x128xi32, #tpu.memory_space<vmem>> -> memref<128xi32, #tpu.memory_space<vmem>>
        %dma_wait3A_298 = arith.constant 0 : i32
        %dma_wait3A_299 = arith.constant 0 : i32
        %dma_wait3A_300 = tpu.memref_slice %arg2[%dma_wait3A_298, %dma_wait3A_299] : memref<100000x16xf32, #tpu.memory_space<hbm>> -> memref<100000x16xf32, #tpu.memory_space<hbm>>
        tpu.wait_indirect_dma semaphore(%arg13 : memref<!tpu.dma_semaphore, #tpu.memory_space<semaphore_mem>>) src(%dma_wait3A_300 : memref<100000x16xf32, #tpu.memory_space<hbm>>) dst(%dma_wait3A_294 : memref<128x16xf32, #tpu.memory_space<vmem>>)
        %dma_wait3A_301 = arith.constant 2 : i32
        %dma_wait3A_302 = arith.constant 0 : i32
        %dma_wait3A_303 = arith.constant 256 : i32
        %dma_wait3A_304 = arith.constant 0 : i32
        %dma_wait3A_305 = tpu.memref_slice %arg9[%dma_wait3A_303, %dma_wait3A_304] : memref<768x16xf32, #tpu.memory_space<vmem>> -> memref<128x16xf32, #tpu.memory_space<vmem>>
        %dma_wait3A_306 = arith.constant 0 : i32
        %dma_wait3A_307 = tpu.memref_slice %arg7[%dma_wait3A_301, %dma_wait3A_302, %dma_wait3A_306] : memref<6x3x128xi32, #tpu.memory_space<vmem>> -> memref<1x1x128xi32, #tpu.memory_space<vmem>>
        %dma_wait3A_308 = tpu.memref_squeeze %dma_wait3A_307 : memref<1x1x128xi32, #tpu.memory_space<vmem>> -> memref<128xi32, #tpu.memory_space<vmem>>
        %dma_wait3A_309 = arith.constant 0 : i32
        %dma_wait3A_310 = arith.constant 0 : i32
        %dma_wait3A_311 = tpu.memref_slice %arg2[%dma_wait3A_309, %dma_wait3A_310] : memref<100000x16xf32, #tpu.memory_space<hbm>> -> memref<100000x16xf32, #tpu.memory_space<hbm>>
        tpu.wait_indirect_dma semaphore(%arg13 : memref<!tpu.dma_semaphore, #tpu.memory_space<semaphore_mem>>) src(%dma_wait3A_311 : memref<100000x16xf32, #tpu.memory_space<hbm>>) dst(%dma_wait3A_305 : memref<128x16xf32, #tpu.memory_space<vmem>>)
        %dma_wait3A_312 = arith.constant 3 : i32
        %dma_wait3A_313 = arith.constant 0 : i32
        %dma_wait3A_314 = arith.constant 384 : i32
        %dma_wait3A_315 = arith.constant 0 : i32
        %dma_wait3A_316 = tpu.memref_slice %arg9[%dma_wait3A_314, %dma_wait3A_315] : memref<768x16xf32, #tpu.memory_space<vmem>> -> memref<128x16xf32, #tpu.memory_space<vmem>>
        %dma_wait3A_317 = arith.constant 0 : i32
        %dma_wait3A_318 = tpu.memref_slice %arg7[%dma_wait3A_312, %dma_wait3A_313, %dma_wait3A_317] : memref<6x3x128xi32, #tpu.memory_space<vmem>> -> memref<1x1x128xi32, #tpu.memory_space<vmem>>
        %dma_wait3A_319 = tpu.memref_squeeze %dma_wait3A_318 : memref<1x1x128xi32, #tpu.memory_space<vmem>> -> memref<128xi32, #tpu.memory_space<vmem>>
        %dma_wait3A_320 = arith.constant 0 : i32
        %dma_wait3A_321 = arith.constant 0 : i32
        %dma_wait3A_322 = tpu.memref_slice %arg2[%dma_wait3A_320, %dma_wait3A_321] : memref<100000x16xf32, #tpu.memory_space<hbm>> -> memref<100000x16xf32, #tpu.memory_space<hbm>>
        tpu.wait_indirect_dma semaphore(%arg13 : memref<!tpu.dma_semaphore, #tpu.memory_space<semaphore_mem>>) src(%dma_wait3A_322 : memref<100000x16xf32, #tpu.memory_space<hbm>>) dst(%dma_wait3A_316 : memref<128x16xf32, #tpu.memory_space<vmem>>)
        %dma_wait3A_323 = arith.constant 4 : i32
        %dma_wait3A_324 = arith.constant 0 : i32
        %dma_wait3A_325 = arith.constant 512 : i32
        %dma_wait3A_326 = arith.constant 0 : i32
        %dma_wait3A_327 = tpu.memref_slice %arg9[%dma_wait3A_325, %dma_wait3A_326] : memref<768x16xf32, #tpu.memory_space<vmem>> -> memref<128x16xf32, #tpu.memory_space<vmem>>
        %dma_wait3A_328 = arith.constant 0 : i32
        %dma_wait3A_329 = tpu.memref_slice %arg7[%dma_wait3A_323, %dma_wait3A_324, %dma_wait3A_328] : memref<6x3x128xi32, #tpu.memory_space<vmem>> -> memref<1x1x128xi32, #tpu.memory_space<vmem>>
        %dma_wait3A_330 = tpu.memref_squeeze %dma_wait3A_329 : memref<1x1x128xi32, #tpu.memory_space<vmem>> -> memref<128xi32, #tpu.memory_space<vmem>>
        %dma_wait3A_331 = arith.constant 0 : i32
        %dma_wait3A_332 = arith.constant 0 : i32
        %dma_wait3A_333 = tpu.memref_slice %arg2[%dma_wait3A_331, %dma_wait3A_332] : memref<100000x16xf32, #tpu.memory_space<hbm>> -> memref<100000x16xf32, #tpu.memory_space<hbm>>
        tpu.wait_indirect_dma semaphore(%arg13 : memref<!tpu.dma_semaphore, #tpu.memory_space<semaphore_mem>>) src(%dma_wait3A_333 : memref<100000x16xf32, #tpu.memory_space<hbm>>) dst(%dma_wait3A_327 : memref<128x16xf32, #tpu.memory_space<vmem>>)
        %dma_wait3A_334 = arith.constant 5 : i32
        %dma_wait3A_335 = arith.constant 0 : i32
        %dma_wait3A_336 = arith.constant 640 : i32
        %dma_wait3A_337 = arith.constant 0 : i32
        %dma_wait3A_338 = tpu.memref_slice %arg9[%dma_wait3A_336, %dma_wait3A_337] : memref<768x16xf32, #tpu.memory_space<vmem>> -> memref<128x16xf32, #tpu.memory_space<vmem>>
        %dma_wait3A_339 = arith.constant 0 : i32
        %dma_wait3A_340 = tpu.memref_slice %arg7[%dma_wait3A_334, %dma_wait3A_335, %dma_wait3A_339] : memref<6x3x128xi32, #tpu.memory_space<vmem>> -> memref<1x1x128xi32, #tpu.memory_space<vmem>>
        %dma_wait3A_341 = tpu.memref_squeeze %dma_wait3A_340 : memref<1x1x128xi32, #tpu.memory_space<vmem>> -> memref<128xi32, #tpu.memory_space<vmem>>
        %dma_wait3A_342 = arith.constant 0 : i32
        %dma_wait3A_343 = arith.constant 0 : i32
        %dma_wait3A_344 = tpu.memref_slice %arg2[%dma_wait3A_342, %dma_wait3A_343] : memref<100000x16xf32, #tpu.memory_space<hbm>> -> memref<100000x16xf32, #tpu.memory_space<hbm>>
        tpu.wait_indirect_dma semaphore(%arg13 : memref<!tpu.dma_semaphore, #tpu.memory_space<semaphore_mem>>) src(%dma_wait3A_344 : memref<100000x16xf32, #tpu.memory_space<hbm>>) dst(%dma_wait3A_338 : memref<128x16xf32, #tpu.memory_space<vmem>>)
        %parallel_loop3A = arith.constant 0 : i32
        %parallel_loop3A_345 = arith.constant 48 : i32
        %parallel_loop3A_346 = arith.constant 1 : i32
        scf.for %parallel_loop3A_420 = %parallel_loop3A to %parallel_loop3A_345 step %parallel_loop3A_346  : i32 {
          %parallel_loop3A_421 = arith.constant 8 : i32
          %parallel_loop3A_422 = arith.divsi %parallel_loop3A_420, %parallel_loop3A_421 : i32
          %parallel_loop3A_423 = arith.constant 0 : i32
          %parallel_loop3A_424 = arith.cmpi sgt, %parallel_loop3A_420, %parallel_loop3A_423 : i32
          %parallel_loop3A_425 = arith.extui %parallel_loop3A_424 : i1 to i32
          %parallel_loop3A_426 = arith.constant 0 : i32
          %parallel_loop3A_427 = arith.cmpi slt, %parallel_loop3A_420, %parallel_loop3A_426 : i32
          %parallel_loop3A_428 = arith.extui %parallel_loop3A_427 : i1 to i32
          %parallel_loop3A_429 = arith.subi %parallel_loop3A_425, %parallel_loop3A_428 : i32
          %parallel_loop3A_430 = arith.constant 0 : i32
          %parallel_loop3A_431 = arith.cmpi sgt, %parallel_loop3A_421, %parallel_loop3A_430 : i32
          %parallel_loop3A_432 = arith.extui %parallel_loop3A_431 : i1 to i32
          %parallel_loop3A_433 = arith.constant 0 : i32
          %parallel_loop3A_434 = arith.cmpi slt, %parallel_loop3A_421, %parallel_loop3A_433 : i32
          %parallel_loop3A_435 = arith.extui %parallel_loop3A_434 : i1 to i32
          %parallel_loop3A_436 = arith.subi %parallel_loop3A_432, %parallel_loop3A_435 : i32
          %parallel_loop3A_437 = arith.cmpi ne, %parallel_loop3A_429, %parallel_loop3A_436 : i32
          %parallel_loop3A_438 = arith.remsi %parallel_loop3A_420, %parallel_loop3A_421 : i32
          %parallel_loop3A_439 = arith.constant 0 : i32
          %parallel_loop3A_440 = arith.cmpi ne, %parallel_loop3A_438, %parallel_loop3A_439 : i32
          %parallel_loop3A_441 = arith.andi %parallel_loop3A_437, %parallel_loop3A_440 : i1
          %parallel_loop3A_442 = arith.constant 1 : i32
          %parallel_loop3A_443 = arith.subi %parallel_loop3A_422, %parallel_loop3A_442 : i32
          %parallel_loop3A_444 = arith.select %parallel_loop3A_441, %parallel_loop3A_443, %parallel_loop3A_422 : i32
          %parallel_loop3A_445 = arith.constant 8 : i32
          %parallel_loop3A_446 = arith.muli %parallel_loop3A_444, %parallel_loop3A_445 : i32
          %parallel_loop3A_447 = arith.subi %parallel_loop3A_420, %parallel_loop3A_446 : i32
          %parallel_loop3A_448 = arith.constant 16 : i32
          %parallel_loop3A_449 = arith.muli %parallel_loop3A_447, %parallel_loop3A_448 : i32
          %parallel_loop3A_450 = arith.constant 2 : i32
          %parallel_loop3A_451 = arith.index_cast %parallel_loop3A_444 : i32 to index
          %parallel_loop3A_452 = arith.index_cast %parallel_loop3A_450 : i32 to index
          %parallel_loop3A_453 = arith.index_cast %parallel_loop3A_449 : i32 to index
          %parallel_loop3A_454 = tpu.vector_load %arg7[%parallel_loop3A_451, %parallel_loop3A_452, %parallel_loop3A_453] {strides = array<i32>} : memref<6x3x128xi32, #tpu.memory_space<vmem>>, vector<1x1x16xi32>,
          %parallel_loop3A_455 = vector.shape_cast %parallel_loop3A_454 : vector<1x1x16xi32> to vector<16xi32>
          %parallel_loop3A_456 = tpu.bitcast %parallel_loop3A_455 : vector<16xi32> -> vector<16xf32>
          %parallel_loop3A_457 = arith.constant 16 : i32
          %parallel_loop3A_458 = arith.muli %parallel_loop3A_420, %parallel_loop3A_457 : i32
          %parallel_loop3A_459 = arith.constant 0 : i32
          %parallel_loop3A_460 = arith.addi %parallel_loop3A_458, %parallel_loop3A_459 : i32
          %parallel_loop3A_461 = arith.index_cast %parallel_loop3A_460 : i32 to index
          %parallel_loop3A_462 = arith.constant 0 : index
          %parallel_loop3A_463 = tpu.vector_load %arg9[%parallel_loop3A_461, %parallel_loop3A_462] {strides = array<i32>} : memref<768x16xf32, #tpu.memory_space<vmem>>, vector<1x16xf32>,
          %parallel_loop3A_464 = vector.shape_cast %parallel_loop3A_463 : vector<1x16xf32> to vector<16xf32>
          %parallel_loop3A_465 = vector.extract_strided_slice %parallel_loop3A_456 {offsets = [0], sizes = [1], strides = [1]} : vector<16xf32> to vector<1xf32>
          %parallel_loop3A_466 = vector.extract %parallel_loop3A_465[0] : f32 from vector<1xf32>
          %parallel_loop3A_467 = vector.broadcast %parallel_loop3A_466 : f32 to vector<16xf32>
          %parallel_loop3A_468 = arith.mulf %parallel_loop3A_464, %parallel_loop3A_467 : vector<16xf32>
          %parallel_loop3A_469 = arith.index_cast %parallel_loop3A_460 : i32 to index
          %parallel_loop3A_470 = arith.constant 0 : index
          %parallel_loop3A_471 = tpu.vector_load %arg9[%parallel_loop3A_469, %parallel_loop3A_470] {strides = array<i32>} : memref<768x16xf32, #tpu.memory_space<vmem>>, vector<1x16xf32>,
          %parallel_loop3A_472 = vector.shape_cast %parallel_loop3A_471 : vector<1x16xf32> to vector<16xf32>
          %parallel_loop3A_473 = vector.shape_cast %parallel_loop3A_468 : vector<16xf32> to vector<1x16xf32>
          tpu.vector_store %arg9[%parallel_loop3A_469, %parallel_loop3A_470], %parallel_loop3A_473 {strides = array<i32>} : memref<768x16xf32, #tpu.memory_space<vmem>>, vector<1x16xf32>,
          %parallel_loop3A_474 = arith.constant 16 : i32
          %parallel_loop3A_475 = arith.muli %parallel_loop3A_420, %parallel_loop3A_474 : i32
          %parallel_loop3A_476 = arith.constant 1 : i32
          %parallel_loop3A_477 = arith.addi %parallel_loop3A_475, %parallel_loop3A_476 : i32
          %parallel_loop3A_478 = arith.index_cast %parallel_loop3A_477 : i32 to index
          %parallel_loop3A_479 = arith.constant 0 : index
          %parallel_loop3A_480 = tpu.vector_load %arg9[%parallel_loop3A_478, %parallel_loop3A_479] {strides = array<i32>} : memref<768x16xf32, #tpu.memory_space<vmem>>, vector<1x16xf32>,
          %parallel_loop3A_481 = vector.shape_cast %parallel_loop3A_480 : vector<1x16xf32> to vector<16xf32>
          %parallel_loop3A_482 = vector.extract_strided_slice %parallel_loop3A_456 {offsets = [1], sizes = [1], strides = [1]} : vector<16xf32> to vector<1xf32>
          %parallel_loop3A_483 = vector.extract %parallel_loop3A_482[0] : f32 from vector<1xf32>
          %parallel_loop3A_484 = vector.broadcast %parallel_loop3A_483 : f32 to vector<16xf32>
          %parallel_loop3A_485 = arith.mulf %parallel_loop3A_481, %parallel_loop3A_484 : vector<16xf32>
          %parallel_loop3A_486 = arith.index_cast %parallel_loop3A_477 : i32 to index
          %parallel_loop3A_487 = arith.constant 0 : index
          %parallel_loop3A_488 = tpu.vector_load %arg9[%parallel_loop3A_486, %parallel_loop3A_487] {strides = array<i32>} : memref<768x16xf32, #tpu.memory_space<vmem>>, vector<1x16xf32>,
          %parallel_loop3A_489 = vector.shape_cast %parallel_loop3A_488 : vector<1x16xf32> to vector<16xf32>
          %parallel_loop3A_490 = vector.shape_cast %parallel_loop3A_485 : vector<16xf32> to vector<1x16xf32>
          tpu.vector_store %arg9[%parallel_loop3A_486, %parallel_loop3A_487], %parallel_loop3A_490 {strides = array<i32>} : memref<768x16xf32, #tpu.memory_space<vmem>>, vector<1x16xf32>,
          %parallel_loop3A_491 = arith.constant 16 : i32
          %parallel_loop3A_492 = arith.muli %parallel_loop3A_420, %parallel_loop3A_491 : i32
          %parallel_loop3A_493 = arith.constant 2 : i32
          %parallel_loop3A_494 = arith.addi %parallel_loop3A_492, %parallel_loop3A_493 : i32
          %parallel_loop3A_495 = arith.index_cast %parallel_loop3A_494 : i32 to index
          %parallel_loop3A_496 = arith.constant 0 : index
          %parallel_loop3A_497 = tpu.vector_load %arg9[%parallel_loop3A_495, %parallel_loop3A_496] {strides = array<i32>} : memref<768x16xf32, #tpu.memory_space<vmem>>, vector<1x16xf32>,
          %parallel_loop3A_498 = vector.shape_cast %parallel_loop3A_497 : vector<1x16xf32> to vector<16xf32>
          %parallel_loop3A_499 = vector.extract_strided_slice %parallel_loop3A_456 {offsets = [2], sizes = [1], strides = [1]} : vector<16xf32> to vector<1xf32>
          %parallel_loop3A_500 = vector.extract %parallel_loop3A_499[0] : f32 from vector<1xf32>
          %parallel_loop3A_501 = vector.broadcast %parallel_loop3A_500 : f32 to vector<16xf32>
          %parallel_loop3A_502 = arith.mulf %parallel_loop3A_498, %parallel_loop3A_501 : vector<16xf32>
          %parallel_loop3A_503 = arith.index_cast %parallel_loop3A_494 : i32 to index
          %parallel_loop3A_504 = arith.constant 0 : index
          %parallel_loop3A_505 = tpu.vector_load %arg9[%parallel_loop3A_503, %parallel_loop3A_504] {strides = array<i32>} : memref<768x16xf32, #tpu.memory_space<vmem>>, vector<1x16xf32>,
          %parallel_loop3A_506 = vector.shape_cast %parallel_loop3A_505 : vector<1x16xf32> to vector<16xf32>
          %parallel_loop3A_507 = vector.shape_cast %parallel_loop3A_502 : vector<16xf32> to vector<1x16xf32>
          tpu.vector_store %arg9[%parallel_loop3A_503, %parallel_loop3A_504], %parallel_loop3A_507 {strides = array<i32>} : memref<768x16xf32, #tpu.memory_space<vmem>>, vector<1x16xf32>,
          %parallel_loop3A_508 = arith.constant 16 : i32
          %parallel_loop3A_509 = arith.muli %parallel_loop3A_420, %parallel_loop3A_508 : i32
          %parallel_loop3A_510 = arith.constant 3 : i32
          %parallel_loop3A_511 = arith.addi %parallel_loop3A_509, %parallel_loop3A_510 : i32
          %parallel_loop3A_512 = arith.index_cast %parallel_loop3A_511 : i32 to index
          %parallel_loop3A_513 = arith.constant 0 : index
          %parallel_loop3A_514 = tpu.vector_load %arg9[%parallel_loop3A_512, %parallel_loop3A_513] {strides = array<i32>} : memref<768x16xf32, #tpu.memory_space<vmem>>, vector<1x16xf32>,
          %parallel_loop3A_515 = vector.shape_cast %parallel_loop3A_514 : vector<1x16xf32> to vector<16xf32>
          %parallel_loop3A_516 = vector.extract_strided_slice %parallel_loop3A_456 {offsets = [3], sizes = [1], strides = [1]} : vector<16xf32> to vector<1xf32>
          %parallel_loop3A_517 = vector.extract %parallel_loop3A_516[0] : f32 from vector<1xf32>
          %parallel_loop3A_518 = vector.broadcast %parallel_loop3A_517 : f32 to vector<16xf32>
          %parallel_loop3A_519 = arith.mulf %parallel_loop3A_515, %parallel_loop3A_518 : vector<16xf32>
          %parallel_loop3A_520 = arith.index_cast %parallel_loop3A_511 : i32 to index
          %parallel_loop3A_521 = arith.constant 0 : index
          %parallel_loop3A_522 = tpu.vector_load %arg9[%parallel_loop3A_520, %parallel_loop3A_521] {strides = array<i32>} : memref<768x16xf32, #tpu.memory_space<vmem>>, vector<1x16xf32>,
          %parallel_loop3A_523 = vector.shape_cast %parallel_loop3A_522 : vector<1x16xf32> to vector<16xf32>
          %parallel_loop3A_524 = vector.shape_cast %parallel_loop3A_519 : vector<16xf32> to vector<1x16xf32>
          tpu.vector_store %arg9[%parallel_loop3A_520, %parallel_loop3A_521], %parallel_loop3A_524 {strides = array<i32>} : memref<768x16xf32, #tpu.memory_space<vmem>>, vector<1x16xf32>,
          %parallel_loop3A_525 = arith.constant 16 : i32
          %parallel_loop3A_526 = arith.muli %parallel_loop3A_420, %parallel_loop3A_525 : i32
          %parallel_loop3A_527 = arith.constant 4 : i32
          %parallel_loop3A_528 = arith.addi %parallel_loop3A_526, %parallel_loop3A_527 : i32
          %parallel_loop3A_529 = arith.index_cast %parallel_loop3A_528 : i32 to index
          %parallel_loop3A_530 = arith.constant 0 : index
          %parallel_loop3A_531 = tpu.vector_load %arg9[%parallel_loop3A_529, %parallel_loop3A_530] {strides = array<i32>} : memref<768x16xf32, #tpu.memory_space<vmem>>, vector<1x16xf32>,
          %parallel_loop3A_532 = vector.shape_cast %parallel_loop3A_531 : vector<1x16xf32> to vector<16xf32>
          %parallel_loop3A_533 = vector.extract_strided_slice %parallel_loop3A_456 {offsets = [4], sizes = [1], strides = [1]} : vector<16xf32> to vector<1xf32>
          %parallel_loop3A_534 = vector.extract %parallel_loop3A_533[0] : f32 from vector<1xf32>
          %parallel_loop3A_535 = vector.broadcast %parallel_loop3A_534 : f32 to vector<16xf32>
          %parallel_loop3A_536 = arith.mulf %parallel_loop3A_532, %parallel_loop3A_535 : vector<16xf32>
          %parallel_loop3A_537 = arith.index_cast %parallel_loop3A_528 : i32 to index
          %parallel_loop3A_538 = arith.constant 0 : index
          %parallel_loop3A_539 = tpu.vector_load %arg9[%parallel_loop3A_537, %parallel_loop3A_538] {strides = array<i32>} : memref<768x16xf32, #tpu.memory_space<vmem>>, vector<1x16xf32>,
          %parallel_loop3A_540 = vector.shape_cast %parallel_loop3A_539 : vector<1x16xf32> to vector<16xf32>
          %parallel_loop3A_541 = vector.shape_cast %parallel_loop3A_536 : vector<16xf32> to vector<1x16xf32>
          tpu.vector_store %arg9[%parallel_loop3A_537, %parallel_loop3A_538], %parallel_loop3A_541 {strides = array<i32>} : memref<768x16xf32, #tpu.memory_space<vmem>>, vector<1x16xf32>,
          %parallel_loop3A_542 = arith.constant 16 : i32
          %parallel_loop3A_543 = arith.muli %parallel_loop3A_420, %parallel_loop3A_542 : i32
          %parallel_loop3A_544 = arith.constant 5 : i32
          %parallel_loop3A_545 = arith.addi %parallel_loop3A_543, %parallel_loop3A_544 : i32
          %parallel_loop3A_546 = arith.index_cast %parallel_loop3A_545 : i32 to index
          %parallel_loop3A_547 = arith.constant 0 : index
          %parallel_loop3A_548 = tpu.vector_load %arg9[%parallel_loop3A_546, %parallel_loop3A_547] {strides = array<i32>} : memref<768x16xf32, #tpu.memory_space<vmem>>, vector<1x16xf32>,
          %parallel_loop3A_549 = vector.shape_cast %parallel_loop3A_548 : vector<1x16xf32> to vector<16xf32>
          %parallel_loop3A_550 = vector.extract_strided_slice %parallel_loop3A_456 {offsets = [5], sizes = [1], strides = [1]} : vector<16xf32> to vector<1xf32>
          %parallel_loop3A_551 = vector.extract %parallel_loop3A_550[0] : f32 from vector<1xf32>
          %parallel_loop3A_552 = vector.broadcast %parallel_loop3A_551 : f32 to vector<16xf32>
          %parallel_loop3A_553 = arith.mulf %parallel_loop3A_549, %parallel_loop3A_552 : vector<16xf32>
          %parallel_loop3A_554 = arith.index_cast %parallel_loop3A_545 : i32 to index
          %parallel_loop3A_555 = arith.constant 0 : index
          %parallel_loop3A_556 = tpu.vector_load %arg9[%parallel_loop3A_554, %parallel_loop3A_555] {strides = array<i32>} : memref<768x16xf32, #tpu.memory_space<vmem>>, vector<1x16xf32>,
          %parallel_loop3A_557 = vector.shape_cast %parallel_loop3A_556 : vector<1x16xf32> to vector<16xf32>
          %parallel_loop3A_558 = vector.shape_cast %parallel_loop3A_553 : vector<16xf32> to vector<1x16xf32>
          tpu.vector_store %arg9[%parallel_loop3A_554, %parallel_loop3A_555], %parallel_loop3A_558 {strides = array<i32>} : memref<768x16xf32, #tpu.memory_space<vmem>>, vector<1x16xf32>,
          %parallel_loop3A_559 = arith.constant 16 : i32
          %parallel_loop3A_560 = arith.muli %parallel_loop3A_420, %parallel_loop3A_559 : i32
          %parallel_loop3A_561 = arith.constant 6 : i32
          %parallel_loop3A_562 = arith.addi %parallel_loop3A_560, %parallel_loop3A_561 : i32
          %parallel_loop3A_563 = arith.index_cast %parallel_loop3A_562 : i32 to index
          %parallel_loop3A_564 = arith.constant 0 : index
          %parallel_loop3A_565 = tpu.vector_load %arg9[%parallel_loop3A_563, %parallel_loop3A_564] {strides = array<i32>} : memref<768x16xf32, #tpu.memory_space<vmem>>, vector<1x16xf32>,
          %parallel_loop3A_566 = vector.shape_cast %parallel_loop3A_565 : vector<1x16xf32> to vector<16xf32>
          %parallel_loop3A_567 = vector.extract_strided_slice %parallel_loop3A_456 {offsets = [6], sizes = [1], strides = [1]} : vector<16xf32> to vector<1xf32>
          %parallel_loop3A_568 = vector.extract %parallel_loop3A_567[0] : f32 from vector<1xf32>
          %parallel_loop3A_569 = vector.broadcast %parallel_loop3A_568 : f32 to vector<16xf32>
          %parallel_loop3A_570 = arith.mulf %parallel_loop3A_566, %parallel_loop3A_569 : vector<16xf32>
          %parallel_loop3A_571 = arith.index_cast %parallel_loop3A_562 : i32 to index
          %parallel_loop3A_572 = arith.constant 0 : index
          %parallel_loop3A_573 = tpu.vector_load %arg9[%parallel_loop3A_571, %parallel_loop3A_572] {strides = array<i32>} : memref<768x16xf32, #tpu.memory_space<vmem>>, vector<1x16xf32>,
          %parallel_loop3A_574 = vector.shape_cast %parallel_loop3A_573 : vector<1x16xf32> to vector<16xf32>
          %parallel_loop3A_575 = vector.shape_cast %parallel_loop3A_570 : vector<16xf32> to vector<1x16xf32>
          tpu.vector_store %arg9[%parallel_loop3A_571, %parallel_loop3A_572], %parallel_loop3A_575 {strides = array<i32>} : memref<768x16xf32, #tpu.memory_space<vmem>>, vector<1x16xf32>,
          %parallel_loop3A_576 = arith.constant 16 : i32
          %parallel_loop3A_577 = arith.muli %parallel_loop3A_420, %parallel_loop3A_576 : i32
          %parallel_loop3A_578 = arith.constant 7 : i32
          %parallel_loop3A_579 = arith.addi %parallel_loop3A_577, %parallel_loop3A_578 : i32
          %parallel_loop3A_580 = arith.index_cast %parallel_loop3A_579 : i32 to index
          %parallel_loop3A_581 = arith.constant 0 : index
          %parallel_loop3A_582 = tpu.vector_load %arg9[%parallel_loop3A_580, %parallel_loop3A_581] {strides = array<i32>} : memref<768x16xf32, #tpu.memory_space<vmem>>, vector<1x16xf32>,
          %parallel_loop3A_583 = vector.shape_cast %parallel_loop3A_582 : vector<1x16xf32> to vector<16xf32>
          %parallel_loop3A_584 = vector.extract_strided_slice %parallel_loop3A_456 {offsets = [7], sizes = [1], strides = [1]} : vector<16xf32> to vector<1xf32>
          %parallel_loop3A_585 = vector.extract %parallel_loop3A_584[0] : f32 from vector<1xf32>
          %parallel_loop3A_586 = vector.broadcast %parallel_loop3A_585 : f32 to vector<16xf32>
          %parallel_loop3A_587 = arith.mulf %parallel_loop3A_583, %parallel_loop3A_586 : vector<16xf32>
          %parallel_loop3A_588 = arith.index_cast %parallel_loop3A_579 : i32 to index
          %parallel_loop3A_589 = arith.constant 0 : index
          %parallel_loop3A_590 = tpu.vector_load %arg9[%parallel_loop3A_588, %parallel_loop3A_589] {strides = array<i32>} : memref<768x16xf32, #tpu.memory_space<vmem>>, vector<1x16xf32>,
          %parallel_loop3A_591 = vector.shape_cast %parallel_loop3A_590 : vector<1x16xf32> to vector<16xf32>
          %parallel_loop3A_592 = vector.shape_cast %parallel_loop3A_587 : vector<16xf32> to vector<1x16xf32>
          tpu.vector_store %arg9[%parallel_loop3A_588, %parallel_loop3A_589], %parallel_loop3A_592 {strides = array<i32>} : memref<768x16xf32, #tpu.memory_space<vmem>>, vector<1x16xf32>,
          %parallel_loop3A_593 = arith.constant 16 : i32
          %parallel_loop3A_594 = arith.muli %parallel_loop3A_420, %parallel_loop3A_593 : i32
          %parallel_loop3A_595 = arith.constant 8 : i32
          %parallel_loop3A_596 = arith.addi %parallel_loop3A_594, %parallel_loop3A_595 : i32
          %parallel_loop3A_597 = arith.index_cast %parallel_loop3A_596 : i32 to index
          %parallel_loop3A_598 = arith.constant 0 : index
          %parallel_loop3A_599 = tpu.vector_load %arg9[%parallel_loop3A_597, %parallel_loop3A_598] {strides = array<i32>} : memref<768x16xf32, #tpu.memory_space<vmem>>, vector<1x16xf32>,
          %parallel_loop3A_600 = vector.shape_cast %parallel_loop3A_599 : vector<1x16xf32> to vector<16xf32>
          %parallel_loop3A_601 = vector.extract_strided_slice %parallel_loop3A_456 {offsets = [8], sizes = [1], strides = [1]} : vector<16xf32> to vector<1xf32>
          %parallel_loop3A_602 = vector.extract %parallel_loop3A_601[0] : f32 from vector<1xf32>
          %parallel_loop3A_603 = vector.broadcast %parallel_loop3A_602 : f32 to vector<16xf32>
          %parallel_loop3A_604 = arith.mulf %parallel_loop3A_600, %parallel_loop3A_603 : vector<16xf32>
          %parallel_loop3A_605 = arith.index_cast %parallel_loop3A_596 : i32 to index
          %parallel_loop3A_606 = arith.constant 0 : index
          %parallel_loop3A_607 = tpu.vector_load %arg9[%parallel_loop3A_605, %parallel_loop3A_606] {strides = array<i32>} : memref<768x16xf32, #tpu.memory_space<vmem>>, vector<1x16xf32>,
          %parallel_loop3A_608 = vector.shape_cast %parallel_loop3A_607 : vector<1x16xf32> to vector<16xf32>
          %parallel_loop3A_609 = vector.shape_cast %parallel_loop3A_604 : vector<16xf32> to vector<1x16xf32>
          tpu.vector_store %arg9[%parallel_loop3A_605, %parallel_loop3A_606], %parallel_loop3A_609 {strides = array<i32>} : memref<768x16xf32, #tpu.memory_space<vmem>>, vector<1x16xf32>,
          %parallel_loop3A_610 = arith.constant 16 : i32
          %parallel_loop3A_611 = arith.muli %parallel_loop3A_420, %parallel_loop3A_610 : i32
          %parallel_loop3A_612 = arith.constant 9 : i32
          %parallel_loop3A_613 = arith.addi %parallel_loop3A_611, %parallel_loop3A_612 : i32
          %parallel_loop3A_614 = arith.index_cast %parallel_loop3A_613 : i32 to index
          %parallel_loop3A_615 = arith.constant 0 : index
          %parallel_loop3A_616 = tpu.vector_load %arg9[%parallel_loop3A_614, %parallel_loop3A_615] {strides = array<i32>} : memref<768x16xf32, #tpu.memory_space<vmem>>, vector<1x16xf32>,
          %parallel_loop3A_617 = vector.shape_cast %parallel_loop3A_616 : vector<1x16xf32> to vector<16xf32>
          %parallel_loop3A_618 = vector.extract_strided_slice %parallel_loop3A_456 {offsets = [9], sizes = [1], strides = [1]} : vector<16xf32> to vector<1xf32>
          %parallel_loop3A_619 = vector.extract %parallel_loop3A_618[0] : f32 from vector<1xf32>
          %parallel_loop3A_620 = vector.broadcast %parallel_loop3A_619 : f32 to vector<16xf32>
          %parallel_loop3A_621 = arith.mulf %parallel_loop3A_617, %parallel_loop3A_620 : vector<16xf32>
          %parallel_loop3A_622 = arith.index_cast %parallel_loop3A_613 : i32 to index
          %parallel_loop3A_623 = arith.constant 0 : index
          %parallel_loop3A_624 = tpu.vector_load %arg9[%parallel_loop3A_622, %parallel_loop3A_623] {strides = array<i32>} : memref<768x16xf32, #tpu.memory_space<vmem>>, vector<1x16xf32>,
          %parallel_loop3A_625 = vector.shape_cast %parallel_loop3A_624 : vector<1x16xf32> to vector<16xf32>
          %parallel_loop3A_626 = vector.shape_cast %parallel_loop3A_621 : vector<16xf32> to vector<1x16xf32>
          tpu.vector_store %arg9[%parallel_loop3A_622, %parallel_loop3A_623], %parallel_loop3A_626 {strides = array<i32>} : memref<768x16xf32, #tpu.memory_space<vmem>>, vector<1x16xf32>,
          %parallel_loop3A_627 = arith.constant 16 : i32
          %parallel_loop3A_628 = arith.muli %parallel_loop3A_420, %parallel_loop3A_627 : i32
          %parallel_loop3A_629 = arith.constant 10 : i32
          %parallel_loop3A_630 = arith.addi %parallel_loop3A_628, %parallel_loop3A_629 : i32
          %parallel_loop3A_631 = arith.index_cast %parallel_loop3A_630 : i32 to index
          %parallel_loop3A_632 = arith.constant 0 : index
          %parallel_loop3A_633 = tpu.vector_load %arg9[%parallel_loop3A_631, %parallel_loop3A_632] {strides = array<i32>} : memref<768x16xf32, #tpu.memory_space<vmem>>, vector<1x16xf32>,
          %parallel_loop3A_634 = vector.shape_cast %parallel_loop3A_633 : vector<1x16xf32> to vector<16xf32>
          %parallel_loop3A_635 = vector.extract_strided_slice %parallel_loop3A_456 {offsets = [10], sizes = [1], strides = [1]} : vector<16xf32> to vector<1xf32>
          %parallel_loop3A_636 = vector.extract %parallel_loop3A_635[0] : f32 from vector<1xf32>
          %parallel_loop3A_637 = vector.broadcast %parallel_loop3A_636 : f32 to vector<16xf32>
          %parallel_loop3A_638 = arith.mulf %parallel_loop3A_634, %parallel_loop3A_637 : vector<16xf32>
          %parallel_loop3A_639 = arith.index_cast %parallel_loop3A_630 : i32 to index
          %parallel_loop3A_640 = arith.constant 0 : index
          %parallel_loop3A_641 = tpu.vector_load %arg9[%parallel_loop3A_639, %parallel_loop3A_640] {strides = array<i32>} : memref<768x16xf32, #tpu.memory_space<vmem>>, vector<1x16xf32>,
          %parallel_loop3A_642 = vector.shape_cast %parallel_loop3A_641 : vector<1x16xf32> to vector<16xf32>
          %parallel_loop3A_643 = vector.shape_cast %parallel_loop3A_638 : vector<16xf32> to vector<1x16xf32>
          tpu.vector_store %arg9[%parallel_loop3A_639, %parallel_loop3A_640], %parallel_loop3A_643 {strides = array<i32>} : memref<768x16xf32, #tpu.memory_space<vmem>>, vector<1x16xf32>,
          %parallel_loop3A_644 = arith.constant 16 : i32
          %parallel_loop3A_645 = arith.muli %parallel_loop3A_420, %parallel_loop3A_644 : i32
          %parallel_loop3A_646 = arith.constant 11 : i32
          %parallel_loop3A_647 = arith.addi %parallel_loop3A_645, %parallel_loop3A_646 : i32
          %parallel_loop3A_648 = arith.index_cast %parallel_loop3A_647 : i32 to index
          %parallel_loop3A_649 = arith.constant 0 : index
          %parallel_loop3A_650 = tpu.vector_load %arg9[%parallel_loop3A_648, %parallel_loop3A_649] {strides = array<i32>} : memref<768x16xf32, #tpu.memory_space<vmem>>, vector<1x16xf32>,
          %parallel_loop3A_651 = vector.shape_cast %parallel_loop3A_650 : vector<1x16xf32> to vector<16xf32>
          %parallel_loop3A_652 = vector.extract_strided_slice %parallel_loop3A_456 {offsets = [11], sizes = [1], strides = [1]} : vector<16xf32> to vector<1xf32>
          %parallel_loop3A_653 = vector.extract %parallel_loop3A_652[0] : f32 from vector<1xf32>
          %parallel_loop3A_654 = vector.broadcast %parallel_loop3A_653 : f32 to vector<16xf32>
          %parallel_loop3A_655 = arith.mulf %parallel_loop3A_651, %parallel_loop3A_654 : vector<16xf32>
          %parallel_loop3A_656 = arith.index_cast %parallel_loop3A_647 : i32 to index
          %parallel_loop3A_657 = arith.constant 0 : index
          %parallel_loop3A_658 = tpu.vector_load %arg9[%parallel_loop3A_656, %parallel_loop3A_657] {strides = array<i32>} : memref<768x16xf32, #tpu.memory_space<vmem>>, vector<1x16xf32>,
          %parallel_loop3A_659 = vector.shape_cast %parallel_loop3A_658 : vector<1x16xf32> to vector<16xf32>
          %parallel_loop3A_660 = vector.shape_cast %parallel_loop3A_655 : vector<16xf32> to vector<1x16xf32>
          tpu.vector_store %arg9[%parallel_loop3A_656, %parallel_loop3A_657], %parallel_loop3A_660 {strides = array<i32>} : memref<768x16xf32, #tpu.memory_space<vmem>>, vector<1x16xf32>,
          %parallel_loop3A_661 = arith.constant 16 : i32
          %parallel_loop3A_662 = arith.muli %parallel_loop3A_420, %parallel_loop3A_661 : i32
          %parallel_loop3A_663 = arith.constant 12 : i32
          %parallel_loop3A_664 = arith.addi %parallel_loop3A_662, %parallel_loop3A_663 : i32
          %parallel_loop3A_665 = arith.index_cast %parallel_loop3A_664 : i32 to index
          %parallel_loop3A_666 = arith.constant 0 : index
          %parallel_loop3A_667 = tpu.vector_load %arg9[%parallel_loop3A_665, %parallel_loop3A_666] {strides = array<i32>} : memref<768x16xf32, #tpu.memory_space<vmem>>, vector<1x16xf32>,
          %parallel_loop3A_668 = vector.shape_cast %parallel_loop3A_667 : vector<1x16xf32> to vector<16xf32>
          %parallel_loop3A_669 = vector.extract_strided_slice %parallel_loop3A_456 {offsets = [12], sizes = [1], strides = [1]} : vector<16xf32> to vector<1xf32>
          %parallel_loop3A_670 = vector.extract %parallel_loop3A_669[0] : f32 from vector<1xf32>
          %parallel_loop3A_671 = vector.broadcast %parallel_loop3A_670 : f32 to vector<16xf32>
          %parallel_loop3A_672 = arith.mulf %parallel_loop3A_668, %parallel_loop3A_671 : vector<16xf32>
          %parallel_loop3A_673 = arith.index_cast %parallel_loop3A_664 : i32 to index
          %parallel_loop3A_674 = arith.constant 0 : index
          %parallel_loop3A_675 = tpu.vector_load %arg9[%parallel_loop3A_673, %parallel_loop3A_674] {strides = array<i32>} : memref<768x16xf32, #tpu.memory_space<vmem>>, vector<1x16xf32>,
          %parallel_loop3A_676 = vector.shape_cast %parallel_loop3A_675 : vector<1x16xf32> to vector<16xf32>
          %parallel_loop3A_677 = vector.shape_cast %parallel_loop3A_672 : vector<16xf32> to vector<1x16xf32>
          tpu.vector_store %arg9[%parallel_loop3A_673, %parallel_loop3A_674], %parallel_loop3A_677 {strides = array<i32>} : memref<768x16xf32, #tpu.memory_space<vmem>>, vector<1x16xf32>,
          %parallel_loop3A_678 = arith.constant 16 : i32
          %parallel_loop3A_679 = arith.muli %parallel_loop3A_420, %parallel_loop3A_678 : i32
          %parallel_loop3A_680 = arith.constant 13 : i32
          %parallel_loop3A_681 = arith.addi %parallel_loop3A_679, %parallel_loop3A_680 : i32
          %parallel_loop3A_682 = arith.index_cast %parallel_loop3A_681 : i32 to index
          %parallel_loop3A_683 = arith.constant 0 : index
          %parallel_loop3A_684 = tpu.vector_load %arg9[%parallel_loop3A_682, %parallel_loop3A_683] {strides = array<i32>} : memref<768x16xf32, #tpu.memory_space<vmem>>, vector<1x16xf32>,
          %parallel_loop3A_685 = vector.shape_cast %parallel_loop3A_684 : vector<1x16xf32> to vector<16xf32>
          %parallel_loop3A_686 = vector.extract_strided_slice %parallel_loop3A_456 {offsets = [13], sizes = [1], strides = [1]} : vector<16xf32> to vector<1xf32>
          %parallel_loop3A_687 = vector.extract %parallel_loop3A_686[0] : f32 from vector<1xf32>
          %parallel_loop3A_688 = vector.broadcast %parallel_loop3A_687 : f32 to vector<16xf32>
          %parallel_loop3A_689 = arith.mulf %parallel_loop3A_685, %parallel_loop3A_688 : vector<16xf32>
          %parallel_loop3A_690 = arith.index_cast %parallel_loop3A_681 : i32 to index
          %parallel_loop3A_691 = arith.constant 0 : index
          %parallel_loop3A_692 = tpu.vector_load %arg9[%parallel_loop3A_690, %parallel_loop3A_691] {strides = array<i32>} : memref<768x16xf32, #tpu.memory_space<vmem>>, vector<1x16xf32>,
          %parallel_loop3A_693 = vector.shape_cast %parallel_loop3A_692 : vector<1x16xf32> to vector<16xf32>
          %parallel_loop3A_694 = vector.shape_cast %parallel_loop3A_689 : vector<16xf32> to vector<1x16xf32>
          tpu.vector_store %arg9[%parallel_loop3A_690, %parallel_loop3A_691], %parallel_loop3A_694 {strides = array<i32>} : memref<768x16xf32, #tpu.memory_space<vmem>>, vector<1x16xf32>,
          %parallel_loop3A_695 = arith.constant 16 : i32
          %parallel_loop3A_696 = arith.muli %parallel_loop3A_420, %parallel_loop3A_695 : i32
          %parallel_loop3A_697 = arith.constant 14 : i32
          %parallel_loop3A_698 = arith.addi %parallel_loop3A_696, %parallel_loop3A_697 : i32
          %parallel_loop3A_699 = arith.index_cast %parallel_loop3A_698 : i32 to index
          %parallel_loop3A_700 = arith.constant 0 : index
          %parallel_loop3A_701 = tpu.vector_load %arg9[%parallel_loop3A_699, %parallel_loop3A_700] {strides = array<i32>} : memref<768x16xf32, #tpu.memory_space<vmem>>, vector<1x16xf32>,
          %parallel_loop3A_702 = vector.shape_cast %parallel_loop3A_701 : vector<1x16xf32> to vector<16xf32>
          %parallel_loop3A_703 = vector.extract_strided_slice %parallel_loop3A_456 {offsets = [14], sizes = [1], strides = [1]} : vector<16xf32> to vector<1xf32>
          %parallel_loop3A_704 = vector.extract %parallel_loop3A_703[0] : f32 from vector<1xf32>
          %parallel_loop3A_705 = vector.broadcast %parallel_loop3A_704 : f32 to vector<16xf32>
          %parallel_loop3A_706 = arith.mulf %parallel_loop3A_702, %parallel_loop3A_705 : vector<16xf32>
          %parallel_loop3A_707 = arith.index_cast %parallel_loop3A_698 : i32 to index
          %parallel_loop3A_708 = arith.constant 0 : index
          %parallel_loop3A_709 = tpu.vector_load %arg9[%parallel_loop3A_707, %parallel_loop3A_708] {strides = array<i32>} : memref<768x16xf32, #tpu.memory_space<vmem>>, vector<1x16xf32>,
          %parallel_loop3A_710 = vector.shape_cast %parallel_loop3A_709 : vector<1x16xf32> to vector<16xf32>
          %parallel_loop3A_711 = vector.shape_cast %parallel_loop3A_706 : vector<16xf32> to vector<1x16xf32>
          tpu.vector_store %arg9[%parallel_loop3A_707, %parallel_loop3A_708], %parallel_loop3A_711 {strides = array<i32>} : memref<768x16xf32, #tpu.memory_space<vmem>>, vector<1x16xf32>,
          %parallel_loop3A_712 = arith.constant 16 : i32
          %parallel_loop3A_713 = arith.muli %parallel_loop3A_420, %parallel_loop3A_712 : i32
          %parallel_loop3A_714 = arith.constant 15 : i32
          %parallel_loop3A_715 = arith.addi %parallel_loop3A_713, %parallel_loop3A_714 : i32
          %parallel_loop3A_716 = arith.index_cast %parallel_loop3A_715 : i32 to index
          %parallel_loop3A_717 = arith.constant 0 : index
          %parallel_loop3A_718 = tpu.vector_load %arg9[%parallel_loop3A_716, %parallel_loop3A_717] {strides = array<i32>} : memref<768x16xf32, #tpu.memory_space<vmem>>, vector<1x16xf32>,
          %parallel_loop3A_719 = vector.shape_cast %parallel_loop3A_718 : vector<1x16xf32> to vector<16xf32>
          %parallel_loop3A_720 = vector.extract_strided_slice %parallel_loop3A_456 {offsets = [15], sizes = [1], strides = [1]} : vector<16xf32> to vector<1xf32>
          %parallel_loop3A_721 = vector.extract %parallel_loop3A_720[0] : f32 from vector<1xf32>
          %parallel_loop3A_722 = vector.broadcast %parallel_loop3A_721 : f32 to vector<16xf32>
          %parallel_loop3A_723 = arith.mulf %parallel_loop3A_719, %parallel_loop3A_722 : vector<16xf32>
          %parallel_loop3A_724 = arith.index_cast %parallel_loop3A_715 : i32 to index
          %parallel_loop3A_725 = arith.constant 0 : index
          %parallel_loop3A_726 = tpu.vector_load %arg9[%parallel_loop3A_724, %parallel_loop3A_725] {strides = array<i32>} : memref<768x16xf32, #tpu.memory_space<vmem>>, vector<1x16xf32>,
          %parallel_loop3A_727 = vector.shape_cast %parallel_loop3A_726 : vector<1x16xf32> to vector<16xf32>
          %parallel_loop3A_728 = vector.shape_cast %parallel_loop3A_723 : vector<16xf32> to vector<1x16xf32>
          tpu.vector_store %arg9[%parallel_loop3A_724, %parallel_loop3A_725], %parallel_loop3A_728 {strides = array<i32>} : memref<768x16xf32, #tpu.memory_space<vmem>>, vector<1x16xf32>,
        } {sc.loop_unroll_factor = 2 : i64, sc.parallel_access}
        %dma_start3A_347 = arith.constant 0 : i32
        %dma_start3A_348 = arith.constant 1 : i32
        %dma_start3A_349 = arith.constant 0 : i32
        %dma_start3A_350 = arith.constant 0 : i32
        %dma_start3A_351 = tpu.memref_slice %arg9[%dma_start3A_349, %dma_start3A_350] : memref<768x16xf32, #tpu.memory_space<vmem>> -> memref<128x16xf32, #tpu.memory_space<vmem>>
        %dma_start3A_352 = arith.constant 0 : i32
        %dma_start3A_353 = tpu.memref_slice %arg7[%dma_start3A_347, %dma_start3A_348, %dma_start3A_352] : memref<6x3x128xi32, #tpu.memory_space<vmem>> -> memref<1x1x128xi32, #tpu.memory_space<vmem>>
        %dma_start3A_354 = tpu.memref_squeeze %dma_start3A_353 : memref<1x1x128xi32, #tpu.memory_space<vmem>> -> memref<128xi32, #tpu.memory_space<vmem>>
        %dma_start3A_355 = arith.constant 0 : i32
        %dma_start3A_356 = arith.constant 0 : i32
        %dma_start3A_357 = tpu.memref_slice %arg6[%dma_start3A_355, %dma_start3A_356] : memref<100096x16xf32, #tpu.memory_space<vmem_shared>> -> memref<100096x16xf32, #tpu.memory_space<vmem_shared>>
        tpu.enqueue_indirect_dma source(%dma_start3A_351 : memref<128x16xf32, #tpu.memory_space<vmem>>) target(%dma_start3A_357 : memref<100096x16xf32, #tpu.memory_space<vmem_shared>>) offsets(%dma_start3A_354 : memref<128xi32, #tpu.memory_space<vmem>>) semaphore(%arg15 : memref<!tpu.dma_semaphore, #tpu.memory_space<semaphore_mem>>) {add = true}
        %dma_start3A_358 = arith.constant 1 : i32
        %dma_start3A_359 = arith.constant 1 : i32
        %dma_start3A_360 = arith.constant 128 : i32
        %dma_start3A_361 = arith.constant 0 : i32
        %dma_start3A_362 = tpu.memref_slice %arg9[%dma_start3A_360, %dma_start3A_361] : memref<768x16xf32, #tpu.memory_space<vmem>> -> memref<128x16xf32, #tpu.memory_space<vmem>>
        %dma_start3A_363 = arith.constant 0 : i32
        %dma_start3A_364 = tpu.memref_slice %arg7[%dma_start3A_358, %dma_start3A_359, %dma_start3A_363] : memref<6x3x128xi32, #tpu.memory_space<vmem>> -> memref<1x1x128xi32, #tpu.memory_space<vmem>>
        %dma_start3A_365 = tpu.memref_squeeze %dma_start3A_364 : memref<1x1x128xi32, #tpu.memory_space<vmem>> -> memref<128xi32, #tpu.memory_space<vmem>>
        %dma_start3A_366 = arith.constant 0 : i32
        %dma_start3A_367 = arith.constant 0 : i32
        %dma_start3A_368 = tpu.memref_slice %arg6[%dma_start3A_366, %dma_start3A_367] : memref<100096x16xf32, #tpu.memory_space<vmem_shared>> -> memref<100096x16xf32, #tpu.memory_space<vmem_shared>>
        tpu.enqueue_indirect_dma source(%dma_start3A_362 : memref<128x16xf32, #tpu.memory_space<vmem>>) target(%dma_start3A_368 : memref<100096x16xf32, #tpu.memory_space<vmem_shared>>) offsets(%dma_start3A_365 : memref<128xi32, #tpu.memory_space<vmem>>) semaphore(%arg15 : memref<!tpu.dma_semaphore, #tpu.memory_space<semaphore_mem>>) {add = true}
        %dma_start3A_369 = arith.constant 2 : i32
        %dma_start3A_370 = arith.constant 1 : i32
        %dma_start3A_371 = arith.constant 256 : i32
        %dma_start3A_372 = arith.constant 0 : i32
        %dma_start3A_373 = tpu.memref_slice %arg9[%dma_start3A_371, %dma_start3A_372] : memref<768x16xf32, #tpu.memory_space<vmem>> -> memref<128x16xf32, #tpu.memory_space<vmem>>
        %dma_start3A_374 = arith.constant 0 : i32
        %dma_start3A_375 = tpu.memref_slice %arg7[%dma_start3A_369, %dma_start3A_370, %dma_start3A_374] : memref<6x3x128xi32, #tpu.memory_space<vmem>> -> memref<1x1x128xi32, #tpu.memory_space<vmem>>
        %dma_start3A_376 = tpu.memref_squeeze %dma_start3A_375 : memref<1x1x128xi32, #tpu.memory_space<vmem>> -> memref<128xi32, #tpu.memory_space<vmem>>
        %dma_start3A_377 = arith.constant 0 : i32
        %dma_start3A_378 = arith.constant 0 : i32
        %dma_start3A_379 = tpu.memref_slice %arg6[%dma_start3A_377, %dma_start3A_378] : memref<100096x16xf32, #tpu.memory_space<vmem_shared>> -> memref<100096x16xf32, #tpu.memory_space<vmem_shared>>
        tpu.enqueue_indirect_dma source(%dma_start3A_373 : memref<128x16xf32, #tpu.memory_space<vmem>>) target(%dma_start3A_379 : memref<100096x16xf32, #tpu.memory_space<vmem_shared>>) offsets(%dma_start3A_376 : memref<128xi32, #tpu.memory_space<vmem>>) semaphore(%arg15 : memref<!tpu.dma_semaphore, #tpu.memory_space<semaphore_mem>>) {add = true}
        %dma_start3A_380 = arith.constant 3 : i32
        %dma_start3A_381 = arith.constant 1 : i32
        %dma_start3A_382 = arith.constant 384 : i32
        %dma_start3A_383 = arith.constant 0 : i32
        %dma_start3A_384 = tpu.memref_slice %arg9[%dma_start3A_382, %dma_start3A_383] : memref<768x16xf32, #tpu.memory_space<vmem>> -> memref<128x16xf32, #tpu.memory_space<vmem>>
        %dma_start3A_385 = arith.constant 0 : i32
        %dma_start3A_386 = tpu.memref_slice %arg7[%dma_start3A_380, %dma_start3A_381, %dma_start3A_385] : memref<6x3x128xi32, #tpu.memory_space<vmem>> -> memref<1x1x128xi32, #tpu.memory_space<vmem>>
        %dma_start3A_387 = tpu.memref_squeeze %dma_start3A_386 : memref<1x1x128xi32, #tpu.memory_space<vmem>> -> memref<128xi32, #tpu.memory_space<vmem>>
        %dma_start3A_388 = arith.constant 0 : i32
        %dma_start3A_389 = arith.constant 0 : i32
        %dma_start3A_390 = tpu.memref_slice %arg6[%dma_start3A_388, %dma_start3A_389] : memref<100096x16xf32, #tpu.memory_space<vmem_shared>> -> memref<100096x16xf32, #tpu.memory_space<vmem_shared>>
        tpu.enqueue_indirect_dma source(%dma_start3A_384 : memref<128x16xf32, #tpu.memory_space<vmem>>) target(%dma_start3A_390 : memref<100096x16xf32, #tpu.memory_space<vmem_shared>>) offsets(%dma_start3A_387 : memref<128xi32, #tpu.memory_space<vmem>>) semaphore(%arg15 : memref<!tpu.dma_semaphore, #tpu.memory_space<semaphore_mem>>) {add = true}
        %dma_start3A_391 = arith.constant 4 : i32
        %dma_start3A_392 = arith.constant 1 : i32
        %dma_start3A_393 = arith.constant 512 : i32
        %dma_start3A_394 = arith.constant 0 : i32
        %dma_start3A_395 = tpu.memref_slice %arg9[%dma_start3A_393, %dma_start3A_394] : memref<768x16xf32, #tpu.memory_space<vmem>> -> memref<128x16xf32, #tpu.memory_space<vmem>>
        %dma_start3A_396 = arith.constant 0 : i32
        %dma_start3A_397 = tpu.memref_slice %arg7[%dma_start3A_391, %dma_start3A_392, %dma_start3A_396] : memref<6x3x128xi32, #tpu.memory_space<vmem>> -> memref<1x1x128xi32, #tpu.memory_space<vmem>>
        %dma_start3A_398 = tpu.memref_squeeze %dma_start3A_397 : memref<1x1x128xi32, #tpu.memory_space<vmem>> -> memref<128xi32, #tpu.memory_space<vmem>>
        %dma_start3A_399 = arith.constant 0 : i32
        %dma_start3A_400 = arith.constant 0 : i32
        %dma_start3A_401 = tpu.memref_slice %arg6[%dma_start3A_399, %dma_start3A_400] : memref<100096x16xf32, #tpu.memory_space<vmem_shared>> -> memref<100096x16xf32, #tpu.memory_space<vmem_shared>>
        tpu.enqueue_indirect_dma source(%dma_start3A_395 : memref<128x16xf32, #tpu.memory_space<vmem>>) target(%dma_start3A_401 : memref<100096x16xf32, #tpu.memory_space<vmem_shared>>) offsets(%dma_start3A_398 : memref<128xi32, #tpu.memory_space<vmem>>) semaphore(%arg15 : memref<!tpu.dma_semaphore, #tpu.memory_space<semaphore_mem>>) {add = true}
        %dma_start3A_402 = arith.constant 5 : i32
        %dma_start3A_403 = arith.constant 1 : i32
        %dma_start3A_404 = arith.constant 640 : i32
        %dma_start3A_405 = arith.constant 0 : i32
        %dma_start3A_406 = tpu.memref_slice %arg9[%dma_start3A_404, %dma_start3A_405] : memref<768x16xf32, #tpu.memory_space<vmem>> -> memref<128x16xf32, #tpu.memory_space<vmem>>
        %dma_start3A_407 = arith.constant 0 : i32
        %dma_start3A_408 = tpu.memref_slice %arg7[%dma_start3A_402, %dma_start3A_403, %dma_start3A_407] : memref<6x3x128xi32, #tpu.memory_space<vmem>> -> memref<1x1x128xi32, #tpu.memory_space<vmem>>
        %dma_start3A_409 = tpu.memref_squeeze %dma_start3A_408 : memref<1x1x128xi32, #tpu.memory_space<vmem>> -> memref<128xi32, #tpu.memory_space<vmem>>
        %dma_start3A_410 = arith.constant 0 : i32
        %dma_start3A_411 = arith.constant 0 : i32
        %dma_start3A_412 = tpu.memref_slice %arg6[%dma_start3A_410, %dma_start3A_411] : memref<100096x16xf32, #tpu.memory_space<vmem_shared>> -> memref<100096x16xf32, #tpu.memory_space<vmem_shared>>
        tpu.enqueue_indirect_dma source(%dma_start3A_406 : memref<128x16xf32, #tpu.memory_space<vmem>>) target(%dma_start3A_412 : memref<100096x16xf32, #tpu.memory_space<vmem_shared>>) offsets(%dma_start3A_409 : memref<128xi32, #tpu.memory_space<vmem>>) semaphore(%arg15 : memref<!tpu.dma_semaphore, #tpu.memory_space<semaphore_mem>>) {add = true}
        %add3A_413 = arith.constant 1 : i32
        %add3A_414 = arith.addi %add3A_258, %add3A_413 : i32
        %lt3A_415 = arith.constant 131 : i32
        %lt3A_416 = arith.cmpi slt, %add3A_414, %lt3A_415 : i32
        %convert_element_type3A_417 = arith.extui %lt3A_416 : i1 to i32
        %cond3A_418 = arith.constant 0 : i32
        %cond3A_419 = arith.cmpi ne, %convert_element_type3A_417, %cond3A_418 : i32
        scf.if %cond3A_419 {
          %add3A_420 = arith.constant 1 : i32
          %add3A_421 = arith.addi %add3A_258, %add3A_420 : i32
          %mul3A_422 = arith.constant 6 : i32
          %mul3A_423 = arith.muli %add3A_421, %mul3A_422 : i32
          %add3A_424 = arith.addi %mul3A_27, %mul3A_423 : i32
          %dma_wait3A_425 = arith.constant 0 : i32
          %dma_wait3A_426 = arith.constant 0 : i32
          %dma_wait3A_427 = tpu.memref_slice %arg3[%add3A_424, %dma_wait3A_425, %dma_wait3A_426] : memref<25152x3x128xi32, #tpu.memory_space<hbm>> -> memref<6x3x128xi32, #tpu.memory_space<hbm>>
          %dma_wait3A_428 = arith.constant 0 : i32
          %dma_wait3A_429 = arith.constant 0 : i32
          %dma_wait3A_430 = tpu.memref_slice %arg3[%add3A_424, %dma_wait3A_428, %dma_wait3A_429] : memref<25152x3x128xi32, #tpu.memory_space<hbm>> -> memref<6x3x128xi32, #tpu.memory_space<hbm>>
          tpu.wait_dma2 semaphore(%arg12 : memref<!tpu.dma_semaphore, #tpu.memory_space<semaphore_mem>>) src(%dma_wait3A_430 : memref<6x3x128xi32, #tpu.memory_space<hbm>>) dst(%arg8 : memref<6x3x128xi32, #tpu.memory_space<vmem>>)
          %dma_start3A_431 = arith.constant 0 : i32
          %dma_start3A_432 = arith.constant 0 : i32
          %dma_start3A_433 = arith.constant 0 : i32
          %dma_start3A_434 = arith.constant 0 : i32
          %dma_start3A_435 = tpu.memref_slice %arg10[%dma_start3A_433, %dma_start3A_434] : memref<768x16xf32, #tpu.memory_space<vmem>> -> memref<128x16xf32, #tpu.memory_space<vmem>>
          %dma_start3A_436 = arith.constant 0 : i32
          %dma_start3A_437 = tpu.memref_slice %arg8[%dma_start3A_431, %dma_start3A_432, %dma_start3A_436] : memref<6x3x128xi32, #tpu.memory_space<vmem>> -> memref<1x1x128xi32, #tpu.memory_space<vmem>>
          %dma_start3A_438 = tpu.memref_squeeze %dma_start3A_437 : memref<1x1x128xi32, #tpu.memory_space<vmem>> -> memref<128xi32, #tpu.memory_space<vmem>>
          %dma_start3A_439 = arith.constant 0 : i32
          %dma_start3A_440 = arith.constant 0 : i32
          %dma_start3A_441 = tpu.memref_slice %arg2[%dma_start3A_439, %dma_start3A_440] : memref<100000x16xf32, #tpu.memory_space<hbm>> -> memref<100000x16xf32, #tpu.memory_space<hbm>>
          tpu.enqueue_indirect_dma source(%dma_start3A_441 : memref<100000x16xf32, #tpu.memory_space<hbm>>) target(%dma_start3A_435 : memref<128x16xf32, #tpu.memory_space<vmem>>) offsets(%dma_start3A_438 : memref<128xi32, #tpu.memory_space<vmem>>) semaphore(%arg14 : memref<!tpu.dma_semaphore, #tpu.memory_space<semaphore_mem>>)
          %dma_start3A_442 = arith.constant 1 : i32
          %dma_start3A_443 = arith.constant 0 : i32
          %dma_start3A_444 = arith.constant 128 : i32
          %dma_start3A_445 = arith.constant 0 : i32
          %dma_start3A_446 = tpu.memref_slice %arg10[%dma_start3A_444, %dma_start3A_445] : memref<768x16xf32, #tpu.memory_space<vmem>> -> memref<128x16xf32, #tpu.memory_space<vmem>>
          %dma_start3A_447 = arith.constant 0 : i32
          %dma_start3A_448 = tpu.memref_slice %arg8[%dma_start3A_442, %dma_start3A_443, %dma_start3A_447] : memref<6x3x128xi32, #tpu.memory_space<vmem>> -> memref<1x1x128xi32, #tpu.memory_space<vmem>>
          %dma_start3A_449 = tpu.memref_squeeze %dma_start3A_448 : memref<1x1x128xi32, #tpu.memory_space<vmem>> -> memref<128xi32, #tpu.memory_space<vmem>>
          %dma_start3A_450 = arith.constant 0 : i32
          %dma_start3A_451 = arith.constant 0 : i32
          %dma_start3A_452 = tpu.memref_slice %arg2[%dma_start3A_450, %dma_start3A_451] : memref<100000x16xf32, #tpu.memory_space<hbm>> -> memref<100000x16xf32, #tpu.memory_space<hbm>>
          tpu.enqueue_indirect_dma source(%dma_start3A_452 : memref<100000x16xf32, #tpu.memory_space<hbm>>) target(%dma_start3A_446 : memref<128x16xf32, #tpu.memory_space<vmem>>) offsets(%dma_start3A_449 : memref<128xi32, #tpu.memory_space<vmem>>) semaphore(%arg14 : memref<!tpu.dma_semaphore, #tpu.memory_space<semaphore_mem>>)
          %dma_start3A_453 = arith.constant 2 : i32
          %dma_start3A_454 = arith.constant 0 : i32
          %dma_start3A_455 = arith.constant 256 : i32
          %dma_start3A_456 = arith.constant 0 : i32
          %dma_start3A_457 = tpu.memref_slice %arg10[%dma_start3A_455, %dma_start3A_456] : memref<768x16xf32, #tpu.memory_space<vmem>> -> memref<128x16xf32, #tpu.memory_space<vmem>>
          %dma_start3A_458 = arith.constant 0 : i32
          %dma_start3A_459 = tpu.memref_slice %arg8[%dma_start3A_453, %dma_start3A_454, %dma_start3A_458] : memref<6x3x128xi32, #tpu.memory_space<vmem>> -> memref<1x1x128xi32, #tpu.memory_space<vmem>>
          %dma_start3A_460 = tpu.memref_squeeze %dma_start3A_459 : memref<1x1x128xi32, #tpu.memory_space<vmem>> -> memref<128xi32, #tpu.memory_space<vmem>>
          %dma_start3A_461 = arith.constant 0 : i32
          %dma_start3A_462 = arith.constant 0 : i32
          %dma_start3A_463 = tpu.memref_slice %arg2[%dma_start3A_461, %dma_start3A_462] : memref<100000x16xf32, #tpu.memory_space<hbm>> -> memref<100000x16xf32, #tpu.memory_space<hbm>>
          tpu.enqueue_indirect_dma source(%dma_start3A_463 : memref<100000x16xf32, #tpu.memory_space<hbm>>) target(%dma_start3A_457 : memref<128x16xf32, #tpu.memory_space<vmem>>) offsets(%dma_start3A_460 : memref<128xi32, #tpu.memory_space<vmem>>) semaphore(%arg14 : memref<!tpu.dma_semaphore, #tpu.memory_space<semaphore_mem>>)
          %dma_start3A_464 = arith.constant 3 : i32
          %dma_start3A_465 = arith.constant 0 : i32
          %dma_start3A_466 = arith.constant 384 : i32
          %dma_start3A_467 = arith.constant 0 : i32
          %dma_start3A_468 = tpu.memref_slice %arg10[%dma_start3A_466, %dma_start3A_467] : memref<768x16xf32, #tpu.memory_space<vmem>> -> memref<128x16xf32, #tpu.memory_space<vmem>>
          %dma_start3A_469 = arith.constant 0 : i32
          %dma_start3A_470 = tpu.memref_slice %arg8[%dma_start3A_464, %dma_start3A_465, %dma_start3A_469] : memref<6x3x128xi32, #tpu.memory_space<vmem>> -> memref<1x1x128xi32, #tpu.memory_space<vmem>>
          %dma_start3A_471 = tpu.memref_squeeze %dma_start3A_470 : memref<1x1x128xi32, #tpu.memory_space<vmem>> -> memref<128xi32, #tpu.memory_space<vmem>>
          %dma_start3A_472 = arith.constant 0 : i32
          %dma_start3A_473 = arith.constant 0 : i32
          %dma_start3A_474 = tpu.memref_slice %arg2[%dma_start3A_472, %dma_start3A_473] : memref<100000x16xf32, #tpu.memory_space<hbm>> -> memref<100000x16xf32, #tpu.memory_space<hbm>>
          tpu.enqueue_indirect_dma source(%dma_start3A_474 : memref<100000x16xf32, #tpu.memory_space<hbm>>) target(%dma_start3A_468 : memref<128x16xf32, #tpu.memory_space<vmem>>) offsets(%dma_start3A_471 : memref<128xi32, #tpu.memory_space<vmem>>) semaphore(%arg14 : memref<!tpu.dma_semaphore, #tpu.memory_space<semaphore_mem>>)
          %dma_start3A_475 = arith.constant 4 : i32
          %dma_start3A_476 = arith.constant 0 : i32
          %dma_start3A_477 = arith.constant 512 : i32
          %dma_start3A_478 = arith.constant 0 : i32
          %dma_start3A_479 = tpu.memref_slice %arg10[%dma_start3A_477, %dma_start3A_478] : memref<768x16xf32, #tpu.memory_space<vmem>> -> memref<128x16xf32, #tpu.memory_space<vmem>>
          %dma_start3A_480 = arith.constant 0 : i32
          %dma_start3A_481 = tpu.memref_slice %arg8[%dma_start3A_475, %dma_start3A_476, %dma_start3A_480] : memref<6x3x128xi32, #tpu.memory_space<vmem>> -> memref<1x1x128xi32, #tpu.memory_space<vmem>>
          %dma_start3A_482 = tpu.memref_squeeze %dma_start3A_481 : memref<1x1x128xi32, #tpu.memory_space<vmem>> -> memref<128xi32, #tpu.memory_space<vmem>>
          %dma_start3A_483 = arith.constant 0 : i32
          %dma_start3A_484 = arith.constant 0 : i32
          %dma_start3A_485 = tpu.memref_slice %arg2[%dma_start3A_483, %dma_start3A_484] : memref<100000x16xf32, #tpu.memory_space<hbm>> -> memref<100000x16xf32, #tpu.memory_space<hbm>>
          tpu.enqueue_indirect_dma source(%dma_start3A_485 : memref<100000x16xf32, #tpu.memory_space<hbm>>) target(%dma_start3A_479 : memref<128x16xf32, #tpu.memory_space<vmem>>) offsets(%dma_start3A_482 : memref<128xi32, #tpu.memory_space<vmem>>) semaphore(%arg14 : memref<!tpu.dma_semaphore, #tpu.memory_space<semaphore_mem>>)
          %dma_start3A_486 = arith.constant 5 : i32
          %dma_start3A_487 = arith.constant 0 : i32
          %dma_start3A_488 = arith.constant 640 : i32
          %dma_start3A_489 = arith.constant 0 : i32
          %dma_start3A_490 = tpu.memref_slice %arg10[%dma_start3A_488, %dma_start3A_489] : memref<768x16xf32, #tpu.memory_space<vmem>> -> memref<128x16xf32, #tpu.memory_space<vmem>>
          %dma_start3A_491 = arith.constant 0 : i32
          %dma_start3A_492 = tpu.memref_slice %arg8[%dma_start3A_486, %dma_start3A_487, %dma_start3A_491] : memref<6x3x128xi32, #tpu.memory_space<vmem>> -> memref<1x1x128xi32, #tpu.memory_space<vmem>>
          %dma_start3A_493 = tpu.memref_squeeze %dma_start3A_492 : memref<1x1x128xi32, #tpu.memory_space<vmem>> -> memref<128xi32, #tpu.memory_space<vmem>>
          %dma_start3A_494 = arith.constant 0 : i32
          %dma_start3A_495 = arith.constant 0 : i32
          %dma_start3A_496 = tpu.memref_slice %arg2[%dma_start3A_494, %dma_start3A_495] : memref<100000x16xf32, #tpu.memory_space<hbm>> -> memref<100000x16xf32, #tpu.memory_space<hbm>>
          tpu.enqueue_indirect_dma source(%dma_start3A_496 : memref<100000x16xf32, #tpu.memory_space<hbm>>) target(%dma_start3A_490 : memref<128x16xf32, #tpu.memory_space<vmem>>) offsets(%dma_start3A_493 : memref<128xi32, #tpu.memory_space<vmem>>) semaphore(%arg14 : memref<!tpu.dma_semaphore, #tpu.memory_space<semaphore_mem>>)
        } else {
        }
      } else {
      }
      %mul3A_263 = arith.constant 2 : i32
      %mul3A_264 = arith.muli %mul3A_263, %scan3A_254 : i32
      %add3A_265 = arith.constant 1 : i32
      %add3A_266 = arith.addi %mul3A_264, %add3A_265 : i32
      %lt3A_267 = arith.constant 131 : i32
      %lt3A_268 = arith.cmpi slt, %add3A_266, %lt3A_267 : i32
      %convert_element_type3A_269 = arith.extui %lt3A_268 : i1 to i32
      %cond3A_270 = arith.constant 0 : i32
      %cond3A_271 = arith.cmpi ne, %convert_element_type3A_269, %cond3A_270 : i32
      scf.if %cond3A_271 {
        %add3A_272 = arith.constant 1 : i32
        %add3A_273 = arith.addi %add3A_266, %add3A_272 : i32
        %lt3A_274 = arith.constant 131 : i32
        %lt3A_275 = arith.cmpi slt, %add3A_273, %lt3A_274 : i32
        %convert_element_type3A_276 = arith.extui %lt3A_275 : i1 to i32
        %cond3A_277 = arith.constant 0 : i32
        %cond3A_278 = arith.cmpi ne, %convert_element_type3A_276, %cond3A_277 : i32
        scf.if %cond3A_278 {
          %gt3A = arith.constant 0 : i32
          %gt3A_420 = arith.cmpi sgt, %add3A_266, %gt3A : i32
          %convert_element_type3A_421 = arith.extui %gt3A_420 : i1 to i32
          %cond3A_422 = arith.constant 0 : i32
          %cond3A_423 = arith.cmpi ne, %convert_element_type3A_421, %cond3A_422 : i32
          scf.if %cond3A_423 {
            %dma_wait3A_435 = arith.constant 0 : i32
            %dma_wait3A_436 = arith.constant 1 : i32
            %dma_wait3A_437 = arith.constant 0 : i32
            %dma_wait3A_438 = arith.constant 0 : i32
            %dma_wait3A_439 = tpu.memref_slice %arg9[%dma_wait3A_437, %dma_wait3A_438] : memref<768x16xf32, #tpu.memory_space<vmem>> -> memref<128x16xf32, #tpu.memory_space<vmem>>
            %dma_wait3A_440 = arith.constant 0 : i32
            %dma_wait3A_441 = tpu.memref_slice %arg7[%dma_wait3A_435, %dma_wait3A_436, %dma_wait3A_440] : memref<6x3x128xi32, #tpu.memory_space<vmem>> -> memref<1x1x128xi32, #tpu.memory_space<vmem>>
            %dma_wait3A_442 = tpu.memref_squeeze %dma_wait3A_441 : memref<1x1x128xi32, #tpu.memory_space<vmem>> -> memref<128xi32, #tpu.memory_space<vmem>>
            %dma_wait3A_443 = arith.constant 0 : i32
            %dma_wait3A_444 = arith.constant 0 : i32
            %dma_wait3A_445 = tpu.memref_slice %arg6[%dma_wait3A_443, %dma_wait3A_444] : memref<100096x16xf32, #tpu.memory_space<vmem_shared>> -> memref<100096x16xf32, #tpu.memory_space<vmem_shared>>
            tpu.wait_indirect_dma semaphore(%arg15 : memref<!tpu.dma_semaphore, #tpu.memory_space<semaphore_mem>>) src(%dma_wait3A_439 : memref<128x16xf32, #tpu.memory_space<vmem>>) dst(%dma_wait3A_445 : memref<100096x16xf32, #tpu.memory_space<vmem_shared>>)
            %dma_wait3A_446 = arith.constant 1 : i32
            %dma_wait3A_447 = arith.constant 1 : i32
            %dma_wait3A_448 = arith.constant 128 : i32
            %dma_wait3A_449 = arith.constant 0 : i32
            %dma_wait3A_450 = tpu.memref_slice %arg9[%dma_wait3A_448, %dma_wait3A_449] : memref<768x16xf32, #tpu.memory_space<vmem>> -> memref<128x16xf32, #tpu.memory_space<vmem>>
            %dma_wait3A_451 = arith.constant 0 : i32
            %dma_wait3A_452 = tpu.memref_slice %arg7[%dma_wait3A_446, %dma_wait3A_447, %dma_wait3A_451] : memref<6x3x128xi32, #tpu.memory_space<vmem>> -> memref<1x1x128xi32, #tpu.memory_space<vmem>>
            %dma_wait3A_453 = tpu.memref_squeeze %dma_wait3A_452 : memref<1x1x128xi32, #tpu.memory_space<vmem>> -> memref<128xi32, #tpu.memory_space<vmem>>
            %dma_wait3A_454 = arith.constant 0 : i32
            %dma_wait3A_455 = arith.constant 0 : i32
            %dma_wait3A_456 = tpu.memref_slice %arg6[%dma_wait3A_454, %dma_wait3A_455] : memref<100096x16xf32, #tpu.memory_space<vmem_shared>> -> memref<100096x16xf32, #tpu.memory_space<vmem_shared>>
            tpu.wait_indirect_dma semaphore(%arg15 : memref<!tpu.dma_semaphore, #tpu.memory_space<semaphore_mem>>) src(%dma_wait3A_450 : memref<128x16xf32, #tpu.memory_space<vmem>>) dst(%dma_wait3A_456 : memref<100096x16xf32, #tpu.memory_space<vmem_shared>>)
            %dma_wait3A_457 = arith.constant 2 : i32
            %dma_wait3A_458 = arith.constant 1 : i32
            %dma_wait3A_459 = arith.constant 256 : i32
            %dma_wait3A_460 = arith.constant 0 : i32
            %dma_wait3A_461 = tpu.memref_slice %arg9[%dma_wait3A_459, %dma_wait3A_460] : memref<768x16xf32, #tpu.memory_space<vmem>> -> memref<128x16xf32, #tpu.memory_space<vmem>>
            %dma_wait3A_462 = arith.constant 0 : i32
            %dma_wait3A_463 = tpu.memref_slice %arg7[%dma_wait3A_457, %dma_wait3A_458, %dma_wait3A_462] : memref<6x3x128xi32, #tpu.memory_space<vmem>> -> memref<1x1x128xi32, #tpu.memory_space<vmem>>
            %dma_wait3A_464 = tpu.memref_squeeze %dma_wait3A_463 : memref<1x1x128xi32, #tpu.memory_space<vmem>> -> memref<128xi32, #tpu.memory_space<vmem>>
            %dma_wait3A_465 = arith.constant 0 : i32
            %dma_wait3A_466 = arith.constant 0 : i32
            %dma_wait3A_467 = tpu.memref_slice %arg6[%dma_wait3A_465, %dma_wait3A_466] : memref<100096x16xf32, #tpu.memory_space<vmem_shared>> -> memref<100096x16xf32, #tpu.memory_space<vmem_shared>>
            tpu.wait_indirect_dma semaphore(%arg15 : memref<!tpu.dma_semaphore, #tpu.memory_space<semaphore_mem>>) src(%dma_wait3A_461 : memref<128x16xf32, #tpu.memory_space<vmem>>) dst(%dma_wait3A_467 : memref<100096x16xf32, #tpu.memory_space<vmem_shared>>)
            %dma_wait3A_468 = arith.constant 3 : i32
            %dma_wait3A_469 = arith.constant 1 : i32
            %dma_wait3A_470 = arith.constant 384 : i32
            %dma_wait3A_471 = arith.constant 0 : i32
            %dma_wait3A_472 = tpu.memref_slice %arg9[%dma_wait3A_470, %dma_wait3A_471] : memref<768x16xf32, #tpu.memory_space<vmem>> -> memref<128x16xf32, #tpu.memory_space<vmem>>
            %dma_wait3A_473 = arith.constant 0 : i32
            %dma_wait3A_474 = tpu.memref_slice %arg7[%dma_wait3A_468, %dma_wait3A_469, %dma_wait3A_473] : memref<6x3x128xi32, #tpu.memory_space<vmem>> -> memref<1x1x128xi32, #tpu.memory_space<vmem>>
            %dma_wait3A_475 = tpu.memref_squeeze %dma_wait3A_474 : memref<1x1x128xi32, #tpu.memory_space<vmem>> -> memref<128xi32, #tpu.memory_space<vmem>>
            %dma_wait3A_476 = arith.constant 0 : i32
            %dma_wait3A_477 = arith.constant 0 : i32
            %dma_wait3A_478 = tpu.memref_slice %arg6[%dma_wait3A_476, %dma_wait3A_477] : memref<100096x16xf32, #tpu.memory_space<vmem_shared>> -> memref<100096x16xf32, #tpu.memory_space<vmem_shared>>
            tpu.wait_indirect_dma semaphore(%arg15 : memref<!tpu.dma_semaphore, #tpu.memory_space<semaphore_mem>>) src(%dma_wait3A_472 : memref<128x16xf32, #tpu.memory_space<vmem>>) dst(%dma_wait3A_478 : memref<100096x16xf32, #tpu.memory_space<vmem_shared>>)
            %dma_wait3A_479 = arith.constant 4 : i32
            %dma_wait3A_480 = arith.constant 1 : i32
            %dma_wait3A_481 = arith.constant 512 : i32
            %dma_wait3A_482 = arith.constant 0 : i32
            %dma_wait3A_483 = tpu.memref_slice %arg9[%dma_wait3A_481, %dma_wait3A_482] : memref<768x16xf32, #tpu.memory_space<vmem>> -> memref<128x16xf32, #tpu.memory_space<vmem>>
            %dma_wait3A_484 = arith.constant 0 : i32
            %dma_wait3A_485 = tpu.memref_slice %arg7[%dma_wait3A_479, %dma_wait3A_480, %dma_wait3A_484] : memref<6x3x128xi32, #tpu.memory_space<vmem>> -> memref<1x1x128xi32, #tpu.memory_space<vmem>>
            %dma_wait3A_486 = tpu.memref_squeeze %dma_wait3A_485 : memref<1x1x128xi32, #tpu.memory_space<vmem>> -> memref<128xi32, #tpu.memory_space<vmem>>
            %dma_wait3A_487 = arith.constant 0 : i32
            %dma_wait3A_488 = arith.constant 0 : i32
            %dma_wait3A_489 = tpu.memref_slice %arg6[%dma_wait3A_487, %dma_wait3A_488] : memref<100096x16xf32, #tpu.memory_space<vmem_shared>> -> memref<100096x16xf32, #tpu.memory_space<vmem_shared>>
            tpu.wait_indirect_dma semaphore(%arg15 : memref<!tpu.dma_semaphore, #tpu.memory_space<semaphore_mem>>) src(%dma_wait3A_483 : memref<128x16xf32, #tpu.memory_space<vmem>>) dst(%dma_wait3A_489 : memref<100096x16xf32, #tpu.memory_space<vmem_shared>>)
            %dma_wait3A_490 = arith.constant 5 : i32
            %dma_wait3A_491 = arith.constant 1 : i32
            %dma_wait3A_492 = arith.constant 640 : i32
            %dma_wait3A_493 = arith.constant 0 : i32
            %dma_wait3A_494 = tpu.memref_slice %arg9[%dma_wait3A_492, %dma_wait3A_493] : memref<768x16xf32, #tpu.memory_space<vmem>> -> memref<128x16xf32, #tpu.memory_space<vmem>>
            %dma_wait3A_495 = arith.constant 0 : i32
            %dma_wait3A_496 = tpu.memref_slice %arg7[%dma_wait3A_490, %dma_wait3A_491, %dma_wait3A_495] : memref<6x3x128xi32, #tpu.memory_space<vmem>> -> memref<1x1x128xi32, #tpu.memory_space<vmem>>
            %dma_wait3A_497 = tpu.memref_squeeze %dma_wait3A_496 : memref<1x1x128xi32, #tpu.memory_space<vmem>> -> memref<128xi32, #tpu.memory_space<vmem>>
            %dma_wait3A_498 = arith.constant 0 : i32
            %dma_wait3A_499 = arith.constant 0 : i32
            %dma_wait3A_500 = tpu.memref_slice %arg6[%dma_wait3A_498, %dma_wait3A_499] : memref<100096x16xf32, #tpu.memory_space<vmem_shared>> -> memref<100096x16xf32, #tpu.memory_space<vmem_shared>>
            tpu.wait_indirect_dma semaphore(%arg15 : memref<!tpu.dma_semaphore, #tpu.memory_space<semaphore_mem>>) src(%dma_wait3A_494 : memref<128x16xf32, #tpu.memory_space<vmem>>) dst(%dma_wait3A_500 : memref<100096x16xf32, #tpu.memory_space<vmem_shared>>)
          } else {
          }
          %add3A_424 = arith.constant 1 : i32
          %add3A_425 = arith.addi %add3A_266, %add3A_424 : i32
          %mul3A_426 = arith.constant 6 : i32
          %mul3A_427 = arith.muli %add3A_425, %mul3A_426 : i32
          %add3A_428 = arith.addi %mul3A_27, %mul3A_427 : i32
          %dma_start3A_429 = arith.constant 0 : i32
          %dma_start3A_430 = arith.constant 0 : i32
          %dma_start3A_431 = tpu.memref_slice %arg3[%add3A_428, %dma_start3A_429, %dma_start3A_430] : memref<25152x3x128xi32, #tpu.memory_space<hbm>> -> memref<6x3x128xi32, #tpu.memory_space<hbm>>
          %dma_start3A_432 = arith.constant 0 : i32
          %dma_start3A_433 = arith.constant 0 : i32
          %dma_start3A_434 = tpu.memref_slice %arg3[%add3A_428, %dma_start3A_432, %dma_start3A_433] : memref<25152x3x128xi32, #tpu.memory_space<hbm>> -> memref<6x3x128xi32, #tpu.memory_space<hbm>>
          tpu.enqueue_dma source(%dma_start3A_434 : memref<6x3x128xi32, #tpu.memory_space<hbm>>) target(%arg7 : memref<6x3x128xi32, #tpu.memory_space<vmem>>) target_semaphore(%arg11 : memref<!tpu.dma_semaphore, #tpu.memory_space<semaphore_mem>>)
        } else {
        }
        %dma_wait3A_279 = arith.constant 0 : i32
        %dma_wait3A_280 = arith.constant 0 : i32
        %dma_wait3A_281 = arith.constant 0 : i32
        %dma_wait3A_282 = arith.constant 0 : i32
        %dma_wait3A_283 = tpu.memref_slice %arg10[%dma_wait3A_281, %dma_wait3A_282] : memref<768x16xf32, #tpu.memory_space<vmem>> -> memref<128x16xf32, #tpu.memory_space<vmem>>
        %dma_wait3A_284 = arith.constant 0 : i32
        %dma_wait3A_285 = tpu.memref_slice %arg8[%dma_wait3A_279, %dma_wait3A_280, %dma_wait3A_284] : memref<6x3x128xi32, #tpu.memory_space<vmem>> -> memref<1x1x128xi32, #tpu.memory_space<vmem>>
        %dma_wait3A_286 = tpu.memref_squeeze %dma_wait3A_285 : memref<1x1x128xi32, #tpu.memory_space<vmem>> -> memref<128xi32, #tpu.memory_space<vmem>>
        %dma_wait3A_287 = arith.constant 0 : i32
        %dma_wait3A_288 = arith.constant 0 : i32
        %dma_wait3A_289 = tpu.memref_slice %arg2[%dma_wait3A_287, %dma_wait3A_288] : memref<100000x16xf32, #tpu.memory_space<hbm>> -> memref<100000x16xf32, #tpu.memory_space<hbm>>
        tpu.wait_indirect_dma semaphore(%arg14 : memref<!tpu.dma_semaphore, #tpu.memory_space<semaphore_mem>>) src(%dma_wait3A_289 : memref<100000x16xf32, #tpu.memory_space<hbm>>) dst(%dma_wait3A_283 : memref<128x16xf32, #tpu.memory_space<vmem>>)
        %dma_wait3A_290 = arith.constant 1 : i32
        %dma_wait3A_291 = arith.constant 0 : i32
        %dma_wait3A_292 = arith.constant 128 : i32
        %dma_wait3A_293 = arith.constant 0 : i32
        %dma_wait3A_294 = tpu.memref_slice %arg10[%dma_wait3A_292, %dma_wait3A_293] : memref<768x16xf32, #tpu.memory_space<vmem>> -> memref<128x16xf32, #tpu.memory_space<vmem>>
        %dma_wait3A_295 = arith.constant 0 : i32
        %dma_wait3A_296 = tpu.memref_slice %arg8[%dma_wait3A_290, %dma_wait3A_291, %dma_wait3A_295] : memref<6x3x128xi32, #tpu.memory_space<vmem>> -> memref<1x1x128xi32, #tpu.memory_space<vmem>>
        %dma_wait3A_297 = tpu.memref_squeeze %dma_wait3A_296 : memref<1x1x128xi32, #tpu.memory_space<vmem>> -> memref<128xi32, #tpu.memory_space<vmem>>
        %dma_wait3A_298 = arith.constant 0 : i32
        %dma_wait3A_299 = arith.constant 0 : i32
        %dma_wait3A_300 = tpu.memref_slice %arg2[%dma_wait3A_298, %dma_wait3A_299] : memref<100000x16xf32, #tpu.memory_space<hbm>> -> memref<100000x16xf32, #tpu.memory_space<hbm>>
        tpu.wait_indirect_dma semaphore(%arg14 : memref<!tpu.dma_semaphore, #tpu.memory_space<semaphore_mem>>) src(%dma_wait3A_300 : memref<100000x16xf32, #tpu.memory_space<hbm>>) dst(%dma_wait3A_294 : memref<128x16xf32, #tpu.memory_space<vmem>>)
        %dma_wait3A_301 = arith.constant 2 : i32
        %dma_wait3A_302 = arith.constant 0 : i32
        %dma_wait3A_303 = arith.constant 256 : i32
        %dma_wait3A_304 = arith.constant 0 : i32
        %dma_wait3A_305 = tpu.memref_slice %arg10[%dma_wait3A_303, %dma_wait3A_304] : memref<768x16xf32, #tpu.memory_space<vmem>> -> memref<128x16xf32, #tpu.memory_space<vmem>>
        %dma_wait3A_306 = arith.constant 0 : i32
        %dma_wait3A_307 = tpu.memref_slice %arg8[%dma_wait3A_301, %dma_wait3A_302, %dma_wait3A_306] : memref<6x3x128xi32, #tpu.memory_space<vmem>> -> memref<1x1x128xi32, #tpu.memory_space<vmem>>
        %dma_wait3A_308 = tpu.memref_squeeze %dma_wait3A_307 : memref<1x1x128xi32, #tpu.memory_space<vmem>> -> memref<128xi32, #tpu.memory_space<vmem>>
        %dma_wait3A_309 = arith.constant 0 : i32
        %dma_wait3A_310 = arith.constant 0 : i32
        %dma_wait3A_311 = tpu.memref_slice %arg2[%dma_wait3A_309, %dma_wait3A_310] : memref<100000x16xf32, #tpu.memory_space<hbm>> -> memref<100000x16xf32, #tpu.memory_space<hbm>>
        tpu.wait_indirect_dma semaphore(%arg14 : memref<!tpu.dma_semaphore, #tpu.memory_space<semaphore_mem>>) src(%dma_wait3A_311 : memref<100000x16xf32, #tpu.memory_space<hbm>>) dst(%dma_wait3A_305 : memref<128x16xf32, #tpu.memory_space<vmem>>)
        %dma_wait3A_312 = arith.constant 3 : i32
        %dma_wait3A_313 = arith.constant 0 : i32
        %dma_wait3A_314 = arith.constant 384 : i32
        %dma_wait3A_315 = arith.constant 0 : i32
        %dma_wait3A_316 = tpu.memref_slice %arg10[%dma_wait3A_314, %dma_wait3A_315] : memref<768x16xf32, #tpu.memory_space<vmem>> -> memref<128x16xf32, #tpu.memory_space<vmem>>
        %dma_wait3A_317 = arith.constant 0 : i32
        %dma_wait3A_318 = tpu.memref_slice %arg8[%dma_wait3A_312, %dma_wait3A_313, %dma_wait3A_317] : memref<6x3x128xi32, #tpu.memory_space<vmem>> -> memref<1x1x128xi32, #tpu.memory_space<vmem>>
        %dma_wait3A_319 = tpu.memref_squeeze %dma_wait3A_318 : memref<1x1x128xi32, #tpu.memory_space<vmem>> -> memref<128xi32, #tpu.memory_space<vmem>>
        %dma_wait3A_320 = arith.constant 0 : i32
        %dma_wait3A_321 = arith.constant 0 : i32
        %dma_wait3A_322 = tpu.memref_slice %arg2[%dma_wait3A_320, %dma_wait3A_321] : memref<100000x16xf32, #tpu.memory_space<hbm>> -> memref<100000x16xf32, #tpu.memory_space<hbm>>
        tpu.wait_indirect_dma semaphore(%arg14 : memref<!tpu.dma_semaphore, #tpu.memory_space<semaphore_mem>>) src(%dma_wait3A_322 : memref<100000x16xf32, #tpu.memory_space<hbm>>) dst(%dma_wait3A_316 : memref<128x16xf32, #tpu.memory_space<vmem>>)
        %dma_wait3A_323 = arith.constant 4 : i32
        %dma_wait3A_324 = arith.constant 0 : i32
        %dma_wait3A_325 = arith.constant 512 : i32
        %dma_wait3A_326 = arith.constant 0 : i32
        %dma_wait3A_327 = tpu.memref_slice %arg10[%dma_wait3A_325, %dma_wait3A_326] : memref<768x16xf32, #tpu.memory_space<vmem>> -> memref<128x16xf32, #tpu.memory_space<vmem>>
        %dma_wait3A_328 = arith.constant 0 : i32
        %dma_wait3A_329 = tpu.memref_slice %arg8[%dma_wait3A_323, %dma_wait3A_324, %dma_wait3A_328] : memref<6x3x128xi32, #tpu.memory_space<vmem>> -> memref<1x1x128xi32, #tpu.memory_space<vmem>>
        %dma_wait3A_330 = tpu.memref_squeeze %dma_wait3A_329 : memref<1x1x128xi32, #tpu.memory_space<vmem>> -> memref<128xi32, #tpu.memory_space<vmem>>
        %dma_wait3A_331 = arith.constant 0 : i32
        %dma_wait3A_332 = arith.constant 0 : i32
        %dma_wait3A_333 = tpu.memref_slice %arg2[%dma_wait3A_331, %dma_wait3A_332] : memref<100000x16xf32, #tpu.memory_space<hbm>> -> memref<100000x16xf32, #tpu.memory_space<hbm>>
        tpu.wait_indirect_dma semaphore(%arg14 : memref<!tpu.dma_semaphore, #tpu.memory_space<semaphore_mem>>) src(%dma_wait3A_333 : memref<100000x16xf32, #tpu.memory_space<hbm>>) dst(%dma_wait3A_327 : memref<128x16xf32, #tpu.memory_space<vmem>>)
        %dma_wait3A_334 = arith.constant 5 : i32
        %dma_wait3A_335 = arith.constant 0 : i32
        %dma_wait3A_336 = arith.constant 640 : i32
        %dma_wait3A_337 = arith.constant 0 : i32
        %dma_wait3A_338 = tpu.memref_slice %arg10[%dma_wait3A_336, %dma_wait3A_337] : memref<768x16xf32, #tpu.memory_space<vmem>> -> memref<128x16xf32, #tpu.memory_space<vmem>>
        %dma_wait3A_339 = arith.constant 0 : i32
        %dma_wait3A_340 = tpu.memref_slice %arg8[%dma_wait3A_334, %dma_wait3A_335, %dma_wait3A_339] : memref<6x3x128xi32, #tpu.memory_space<vmem>> -> memref<1x1x128xi32, #tpu.memory_space<vmem>>
        %dma_wait3A_341 = tpu.memref_squeeze %dma_wait3A_340 : memref<1x1x128xi32, #tpu.memory_space<vmem>> -> memref<128xi32, #tpu.memory_space<vmem>>
        %dma_wait3A_342 = arith.constant 0 : i32
        %dma_wait3A_343 = arith.constant 0 : i32
        %dma_wait3A_344 = tpu.memref_slice %arg2[%dma_wait3A_342, %dma_wait3A_343] : memref<100000x16xf32, #tpu.memory_space<hbm>> -> memref<100000x16xf32, #tpu.memory_space<hbm>>
        tpu.wait_indirect_dma semaphore(%arg14 : memref<!tpu.dma_semaphore, #tpu.memory_space<semaphore_mem>>) src(%dma_wait3A_344 : memref<100000x16xf32, #tpu.memory_space<hbm>>) dst(%dma_wait3A_338 : memref<128x16xf32, #tpu.memory_space<vmem>>)
        %parallel_loop3A = arith.constant 0 : i32
        %parallel_loop3A_345 = arith.constant 48 : i32
        %parallel_loop3A_346 = arith.constant 1 : i32
        scf.for %parallel_loop3A_420 = %parallel_loop3A to %parallel_loop3A_345 step %parallel_loop3A_346  : i32 {
          %parallel_loop3A_421 = arith.constant 8 : i32
          %parallel_loop3A_422 = arith.divsi %parallel_loop3A_420, %parallel_loop3A_421 : i32
          %parallel_loop3A_423 = arith.constant 0 : i32
          %parallel_loop3A_424 = arith.cmpi sgt, %parallel_loop3A_420, %parallel_loop3A_423 : i32
          %parallel_loop3A_425 = arith.extui %parallel_loop3A_424 : i1 to i32
          %parallel_loop3A_426 = arith.constant 0 : i32
          %parallel_loop3A_427 = arith.cmpi slt, %parallel_loop3A_420, %parallel_loop3A_426 : i32
          %parallel_loop3A_428 = arith.extui %parallel_loop3A_427 : i1 to i32
          %parallel_loop3A_429 = arith.subi %parallel_loop3A_425, %parallel_loop3A_428 : i32
          %parallel_loop3A_430 = arith.constant 0 : i32
          %parallel_loop3A_431 = arith.cmpi sgt, %parallel_loop3A_421, %parallel_loop3A_430 : i32
          %parallel_loop3A_432 = arith.extui %parallel_loop3A_431 : i1 to i32
          %parallel_loop3A_433 = arith.constant 0 : i32
          %parallel_loop3A_434 = arith.cmpi slt, %parallel_loop3A_421, %parallel_loop3A_433 : i32
          %parallel_loop3A_435 = arith.extui %parallel_loop3A_434 : i1 to i32
          %parallel_loop3A_436 = arith.subi %parallel_loop3A_432, %parallel_loop3A_435 : i32
          %parallel_loop3A_437 = arith.cmpi ne, %parallel_loop3A_429, %parallel_loop3A_436 : i32
          %parallel_loop3A_438 = arith.remsi %parallel_loop3A_420, %parallel_loop3A_421 : i32
          %parallel_loop3A_439 = arith.constant 0 : i32
          %parallel_loop3A_440 = arith.cmpi ne, %parallel_loop3A_438, %parallel_loop3A_439 : i32
          %parallel_loop3A_441 = arith.andi %parallel_loop3A_437, %parallel_loop3A_440 : i1
          %parallel_loop3A_442 = arith.constant 1 : i32
          %parallel_loop3A_443 = arith.subi %parallel_loop3A_422, %parallel_loop3A_442 : i32
          %parallel_loop3A_444 = arith.select %parallel_loop3A_441, %parallel_loop3A_443, %parallel_loop3A_422 : i32
          %parallel_loop3A_445 = arith.constant 8 : i32
          %parallel_loop3A_446 = arith.muli %parallel_loop3A_444, %parallel_loop3A_445 : i32
          %parallel_loop3A_447 = arith.subi %parallel_loop3A_420, %parallel_loop3A_446 : i32
          %parallel_loop3A_448 = arith.constant 16 : i32
          %parallel_loop3A_449 = arith.muli %parallel_loop3A_447, %parallel_loop3A_448 : i32
          %parallel_loop3A_450 = arith.constant 2 : i32
          %parallel_loop3A_451 = arith.index_cast %parallel_loop3A_444 : i32 to index
          %parallel_loop3A_452 = arith.index_cast %parallel_loop3A_450 : i32 to index
          %parallel_loop3A_453 = arith.index_cast %parallel_loop3A_449 : i32 to index
          %parallel_loop3A_454 = tpu.vector_load %arg8[%parallel_loop3A_451, %parallel_loop3A_452, %parallel_loop3A_453] {strides = array<i32>} : memref<6x3x128xi32, #tpu.memory_space<vmem>>, vector<1x1x16xi32>,
          %parallel_loop3A_455 = vector.shape_cast %parallel_loop3A_454 : vector<1x1x16xi32> to vector<16xi32>
          %parallel_loop3A_456 = tpu.bitcast %parallel_loop3A_455 : vector<16xi32> -> vector<16xf32>
          %parallel_loop3A_457 = arith.constant 16 : i32
          %parallel_loop3A_458 = arith.muli %parallel_loop3A_420, %parallel_loop3A_457 : i32
          %parallel_loop3A_459 = arith.constant 0 : i32
          %parallel_loop3A_460 = arith.addi %parallel_loop3A_458, %parallel_loop3A_459 : i32
          %parallel_loop3A_461 = arith.index_cast %parallel_loop3A_460 : i32 to index
          %parallel_loop3A_462 = arith.constant 0 : index
          %parallel_loop3A_463 = tpu.vector_load %arg10[%parallel_loop3A_461, %parallel_loop3A_462] {strides = array<i32>} : memref<768x16xf32, #tpu.memory_space<vmem>>, vector<1x16xf32>,
          %parallel_loop3A_464 = vector.shape_cast %parallel_loop3A_463 : vector<1x16xf32> to vector<16xf32>
          %parallel_loop3A_465 = vector.extract_strided_slice %parallel_loop3A_456 {offsets = [0], sizes = [1], strides = [1]} : vector<16xf32> to vector<1xf32>
          %parallel_loop3A_466 = vector.extract %parallel_loop3A_465[0] : f32 from vector<1xf32>
          %parallel_loop3A_467 = vector.broadcast %parallel_loop3A_466 : f32 to vector<16xf32>
          %parallel_loop3A_468 = arith.mulf %parallel_loop3A_464, %parallel_loop3A_467 : vector<16xf32>
          %parallel_loop3A_469 = arith.index_cast %parallel_loop3A_460 : i32 to index
          %parallel_loop3A_470 = arith.constant 0 : index
          %parallel_loop3A_471 = tpu.vector_load %arg10[%parallel_loop3A_469, %parallel_loop3A_470] {strides = array<i32>} : memref<768x16xf32, #tpu.memory_space<vmem>>, vector<1x16xf32>,
          %parallel_loop3A_472 = vector.shape_cast %parallel_loop3A_471 : vector<1x16xf32> to vector<16xf32>
          %parallel_loop3A_473 = vector.shape_cast %parallel_loop3A_468 : vector<16xf32> to vector<1x16xf32>
          tpu.vector_store %arg10[%parallel_loop3A_469, %parallel_loop3A_470], %parallel_loop3A_473 {strides = array<i32>} : memref<768x16xf32, #tpu.memory_space<vmem>>, vector<1x16xf32>,
          %parallel_loop3A_474 = arith.constant 16 : i32
          %parallel_loop3A_475 = arith.muli %parallel_loop3A_420, %parallel_loop3A_474 : i32
          %parallel_loop3A_476 = arith.constant 1 : i32
          %parallel_loop3A_477 = arith.addi %parallel_loop3A_475, %parallel_loop3A_476 : i32
          %parallel_loop3A_478 = arith.index_cast %parallel_loop3A_477 : i32 to index
          %parallel_loop3A_479 = arith.constant 0 : index
          %parallel_loop3A_480 = tpu.vector_load %arg10[%parallel_loop3A_478, %parallel_loop3A_479] {strides = array<i32>} : memref<768x16xf32, #tpu.memory_space<vmem>>, vector<1x16xf32>,
          %parallel_loop3A_481 = vector.shape_cast %parallel_loop3A_480 : vector<1x16xf32> to vector<16xf32>
          %parallel_loop3A_482 = vector.extract_strided_slice %parallel_loop3A_456 {offsets = [1], sizes = [1], strides = [1]} : vector<16xf32> to vector<1xf32>
          %parallel_loop3A_483 = vector.extract %parallel_loop3A_482[0] : f32 from vector<1xf32>
          %parallel_loop3A_484 = vector.broadcast %parallel_loop3A_483 : f32 to vector<16xf32>
          %parallel_loop3A_485 = arith.mulf %parallel_loop3A_481, %parallel_loop3A_484 : vector<16xf32>
          %parallel_loop3A_486 = arith.index_cast %parallel_loop3A_477 : i32 to index
          %parallel_loop3A_487 = arith.constant 0 : index
          %parallel_loop3A_488 = tpu.vector_load %arg10[%parallel_loop3A_486, %parallel_loop3A_487] {strides = array<i32>} : memref<768x16xf32, #tpu.memory_space<vmem>>, vector<1x16xf32>,
          %parallel_loop3A_489 = vector.shape_cast %parallel_loop3A_488 : vector<1x16xf32> to vector<16xf32>
          %parallel_loop3A_490 = vector.shape_cast %parallel_loop3A_485 : vector<16xf32> to vector<1x16xf32>
          tpu.vector_store %arg10[%parallel_loop3A_486, %parallel_loop3A_487], %parallel_loop3A_490 {strides = array<i32>} : memref<768x16xf32, #tpu.memory_space<vmem>>, vector<1x16xf32>,
          %parallel_loop3A_491 = arith.constant 16 : i32
          %parallel_loop3A_492 = arith.muli %parallel_loop3A_420, %parallel_loop3A_491 : i32
          %parallel_loop3A_493 = arith.constant 2 : i32
          %parallel_loop3A_494 = arith.addi %parallel_loop3A_492, %parallel_loop3A_493 : i32
          %parallel_loop3A_495 = arith.index_cast %parallel_loop3A_494 : i32 to index
          %parallel_loop3A_496 = arith.constant 0 : index
          %parallel_loop3A_497 = tpu.vector_load %arg10[%parallel_loop3A_495, %parallel_loop3A_496] {strides = array<i32>} : memref<768x16xf32, #tpu.memory_space<vmem>>, vector<1x16xf32>,
          %parallel_loop3A_498 = vector.shape_cast %parallel_loop3A_497 : vector<1x16xf32> to vector<16xf32>
          %parallel_loop3A_499 = vector.extract_strided_slice %parallel_loop3A_456 {offsets = [2], sizes = [1], strides = [1]} : vector<16xf32> to vector<1xf32>
          %parallel_loop3A_500 = vector.extract %parallel_loop3A_499[0] : f32 from vector<1xf32>
          %parallel_loop3A_501 = vector.broadcast %parallel_loop3A_500 : f32 to vector<16xf32>
          %parallel_loop3A_502 = arith.mulf %parallel_loop3A_498, %parallel_loop3A_501 : vector<16xf32>
          %parallel_loop3A_503 = arith.index_cast %parallel_loop3A_494 : i32 to index
          %parallel_loop3A_504 = arith.constant 0 : index
          %parallel_loop3A_505 = tpu.vector_load %arg10[%parallel_loop3A_503, %parallel_loop3A_504] {strides = array<i32>} : memref<768x16xf32, #tpu.memory_space<vmem>>, vector<1x16xf32>,
          %parallel_loop3A_506 = vector.shape_cast %parallel_loop3A_505 : vector<1x16xf32> to vector<16xf32>
          %parallel_loop3A_507 = vector.shape_cast %parallel_loop3A_502 : vector<16xf32> to vector<1x16xf32>
          tpu.vector_store %arg10[%parallel_loop3A_503, %parallel_loop3A_504], %parallel_loop3A_507 {strides = array<i32>} : memref<768x16xf32, #tpu.memory_space<vmem>>, vector<1x16xf32>,
          %parallel_loop3A_508 = arith.constant 16 : i32
          %parallel_loop3A_509 = arith.muli %parallel_loop3A_420, %parallel_loop3A_508 : i32
          %parallel_loop3A_510 = arith.constant 3 : i32
          %parallel_loop3A_511 = arith.addi %parallel_loop3A_509, %parallel_loop3A_510 : i32
          %parallel_loop3A_512 = arith.index_cast %parallel_loop3A_511 : i32 to index
          %parallel_loop3A_513 = arith.constant 0 : index
          %parallel_loop3A_514 = tpu.vector_load %arg10[%parallel_loop3A_512, %parallel_loop3A_513] {strides = array<i32>} : memref<768x16xf32, #tpu.memory_space<vmem>>, vector<1x16xf32>,
          %parallel_loop3A_515 = vector.shape_cast %parallel_loop3A_514 : vector<1x16xf32> to vector<16xf32>
          %parallel_loop3A_516 = vector.extract_strided_slice %parallel_loop3A_456 {offsets = [3], sizes = [1], strides = [1]} : vector<16xf32> to vector<1xf32>
          %parallel_loop3A_517 = vector.extract %parallel_loop3A_516[0] : f32 from vector<1xf32>
          %parallel_loop3A_518 = vector.broadcast %parallel_loop3A_517 : f32 to vector<16xf32>
          %parallel_loop3A_519 = arith.mulf %parallel_loop3A_515, %parallel_loop3A_518 : vector<16xf32>
          %parallel_loop3A_520 = arith.index_cast %parallel_loop3A_511 : i32 to index
          %parallel_loop3A_521 = arith.constant 0 : index
          %parallel_loop3A_522 = tpu.vector_load %arg10[%parallel_loop3A_520, %parallel_loop3A_521] {strides = array<i32>} : memref<768x16xf32, #tpu.memory_space<vmem>>, vector<1x16xf32>,
          %parallel_loop3A_523 = vector.shape_cast %parallel_loop3A_522 : vector<1x16xf32> to vector<16xf32>
          %parallel_loop3A_524 = vector.shape_cast %parallel_loop3A_519 : vector<16xf32> to vector<1x16xf32>
          tpu.vector_store %arg10[%parallel_loop3A_520, %parallel_loop3A_521], %parallel_loop3A_524 {strides = array<i32>} : memref<768x16xf32, #tpu.memory_space<vmem>>, vector<1x16xf32>,
          %parallel_loop3A_525 = arith.constant 16 : i32
          %parallel_loop3A_526 = arith.muli %parallel_loop3A_420, %parallel_loop3A_525 : i32
          %parallel_loop3A_527 = arith.constant 4 : i32
          %parallel_loop3A_528 = arith.addi %parallel_loop3A_526, %parallel_loop3A_527 : i32
          %parallel_loop3A_529 = arith.index_cast %parallel_loop3A_528 : i32 to index
          %parallel_loop3A_530 = arith.constant 0 : index
          %parallel_loop3A_531 = tpu.vector_load %arg10[%parallel_loop3A_529, %parallel_loop3A_530] {strides = array<i32>} : memref<768x16xf32, #tpu.memory_space<vmem>>, vector<1x16xf32>,
          %parallel_loop3A_532 = vector.shape_cast %parallel_loop3A_531 : vector<1x16xf32> to vector<16xf32>
          %parallel_loop3A_533 = vector.extract_strided_slice %parallel_loop3A_456 {offsets = [4], sizes = [1], strides = [1]} : vector<16xf32> to vector<1xf32>
          %parallel_loop3A_534 = vector.extract %parallel_loop3A_533[0] : f32 from vector<1xf32>
          %parallel_loop3A_535 = vector.broadcast %parallel_loop3A_534 : f32 to vector<16xf32>
          %parallel_loop3A_536 = arith.mulf %parallel_loop3A_532, %parallel_loop3A_535 : vector<16xf32>
          %parallel_loop3A_537 = arith.index_cast %parallel_loop3A_528 : i32 to index
          %parallel_loop3A_538 = arith.constant 0 : index
          %parallel_loop3A_539 = tpu.vector_load %arg10[%parallel_loop3A_537, %parallel_loop3A_538] {strides = array<i32>} : memref<768x16xf32, #tpu.memory_space<vmem>>, vector<1x16xf32>,
          %parallel_loop3A_540 = vector.shape_cast %parallel_loop3A_539 : vector<1x16xf32> to vector<16xf32>
          %parallel_loop3A_541 = vector.shape_cast %parallel_loop3A_536 : vector<16xf32> to vector<1x16xf32>
          tpu.vector_store %arg10[%parallel_loop3A_537, %parallel_loop3A_538], %parallel_loop3A_541 {strides = array<i32>} : memref<768x16xf32, #tpu.memory_space<vmem>>, vector<1x16xf32>,
          %parallel_loop3A_542 = arith.constant 16 : i32
          %parallel_loop3A_543 = arith.muli %parallel_loop3A_420, %parallel_loop3A_542 : i32
          %parallel_loop3A_544 = arith.constant 5 : i32
          %parallel_loop3A_545 = arith.addi %parallel_loop3A_543, %parallel_loop3A_544 : i32
          %parallel_loop3A_546 = arith.index_cast %parallel_loop3A_545 : i32 to index
          %parallel_loop3A_547 = arith.constant 0 : index
          %parallel_loop3A_548 = tpu.vector_load %arg10[%parallel_loop3A_546, %parallel_loop3A_547] {strides = array<i32>} : memref<768x16xf32, #tpu.memory_space<vmem>>, vector<1x16xf32>,
          %parallel_loop3A_549 = vector.shape_cast %parallel_loop3A_548 : vector<1x16xf32> to vector<16xf32>
          %parallel_loop3A_550 = vector.extract_strided_slice %parallel_loop3A_456 {offsets = [5], sizes = [1], strides = [1]} : vector<16xf32> to vector<1xf32>
          %parallel_loop3A_551 = vector.extract %parallel_loop3A_550[0] : f32 from vector<1xf32>
          %parallel_loop3A_552 = vector.broadcast %parallel_loop3A_551 : f32 to vector<16xf32>
          %parallel_loop3A_553 = arith.mulf %parallel_loop3A_549, %parallel_loop3A_552 : vector<16xf32>
          %parallel_loop3A_554 = arith.index_cast %parallel_loop3A_545 : i32 to index
          %parallel_loop3A_555 = arith.constant 0 : index
          %parallel_loop3A_556 = tpu.vector_load %arg10[%parallel_loop3A_554, %parallel_loop3A_555] {strides = array<i32>} : memref<768x16xf32, #tpu.memory_space<vmem>>, vector<1x16xf32>,
          %parallel_loop3A_557 = vector.shape_cast %parallel_loop3A_556 : vector<1x16xf32> to vector<16xf32>
          %parallel_loop3A_558 = vector.shape_cast %parallel_loop3A_553 : vector<16xf32> to vector<1x16xf32>
          tpu.vector_store %arg10[%parallel_loop3A_554, %parallel_loop3A_555], %parallel_loop3A_558 {strides = array<i32>} : memref<768x16xf32, #tpu.memory_space<vmem>>, vector<1x16xf32>,
          %parallel_loop3A_559 = arith.constant 16 : i32
          %parallel_loop3A_560 = arith.muli %parallel_loop3A_420, %parallel_loop3A_559 : i32
          %parallel_loop3A_561 = arith.constant 6 : i32
          %parallel_loop3A_562 = arith.addi %parallel_loop3A_560, %parallel_loop3A_561 : i32
          %parallel_loop3A_563 = arith.index_cast %parallel_loop3A_562 : i32 to index
          %parallel_loop3A_564 = arith.constant 0 : index
          %parallel_loop3A_565 = tpu.vector_load %arg10[%parallel_loop3A_563, %parallel_loop3A_564] {strides = array<i32>} : memref<768x16xf32, #tpu.memory_space<vmem>>, vector<1x16xf32>,
          %parallel_loop3A_566 = vector.shape_cast %parallel_loop3A_565 : vector<1x16xf32> to vector<16xf32>
          %parallel_loop3A_567 = vector.extract_strided_slice %parallel_loop3A_456 {offsets = [6], sizes = [1], strides = [1]} : vector<16xf32> to vector<1xf32>
          %parallel_loop3A_568 = vector.extract %parallel_loop3A_567[0] : f32 from vector<1xf32>
          %parallel_loop3A_569 = vector.broadcast %parallel_loop3A_568 : f32 to vector<16xf32>
          %parallel_loop3A_570 = arith.mulf %parallel_loop3A_566, %parallel_loop3A_569 : vector<16xf32>
          %parallel_loop3A_571 = arith.index_cast %parallel_loop3A_562 : i32 to index
          %parallel_loop3A_572 = arith.constant 0 : index
          %parallel_loop3A_573 = tpu.vector_load %arg10[%parallel_loop3A_571, %parallel_loop3A_572] {strides = array<i32>} : memref<768x16xf32, #tpu.memory_space<vmem>>, vector<1x16xf32>,
          %parallel_loop3A_574 = vector.shape_cast %parallel_loop3A_573 : vector<1x16xf32> to vector<16xf32>
          %parallel_loop3A_575 = vector.shape_cast %parallel_loop3A_570 : vector<16xf32> to vector<1x16xf32>
          tpu.vector_store %arg10[%parallel_loop3A_571, %parallel_loop3A_572], %parallel_loop3A_575 {strides = array<i32>} : memref<768x16xf32, #tpu.memory_space<vmem>>, vector<1x16xf32>,
          %parallel_loop3A_576 = arith.constant 16 : i32
          %parallel_loop3A_577 = arith.muli %parallel_loop3A_420, %parallel_loop3A_576 : i32
          %parallel_loop3A_578 = arith.constant 7 : i32
          %parallel_loop3A_579 = arith.addi %parallel_loop3A_577, %parallel_loop3A_578 : i32
          %parallel_loop3A_580 = arith.index_cast %parallel_loop3A_579 : i32 to index
          %parallel_loop3A_581 = arith.constant 0 : index
          %parallel_loop3A_582 = tpu.vector_load %arg10[%parallel_loop3A_580, %parallel_loop3A_581] {strides = array<i32>} : memref<768x16xf32, #tpu.memory_space<vmem>>, vector<1x16xf32>,
          %parallel_loop3A_583 = vector.shape_cast %parallel_loop3A_582 : vector<1x16xf32> to vector<16xf32>
          %parallel_loop3A_584 = vector.extract_strided_slice %parallel_loop3A_456 {offsets = [7], sizes = [1], strides = [1]} : vector<16xf32> to vector<1xf32>
          %parallel_loop3A_585 = vector.extract %parallel_loop3A_584[0] : f32 from vector<1xf32>
          %parallel_loop3A_586 = vector.broadcast %parallel_loop3A_585 : f32 to vector<16xf32>
          %parallel_loop3A_587 = arith.mulf %parallel_loop3A_583, %parallel_loop3A_586 : vector<16xf32>
          %parallel_loop3A_588 = arith.index_cast %parallel_loop3A_579 : i32 to index
          %parallel_loop3A_589 = arith.constant 0 : index
          %parallel_loop3A_590 = tpu.vector_load %arg10[%parallel_loop3A_588, %parallel_loop3A_589] {strides = array<i32>} : memref<768x16xf32, #tpu.memory_space<vmem>>, vector<1x16xf32>,
          %parallel_loop3A_591 = vector.shape_cast %parallel_loop3A_590 : vector<1x16xf32> to vector<16xf32>
          %parallel_loop3A_592 = vector.shape_cast %parallel_loop3A_587 : vector<16xf32> to vector<1x16xf32>
          tpu.vector_store %arg10[%parallel_loop3A_588, %parallel_loop3A_589], %parallel_loop3A_592 {strides = array<i32>} : memref<768x16xf32, #tpu.memory_space<vmem>>, vector<1x16xf32>,
          %parallel_loop3A_593 = arith.constant 16 : i32
          %parallel_loop3A_594 = arith.muli %parallel_loop3A_420, %parallel_loop3A_593 : i32
          %parallel_loop3A_595 = arith.constant 8 : i32
          %parallel_loop3A_596 = arith.addi %parallel_loop3A_594, %parallel_loop3A_595 : i32
          %parallel_loop3A_597 = arith.index_cast %parallel_loop3A_596 : i32 to index
          %parallel_loop3A_598 = arith.constant 0 : index
          %parallel_loop3A_599 = tpu.vector_load %arg10[%parallel_loop3A_597, %parallel_loop3A_598] {strides = array<i32>} : memref<768x16xf32, #tpu.memory_space<vmem>>, vector<1x16xf32>,
          %parallel_loop3A_600 = vector.shape_cast %parallel_loop3A_599 : vector<1x16xf32> to vector<16xf32>
          %parallel_loop3A_601 = vector.extract_strided_slice %parallel_loop3A_456 {offsets = [8], sizes = [1], strides = [1]} : vector<16xf32> to vector<1xf32>
          %parallel_loop3A_602 = vector.extract %parallel_loop3A_601[0] : f32 from vector<1xf32>
          %parallel_loop3A_603 = vector.broadcast %parallel_loop3A_602 : f32 to vector<16xf32>
          %parallel_loop3A_604 = arith.mulf %parallel_loop3A_600, %parallel_loop3A_603 : vector<16xf32>
          %parallel_loop3A_605 = arith.index_cast %parallel_loop3A_596 : i32 to index
          %parallel_loop3A_606 = arith.constant 0 : index
          %parallel_loop3A_607 = tpu.vector_load %arg10[%parallel_loop3A_605, %parallel_loop3A_606] {strides = array<i32>} : memref<768x16xf32, #tpu.memory_space<vmem>>, vector<1x16xf32>,
          %parallel_loop3A_608 = vector.shape_cast %parallel_loop3A_607 : vector<1x16xf32> to vector<16xf32>
          %parallel_loop3A_609 = vector.shape_cast %parallel_loop3A_604 : vector<16xf32> to vector<1x16xf32>
          tpu.vector_store %arg10[%parallel_loop3A_605, %parallel_loop3A_606], %parallel_loop3A_609 {strides = array<i32>} : memref<768x16xf32, #tpu.memory_space<vmem>>, vector<1x16xf32>,
          %parallel_loop3A_610 = arith.constant 16 : i32
          %parallel_loop3A_611 = arith.muli %parallel_loop3A_420, %parallel_loop3A_610 : i32
          %parallel_loop3A_612 = arith.constant 9 : i32
          %parallel_loop3A_613 = arith.addi %parallel_loop3A_611, %parallel_loop3A_612 : i32
          %parallel_loop3A_614 = arith.index_cast %parallel_loop3A_613 : i32 to index
          %parallel_loop3A_615 = arith.constant 0 : index
          %parallel_loop3A_616 = tpu.vector_load %arg10[%parallel_loop3A_614, %parallel_loop3A_615] {strides = array<i32>} : memref<768x16xf32, #tpu.memory_space<vmem>>, vector<1x16xf32>,
          %parallel_loop3A_617 = vector.shape_cast %parallel_loop3A_616 : vector<1x16xf32> to vector<16xf32>
          %parallel_loop3A_618 = vector.extract_strided_slice %parallel_loop3A_456 {offsets = [9], sizes = [1], strides = [1]} : vector<16xf32> to vector<1xf32>
          %parallel_loop3A_619 = vector.extract %parallel_loop3A_618[0] : f32 from vector<1xf32>
          %parallel_loop3A_620 = vector.broadcast %parallel_loop3A_619 : f32 to vector<16xf32>
          %parallel_loop3A_621 = arith.mulf %parallel_loop3A_617, %parallel_loop3A_620 : vector<16xf32>
          %parallel_loop3A_622 = arith.index_cast %parallel_loop3A_613 : i32 to index
          %parallel_loop3A_623 = arith.constant 0 : index
          %parallel_loop3A_624 = tpu.vector_load %arg10[%parallel_loop3A_622, %parallel_loop3A_623] {strides = array<i32>} : memref<768x16xf32, #tpu.memory_space<vmem>>, vector<1x16xf32>,
          %parallel_loop3A_625 = vector.shape_cast %parallel_loop3A_624 : vector<1x16xf32> to vector<16xf32>
          %parallel_loop3A_626 = vector.shape_cast %parallel_loop3A_621 : vector<16xf32> to vector<1x16xf32>
          tpu.vector_store %arg10[%parallel_loop3A_622, %parallel_loop3A_623], %parallel_loop3A_626 {strides = array<i32>} : memref<768x16xf32, #tpu.memory_space<vmem>>, vector<1x16xf32>,
          %parallel_loop3A_627 = arith.constant 16 : i32
          %parallel_loop3A_628 = arith.muli %parallel_loop3A_420, %parallel_loop3A_627 : i32
          %parallel_loop3A_629 = arith.constant 10 : i32
          %parallel_loop3A_630 = arith.addi %parallel_loop3A_628, %parallel_loop3A_629 : i32
          %parallel_loop3A_631 = arith.index_cast %parallel_loop3A_630 : i32 to index
          %parallel_loop3A_632 = arith.constant 0 : index
          %parallel_loop3A_633 = tpu.vector_load %arg10[%parallel_loop3A_631, %parallel_loop3A_632] {strides = array<i32>} : memref<768x16xf32, #tpu.memory_space<vmem>>, vector<1x16xf32>,
          %parallel_loop3A_634 = vector.shape_cast %parallel_loop3A_633 : vector<1x16xf32> to vector<16xf32>
          %parallel_loop3A_635 = vector.extract_strided_slice %parallel_loop3A_456 {offsets = [10], sizes = [1], strides = [1]} : vector<16xf32> to vector<1xf32>
          %parallel_loop3A_636 = vector.extract %parallel_loop3A_635[0] : f32 from vector<1xf32>
          %parallel_loop3A_637 = vector.broadcast %parallel_loop3A_636 : f32 to vector<16xf32>
          %parallel_loop3A_638 = arith.mulf %parallel_loop3A_634, %parallel_loop3A_637 : vector<16xf32>
          %parallel_loop3A_639 = arith.index_cast %parallel_loop3A_630 : i32 to index
          %parallel_loop3A_640 = arith.constant 0 : index
          %parallel_loop3A_641 = tpu.vector_load %arg10[%parallel_loop3A_639, %parallel_loop3A_640] {strides = array<i32>} : memref<768x16xf32, #tpu.memory_space<vmem>>, vector<1x16xf32>,
          %parallel_loop3A_642 = vector.shape_cast %parallel_loop3A_641 : vector<1x16xf32> to vector<16xf32>
          %parallel_loop3A_643 = vector.shape_cast %parallel_loop3A_638 : vector<16xf32> to vector<1x16xf32>
          tpu.vector_store %arg10[%parallel_loop3A_639, %parallel_loop3A_640], %parallel_loop3A_643 {strides = array<i32>} : memref<768x16xf32, #tpu.memory_space<vmem>>, vector<1x16xf32>,
          %parallel_loop3A_644 = arith.constant 16 : i32
          %parallel_loop3A_645 = arith.muli %parallel_loop3A_420, %parallel_loop3A_644 : i32
          %parallel_loop3A_646 = arith.constant 11 : i32
          %parallel_loop3A_647 = arith.addi %parallel_loop3A_645, %parallel_loop3A_646 : i32
          %parallel_loop3A_648 = arith.index_cast %parallel_loop3A_647 : i32 to index
          %parallel_loop3A_649 = arith.constant 0 : index
          %parallel_loop3A_650 = tpu.vector_load %arg10[%parallel_loop3A_648, %parallel_loop3A_649] {strides = array<i32>} : memref<768x16xf32, #tpu.memory_space<vmem>>, vector<1x16xf32>,
          %parallel_loop3A_651 = vector.shape_cast %parallel_loop3A_650 : vector<1x16xf32> to vector<16xf32>
          %parallel_loop3A_652 = vector.extract_strided_slice %parallel_loop3A_456 {offsets = [11], sizes = [1], strides = [1]} : vector<16xf32> to vector<1xf32>
          %parallel_loop3A_653 = vector.extract %parallel_loop3A_652[0] : f32 from vector<1xf32>
          %parallel_loop3A_654 = vector.broadcast %parallel_loop3A_653 : f32 to vector<16xf32>
          %parallel_loop3A_655 = arith.mulf %parallel_loop3A_651, %parallel_loop3A_654 : vector<16xf32>
          %parallel_loop3A_656 = arith.index_cast %parallel_loop3A_647 : i32 to index
          %parallel_loop3A_657 = arith.constant 0 : index
          %parallel_loop3A_658 = tpu.vector_load %arg10[%parallel_loop3A_656, %parallel_loop3A_657] {strides = array<i32>} : memref<768x16xf32, #tpu.memory_space<vmem>>, vector<1x16xf32>,
          %parallel_loop3A_659 = vector.shape_cast %parallel_loop3A_658 : vector<1x16xf32> to vector<16xf32>
          %parallel_loop3A_660 = vector.shape_cast %parallel_loop3A_655 : vector<16xf32> to vector<1x16xf32>
          tpu.vector_store %arg10[%parallel_loop3A_656, %parallel_loop3A_657], %parallel_loop3A_660 {strides = array<i32>} : memref<768x16xf32, #tpu.memory_space<vmem>>, vector<1x16xf32>,
          %parallel_loop3A_661 = arith.constant 16 : i32
          %parallel_loop3A_662 = arith.muli %parallel_loop3A_420, %parallel_loop3A_661 : i32
          %parallel_loop3A_663 = arith.constant 12 : i32
          %parallel_loop3A_664 = arith.addi %parallel_loop3A_662, %parallel_loop3A_663 : i32
          %parallel_loop3A_665 = arith.index_cast %parallel_loop3A_664 : i32 to index
          %parallel_loop3A_666 = arith.constant 0 : index
          %parallel_loop3A_667 = tpu.vector_load %arg10[%parallel_loop3A_665, %parallel_loop3A_666] {strides = array<i32>} : memref<768x16xf32, #tpu.memory_space<vmem>>, vector<1x16xf32>,
          %parallel_loop3A_668 = vector.shape_cast %parallel_loop3A_667 : vector<1x16xf32> to vector<16xf32>
          %parallel_loop3A_669 = vector.extract_strided_slice %parallel_loop3A_456 {offsets = [12], sizes = [1], strides = [1]} : vector<16xf32> to vector<1xf32>
          %parallel_loop3A_670 = vector.extract %parallel_loop3A_669[0] : f32 from vector<1xf32>
          %parallel_loop3A_671 = vector.broadcast %parallel_loop3A_670 : f32 to vector<16xf32>
          %parallel_loop3A_672 = arith.mulf %parallel_loop3A_668, %parallel_loop3A_671 : vector<16xf32>
          %parallel_loop3A_673 = arith.index_cast %parallel_loop3A_664 : i32 to index
          %parallel_loop3A_674 = arith.constant 0 : index
          %parallel_loop3A_675 = tpu.vector_load %arg10[%parallel_loop3A_673, %parallel_loop3A_674] {strides = array<i32>} : memref<768x16xf32, #tpu.memory_space<vmem>>, vector<1x16xf32>,
          %parallel_loop3A_676 = vector.shape_cast %parallel_loop3A_675 : vector<1x16xf32> to vector<16xf32>
          %parallel_loop3A_677 = vector.shape_cast %parallel_loop3A_672 : vector<16xf32> to vector<1x16xf32>
          tpu.vector_store %arg10[%parallel_loop3A_673, %parallel_loop3A_674], %parallel_loop3A_677 {strides = array<i32>} : memref<768x16xf32, #tpu.memory_space<vmem>>, vector<1x16xf32>,
          %parallel_loop3A_678 = arith.constant 16 : i32
          %parallel_loop3A_679 = arith.muli %parallel_loop3A_420, %parallel_loop3A_678 : i32
          %parallel_loop3A_680 = arith.constant 13 : i32
          %parallel_loop3A_681 = arith.addi %parallel_loop3A_679, %parallel_loop3A_680 : i32
          %parallel_loop3A_682 = arith.index_cast %parallel_loop3A_681 : i32 to index
          %parallel_loop3A_683 = arith.constant 0 : index
          %parallel_loop3A_684 = tpu.vector_load %arg10[%parallel_loop3A_682, %parallel_loop3A_683] {strides = array<i32>} : memref<768x16xf32, #tpu.memory_space<vmem>>, vector<1x16xf32>,
          %parallel_loop3A_685 = vector.shape_cast %parallel_loop3A_684 : vector<1x16xf32> to vector<16xf32>
          %parallel_loop3A_686 = vector.extract_strided_slice %parallel_loop3A_456 {offsets = [13], sizes = [1], strides = [1]} : vector<16xf32> to vector<1xf32>
          %parallel_loop3A_687 = vector.extract %parallel_loop3A_686[0] : f32 from vector<1xf32>
          %parallel_loop3A_688 = vector.broadcast %parallel_loop3A_687 : f32 to vector<16xf32>
          %parallel_loop3A_689 = arith.mulf %parallel_loop3A_685, %parallel_loop3A_688 : vector<16xf32>
          %parallel_loop3A_690 = arith.index_cast %parallel_loop3A_681 : i32 to index
          %parallel_loop3A_691 = arith.constant 0 : index
          %parallel_loop3A_692 = tpu.vector_load %arg10[%parallel_loop3A_690, %parallel_loop3A_691] {strides = array<i32>} : memref<768x16xf32, #tpu.memory_space<vmem>>, vector<1x16xf32>,
          %parallel_loop3A_693 = vector.shape_cast %parallel_loop3A_692 : vector<1x16xf32> to vector<16xf32>
          %parallel_loop3A_694 = vector.shape_cast %parallel_loop3A_689 : vector<16xf32> to vector<1x16xf32>
          tpu.vector_store %arg10[%parallel_loop3A_690, %parallel_loop3A_691], %parallel_loop3A_694 {strides = array<i32>} : memref<768x16xf32, #tpu.memory_space<vmem>>, vector<1x16xf32>,
          %parallel_loop3A_695 = arith.constant 16 : i32
          %parallel_loop3A_696 = arith.muli %parallel_loop3A_420, %parallel_loop3A_695 : i32
          %parallel_loop3A_697 = arith.constant 14 : i32
          %parallel_loop3A_698 = arith.addi %parallel_loop3A_696, %parallel_loop3A_697 : i32
          %parallel_loop3A_699 = arith.index_cast %parallel_loop3A_698 : i32 to index
          %parallel_loop3A_700 = arith.constant 0 : index
          %parallel_loop3A_701 = tpu.vector_load %arg10[%parallel_loop3A_699, %parallel_loop3A_700] {strides = array<i32>} : memref<768x16xf32, #tpu.memory_space<vmem>>, vector<1x16xf32>,
          %parallel_loop3A_702 = vector.shape_cast %parallel_loop3A_701 : vector<1x16xf32> to vector<16xf32>
          %parallel_loop3A_703 = vector.extract_strided_slice %parallel_loop3A_456 {offsets = [14], sizes = [1], strides = [1]} : vector<16xf32> to vector<1xf32>
          %parallel_loop3A_704 = vector.extract %parallel_loop3A_703[0] : f32 from vector<1xf32>
          %parallel_loop3A_705 = vector.broadcast %parallel_loop3A_704 : f32 to vector<16xf32>
          %parallel_loop3A_706 = arith.mulf %parallel_loop3A_702, %parallel_loop3A_705 : vector<16xf32>
          %parallel_loop3A_707 = arith.index_cast %parallel_loop3A_698 : i32 to index
          %parallel_loop3A_708 = arith.constant 0 : index
          %parallel_loop3A_709 = tpu.vector_load %arg10[%parallel_loop3A_707, %parallel_loop3A_708] {strides = array<i32>} : memref<768x16xf32, #tpu.memory_space<vmem>>, vector<1x16xf32>,
          %parallel_loop3A_710 = vector.shape_cast %parallel_loop3A_709 : vector<1x16xf32> to vector<16xf32>
          %parallel_loop3A_711 = vector.shape_cast %parallel_loop3A_706 : vector<16xf32> to vector<1x16xf32>
          tpu.vector_store %arg10[%parallel_loop3A_707, %parallel_loop3A_708], %parallel_loop3A_711 {strides = array<i32>} : memref<768x16xf32, #tpu.memory_space<vmem>>, vector<1x16xf32>,
          %parallel_loop3A_712 = arith.constant 16 : i32
          %parallel_loop3A_713 = arith.muli %parallel_loop3A_420, %parallel_loop3A_712 : i32
          %parallel_loop3A_714 = arith.constant 15 : i32
          %parallel_loop3A_715 = arith.addi %parallel_loop3A_713, %parallel_loop3A_714 : i32
          %parallel_loop3A_716 = arith.index_cast %parallel_loop3A_715 : i32 to index
          %parallel_loop3A_717 = arith.constant 0 : index
          %parallel_loop3A_718 = tpu.vector_load %arg10[%parallel_loop3A_716, %parallel_loop3A_717] {strides = array<i32>} : memref<768x16xf32, #tpu.memory_space<vmem>>, vector<1x16xf32>,
          %parallel_loop3A_719 = vector.shape_cast %parallel_loop3A_718 : vector<1x16xf32> to vector<16xf32>
          %parallel_loop3A_720 = vector.extract_strided_slice %parallel_loop3A_456 {offsets = [15], sizes = [1], strides = [1]} : vector<16xf32> to vector<1xf32>
          %parallel_loop3A_721 = vector.extract %parallel_loop3A_720[0] : f32 from vector<1xf32>
          %parallel_loop3A_722 = vector.broadcast %parallel_loop3A_721 : f32 to vector<16xf32>
          %parallel_loop3A_723 = arith.mulf %parallel_loop3A_719, %parallel_loop3A_722 : vector<16xf32>
          %parallel_loop3A_724 = arith.index_cast %parallel_loop3A_715 : i32 to index
          %parallel_loop3A_725 = arith.constant 0 : index
          %parallel_loop3A_726 = tpu.vector_load %arg10[%parallel_loop3A_724, %parallel_loop3A_725] {strides = array<i32>} : memref<768x16xf32, #tpu.memory_space<vmem>>, vector<1x16xf32>,
          %parallel_loop3A_727 = vector.shape_cast %parallel_loop3A_726 : vector<1x16xf32> to vector<16xf32>
          %parallel_loop3A_728 = vector.shape_cast %parallel_loop3A_723 : vector<16xf32> to vector<1x16xf32>
          tpu.vector_store %arg10[%parallel_loop3A_724, %parallel_loop3A_725], %parallel_loop3A_728 {strides = array<i32>} : memref<768x16xf32, #tpu.memory_space<vmem>>, vector<1x16xf32>,
        } {sc.loop_unroll_factor = 2 : i64, sc.parallel_access}
        %dma_start3A_347 = arith.constant 0 : i32
        %dma_start3A_348 = arith.constant 1 : i32
        %dma_start3A_349 = arith.constant 0 : i32
        %dma_start3A_350 = arith.constant 0 : i32
        %dma_start3A_351 = tpu.memref_slice %arg10[%dma_start3A_349, %dma_start3A_350] : memref<768x16xf32, #tpu.memory_space<vmem>> -> memref<128x16xf32, #tpu.memory_space<vmem>>
        %dma_start3A_352 = arith.constant 0 : i32
        %dma_start3A_353 = tpu.memref_slice %arg8[%dma_start3A_347, %dma_start3A_348, %dma_start3A_352] : memref<6x3x128xi32, #tpu.memory_space<vmem>> -> memref<1x1x128xi32, #tpu.memory_space<vmem>>
        %dma_start3A_354 = tpu.memref_squeeze %dma_start3A_353 : memref<1x1x128xi32, #tpu.memory_space<vmem>> -> memref<128xi32, #tpu.memory_space<vmem>>
        %dma_start3A_355 = arith.constant 0 : i32
        %dma_start3A_356 = arith.constant 0 : i32
        %dma_start3A_357 = tpu.memref_slice %arg6[%dma_start3A_355, %dma_start3A_356] : memref<100096x16xf32, #tpu.memory_space<vmem_shared>> -> memref<100096x16xf32, #tpu.memory_space<vmem_shared>>
        tpu.enqueue_indirect_dma source(%dma_start3A_351 : memref<128x16xf32, #tpu.memory_space<vmem>>) target(%dma_start3A_357 : memref<100096x16xf32, #tpu.memory_space<vmem_shared>>) offsets(%dma_start3A_354 : memref<128xi32, #tpu.memory_space<vmem>>) semaphore(%arg16 : memref<!tpu.dma_semaphore, #tpu.memory_space<semaphore_mem>>) {add = true}
        %dma_start3A_358 = arith.constant 1 : i32
        %dma_start3A_359 = arith.constant 1 : i32
        %dma_start3A_360 = arith.constant 128 : i32
        %dma_start3A_361 = arith.constant 0 : i32
        %dma_start3A_362 = tpu.memref_slice %arg10[%dma_start3A_360, %dma_start3A_361] : memref<768x16xf32, #tpu.memory_space<vmem>> -> memref<128x16xf32, #tpu.memory_space<vmem>>
        %dma_start3A_363 = arith.constant 0 : i32
        %dma_start3A_364 = tpu.memref_slice %arg8[%dma_start3A_358, %dma_start3A_359, %dma_start3A_363] : memref<6x3x128xi32, #tpu.memory_space<vmem>> -> memref<1x1x128xi32, #tpu.memory_space<vmem>>
        %dma_start3A_365 = tpu.memref_squeeze %dma_start3A_364 : memref<1x1x128xi32, #tpu.memory_space<vmem>> -> memref<128xi32, #tpu.memory_space<vmem>>
        %dma_start3A_366 = arith.constant 0 : i32
        %dma_start3A_367 = arith.constant 0 : i32
        %dma_start3A_368 = tpu.memref_slice %arg6[%dma_start3A_366, %dma_start3A_367] : memref<100096x16xf32, #tpu.memory_space<vmem_shared>> -> memref<100096x16xf32, #tpu.memory_space<vmem_shared>>
        tpu.enqueue_indirect_dma source(%dma_start3A_362 : memref<128x16xf32, #tpu.memory_space<vmem>>) target(%dma_start3A_368 : memref<100096x16xf32, #tpu.memory_space<vmem_shared>>) offsets(%dma_start3A_365 : memref<128xi32, #tpu.memory_space<vmem>>) semaphore(%arg16 : memref<!tpu.dma_semaphore, #tpu.memory_space<semaphore_mem>>) {add = true}
        %dma_start3A_369 = arith.constant 2 : i32
        %dma_start3A_370 = arith.constant 1 : i32
        %dma_start3A_371 = arith.constant 256 : i32
        %dma_start3A_372 = arith.constant 0 : i32
        %dma_start3A_373 = tpu.memref_slice %arg10[%dma_start3A_371, %dma_start3A_372] : memref<768x16xf32, #tpu.memory_space<vmem>> -> memref<128x16xf32, #tpu.memory_space<vmem>>
        %dma_start3A_374 = arith.constant 0 : i32
        %dma_start3A_375 = tpu.memref_slice %arg8[%dma_start3A_369, %dma_start3A_370, %dma_start3A_374] : memref<6x3x128xi32, #tpu.memory_space<vmem>> -> memref<1x1x128xi32, #tpu.memory_space<vmem>>
        %dma_start3A_376 = tpu.memref_squeeze %dma_start3A_375 : memref<1x1x128xi32, #tpu.memory_space<vmem>> -> memref<128xi32, #tpu.memory_space<vmem>>
        %dma_start3A_377 = arith.constant 0 : i32
        %dma_start3A_378 = arith.constant 0 : i32
        %dma_start3A_379 = tpu.memref_slice %arg6[%dma_start3A_377, %dma_start3A_378] : memref<100096x16xf32, #tpu.memory_space<vmem_shared>> -> memref<100096x16xf32, #tpu.memory_space<vmem_shared>>
        tpu.enqueue_indirect_dma source(%dma_start3A_373 : memref<128x16xf32, #tpu.memory_space<vmem>>) target(%dma_start3A_379 : memref<100096x16xf32, #tpu.memory_space<vmem_shared>>) offsets(%dma_start3A_376 : memref<128xi32, #tpu.memory_space<vmem>>) semaphore(%arg16 : memref<!tpu.dma_semaphore, #tpu.memory_space<semaphore_mem>>) {add = true}
        %dma_start3A_380 = arith.constant 3 : i32
        %dma_start3A_381 = arith.constant 1 : i32
        %dma_start3A_382 = arith.constant 384 : i32
        %dma_start3A_383 = arith.constant 0 : i32
        %dma_start3A_384 = tpu.memref_slice %arg10[%dma_start3A_382, %dma_start3A_383] : memref<768x16xf32, #tpu.memory_space<vmem>> -> memref<128x16xf32, #tpu.memory_space<vmem>>
        %dma_start3A_385 = arith.constant 0 : i32
        %dma_start3A_386 = tpu.memref_slice %arg8[%dma_start3A_380, %dma_start3A_381, %dma_start3A_385] : memref<6x3x128xi32, #tpu.memory_space<vmem>> -> memref<1x1x128xi32, #tpu.memory_space<vmem>>
        %dma_start3A_387 = tpu.memref_squeeze %dma_start3A_386 : memref<1x1x128xi32, #tpu.memory_space<vmem>> -> memref<128xi32, #tpu.memory_space<vmem>>
        %dma_start3A_388 = arith.constant 0 : i32
        %dma_start3A_389 = arith.constant 0 : i32
        %dma_start3A_390 = tpu.memref_slice %arg6[%dma_start3A_388, %dma_start3A_389] : memref<100096x16xf32, #tpu.memory_space<vmem_shared>> -> memref<100096x16xf32, #tpu.memory_space<vmem_shared>>
        tpu.enqueue_indirect_dma source(%dma_start3A_384 : memref<128x16xf32, #tpu.memory_space<vmem>>) target(%dma_start3A_390 : memref<100096x16xf32, #tpu.memory_space<vmem_shared>>) offsets(%dma_start3A_387 : memref<128xi32, #tpu.memory_space<vmem>>) semaphore(%arg16 : memref<!tpu.dma_semaphore, #tpu.memory_space<semaphore_mem>>) {add = true}
        %dma_start3A_391 = arith.constant 4 : i32
        %dma_start3A_392 = arith.constant 1 : i32
        %dma_start3A_393 = arith.constant 512 : i32
        %dma_start3A_394 = arith.constant 0 : i32
        %dma_start3A_395 = tpu.memref_slice %arg10[%dma_start3A_393, %dma_start3A_394] : memref<768x16xf32, #tpu.memory_space<vmem>> -> memref<128x16xf32, #tpu.memory_space<vmem>>
        %dma_start3A_396 = arith.constant 0 : i32
        %dma_start3A_397 = tpu.memref_slice %arg8[%dma_start3A_391, %dma_start3A_392, %dma_start3A_396] : memref<6x3x128xi32, #tpu.memory_space<vmem>> -> memref<1x1x128xi32, #tpu.memory_space<vmem>>
        %dma_start3A_398 = tpu.memref_squeeze %dma_start3A_397 : memref<1x1x128xi32, #tpu.memory_space<vmem>> -> memref<128xi32, #tpu.memory_space<vmem>>
        %dma_start3A_399 = arith.constant 0 : i32
        %dma_start3A_400 = arith.constant 0 : i32
        %dma_start3A_401 = tpu.memref_slice %arg6[%dma_start3A_399, %dma_start3A_400] : memref<100096x16xf32, #tpu.memory_space<vmem_shared>> -> memref<100096x16xf32, #tpu.memory_space<vmem_shared>>
        tpu.enqueue_indirect_dma source(%dma_start3A_395 : memref<128x16xf32, #tpu.memory_space<vmem>>) target(%dma_start3A_401 : memref<100096x16xf32, #tpu.memory_space<vmem_shared>>) offsets(%dma_start3A_398 : memref<128xi32, #tpu.memory_space<vmem>>) semaphore(%arg16 : memref<!tpu.dma_semaphore, #tpu.memory_space<semaphore_mem>>) {add = true}
        %dma_start3A_402 = arith.constant 5 : i32
        %dma_start3A_403 = arith.constant 1 : i32
        %dma_start3A_404 = arith.constant 640 : i32
        %dma_start3A_405 = arith.constant 0 : i32
        %dma_start3A_406 = tpu.memref_slice %arg10[%dma_start3A_404, %dma_start3A_405] : memref<768x16xf32, #tpu.memory_space<vmem>> -> memref<128x16xf32, #tpu.memory_space<vmem>>
        %dma_start3A_407 = arith.constant 0 : i32
        %dma_start3A_408 = tpu.memref_slice %arg8[%dma_start3A_402, %dma_start3A_403, %dma_start3A_407] : memref<6x3x128xi32, #tpu.memory_space<vmem>> -> memref<1x1x128xi32, #tpu.memory_space<vmem>>
        %dma_start3A_409 = tpu.memref_squeeze %dma_start3A_408 : memref<1x1x128xi32, #tpu.memory_space<vmem>> -> memref<128xi32, #tpu.memory_space<vmem>>
        %dma_start3A_410 = arith.constant 0 : i32
        %dma_start3A_411 = arith.constant 0 : i32
        %dma_start3A_412 = tpu.memref_slice %arg6[%dma_start3A_410, %dma_start3A_411] : memref<100096x16xf32, #tpu.memory_space<vmem_shared>> -> memref<100096x16xf32, #tpu.memory_space<vmem_shared>>
        tpu.enqueue_indirect_dma source(%dma_start3A_406 : memref<128x16xf32, #tpu.memory_space<vmem>>) target(%dma_start3A_412 : memref<100096x16xf32, #tpu.memory_space<vmem_shared>>) offsets(%dma_start3A_409 : memref<128xi32, #tpu.memory_space<vmem>>) semaphore(%arg16 : memref<!tpu.dma_semaphore, #tpu.memory_space<semaphore_mem>>) {add = true}
        %add3A_413 = arith.constant 1 : i32
        %add3A_414 = arith.addi %add3A_266, %add3A_413 : i32
        %lt3A_415 = arith.constant 131 : i32
        %lt3A_416 = arith.cmpi slt, %add3A_414, %lt3A_415 : i32
        %convert_element_type3A_417 = arith.extui %lt3A_416 : i1 to i32
        %cond3A_418 = arith.constant 0 : i32
        %cond3A_419 = arith.cmpi ne, %convert_element_type3A_417, %cond3A_418 : i32
        scf.if %cond3A_419 {
          %add3A_420 = arith.constant 1 : i32
          %add3A_421 = arith.addi %add3A_266, %add3A_420 : i32
          %mul3A_422 = arith.constant 6 : i32
          %mul3A_423 = arith.muli %add3A_421, %mul3A_422 : i32
          %add3A_424 = arith.addi %mul3A_27, %mul3A_423 : i32
          %dma_wait3A_425 = arith.constant 0 : i32
          %dma_wait3A_426 = arith.constant 0 : i32
          %dma_wait3A_427 = tpu.memref_slice %arg3[%add3A_424, %dma_wait3A_425, %dma_wait3A_426] : memref<25152x3x128xi32, #tpu.memory_space<hbm>> -> memref<6x3x128xi32, #tpu.memory_space<hbm>>
          %dma_wait3A_428 = arith.constant 0 : i32
          %dma_wait3A_429 = arith.constant 0 : i32
          %dma_wait3A_430 = tpu.memref_slice %arg3[%add3A_424, %dma_wait3A_428, %dma_wait3A_429] : memref<25152x3x128xi32, #tpu.memory_space<hbm>> -> memref<6x3x128xi32, #tpu.memory_space<hbm>>
          tpu.wait_dma2 semaphore(%arg11 : memref<!tpu.dma_semaphore, #tpu.memory_space<semaphore_mem>>) src(%dma_wait3A_430 : memref<6x3x128xi32, #tpu.memory_space<hbm>>) dst(%arg7 : memref<6x3x128xi32, #tpu.memory_space<vmem>>)
          %dma_start3A_431 = arith.constant 0 : i32
          %dma_start3A_432 = arith.constant 0 : i32
          %dma_start3A_433 = arith.constant 0 : i32
          %dma_start3A_434 = arith.constant 0 : i32
          %dma_start3A_435 = tpu.memref_slice %arg9[%dma_start3A_433, %dma_start3A_434] : memref<768x16xf32, #tpu.memory_space<vmem>> -> memref<128x16xf32, #tpu.memory_space<vmem>>
          %dma_start3A_436 = arith.constant 0 : i32
          %dma_start3A_437 = tpu.memref_slice %arg7[%dma_start3A_431, %dma_start3A_432, %dma_start3A_436] : memref<6x3x128xi32, #tpu.memory_space<vmem>> -> memref<1x1x128xi32, #tpu.memory_space<vmem>>
          %dma_start3A_438 = tpu.memref_squeeze %dma_start3A_437 : memref<1x1x128xi32, #tpu.memory_space<vmem>> -> memref<128xi32, #tpu.memory_space<vmem>>
          %dma_start3A_439 = arith.constant 0 : i32
          %dma_start3A_440 = arith.constant 0 : i32
          %dma_start3A_441 = tpu.memref_slice %arg2[%dma_start3A_439, %dma_start3A_440] : memref<100000x16xf32, #tpu.memory_space<hbm>> -> memref<100000x16xf32, #tpu.memory_space<hbm>>
          tpu.enqueue_indirect_dma source(%dma_start3A_441 : memref<100000x16xf32, #tpu.memory_space<hbm>>) target(%dma_start3A_435 : memref<128x16xf32, #tpu.memory_space<vmem>>) offsets(%dma_start3A_438 : memref<128xi32, #tpu.memory_space<vmem>>) semaphore(%arg13 : memref<!tpu.dma_semaphore, #tpu.memory_space<semaphore_mem>>)
          %dma_start3A_442 = arith.constant 1 : i32
          %dma_start3A_443 = arith.constant 0 : i32
          %dma_start3A_444 = arith.constant 128 : i32
          %dma_start3A_445 = arith.constant 0 : i32
          %dma_start3A_446 = tpu.memref_slice %arg9[%dma_start3A_444, %dma_start3A_445] : memref<768x16xf32, #tpu.memory_space<vmem>> -> memref<128x16xf32, #tpu.memory_space<vmem>>
          %dma_start3A_447 = arith.constant 0 : i32
          %dma_start3A_448 = tpu.memref_slice %arg7[%dma_start3A_442, %dma_start3A_443, %dma_start3A_447] : memref<6x3x128xi32, #tpu.memory_space<vmem>> -> memref<1x1x128xi32, #tpu.memory_space<vmem>>
          %dma_start3A_449 = tpu.memref_squeeze %dma_start3A_448 : memref<1x1x128xi32, #tpu.memory_space<vmem>> -> memref<128xi32, #tpu.memory_space<vmem>>
          %dma_start3A_450 = arith.constant 0 : i32
          %dma_start3A_451 = arith.constant 0 : i32
          %dma_start3A_452 = tpu.memref_slice %arg2[%dma_start3A_450, %dma_start3A_451] : memref<100000x16xf32, #tpu.memory_space<hbm>> -> memref<100000x16xf32, #tpu.memory_space<hbm>>
          tpu.enqueue_indirect_dma source(%dma_start3A_452 : memref<100000x16xf32, #tpu.memory_space<hbm>>) target(%dma_start3A_446 : memref<128x16xf32, #tpu.memory_space<vmem>>) offsets(%dma_start3A_449 : memref<128xi32, #tpu.memory_space<vmem>>) semaphore(%arg13 : memref<!tpu.dma_semaphore, #tpu.memory_space<semaphore_mem>>)
          %dma_start3A_453 = arith.constant 2 : i32
          %dma_start3A_454 = arith.constant 0 : i32
          %dma_start3A_455 = arith.constant 256 : i32
          %dma_start3A_456 = arith.constant 0 : i32
          %dma_start3A_457 = tpu.memref_slice %arg9[%dma_start3A_455, %dma_start3A_456] : memref<768x16xf32, #tpu.memory_space<vmem>> -> memref<128x16xf32, #tpu.memory_space<vmem>>
          %dma_start3A_458 = arith.constant 0 : i32
          %dma_start3A_459 = tpu.memref_slice %arg7[%dma_start3A_453, %dma_start3A_454, %dma_start3A_458] : memref<6x3x128xi32, #tpu.memory_space<vmem>> -> memref<1x1x128xi32, #tpu.memory_space<vmem>>
          %dma_start3A_460 = tpu.memref_squeeze %dma_start3A_459 : memref<1x1x128xi32, #tpu.memory_space<vmem>> -> memref<128xi32, #tpu.memory_space<vmem>>
          %dma_start3A_461 = arith.constant 0 : i32
          %dma_start3A_462 = arith.constant 0 : i32
          %dma_start3A_463 = tpu.memref_slice %arg2[%dma_start3A_461, %dma_start3A_462] : memref<100000x16xf32, #tpu.memory_space<hbm>> -> memref<100000x16xf32, #tpu.memory_space<hbm>>
          tpu.enqueue_indirect_dma source(%dma_start3A_463 : memref<100000x16xf32, #tpu.memory_space<hbm>>) target(%dma_start3A_457 : memref<128x16xf32, #tpu.memory_space<vmem>>) offsets(%dma_start3A_460 : memref<128xi32, #tpu.memory_space<vmem>>) semaphore(%arg13 : memref<!tpu.dma_semaphore, #tpu.memory_space<semaphore_mem>>)
          %dma_start3A_464 = arith.constant 3 : i32
          %dma_start3A_465 = arith.constant 0 : i32
          %dma_start3A_466 = arith.constant 384 : i32
          %dma_start3A_467 = arith.constant 0 : i32
          %dma_start3A_468 = tpu.memref_slice %arg9[%dma_start3A_466, %dma_start3A_467] : memref<768x16xf32, #tpu.memory_space<vmem>> -> memref<128x16xf32, #tpu.memory_space<vmem>>
          %dma_start3A_469 = arith.constant 0 : i32
          %dma_start3A_470 = tpu.memref_slice %arg7[%dma_start3A_464, %dma_start3A_465, %dma_start3A_469] : memref<6x3x128xi32, #tpu.memory_space<vmem>> -> memref<1x1x128xi32, #tpu.memory_space<vmem>>
          %dma_start3A_471 = tpu.memref_squeeze %dma_start3A_470 : memref<1x1x128xi32, #tpu.memory_space<vmem>> -> memref<128xi32, #tpu.memory_space<vmem>>
          %dma_start3A_472 = arith.constant 0 : i32
          %dma_start3A_473 = arith.constant 0 : i32
          %dma_start3A_474 = tpu.memref_slice %arg2[%dma_start3A_472, %dma_start3A_473] : memref<100000x16xf32, #tpu.memory_space<hbm>> -> memref<100000x16xf32, #tpu.memory_space<hbm>>
          tpu.enqueue_indirect_dma source(%dma_start3A_474 : memref<100000x16xf32, #tpu.memory_space<hbm>>) target(%dma_start3A_468 : memref<128x16xf32, #tpu.memory_space<vmem>>) offsets(%dma_start3A_471 : memref<128xi32, #tpu.memory_space<vmem>>) semaphore(%arg13 : memref<!tpu.dma_semaphore, #tpu.memory_space<semaphore_mem>>)
          %dma_start3A_475 = arith.constant 4 : i32
          %dma_start3A_476 = arith.constant 0 : i32
          %dma_start3A_477 = arith.constant 512 : i32
          %dma_start3A_478 = arith.constant 0 : i32
          %dma_start3A_479 = tpu.memref_slice %arg9[%dma_start3A_477, %dma_start3A_478] : memref<768x16xf32, #tpu.memory_space<vmem>> -> memref<128x16xf32, #tpu.memory_space<vmem>>
          %dma_start3A_480 = arith.constant 0 : i32
          %dma_start3A_481 = tpu.memref_slice %arg7[%dma_start3A_475, %dma_start3A_476, %dma_start3A_480] : memref<6x3x128xi32, #tpu.memory_space<vmem>> -> memref<1x1x128xi32, #tpu.memory_space<vmem>>
          %dma_start3A_482 = tpu.memref_squeeze %dma_start3A_481 : memref<1x1x128xi32, #tpu.memory_space<vmem>> -> memref<128xi32, #tpu.memory_space<vmem>>
          %dma_start3A_483 = arith.constant 0 : i32
          %dma_start3A_484 = arith.constant 0 : i32
          %dma_start3A_485 = tpu.memref_slice %arg2[%dma_start3A_483, %dma_start3A_484] : memref<100000x16xf32, #tpu.memory_space<hbm>> -> memref<100000x16xf32, #tpu.memory_space<hbm>>
          tpu.enqueue_indirect_dma source(%dma_start3A_485 : memref<100000x16xf32, #tpu.memory_space<hbm>>) target(%dma_start3A_479 : memref<128x16xf32, #tpu.memory_space<vmem>>) offsets(%dma_start3A_482 : memref<128xi32, #tpu.memory_space<vmem>>) semaphore(%arg13 : memref<!tpu.dma_semaphore, #tpu.memory_space<semaphore_mem>>)
          %dma_start3A_486 = arith.constant 5 : i32
          %dma_start3A_487 = arith.constant 0 : i32
          %dma_start3A_488 = arith.constant 640 : i32
          %dma_start3A_489 = arith.constant 0 : i32
          %dma_start3A_490 = tpu.memref_slice %arg9[%dma_start3A_488, %dma_start3A_489] : memref<768x16xf32, #tpu.memory_space<vmem>> -> memref<128x16xf32, #tpu.memory_space<vmem>>
          %dma_start3A_491 = arith.constant 0 : i32
          %dma_start3A_492 = tpu.memref_slice %arg7[%dma_start3A_486, %dma_start3A_487, %dma_start3A_491] : memref<6x3x128xi32, #tpu.memory_space<vmem>> -> memref<1x1x128xi32, #tpu.memory_space<vmem>>
          %dma_start3A_493 = tpu.memref_squeeze %dma_start3A_492 : memref<1x1x128xi32, #tpu.memory_space<vmem>> -> memref<128xi32, #tpu.memory_space<vmem>>
          %dma_start3A_494 = arith.constant 0 : i32
          %dma_start3A_495 = arith.constant 0 : i32
          %dma_start3A_496 = tpu.memref_slice %arg2[%dma_start3A_494, %dma_start3A_495] : memref<100000x16xf32, #tpu.memory_space<hbm>> -> memref<100000x16xf32, #tpu.memory_space<hbm>>
          tpu.enqueue_indirect_dma source(%dma_start3A_496 : memref<100000x16xf32, #tpu.memory_space<hbm>>) target(%dma_start3A_490 : memref<128x16xf32, #tpu.memory_space<vmem>>) offsets(%dma_start3A_493 : memref<128xi32, #tpu.memory_space<vmem>>) semaphore(%arg13 : memref<!tpu.dma_semaphore, #tpu.memory_space<semaphore_mem>>)
        } else {
        }
      } else {
      }
    }
    %scan3A_113 = arith.constant 66 : i32
    %dma_wait3A_114 = arith.constant 0 : i32
    %dma_wait3A_115 = arith.constant 1 : i32
    %dma_wait3A_116 = arith.constant 0 : i32
    %dma_wait3A_117 = arith.constant 0 : i32
    %dma_wait3A_118 = tpu.memref_slice %arg10[%dma_wait3A_116, %dma_wait3A_117] : memref<768x16xf32, #tpu.memory_space<vmem>> -> memref<128x16xf32, #tpu.memory_space<vmem>>
    %dma_wait3A_119 = arith.constant 0 : i32
    %dma_wait3A_120 = tpu.memref_slice %arg8[%dma_wait3A_114, %dma_wait3A_115, %dma_wait3A_119] : memref<6x3x128xi32, #tpu.memory_space<vmem>> -> memref<1x1x128xi32, #tpu.memory_space<vmem>>
    %dma_wait3A_121 = tpu.memref_squeeze %dma_wait3A_120 : memref<1x1x128xi32, #tpu.memory_space<vmem>> -> memref<128xi32, #tpu.memory_space<vmem>>
    %dma_wait3A_122 = arith.constant 0 : i32
    %dma_wait3A_123 = arith.constant 0 : i32
    %dma_wait3A_124 = tpu.memref_slice %arg6[%dma_wait3A_122, %dma_wait3A_123] : memref<100096x16xf32, #tpu.memory_space<vmem_shared>> -> memref<100096x16xf32, #tpu.memory_space<vmem_shared>>
    tpu.wait_indirect_dma semaphore(%arg16 : memref<!tpu.dma_semaphore, #tpu.memory_space<semaphore_mem>>) src(%dma_wait3A_118 : memref<128x16xf32, #tpu.memory_space<vmem>>) dst(%dma_wait3A_124 : memref<100096x16xf32, #tpu.memory_space<vmem_shared>>)
    %dma_wait3A_125 = arith.constant 1 : i32
    %dma_wait3A_126 = arith.constant 1 : i32
    %dma_wait3A_127 = arith.constant 128 : i32
    %dma_wait3A_128 = arith.constant 0 : i32
    %dma_wait3A_129 = tpu.memref_slice %arg10[%dma_wait3A_127, %dma_wait3A_128] : memref<768x16xf32, #tpu.memory_space<vmem>> -> memref<128x16xf32, #tpu.memory_space<vmem>>
    %dma_wait3A_130 = arith.constant 0 : i32
    %dma_wait3A_131 = tpu.memref_slice %arg8[%dma_wait3A_125, %dma_wait3A_126, %dma_wait3A_130] : memref<6x3x128xi32, #tpu.memory_space<vmem>> -> memref<1x1x128xi32, #tpu.memory_space<vmem>>
    %dma_wait3A_132 = tpu.memref_squeeze %dma_wait3A_131 : memref<1x1x128xi32, #tpu.memory_space<vmem>> -> memref<128xi32, #tpu.memory_space<vmem>>
    %dma_wait3A_133 = arith.constant 0 : i32
    %dma_wait3A_134 = arith.constant 0 : i32
    %dma_wait3A_135 = tpu.memref_slice %arg6[%dma_wait3A_133, %dma_wait3A_134] : memref<100096x16xf32, #tpu.memory_space<vmem_shared>> -> memref<100096x16xf32, #tpu.memory_space<vmem_shared>>
    tpu.wait_indirect_dma semaphore(%arg16 : memref<!tpu.dma_semaphore, #tpu.memory_space<semaphore_mem>>) src(%dma_wait3A_129 : memref<128x16xf32, #tpu.memory_space<vmem>>) dst(%dma_wait3A_135 : memref<100096x16xf32, #tpu.memory_space<vmem_shared>>)
    %dma_wait3A_136 = arith.constant 2 : i32
    %dma_wait3A_137 = arith.constant 1 : i32
    %dma_wait3A_138 = arith.constant 256 : i32
    %dma_wait3A_139 = arith.constant 0 : i32
    %dma_wait3A_140 = tpu.memref_slice %arg10[%dma_wait3A_138, %dma_wait3A_139] : memref<768x16xf32, #tpu.memory_space<vmem>> -> memref<128x16xf32, #tpu.memory_space<vmem>>
    %dma_wait3A_141 = arith.constant 0 : i32
    %dma_wait3A_142 = tpu.memref_slice %arg8[%dma_wait3A_136, %dma_wait3A_137, %dma_wait3A_141] : memref<6x3x128xi32, #tpu.memory_space<vmem>> -> memref<1x1x128xi32, #tpu.memory_space<vmem>>
    %dma_wait3A_143 = tpu.memref_squeeze %dma_wait3A_142 : memref<1x1x128xi32, #tpu.memory_space<vmem>> -> memref<128xi32, #tpu.memory_space<vmem>>
    %dma_wait3A_144 = arith.constant 0 : i32
    %dma_wait3A_145 = arith.constant 0 : i32
    %dma_wait3A_146 = tpu.memref_slice %arg6[%dma_wait3A_144, %dma_wait3A_145] : memref<100096x16xf32, #tpu.memory_space<vmem_shared>> -> memref<100096x16xf32, #tpu.memory_space<vmem_shared>>
    tpu.wait_indirect_dma semaphore(%arg16 : memref<!tpu.dma_semaphore, #tpu.memory_space<semaphore_mem>>) src(%dma_wait3A_140 : memref<128x16xf32, #tpu.memory_space<vmem>>) dst(%dma_wait3A_146 : memref<100096x16xf32, #tpu.memory_space<vmem_shared>>)
    %dma_wait3A_147 = arith.constant 3 : i32
    %dma_wait3A_148 = arith.constant 1 : i32
    %dma_wait3A_149 = arith.constant 384 : i32
    %dma_wait3A_150 = arith.constant 0 : i32
    %dma_wait3A_151 = tpu.memref_slice %arg10[%dma_wait3A_149, %dma_wait3A_150] : memref<768x16xf32, #tpu.memory_space<vmem>> -> memref<128x16xf32, #tpu.memory_space<vmem>>
    %dma_wait3A_152 = arith.constant 0 : i32
    %dma_wait3A_153 = tpu.memref_slice %arg8[%dma_wait3A_147, %dma_wait3A_148, %dma_wait3A_152] : memref<6x3x128xi32, #tpu.memory_space<vmem>> -> memref<1x1x128xi32, #tpu.memory_space<vmem>>
    %dma_wait3A_154 = tpu.memref_squeeze %dma_wait3A_153 : memref<1x1x128xi32, #tpu.memory_space<vmem>> -> memref<128xi32, #tpu.memory_space<vmem>>
    %dma_wait3A_155 = arith.constant 0 : i32
    %dma_wait3A_156 = arith.constant 0 : i32
    %dma_wait3A_157 = tpu.memref_slice %arg6[%dma_wait3A_155, %dma_wait3A_156] : memref<100096x16xf32, #tpu.memory_space<vmem_shared>> -> memref<100096x16xf32, #tpu.memory_space<vmem_shared>>
    tpu.wait_indirect_dma semaphore(%arg16 : memref<!tpu.dma_semaphore, #tpu.memory_space<semaphore_mem>>) src(%dma_wait3A_151 : memref<128x16xf32, #tpu.memory_space<vmem>>) dst(%dma_wait3A_157 : memref<100096x16xf32, #tpu.memory_space<vmem_shared>>)
    %dma_wait3A_158 = arith.constant 4 : i32
    %dma_wait3A_159 = arith.constant 1 : i32
    %dma_wait3A_160 = arith.constant 512 : i32
    %dma_wait3A_161 = arith.constant 0 : i32
    %dma_wait3A_162 = tpu.memref_slice %arg10[%dma_wait3A_160, %dma_wait3A_161] : memref<768x16xf32, #tpu.memory_space<vmem>> -> memref<128x16xf32, #tpu.memory_space<vmem>>
    %dma_wait3A_163 = arith.constant 0 : i32
    %dma_wait3A_164 = tpu.memref_slice %arg8[%dma_wait3A_158, %dma_wait3A_159, %dma_wait3A_163] : memref<6x3x128xi32, #tpu.memory_space<vmem>> -> memref<1x1x128xi32, #tpu.memory_space<vmem>>
    %dma_wait3A_165 = tpu.memref_squeeze %dma_wait3A_164 : memref<1x1x128xi32, #tpu.memory_space<vmem>> -> memref<128xi32, #tpu.memory_space<vmem>>
    %dma_wait3A_166 = arith.constant 0 : i32
    %dma_wait3A_167 = arith.constant 0 : i32
    %dma_wait3A_168 = tpu.memref_slice %arg6[%dma_wait3A_166, %dma_wait3A_167] : memref<100096x16xf32, #tpu.memory_space<vmem_shared>> -> memref<100096x16xf32, #tpu.memory_space<vmem_shared>>
    tpu.wait_indirect_dma semaphore(%arg16 : memref<!tpu.dma_semaphore, #tpu.memory_space<semaphore_mem>>) src(%dma_wait3A_162 : memref<128x16xf32, #tpu.memory_space<vmem>>) dst(%dma_wait3A_168 : memref<100096x16xf32, #tpu.memory_space<vmem_shared>>)
    %dma_wait3A_169 = arith.constant 5 : i32
    %dma_wait3A_170 = arith.constant 1 : i32
    %dma_wait3A_171 = arith.constant 640 : i32
    %dma_wait3A_172 = arith.constant 0 : i32
    %dma_wait3A_173 = tpu.memref_slice %arg10[%dma_wait3A_171, %dma_wait3A_172] : memref<768x16xf32, #tpu.memory_space<vmem>> -> memref<128x16xf32, #tpu.memory_space<vmem>>
    %dma_wait3A_174 = arith.constant 0 : i32
    %dma_wait3A_175 = tpu.memref_slice %arg8[%dma_wait3A_169, %dma_wait3A_170, %dma_wait3A_174] : memref<6x3x128xi32, #tpu.memory_space<vmem>> -> memref<1x1x128xi32, #tpu.memory_space<vmem>>
    %dma_wait3A_176 = tpu.memref_squeeze %dma_wait3A_175 : memref<1x1x128xi32, #tpu.memory_space<vmem>> -> memref<128xi32, #tpu.memory_space<vmem>>
    %dma_wait3A_177 = arith.constant 0 : i32
    %dma_wait3A_178 = arith.constant 0 : i32
    %dma_wait3A_179 = tpu.memref_slice %arg6[%dma_wait3A_177, %dma_wait3A_178] : memref<100096x16xf32, #tpu.memory_space<vmem_shared>> -> memref<100096x16xf32, #tpu.memory_space<vmem_shared>>
    tpu.wait_indirect_dma semaphore(%arg16 : memref<!tpu.dma_semaphore, #tpu.memory_space<semaphore_mem>>) src(%dma_wait3A_173 : memref<128x16xf32, #tpu.memory_space<vmem>>) dst(%dma_wait3A_179 : memref<100096x16xf32, #tpu.memory_space<vmem_shared>>)
    %dma_wait3A_180 = arith.constant 0 : i32
    %dma_wait3A_181 = arith.constant 1 : i32
    %dma_wait3A_182 = arith.constant 0 : i32
    %dma_wait3A_183 = arith.constant 0 : i32
    %dma_wait3A_184 = tpu.memref_slice %arg9[%dma_wait3A_182, %dma_wait3A_183] : memref<768x16xf32, #tpu.memory_space<vmem>> -> memref<128x16xf32, #tpu.memory_space<vmem>>
    %dma_wait3A_185 = arith.constant 0 : i32
    %dma_wait3A_186 = tpu.memref_slice %arg7[%dma_wait3A_180, %dma_wait3A_181, %dma_wait3A_185] : memref<6x3x128xi32, #tpu.memory_space<vmem>> -> memref<1x1x128xi32, #tpu.memory_space<vmem>>
    %dma_wait3A_187 = tpu.memref_squeeze %dma_wait3A_186 : memref<1x1x128xi32, #tpu.memory_space<vmem>> -> memref<128xi32, #tpu.memory_space<vmem>>
    %dma_wait3A_188 = arith.constant 0 : i32
    %dma_wait3A_189 = arith.constant 0 : i32
    %dma_wait3A_190 = tpu.memref_slice %arg6[%dma_wait3A_188, %dma_wait3A_189] : memref<100096x16xf32, #tpu.memory_space<vmem_shared>> -> memref<100096x16xf32, #tpu.memory_space<vmem_shared>>
    tpu.wait_indirect_dma semaphore(%arg15 : memref<!tpu.dma_semaphore, #tpu.memory_space<semaphore_mem>>) src(%dma_wait3A_184 : memref<128x16xf32, #tpu.memory_space<vmem>>) dst(%dma_wait3A_190 : memref<100096x16xf32, #tpu.memory_space<vmem_shared>>)
    %dma_wait3A_191 = arith.constant 1 : i32
    %dma_wait3A_192 = arith.constant 1 : i32
    %dma_wait3A_193 = arith.constant 128 : i32
    %dma_wait3A_194 = arith.constant 0 : i32
    %dma_wait3A_195 = tpu.memref_slice %arg9[%dma_wait3A_193, %dma_wait3A_194] : memref<768x16xf32, #tpu.memory_space<vmem>> -> memref<128x16xf32, #tpu.memory_space<vmem>>
    %dma_wait3A_196 = arith.constant 0 : i32
    %dma_wait3A_197 = tpu.memref_slice %arg7[%dma_wait3A_191, %dma_wait3A_192, %dma_wait3A_196] : memref<6x3x128xi32, #tpu.memory_space<vmem>> -> memref<1x1x128xi32, #tpu.memory_space<vmem>>
    %dma_wait3A_198 = tpu.memref_squeeze %dma_wait3A_197 : memref<1x1x128xi32, #tpu.memory_space<vmem>> -> memref<128xi32, #tpu.memory_space<vmem>>
    %dma_wait3A_199 = arith.constant 0 : i32
    %dma_wait3A_200 = arith.constant 0 : i32
    %dma_wait3A_201 = tpu.memref_slice %arg6[%dma_wait3A_199, %dma_wait3A_200] : memref<100096x16xf32, #tpu.memory_space<vmem_shared>> -> memref<100096x16xf32, #tpu.memory_space<vmem_shared>>
    tpu.wait_indirect_dma semaphore(%arg15 : memref<!tpu.dma_semaphore, #tpu.memory_space<semaphore_mem>>) src(%dma_wait3A_195 : memref<128x16xf32, #tpu.memory_space<vmem>>) dst(%dma_wait3A_201 : memref<100096x16xf32, #tpu.memory_space<vmem_shared>>)
    %dma_wait3A_202 = arith.constant 2 : i32
    %dma_wait3A_203 = arith.constant 1 : i32
    %dma_wait3A_204 = arith.constant 256 : i32
    %dma_wait3A_205 = arith.constant 0 : i32
    %dma_wait3A_206 = tpu.memref_slice %arg9[%dma_wait3A_204, %dma_wait3A_205] : memref<768x16xf32, #tpu.memory_space<vmem>> -> memref<128x16xf32, #tpu.memory_space<vmem>>
    %dma_wait3A_207 = arith.constant 0 : i32
    %dma_wait3A_208 = tpu.memref_slice %arg7[%dma_wait3A_202, %dma_wait3A_203, %dma_wait3A_207] : memref<6x3x128xi32, #tpu.memory_space<vmem>> -> memref<1x1x128xi32, #tpu.memory_space<vmem>>
    %dma_wait3A_209 = tpu.memref_squeeze %dma_wait3A_208 : memref<1x1x128xi32, #tpu.memory_space<vmem>> -> memref<128xi32, #tpu.memory_space<vmem>>
    %dma_wait3A_210 = arith.constant 0 : i32
    %dma_wait3A_211 = arith.constant 0 : i32
    %dma_wait3A_212 = tpu.memref_slice %arg6[%dma_wait3A_210, %dma_wait3A_211] : memref<100096x16xf32, #tpu.memory_space<vmem_shared>> -> memref<100096x16xf32, #tpu.memory_space<vmem_shared>>
    tpu.wait_indirect_dma semaphore(%arg15 : memref<!tpu.dma_semaphore, #tpu.memory_space<semaphore_mem>>) src(%dma_wait3A_206 : memref<128x16xf32, #tpu.memory_space<vmem>>) dst(%dma_wait3A_212 : memref<100096x16xf32, #tpu.memory_space<vmem_shared>>)
    %dma_wait3A_213 = arith.constant 3 : i32
    %dma_wait3A_214 = arith.constant 1 : i32
    %dma_wait3A_215 = arith.constant 384 : i32
    %dma_wait3A_216 = arith.constant 0 : i32
    %dma_wait3A_217 = tpu.memref_slice %arg9[%dma_wait3A_215, %dma_wait3A_216] : memref<768x16xf32, #tpu.memory_space<vmem>> -> memref<128x16xf32, #tpu.memory_space<vmem>>
    %dma_wait3A_218 = arith.constant 0 : i32
    %dma_wait3A_219 = tpu.memref_slice %arg7[%dma_wait3A_213, %dma_wait3A_214, %dma_wait3A_218] : memref<6x3x128xi32, #tpu.memory_space<vmem>> -> memref<1x1x128xi32, #tpu.memory_space<vmem>>
    %dma_wait3A_220 = tpu.memref_squeeze %dma_wait3A_219 : memref<1x1x128xi32, #tpu.memory_space<vmem>> -> memref<128xi32, #tpu.memory_space<vmem>>
    %dma_wait3A_221 = arith.constant 0 : i32
    %dma_wait3A_222 = arith.constant 0 : i32
    %dma_wait3A_223 = tpu.memref_slice %arg6[%dma_wait3A_221, %dma_wait3A_222] : memref<100096x16xf32, #tpu.memory_space<vmem_shared>> -> memref<100096x16xf32, #tpu.memory_space<vmem_shared>>
    tpu.wait_indirect_dma semaphore(%arg15 : memref<!tpu.dma_semaphore, #tpu.memory_space<semaphore_mem>>) src(%dma_wait3A_217 : memref<128x16xf32, #tpu.memory_space<vmem>>) dst(%dma_wait3A_223 : memref<100096x16xf32, #tpu.memory_space<vmem_shared>>)
    %dma_wait3A_224 = arith.constant 4 : i32
    %dma_wait3A_225 = arith.constant 1 : i32
    %dma_wait3A_226 = arith.constant 512 : i32
    %dma_wait3A_227 = arith.constant 0 : i32
    %dma_wait3A_228 = tpu.memref_slice %arg9[%dma_wait3A_226, %dma_wait3A_227] : memref<768x16xf32, #tpu.memory_space<vmem>> -> memref<128x16xf32, #tpu.memory_space<vmem>>
    %dma_wait3A_229 = arith.constant 0 : i32
    %dma_wait3A_230 = tpu.memref_slice %arg7[%dma_wait3A_224, %dma_wait3A_225, %dma_wait3A_229] : memref<6x3x128xi32, #tpu.memory_space<vmem>> -> memref<1x1x128xi32, #tpu.memory_space<vmem>>
    %dma_wait3A_231 = tpu.memref_squeeze %dma_wait3A_230 : memref<1x1x128xi32, #tpu.memory_space<vmem>> -> memref<128xi32, #tpu.memory_space<vmem>>
    %dma_wait3A_232 = arith.constant 0 : i32
    %dma_wait3A_233 = arith.constant 0 : i32
    %dma_wait3A_234 = tpu.memref_slice %arg6[%dma_wait3A_232, %dma_wait3A_233] : memref<100096x16xf32, #tpu.memory_space<vmem_shared>> -> memref<100096x16xf32, #tpu.memory_space<vmem_shared>>
    tpu.wait_indirect_dma semaphore(%arg15 : memref<!tpu.dma_semaphore, #tpu.memory_space<semaphore_mem>>) src(%dma_wait3A_228 : memref<128x16xf32, #tpu.memory_space<vmem>>) dst(%dma_wait3A_234 : memref<100096x16xf32, #tpu.memory_space<vmem_shared>>)
    %dma_wait3A_235 = arith.constant 5 : i32
    %dma_wait3A_236 = arith.constant 1 : i32
    %dma_wait3A_237 = arith.constant 640 : i32
    %dma_wait3A_238 = arith.constant 0 : i32
    %dma_wait3A_239 = tpu.memref_slice %arg9[%dma_wait3A_237, %dma_wait3A_238] : memref<768x16xf32, #tpu.memory_space<vmem>> -> memref<128x16xf32, #tpu.memory_space<vmem>>
    %dma_wait3A_240 = arith.constant 0 : i32
    %dma_wait3A_241 = tpu.memref_slice %arg7[%dma_wait3A_235, %dma_wait3A_236, %dma_wait3A_240] : memref<6x3x128xi32, #tpu.memory_space<vmem>> -> memref<1x1x128xi32, #tpu.memory_space<vmem>>
    %dma_wait3A_242 = tpu.memref_squeeze %dma_wait3A_241 : memref<1x1x128xi32, #tpu.memory_space<vmem>> -> memref<128xi32, #tpu.memory_space<vmem>>
    %dma_wait3A_243 = arith.constant 0 : i32
    %dma_wait3A_244 = arith.constant 0 : i32
    %dma_wait3A_245 = tpu.memref_slice %arg6[%dma_wait3A_243, %dma_wait3A_244] : memref<100096x16xf32, #tpu.memory_space<vmem_shared>> -> memref<100096x16xf32, #tpu.memory_space<vmem_shared>>
    tpu.wait_indirect_dma semaphore(%arg15 : memref<!tpu.dma_semaphore, #tpu.memory_space<semaphore_mem>>) src(%dma_wait3A_239 : memref<128x16xf32, #tpu.memory_space<vmem>>) dst(%dma_wait3A_245 : memref<100096x16xf32, #tpu.memory_space<vmem_shared>>)
    %barrier3A_246 = arith.constant 0 : index
    tpu.barrier barrier_id(%barrier3A_246)
    %eq3A = arith.constant 0 : i32
    %eq3A_247 = arith.cmpi eq, %arg0, %eq3A : i32
    %convert_element_type3A = arith.extui %eq3A_247 : i1 to i32
    %cond3A = arith.constant 0 : i32
    %cond3A_248 = arith.cmpi ne, %convert_element_type3A, %cond3A : i32
    scf.if %cond3A_248 {
      "tpu.region"() ({
        %run_scoped3A = tpu.sem_alloc : memref<!tpu.dma_semaphore, #tpu.memory_space<semaphore_mem>>
        %dma_start3A_254 = arith.constant 0 : i32
        %dma_start3A_255 = tpu.memref_slice %arg4[%mul3A_7, %dma_start3A_254] : memref<100096x16xf32, #tpu.memory_space<hbm>> -> memref<6256x16xf32, #tpu.memory_space<hbm>>
        %dma_start3A_256 = arith.constant 0 : i32
        %dma_start3A_257 = tpu.memref_slice %arg6[%mul3A_7, %dma_start3A_256] : memref<100096x16xf32, #tpu.memory_space<vmem_shared>> -> memref<6256x16xf32, #tpu.memory_space<vmem_shared>>
        tpu.enqueue_dma source(%dma_start3A_257 : memref<6256x16xf32, #tpu.memory_space<vmem_shared>>) target(%dma_start3A_255 : memref<6256x16xf32, #tpu.memory_space<hbm>>) target_semaphore(%run_scoped3A : memref<!tpu.dma_semaphore, #tpu.memory_space<semaphore_mem>>)
        %dma_wait3A_258 = arith.constant 0 : i32
        %dma_wait3A_259 = tpu.memref_slice %arg4[%mul3A_7, %dma_wait3A_258] : memref<100096x16xf32, #tpu.memory_space<hbm>> -> memref<6256x16xf32, #tpu.memory_space<hbm>>
        %dma_wait3A_260 = arith.constant 0 : i32
        %dma_wait3A_261 = tpu.memref_slice %arg6[%mul3A_7, %dma_wait3A_260] : memref<100096x16xf32, #tpu.memory_space<vmem_shared>> -> memref<6256x16xf32, #tpu.memory_space<vmem_shared>>
        tpu.wait_dma2 semaphore(%run_scoped3A : memref<!tpu.dma_semaphore, #tpu.memory_space<semaphore_mem>>) src(%dma_wait3A_261 : memref<6256x16xf32, #tpu.memory_space<vmem_shared>>) dst(%dma_wait3A_259 : memref<6256x16xf32, #tpu.memory_space<hbm>>)
        tpu.yield
      }) : () -> ()
    } else {
    }
    %eq3A_249 = arith.constant 1 : i32
    %eq3A_250 = arith.cmpi eq, %arg0, %eq3A_249 : i32
    %convert_element_type3A_251 = arith.extui %eq3A_250 : i1 to i32
    %cond3A_252 = arith.constant 0 : i32
    %cond3A_253 = arith.cmpi ne, %convert_element_type3A_251, %cond3A_252 : i32
    scf.if %cond3A_253 {
      "tpu.region"() ({
        %run_scoped3A = tpu.sem_alloc : memref<!tpu.dma_semaphore, #tpu.memory_space<semaphore_mem>>
        %dma_start3A_254 = arith.constant 0 : i32
        %dma_start3A_255 = tpu.memref_slice %arg5[%mul3A_7, %dma_start3A_254] : memref<100096x16xf32, #tpu.memory_space<hbm>> -> memref<6256x16xf32, #tpu.memory_space<hbm>>
        %dma_start3A_256 = arith.constant 0 : i32
        %dma_start3A_257 = tpu.memref_slice %arg6[%mul3A_7, %dma_start3A_256] : memref<100096x16xf32, #tpu.memory_space<vmem_shared>> -> memref<6256x16xf32, #tpu.memory_space<vmem_shared>>
        tpu.enqueue_dma source(%dma_start3A_257 : memref<6256x16xf32, #tpu.memory_space<vmem_shared>>) target(%dma_start3A_255 : memref<6256x16xf32, #tpu.memory_space<hbm>>) target_semaphore(%run_scoped3A : memref<!tpu.dma_semaphore, #tpu.memory_space<semaphore_mem>>)
        %dma_wait3A_258 = arith.constant 0 : i32
        %dma_wait3A_259 = tpu.memref_slice %arg5[%mul3A_7, %dma_wait3A_258] : memref<100096x16xf32, #tpu.memory_space<hbm>> -> memref<6256x16xf32, #tpu.memory_space<hbm>>
        %dma_wait3A_260 = arith.constant 0 : i32
        %dma_wait3A_261 = tpu.memref_slice %arg6[%mul3A_7, %dma_wait3A_260] : memref<100096x16xf32, #tpu.memory_space<vmem_shared>> -> memref<6256x16xf32, #tpu.memory_space<vmem_shared>>
        tpu.wait_dma2 semaphore(%run_scoped3A : memref<!tpu.dma_semaphore, #tpu.memory_space<semaphore_mem>>) src(%dma_wait3A_261 : memref<6256x16xf32, #tpu.memory_space<vmem_shared>>) dst(%dma_wait3A_259 : memref<6256x16xf32, #tpu.memory_space<hbm>>)
        tpu.yield
      }) : () -> ()
    } else {
    }
    return
  }
}

#map = affine_map<(d0, d1) -> (0, 0)>
#map1 = affine_map<(d0, d1) -> (0, 0, 0)>
module attributes {stable_mosaic.version = 14 : i64} {
  func.func @_sc_body(%arg0: i32, %arg1: i32, %arg2: memref<100000x16xf32, #tpu.memory_space<hbm>>, %arg3: memref<25152x3x128xi32, #tpu.memory_space<hbm>>, %arg4: memref<100096x16xf32, #tpu.memory_space<hbm>>, %arg5: memref<100096x16xf32, #tpu.memory_space<hbm>>, %arg6: memref<100096x16xf32, #tpu.memory_space<vmem_shared>>, %arg7: memref<6x3x128xi32, #tpu.memory_space<vmem>>, %arg8: memref<6x3x128xi32, #tpu.memory_space<vmem>>, %arg9: memref<768x16xf32, #tpu.memory_space<vmem>>, %arg10: memref<768x16xf32, #tpu.memory_space<vmem>>, %arg11: memref<!tpu.dma_semaphore, #tpu.memory_space<semaphore_mem>>, %arg12: memref<!tpu.dma_semaphore, #tpu.memory_space<semaphore_mem>>, %arg13: memref<!tpu.dma_semaphore, #tpu.memory_space<semaphore_mem>>, %arg14: memref<!tpu.dma_semaphore, #tpu.memory_space<semaphore_mem>>, %arg15: memref<!tpu.dma_semaphore, #tpu.memory_space<semaphore_mem>>, %arg16: memref<!tpu.dma_semaphore, #tpu.memory_space<semaphore_mem>>) attributes {dimension_semantics = [#tpu.dimension_semantics<core_parallel>, #tpu.dimension_semantics<subcore_parallel>], iteration_bounds = array<i64: 2, 16>, scalar_prefetch = 0 : i64, scratch_operands = 11 : i64, tpu.core_type = #tpu.core_type<sc_vector_subcore>, window_params = [{transform_indices = #map}, {transform_indices = #map1}, {transform_indices = #map}, {transform_indices = #map}]} {
    %mul3A = arith.constant 16 : i32
    %mul3A_0 = arith.muli %arg0, %mul3A : i32
    %add3A = arith.addi %mul3A_0, %arg1 : i32
    %scan3A = arith.constant 0 : i32
    %scan3A_1 = arith.constant 0 : i32
    %scan3A_2 = arith.constant 768 : i32
    %scan3A_3 = arith.addi %scan3A_1, %scan3A_2 : i32
    %scan3A_4 = arith.constant 8 : i32
    scf.for %scan3A_254 = %scan3A_1 to %scan3A_3 step %scan3A_4  : i32 {
      %broadcast_in_dim3A = arith.constant 0.000000e+00 : f32
      %broadcast_in_dim3A_255 = vector.broadcast %broadcast_in_dim3A : f32 to vector<16xf32>
      %swap3A = arith.index_cast %scan3A_254 : i32 to index
      %swap3A_256 = arith.constant 0 : index
      %swap3A_257 = tpu.vector_load %arg9[%swap3A, %swap3A_256] {strides = array<i32>} : memref<768x16xf32, #tpu.memory_space<vmem>>, vector<1x16xf32>,
      %swap3A_258 = vector.shape_cast %swap3A_257 : vector<1x16xf32> to vector<16xf32>
      %swap3A_259 = vector.shape_cast %broadcast_in_dim3A_255 : vector<16xf32> to vector<1x16xf32>
      tpu.vector_store %arg9[%swap3A, %swap3A_256], %swap3A_259 {strides = array<i32>} : memref<768x16xf32, #tpu.memory_space<vmem>>, vector<1x16xf32>,
      %scan3A_260 = arith.constant 1 : i32
      %scan3A_261 = arith.addi %scan3A_254, %scan3A_260 : i32
      %broadcast_in_dim3A_262 = arith.constant 0.000000e+00 : f32
      %broadcast_in_dim3A_263 = vector.broadcast %broadcast_in_dim3A_262 : f32 to vector<16xf32>
      %swap3A_264 = arith.index_cast %scan3A_261 : i32 to index
      %swap3A_265 = arith.constant 0 : index
      %swap3A_266 = tpu.vector_load %arg9[%swap3A_264, %swap3A_265] {strides = array<i32>} : memref<768x16xf32, #tpu.memory_space<vmem>>, vector<1x16xf32>,
      %swap3A_267 = vector.shape_cast %swap3A_266 : vector<1x16xf32> to vector<16xf32>
      %swap3A_268 = vector.shape_cast %broadcast_in_dim3A_263 : vector<16xf32> to vector<1x16xf32>
      tpu.vector_store %arg9[%swap3A_264, %swap3A_265], %swap3A_268 {strides = array<i32>} : memref<768x16xf32, #tpu.memory_space<vmem>>, vector<1x16xf32>,
      %scan3A_269 = arith.constant 2 : i32
      %scan3A_270 = arith.addi %scan3A_254, %scan3A_269 : i32
      %broadcast_in_dim3A_271 = arith.constant 0.000000e+00 : f32
      %broadcast_in_dim3A_272 = vector.broadcast %broadcast_in_dim3A_271 : f32 to vector<16xf32>
      %swap3A_273 = arith.index_cast %scan3A_270 : i32 to index
      %swap3A_274 = arith.constant 0 : index
      %swap3A_275 = tpu.vector_load %arg9[%swap3A_273, %swap3A_274] {strides = array<i32>} : memref<768x16xf32, #tpu.memory_space<vmem>>, vector<1x16xf32>,
      %swap3A_276 = vector.shape_cast %swap3A_275 : vector<1x16xf32> to vector<16xf32>
      %swap3A_277 = vector.shape_cast %broadcast_in_dim3A_272 : vector<16xf32> to vector<1x16xf32>
      tpu.vector_store %arg9[%swap3A_273, %swap3A_274], %swap3A_277 {strides = array<i32>} : memref<768x16xf32, #tpu.memory_space<vmem>>, vector<1x16xf32>,
      %scan3A_278 = arith.constant 3 : i32
      %scan3A_279 = arith.addi %scan3A_254, %scan3A_278 : i32
      %broadcast_in_dim3A_280 = arith.constant 0.000000e+00 : f32
      %broadcast_in_dim3A_281 = vector.broadcast %broadcast_in_dim3A_280 : f32 to vector<16xf32>
      %swap3A_282 = arith.index_cast %scan3A_279 : i32 to index
      %swap3A_283 = arith.constant 0 : index
      %swap3A_284 = tpu.vector_load %arg9[%swap3A_282, %swap3A_283] {strides = array<i32>} : memref<768x16xf32, #tpu.memory_space<vmem>>, vector<1x16xf32>,
      %swap3A_285 = vector.shape_cast %swap3A_284 : vector<1x16xf32> to vector<16xf32>
      %swap3A_286 = vector.shape_cast %broadcast_in_dim3A_281 : vector<16xf32> to vector<1x16xf32>
      tpu.vector_store %arg9[%swap3A_282, %swap3A_283], %swap3A_286 {strides = array<i32>} : memref<768x16xf32, #tpu.memory_space<vmem>>, vector<1x16xf32>,
      %scan3A_287 = arith.constant 4 : i32
      %scan3A_288 = arith.addi %scan3A_254, %scan3A_287 : i32
      %broadcast_in_dim3A_289 = arith.constant 0.000000e+00 : f32
      %broadcast_in_dim3A_290 = vector.broadcast %broadcast_in_dim3A_289 : f32 to vector<16xf32>
      %swap3A_291 = arith.index_cast %scan3A_288 : i32 to index
      %swap3A_292 = arith.constant 0 : index
      %swap3A_293 = tpu.vector_load %arg9[%swap3A_291, %swap3A_292] {strides = array<i32>} : memref<768x16xf32, #tpu.memory_space<vmem>>, vector<1x16xf32>,
      %swap3A_294 = vector.shape_cast %swap3A_293 : vector<1x16xf32> to vector<16xf32>
      %swap3A_295 = vector.shape_cast %broadcast_in_dim3A_290 : vector<16xf32> to vector<1x16xf32>
      tpu.vector_store %arg9[%swap3A_291, %swap3A_292], %swap3A_295 {strides = array<i32>} : memref<768x16xf32, #tpu.memory_space<vmem>>, vector<1x16xf32>,
      %scan3A_296 = arith.constant 5 : i32
      %scan3A_297 = arith.addi %scan3A_254, %scan3A_296 : i32
      %broadcast_in_dim3A_298 = arith.constant 0.000000e+00 : f32
      %broadcast_in_dim3A_299 = vector.broadcast %broadcast_in_dim3A_298 : f32 to vector<16xf32>
      %swap3A_300 = arith.index_cast %scan3A_297 : i32 to index
      %swap3A_301 = arith.constant 0 : index
      %swap3A_302 = tpu.vector_load %arg9[%swap3A_300, %swap3A_301] {strides = array<i32>} : memref<768x16xf32, #tpu.memory_space<vmem>>, vector<1x16xf32>,
      %swap3A_303 = vector.shape_cast %swap3A_302 : vector<1x16xf32> to vector<16xf32>
      %swap3A_304 = vector.shape_cast %broadcast_in_dim3A_299 : vector<16xf32> to vector<1x16xf32>
      tpu.vector_store %arg9[%swap3A_300, %swap3A_301], %swap3A_304 {strides = array<i32>} : memref<768x16xf32, #tpu.memory_space<vmem>>, vector<1x16xf32>,
      %scan3A_305 = arith.constant 6 : i32
      %scan3A_306 = arith.addi %scan3A_254, %scan3A_305 : i32
      %broadcast_in_dim3A_307 = arith.constant 0.000000e+00 : f32
      %broadcast_in_dim3A_308 = vector.broadcast %broadcast_in_dim3A_307 : f32 to vector<16xf32>
      %swap3A_309 = arith.index_cast %scan3A_306 : i32 to index
      %swap3A_310 = arith.constant 0 : index
      %swap3A_311 = tpu.vector_load %arg9[%swap3A_309, %swap3A_310] {strides = array<i32>} : memref<768x16xf32, #tpu.memory_space<vmem>>, vector<1x16xf32>,
      %swap3A_312 = vector.shape_cast %swap3A_311 : vector<1x16xf32> to vector<16xf32>
      %swap3A_313 = vector.shape_cast %broadcast_in_dim3A_308 : vector<16xf32> to vector<1x16xf32>
      tpu.vector_store %arg9[%swap3A_309, %swap3A_310], %swap3A_313 {strides = array<i32>} : memref<768x16xf32, #tpu.memory_space<vmem>>, vector<1x16xf32>,
      %scan3A_314 = arith.constant 7 : i32
      %scan3A_315 = arith.addi %scan3A_254, %scan3A_314 : i32
      %broadcast_in_dim3A_316 = arith.constant 0.000000e+00 : f32
      %broadcast_in_dim3A_317 = vector.broadcast %broadcast_in_dim3A_316 : f32 to vector<16xf32>
      %swap3A_318 = arith.index_cast %scan3A_315 : i32 to index
      %swap3A_319 = arith.constant 0 : index
      %swap3A_320 = tpu.vector_load %arg9[%swap3A_318, %swap3A_319] {strides = array<i32>} : memref<768x16xf32, #tpu.memory_space<vmem>>, vector<1x16xf32>,
      %swap3A_321 = vector.shape_cast %swap3A_320 : vector<1x16xf32> to vector<16xf32>
      %swap3A_322 = vector.shape_cast %broadcast_in_dim3A_317 : vector<16xf32> to vector<1x16xf32>
      tpu.vector_store %arg9[%swap3A_318, %swap3A_319], %swap3A_322 {strides = array<i32>} : memref<768x16xf32, #tpu.memory_space<vmem>>, vector<1x16xf32>,
    }
    %scan3A_5 = arith.constant 768 : i32
    %mul3A_6 = arith.constant 6256 : i32
    %mul3A_7 = arith.muli %arg1, %mul3A_6 : i32
    %add3A_8 = arith.constant 0 : i32
    %add3A_9 = arith.addi %mul3A_7, %add3A_8 : i32
    "tpu.region"() ({
      %run_scoped3A = tpu.sem_alloc : memref<!tpu.dma_semaphore, #tpu.memory_space<semaphore_mem>>
      %dma_start3A_254 = arith.constant 0 : i32
      %dma_start3A_255 = tpu.memref_slice %arg6[%add3A_9, %dma_start3A_254] : memref<100096x16xf32, #tpu.memory_space<vmem_shared>> -> memref<768x16xf32, #tpu.memory_space<vmem_shared>>
      %dma_start3A_256 = arith.constant 0 : i32
      %dma_start3A_257 = tpu.memref_slice %arg6[%add3A_9, %dma_start3A_256] : memref<100096x16xf32, #tpu.memory_space<vmem_shared>> -> memref<768x16xf32, #tpu.memory_space<vmem_shared>>
      tpu.enqueue_dma source(%arg9 : memref<768x16xf32, #tpu.memory_space<vmem>>) target(%dma_start3A_257 : memref<768x16xf32, #tpu.memory_space<vmem_shared>>) target_semaphore(%run_scoped3A : memref<!tpu.dma_semaphore, #tpu.memory_space<semaphore_mem>>)
      %dma_wait3A_258 = arith.constant 0 : i32
      %dma_wait3A_259 = tpu.memref_slice %arg6[%add3A_9, %dma_wait3A_258] : memref<100096x16xf32, #tpu.memory_space<vmem_shared>> -> memref<768x16xf32, #tpu.memory_space<vmem_shared>>
      %dma_wait3A_260 = arith.constant 0 : i32
      %dma_wait3A_261 = tpu.memref_slice %arg6[%add3A_9, %dma_wait3A_260] : memref<100096x16xf32, #tpu.memory_space<vmem_shared>> -> memref<768x16xf32, #tpu.memory_space<vmem_shared>>
      tpu.wait_dma2 semaphore(%run_scoped3A : memref<!tpu.dma_semaphore, #tpu.memory_space<semaphore_mem>>) src(%arg9 : memref<768x16xf32, #tpu.memory_space<vmem>>) dst(%dma_wait3A_261 : memref<768x16xf32, #tpu.memory_space<vmem_shared>>)
      tpu.yield
    }) : () -> ()
    %add3A_10 = arith.constant 768 : i32
    %add3A_11 = arith.addi %mul3A_7, %add3A_10 : i32
    "tpu.region"() ({
      %run_scoped3A = tpu.sem_alloc : memref<!tpu.dma_semaphore, #tpu.memory_space<semaphore_mem>>
      %dma_start3A_254 = arith.constant 0 : i32
      %dma_start3A_255 = tpu.memref_slice %arg6[%add3A_11, %dma_start3A_254] : memref<100096x16xf32, #tpu.memory_space<vmem_shared>> -> memref<768x16xf32, #tpu.memory_space<vmem_shared>>
      %dma_start3A_256 = arith.constant 0 : i32
      %dma_start3A_257 = tpu.memref_slice %arg6[%add3A_11, %dma_start3A_256] : memref<100096x16xf32, #tpu.memory_space<vmem_shared>> -> memref<768x16xf32, #tpu.memory_space<vmem_shared>>
      tpu.enqueue_dma source(%arg9 : memref<768x16xf32, #tpu.memory_space<vmem>>) target(%dma_start3A_257 : memref<768x16xf32, #tpu.memory_space<vmem_shared>>) target_semaphore(%run_scoped3A : memref<!tpu.dma_semaphore, #tpu.memory_space<semaphore_mem>>)
      %dma_wait3A_258 = arith.constant 0 : i32
      %dma_wait3A_259 = tpu.memref_slice %arg6[%add3A_11, %dma_wait3A_258] : memref<100096x16xf32, #tpu.memory_space<vmem_shared>> -> memref<768x16xf32, #tpu.memory_space<vmem_shared>>
      %dma_wait3A_260 = arith.constant 0 : i32
      %dma_wait3A_261 = tpu.memref_slice %arg6[%add3A_11, %dma_wait3A_260] : memref<100096x16xf32, #tpu.memory_space<vmem_shared>> -> memref<768x16xf32, #tpu.memory_space<vmem_shared>>
      tpu.wait_dma2 semaphore(%run_scoped3A : memref<!tpu.dma_semaphore, #tpu.memory_space<semaphore_mem>>) src(%arg9 : memref<768x16xf32, #tpu.memory_space<vmem>>) dst(%dma_wait3A_261 : memref<768x16xf32, #tpu.memory_space<vmem_shared>>)
      tpu.yield
    }) : () -> ()
    %add3A_12 = arith.constant 1536 : i32
    %add3A_13 = arith.addi %mul3A_7, %add3A_12 : i32
    "tpu.region"() ({
      %run_scoped3A = tpu.sem_alloc : memref<!tpu.dma_semaphore, #tpu.memory_space<semaphore_mem>>
      %dma_start3A_254 = arith.constant 0 : i32
      %dma_start3A_255 = tpu.memref_slice %arg6[%add3A_13, %dma_start3A_254] : memref<100096x16xf32, #tpu.memory_space<vmem_shared>> -> memref<768x16xf32, #tpu.memory_space<vmem_shared>>
      %dma_start3A_256 = arith.constant 0 : i32
      %dma_start3A_257 = tpu.memref_slice %arg6[%add3A_13, %dma_start3A_256] : memref<100096x16xf32, #tpu.memory_space<vmem_shared>> -> memref<768x16xf32, #tpu.memory_space<vmem_shared>>
      tpu.enqueue_dma source(%arg9 : memref<768x16xf32, #tpu.memory_space<vmem>>) target(%dma_start3A_257 : memref<768x16xf32, #tpu.memory_space<vmem_shared>>) target_semaphore(%run_scoped3A : memref<!tpu.dma_semaphore, #tpu.memory_space<semaphore_mem>>)
      %dma_wait3A_258 = arith.constant 0 : i32
      %dma_wait3A_259 = tpu.memref_slice %arg6[%add3A_13, %dma_wait3A_258] : memref<100096x16xf32, #tpu.memory_space<vmem_shared>> -> memref<768x16xf32, #tpu.memory_space<vmem_shared>>
      %dma_wait3A_260 = arith.constant 0 : i32
      %dma_wait3A_261 = tpu.memref_slice %arg6[%add3A_13, %dma_wait3A_260] : memref<100096x16xf32, #tpu.memory_space<vmem_shared>> -> memref<768x16xf32, #tpu.memory_space<vmem_shared>>
      tpu.wait_dma2 semaphore(%run_scoped3A : memref<!tpu.dma_semaphore, #tpu.memory_space<semaphore_mem>>) src(%arg9 : memref<768x16xf32, #tpu.memory_space<vmem>>) dst(%dma_wait3A_261 : memref<768x16xf32, #tpu.memory_space<vmem_shared>>)
      tpu.yield
    }) : () -> ()
    %add3A_14 = arith.constant 2304 : i32
    %add3A_15 = arith.addi %mul3A_7, %add3A_14 : i32
    "tpu.region"() ({
      %run_scoped3A = tpu.sem_alloc : memref<!tpu.dma_semaphore, #tpu.memory_space<semaphore_mem>>
      %dma_start3A_254 = arith.constant 0 : i32
      %dma_start3A_255 = tpu.memref_slice %arg6[%add3A_15, %dma_start3A_254] : memref<100096x16xf32, #tpu.memory_space<vmem_shared>> -> memref<768x16xf32, #tpu.memory_space<vmem_shared>>
      %dma_start3A_256 = arith.constant 0 : i32
      %dma_start3A_257 = tpu.memref_slice %arg6[%add3A_15, %dma_start3A_256] : memref<100096x16xf32, #tpu.memory_space<vmem_shared>> -> memref<768x16xf32, #tpu.memory_space<vmem_shared>>
      tpu.enqueue_dma source(%arg9 : memref<768x16xf32, #tpu.memory_space<vmem>>) target(%dma_start3A_257 : memref<768x16xf32, #tpu.memory_space<vmem_shared>>) target_semaphore(%run_scoped3A : memref<!tpu.dma_semaphore, #tpu.memory_space<semaphore_mem>>)
      %dma_wait3A_258 = arith.constant 0 : i32
      %dma_wait3A_259 = tpu.memref_slice %arg6[%add3A_15, %dma_wait3A_258] : memref<100096x16xf32, #tpu.memory_space<vmem_shared>> -> memref<768x16xf32, #tpu.memory_space<vmem_shared>>
      %dma_wait3A_260 = arith.constant 0 : i32
      %dma_wait3A_261 = tpu.memref_slice %arg6[%add3A_15, %dma_wait3A_260] : memref<100096x16xf32, #tpu.memory_space<vmem_shared>> -> memref<768x16xf32, #tpu.memory_space<vmem_shared>>
      tpu.wait_dma2 semaphore(%run_scoped3A : memref<!tpu.dma_semaphore, #tpu.memory_space<semaphore_mem>>) src(%arg9 : memref<768x16xf32, #tpu.memory_space<vmem>>) dst(%dma_wait3A_261 : memref<768x16xf32, #tpu.memory_space<vmem_shared>>)
      tpu.yield
    }) : () -> ()
    %add3A_16 = arith.constant 3072 : i32
    %add3A_17 = arith.addi %mul3A_7, %add3A_16 : i32
    "tpu.region"() ({
      %run_scoped3A = tpu.sem_alloc : memref<!tpu.dma_semaphore, #tpu.memory_space<semaphore_mem>>
      %dma_start3A_254 = arith.constant 0 : i32
      %dma_start3A_255 = tpu.memref_slice %arg6[%add3A_17, %dma_start3A_254] : memref<100096x16xf32, #tpu.memory_space<vmem_shared>> -> memref<768x16xf32, #tpu.memory_space<vmem_shared>>
      %dma_start3A_256 = arith.constant 0 : i32
      %dma_start3A_257 = tpu.memref_slice %arg6[%add3A_17, %dma_start3A_256] : memref<100096x16xf32, #tpu.memory_space<vmem_shared>> -> memref<768x16xf32, #tpu.memory_space<vmem_shared>>
      tpu.enqueue_dma source(%arg9 : memref<768x16xf32, #tpu.memory_space<vmem>>) target(%dma_start3A_257 : memref<768x16xf32, #tpu.memory_space<vmem_shared>>) target_semaphore(%run_scoped3A : memref<!tpu.dma_semaphore, #tpu.memory_space<semaphore_mem>>)
      %dma_wait3A_258 = arith.constant 0 : i32
      %dma_wait3A_259 = tpu.memref_slice %arg6[%add3A_17, %dma_wait3A_258] : memref<100096x16xf32, #tpu.memory_space<vmem_shared>> -> memref<768x16xf32, #tpu.memory_space<vmem_shared>>
      %dma_wait3A_260 = arith.constant 0 : i32
      %dma_wait3A_261 = tpu.memref_slice %arg6[%add3A_17, %dma_wait3A_260] : memref<100096x16xf32, #tpu.memory_space<vmem_shared>> -> memref<768x16xf32, #tpu.memory_space<vmem_shared>>
      tpu.wait_dma2 semaphore(%run_scoped3A : memref<!tpu.dma_semaphore, #tpu.memory_space<semaphore_mem>>) src(%arg9 : memref<768x16xf32, #tpu.memory_space<vmem>>) dst(%dma_wait3A_261 : memref<768x16xf32, #tpu.memory_space<vmem_shared>>)
      tpu.yield
    }) : () -> ()
    %add3A_18 = arith.constant 3840 : i32
    %add3A_19 = arith.addi %mul3A_7, %add3A_18 : i32
    "tpu.region"() ({
      %run_scoped3A = tpu.sem_alloc : memref<!tpu.dma_semaphore, #tpu.memory_space<semaphore_mem>>
      %dma_start3A_254 = arith.constant 0 : i32
      %dma_start3A_255 = tpu.memref_slice %arg6[%add3A_19, %dma_start3A_254] : memref<100096x16xf32, #tpu.memory_space<vmem_shared>> -> memref<768x16xf32, #tpu.memory_space<vmem_shared>>
      %dma_start3A_256 = arith.constant 0 : i32
      %dma_start3A_257 = tpu.memref_slice %arg6[%add3A_19, %dma_start3A_256] : memref<100096x16xf32, #tpu.memory_space<vmem_shared>> -> memref<768x16xf32, #tpu.memory_space<vmem_shared>>
      tpu.enqueue_dma source(%arg9 : memref<768x16xf32, #tpu.memory_space<vmem>>) target(%dma_start3A_257 : memref<768x16xf32, #tpu.memory_space<vmem_shared>>) target_semaphore(%run_scoped3A : memref<!tpu.dma_semaphore, #tpu.memory_space<semaphore_mem>>)
      %dma_wait3A_258 = arith.constant 0 : i32
      %dma_wait3A_259 = tpu.memref_slice %arg6[%add3A_19, %dma_wait3A_258] : memref<100096x16xf32, #tpu.memory_space<vmem_shared>> -> memref<768x16xf32, #tpu.memory_space<vmem_shared>>
      %dma_wait3A_260 = arith.constant 0 : i32
      %dma_wait3A_261 = tpu.memref_slice %arg6[%add3A_19, %dma_wait3A_260] : memref<100096x16xf32, #tpu.memory_space<vmem_shared>> -> memref<768x16xf32, #tpu.memory_space<vmem_shared>>
      tpu.wait_dma2 semaphore(%run_scoped3A : memref<!tpu.dma_semaphore, #tpu.memory_space<semaphore_mem>>) src(%arg9 : memref<768x16xf32, #tpu.memory_space<vmem>>) dst(%dma_wait3A_261 : memref<768x16xf32, #tpu.memory_space<vmem_shared>>)
      tpu.yield
    }) : () -> ()
    %add3A_20 = arith.constant 4608 : i32
    %add3A_21 = arith.addi %mul3A_7, %add3A_20 : i32
    "tpu.region"() ({
      %run_scoped3A = tpu.sem_alloc : memref<!tpu.dma_semaphore, #tpu.memory_space<semaphore_mem>>
      %dma_start3A_254 = arith.constant 0 : i32
      %dma_start3A_255 = tpu.memref_slice %arg6[%add3A_21, %dma_start3A_254] : memref<100096x16xf32, #tpu.memory_space<vmem_shared>> -> memref<768x16xf32, #tpu.memory_space<vmem_shared>>
      %dma_start3A_256 = arith.constant 0 : i32
      %dma_start3A_257 = tpu.memref_slice %arg6[%add3A_21, %dma_start3A_256] : memref<100096x16xf32, #tpu.memory_space<vmem_shared>> -> memref<768x16xf32, #tpu.memory_space<vmem_shared>>
      tpu.enqueue_dma source(%arg9 : memref<768x16xf32, #tpu.memory_space<vmem>>) target(%dma_start3A_257 : memref<768x16xf32, #tpu.memory_space<vmem_shared>>) target_semaphore(%run_scoped3A : memref<!tpu.dma_semaphore, #tpu.memory_space<semaphore_mem>>)
      %dma_wait3A_258 = arith.constant 0 : i32
      %dma_wait3A_259 = tpu.memref_slice %arg6[%add3A_21, %dma_wait3A_258] : memref<100096x16xf32, #tpu.memory_space<vmem_shared>> -> memref<768x16xf32, #tpu.memory_space<vmem_shared>>
      %dma_wait3A_260 = arith.constant 0 : i32
      %dma_wait3A_261 = tpu.memref_slice %arg6[%add3A_21, %dma_wait3A_260] : memref<100096x16xf32, #tpu.memory_space<vmem_shared>> -> memref<768x16xf32, #tpu.memory_space<vmem_shared>>
      tpu.wait_dma2 semaphore(%run_scoped3A : memref<!tpu.dma_semaphore, #tpu.memory_space<semaphore_mem>>) src(%arg9 : memref<768x16xf32, #tpu.memory_space<vmem>>) dst(%dma_wait3A_261 : memref<768x16xf32, #tpu.memory_space<vmem_shared>>)
      tpu.yield
    }) : () -> ()
    %add3A_22 = arith.constant 5376 : i32
    %add3A_23 = arith.addi %mul3A_7, %add3A_22 : i32
    "tpu.region"() ({
      %run_scoped3A = tpu.sem_alloc : memref<!tpu.dma_semaphore, #tpu.memory_space<semaphore_mem>>
      %dma_start3A_254 = arith.constant 0 : i32
      %dma_start3A_255 = tpu.memref_slice %arg6[%add3A_23, %dma_start3A_254] : memref<100096x16xf32, #tpu.memory_space<vmem_shared>> -> memref<768x16xf32, #tpu.memory_space<vmem_shared>>
      %dma_start3A_256 = arith.constant 0 : i32
      %dma_start3A_257 = tpu.memref_slice %arg6[%add3A_23, %dma_start3A_256] : memref<100096x16xf32, #tpu.memory_space<vmem_shared>> -> memref<768x16xf32, #tpu.memory_space<vmem_shared>>
      tpu.enqueue_dma source(%arg9 : memref<768x16xf32, #tpu.memory_space<vmem>>) target(%dma_start3A_257 : memref<768x16xf32, #tpu.memory_space<vmem_shared>>) target_semaphore(%run_scoped3A : memref<!tpu.dma_semaphore, #tpu.memory_space<semaphore_mem>>)
      %dma_wait3A_258 = arith.constant 0 : i32
      %dma_wait3A_259 = tpu.memref_slice %arg6[%add3A_23, %dma_wait3A_258] : memref<100096x16xf32, #tpu.memory_space<vmem_shared>> -> memref<768x16xf32, #tpu.memory_space<vmem_shared>>
      %dma_wait3A_260 = arith.constant 0 : i32
      %dma_wait3A_261 = tpu.memref_slice %arg6[%add3A_23, %dma_wait3A_260] : memref<100096x16xf32, #tpu.memory_space<vmem_shared>> -> memref<768x16xf32, #tpu.memory_space<vmem_shared>>
      tpu.wait_dma2 semaphore(%run_scoped3A : memref<!tpu.dma_semaphore, #tpu.memory_space<semaphore_mem>>) src(%arg9 : memref<768x16xf32, #tpu.memory_space<vmem>>) dst(%dma_wait3A_261 : memref<768x16xf32, #tpu.memory_space<vmem_shared>>)
      tpu.yield
    }) : () -> ()
    %add3A_24 = arith.constant 6144 : i32
    %add3A_25 = arith.addi %mul3A_7, %add3A_24 : i32
    "tpu.region"() ({
      %run_scoped3A = tpu.sem_alloc : memref<!tpu.dma_semaphore, #tpu.memory_space<semaphore_mem>>
      %dma_start3A_254 = arith.constant 0 : i32
      %dma_start3A_255 = arith.constant 0 : i32
      %dma_start3A_256 = tpu.memref_slice %arg9[%dma_start3A_254, %dma_start3A_255] : memref<768x16xf32, #tpu.memory_space<vmem>> -> memref<112x16xf32, #tpu.memory_space<vmem>>
      %dma_start3A_257 = arith.constant 0 : i32
      %dma_start3A_258 = tpu.memref_slice %arg6[%add3A_25, %dma_start3A_257] : memref<100096x16xf32, #tpu.memory_space<vmem_shared>> -> memref<112x16xf32, #tpu.memory_space<vmem_shared>>
      %dma_start3A_259 = arith.constant 0 : i32
      %dma_start3A_260 = tpu.memref_slice %arg6[%add3A_25, %dma_start3A_259] : memref<100096x16xf32, #tpu.memory_space<vmem_shared>> -> memref<112x16xf32, #tpu.memory_space<vmem_shared>>
      %dma_start3A_261 = arith.constant 0 : i32
      %dma_start3A_262 = arith.constant 0 : i32
      %dma_start3A_263 = tpu.memref_slice %arg9[%dma_start3A_261, %dma_start3A_262] : memref<768x16xf32, #tpu.memory_space<vmem>> -> memref<112x16xf32, #tpu.memory_space<vmem>>
      tpu.enqueue_dma source(%dma_start3A_263 : memref<112x16xf32, #tpu.memory_space<vmem>>) target(%dma_start3A_260 : memref<112x16xf32, #tpu.memory_space<vmem_shared>>) target_semaphore(%run_scoped3A : memref<!tpu.dma_semaphore, #tpu.memory_space<semaphore_mem>>)
      %dma_wait3A_264 = arith.constant 0 : i32
      %dma_wait3A_265 = arith.constant 0 : i32
      %dma_wait3A_266 = tpu.memref_slice %arg9[%dma_wait3A_264, %dma_wait3A_265] : memref<768x16xf32, #tpu.memory_space<vmem>> -> memref<112x16xf32, #tpu.memory_space<vmem>>
      %dma_wait3A_267 = arith.constant 0 : i32
      %dma_wait3A_268 = tpu.memref_slice %arg6[%add3A_25, %dma_wait3A_267] : memref<100096x16xf32, #tpu.memory_space<vmem_shared>> -> memref<112x16xf32, #tpu.memory_space<vmem_shared>>
      %dma_wait3A_269 = arith.constant 0 : i32
      %dma_wait3A_270 = tpu.memref_slice %arg6[%add3A_25, %dma_wait3A_269] : memref<100096x16xf32, #tpu.memory_space<vmem_shared>> -> memref<112x16xf32, #tpu.memory_space<vmem_shared>>
      %dma_wait3A_271 = arith.constant 0 : i32
      %dma_wait3A_272 = arith.constant 0 : i32
      %dma_wait3A_273 = tpu.memref_slice %arg9[%dma_wait3A_271, %dma_wait3A_272] : memref<768x16xf32, #tpu.memory_space<vmem>> -> memref<112x16xf32, #tpu.memory_space<vmem>>
      tpu.wait_dma2 semaphore(%run_scoped3A : memref<!tpu.dma_semaphore, #tpu.memory_space<semaphore_mem>>) src(%dma_wait3A_273 : memref<112x16xf32, #tpu.memory_space<vmem>>) dst(%dma_wait3A_270 : memref<112x16xf32, #tpu.memory_space<vmem_shared>>)
      tpu.yield
    }) : () -> ()
    %barrier3A = arith.constant 0 : index
    tpu.barrier barrier_id(%barrier3A)
    %mul3A_26 = arith.constant 786 : i32
    %mul3A_27 = arith.muli %add3A, %mul3A_26 : i32
    %add3A_28 = arith.constant 0 : i32
    %add3A_29 = arith.addi %mul3A_27, %add3A_28 : i32
    %dma_start3A = arith.constant 0 : i32
    %dma_start3A_30 = arith.constant 0 : i32
    %dma_start3A_31 = tpu.memref_slice %arg3[%add3A_29, %dma_start3A, %dma_start3A_30] : memref<25152x3x128xi32, #tpu.memory_space<hbm>> -> memref<6x3x128xi32, #tpu.memory_space<hbm>>
    %dma_start3A_32 = arith.constant 0 : i32
    %dma_start3A_33 = arith.constant 0 : i32
    %dma_start3A_34 = tpu.memref_slice %arg3[%add3A_29, %dma_start3A_32, %dma_start3A_33] : memref<25152x3x128xi32, #tpu.memory_space<hbm>> -> memref<6x3x128xi32, #tpu.memory_space<hbm>>
    tpu.enqueue_dma source(%dma_start3A_34 : memref<6x3x128xi32, #tpu.memory_space<hbm>>) target(%arg7 : memref<6x3x128xi32, #tpu.memory_space<vmem>>) target_semaphore(%arg11 : memref<!tpu.dma_semaphore, #tpu.memory_space<semaphore_mem>>)
    %add3A_35 = arith.constant 0 : i32
    %add3A_36 = arith.addi %mul3A_27, %add3A_35 : i32
    %dma_wait3A = arith.constant 0 : i32
    %dma_wait3A_37 = arith.constant 0 : i32
    %dma_wait3A_38 = tpu.memref_slice %arg3[%add3A_36, %dma_wait3A, %dma_wait3A_37] : memref<25152x3x128xi32, #tpu.memory_space<hbm>> -> memref<6x3x128xi32, #tpu.memory_space<hbm>>
    %dma_wait3A_39 = arith.constant 0 : i32
    %dma_wait3A_40 = arith.constant 0 : i32
    %dma_wait3A_41 = tpu.memref_slice %arg3[%add3A_36, %dma_wait3A_39, %dma_wait3A_40] : memref<25152x3x128xi32, #tpu.memory_space<hbm>> -> memref<6x3x128xi32, #tpu.memory_space<hbm>>
    tpu.wait_dma2 semaphore(%arg11 : memref<!tpu.dma_semaphore, #tpu.memory_space<semaphore_mem>>) src(%dma_wait3A_41 : memref<6x3x128xi32, #tpu.memory_space<hbm>>) dst(%arg7 : memref<6x3x128xi32, #tpu.memory_space<vmem>>)
    %dma_start3A_42 = arith.constant 0 : i32
    %dma_start3A_43 = arith.constant 0 : i32
    %dma_start3A_44 = arith.constant 0 : i32
    %dma_start3A_45 = arith.constant 0 : i32
    %dma_start3A_46 = tpu.memref_slice %arg9[%dma_start3A_44, %dma_start3A_45] : memref<768x16xf32, #tpu.memory_space<vmem>> -> memref<128x16xf32, #tpu.memory_space<vmem>>
    %dma_start3A_47 = arith.constant 0 : i32
    %dma_start3A_48 = tpu.memref_slice %arg7[%dma_start3A_42, %dma_start3A_43, %dma_start3A_47] : memref<6x3x128xi32, #tpu.memory_space<vmem>> -> memref<1x1x128xi32, #tpu.memory_space<vmem>>
    %dma_start3A_49 = tpu.memref_squeeze %dma_start3A_48 : memref<1x1x128xi32, #tpu.memory_space<vmem>> -> memref<128xi32, #tpu.memory_space<vmem>>
    %dma_start3A_50 = arith.constant 0 : i32
    %dma_start3A_51 = arith.constant 0 : i32
    %dma_start3A_52 = tpu.memref_slice %arg2[%dma_start3A_50, %dma_start3A_51] : memref<100000x16xf32, #tpu.memory_space<hbm>> -> memref<100000x16xf32, #tpu.memory_space<hbm>>
    tpu.enqueue_indirect_dma source(%dma_start3A_52 : memref<100000x16xf32, #tpu.memory_space<hbm>>) target(%dma_start3A_46 : memref<128x16xf32, #tpu.memory_space<vmem>>) offsets(%dma_start3A_49 : memref<128xi32, #tpu.memory_space<vmem>>) semaphore(%arg13 : memref<!tpu.dma_semaphore, #tpu.memory_space<semaphore_mem>>)
    %dma_start3A_53 = arith.constant 1 : i32
    %dma_start3A_54 = arith.constant 0 : i32
    %dma_start3A_55 = arith.constant 128 : i32
    %dma_start3A_56 = arith.constant 0 : i32
    %dma_start3A_57 = tpu.memref_slice %arg9[%dma_start3A_55, %dma_start3A_56] : memref<768x16xf32, #tpu.memory_space<vmem>> -> memref<128x16xf32, #tpu.memory_space<vmem>>
    %dma_start3A_58 = arith.constant 0 : i32
    %dma_start3A_59 = tpu.memref_slice %arg7[%dma_start3A_53, %dma_start3A_54, %dma_start3A_58] : memref<6x3x128xi32, #tpu.memory_space<vmem>> -> memref<1x1x128xi32, #tpu.memory_space<vmem>>
    %dma_start3A_60 = tpu.memref_squeeze %dma_start3A_59 : memref<1x1x128xi32, #tpu.memory_space<vmem>> -> memref<128xi32, #tpu.memory_space<vmem>>
    %dma_start3A_61 = arith.constant 0 : i32
    %dma_start3A_62 = arith.constant 0 : i32
    %dma_start3A_63 = tpu.memref_slice %arg2[%dma_start3A_61, %dma_start3A_62] : memref<100000x16xf32, #tpu.memory_space<hbm>> -> memref<100000x16xf32, #tpu.memory_space<hbm>>
    tpu.enqueue_indirect_dma source(%dma_start3A_63 : memref<100000x16xf32, #tpu.memory_space<hbm>>) target(%dma_start3A_57 : memref<128x16xf32, #tpu.memory_space<vmem>>) offsets(%dma_start3A_60 : memref<128xi32, #tpu.memory_space<vmem>>) semaphore(%arg13 : memref<!tpu.dma_semaphore, #tpu.memory_space<semaphore_mem>>)
    %dma_start3A_64 = arith.constant 2 : i32
    %dma_start3A_65 = arith.constant 0 : i32
    %dma_start3A_66 = arith.constant 256 : i32
    %dma_start3A_67 = arith.constant 0 : i32
    %dma_start3A_68 = tpu.memref_slice %arg9[%dma_start3A_66, %dma_start3A_67] : memref<768x16xf32, #tpu.memory_space<vmem>> -> memref<128x16xf32, #tpu.memory_space<vmem>>
    %dma_start3A_69 = arith.constant 0 : i32
    %dma_start3A_70 = tpu.memref_slice %arg7[%dma_start3A_64, %dma_start3A_65, %dma_start3A_69] : memref<6x3x128xi32, #tpu.memory_space<vmem>> -> memref<1x1x128xi32, #tpu.memory_space<vmem>>
    %dma_start3A_71 = tpu.memref_squeeze %dma_start3A_70 : memref<1x1x128xi32, #tpu.memory_space<vmem>> -> memref<128xi32, #tpu.memory_space<vmem>>
    %dma_start3A_72 = arith.constant 0 : i32
    %dma_start3A_73 = arith.constant 0 : i32
    %dma_start3A_74 = tpu.memref_slice %arg2[%dma_start3A_72, %dma_start3A_73] : memref<100000x16xf32, #tpu.memory_space<hbm>> -> memref<100000x16xf32, #tpu.memory_space<hbm>>
    tpu.enqueue_indirect_dma source(%dma_start3A_74 : memref<100000x16xf32, #tpu.memory_space<hbm>>) target(%dma_start3A_68 : memref<128x16xf32, #tpu.memory_space<vmem>>) offsets(%dma_start3A_71 : memref<128xi32, #tpu.memory_space<vmem>>) semaphore(%arg13 : memref<!tpu.dma_semaphore, #tpu.memory_space<semaphore_mem>>)
    %dma_start3A_75 = arith.constant 3 : i32
    %dma_start3A_76 = arith.constant 0 : i32
    %dma_start3A_77 = arith.constant 384 : i32
    %dma_start3A_78 = arith.constant 0 : i32
    %dma_start3A_79 = tpu.memref_slice %arg9[%dma_start3A_77, %dma_start3A_78] : memref<768x16xf32, #tpu.memory_space<vmem>> -> memref<128x16xf32, #tpu.memory_space<vmem>>
    %dma_start3A_80 = arith.constant 0 : i32
    %dma_start3A_81 = tpu.memref_slice %arg7[%dma_start3A_75, %dma_start3A_76, %dma_start3A_80] : memref<6x3x128xi32, #tpu.memory_space<vmem>> -> memref<1x1x128xi32, #tpu.memory_space<vmem>>
    %dma_start3A_82 = tpu.memref_squeeze %dma_start3A_81 : memref<1x1x128xi32, #tpu.memory_space<vmem>> -> memref<128xi32, #tpu.memory_space<vmem>>
    %dma_start3A_83 = arith.constant 0 : i32
    %dma_start3A_84 = arith.constant 0 : i32
    %dma_start3A_85 = tpu.memref_slice %arg2[%dma_start3A_83, %dma_start3A_84] : memref<100000x16xf32, #tpu.memory_space<hbm>> -> memref<100000x16xf32, #tpu.memory_space<hbm>>
    tpu.enqueue_indirect_dma source(%dma_start3A_85 : memref<100000x16xf32, #tpu.memory_space<hbm>>) target(%dma_start3A_79 : memref<128x16xf32, #tpu.memory_space<vmem>>) offsets(%dma_start3A_82 : memref<128xi32, #tpu.memory_space<vmem>>) semaphore(%arg13 : memref<!tpu.dma_semaphore, #tpu.memory_space<semaphore_mem>>)
    %dma_start3A_86 = arith.constant 4 : i32
    %dma_start3A_87 = arith.constant 0 : i32
    %dma_start3A_88 = arith.constant 512 : i32
    %dma_start3A_89 = arith.constant 0 : i32
    %dma_start3A_90 = tpu.memref_slice %arg9[%dma_start3A_88, %dma_start3A_89] : memref<768x16xf32, #tpu.memory_space<vmem>> -> memref<128x16xf32, #tpu.memory_space<vmem>>
    %dma_start3A_91 = arith.constant 0 : i32
    %dma_start3A_92 = tpu.memref_slice %arg7[%dma_start3A_86, %dma_start3A_87, %dma_start3A_91] : memref<6x3x128xi32, #tpu.memory_space<vmem>> -> memref<1x1x128xi32, #tpu.memory_space<vmem>>
    %dma_start3A_93 = tpu.memref_squeeze %dma_start3A_92 : memref<1x1x128xi32, #tpu.memory_space<vmem>> -> memref<128xi32, #tpu.memory_space<vmem>>
    %dma_start3A_94 = arith.constant 0 : i32
    %dma_start3A_95 = arith.constant 0 : i32
    %dma_start3A_96 = tpu.memref_slice %arg2[%dma_start3A_94, %dma_start3A_95] : memref<100000x16xf32, #tpu.memory_space<hbm>> -> memref<100000x16xf32, #tpu.memory_space<hbm>>
    tpu.enqueue_indirect_dma source(%dma_start3A_96 : memref<100000x16xf32, #tpu.memory_space<hbm>>) target(%dma_start3A_90 : memref<128x16xf32, #tpu.memory_space<vmem>>) offsets(%dma_start3A_93 : memref<128xi32, #tpu.memory_space<vmem>>) semaphore(%arg13 : memref<!tpu.dma_semaphore, #tpu.memory_space<semaphore_mem>>)
    %dma_start3A_97 = arith.constant 5 : i32
    %dma_start3A_98 = arith.constant 0 : i32
    %dma_start3A_99 = arith.constant 640 : i32
    %dma_start3A_100 = arith.constant 0 : i32
    %dma_start3A_101 = tpu.memref_slice %arg9[%dma_start3A_99, %dma_start3A_100] : memref<768x16xf32, #tpu.memory_space<vmem>> -> memref<128x16xf32, #tpu.memory_space<vmem>>
    %dma_start3A_102 = arith.constant 0 : i32
    %dma_start3A_103 = tpu.memref_slice %arg7[%dma_start3A_97, %dma_start3A_98, %dma_start3A_102] : memref<6x3x128xi32, #tpu.memory_space<vmem>> -> memref<1x1x128xi32, #tpu.memory_space<vmem>>
    %dma_start3A_104 = tpu.memref_squeeze %dma_start3A_103 : memref<1x1x128xi32, #tpu.memory_space<vmem>> -> memref<128xi32, #tpu.memory_space<vmem>>
    %dma_start3A_105 = arith.constant 0 : i32
    %dma_start3A_106 = arith.constant 0 : i32
    %dma_start3A_107 = tpu.memref_slice %arg2[%dma_start3A_105, %dma_start3A_106] : memref<100000x16xf32, #tpu.memory_space<hbm>> -> memref<100000x16xf32, #tpu.memory_space<hbm>>
    tpu.enqueue_indirect_dma source(%dma_start3A_107 : memref<100000x16xf32, #tpu.memory_space<hbm>>) target(%dma_start3A_101 : memref<128x16xf32, #tpu.memory_space<vmem>>) offsets(%dma_start3A_104 : memref<128xi32, #tpu.memory_space<vmem>>) semaphore(%arg13 : memref<!tpu.dma_semaphore, #tpu.memory_space<semaphore_mem>>)
    %scan3A_108 = arith.constant 0 : i32
    %scan3A_109 = arith.constant 0 : i32
    %scan3A_110 = arith.constant 66 : i32
    %scan3A_111 = arith.addi %scan3A_109, %scan3A_110 : i32
    %scan3A_112 = arith.constant 1 : i32
    scf.for %scan3A_254 = %scan3A_109 to %scan3A_111 step %scan3A_112  : i32 {
      %mul3A_255 = arith.constant 2 : i32
      %mul3A_256 = arith.muli %mul3A_255, %scan3A_254 : i32
      %add3A_257 = arith.constant 0 : i32
      %add3A_258 = arith.addi %mul3A_256, %add3A_257 : i32
      %lt3A = arith.constant 131 : i32
      %lt3A_259 = arith.cmpi slt, %add3A_258, %lt3A : i32
      %convert_element_type3A_260 = arith.extui %lt3A_259 : i1 to i32
      %cond3A_261 = arith.constant 0 : i32
      %cond3A_262 = arith.cmpi ne, %convert_element_type3A_260, %cond3A_261 : i32
      scf.if %cond3A_262 {
        %add3A_272 = arith.constant 1 : i32
        %add3A_273 = arith.addi %add3A_258, %add3A_272 : i32
        %lt3A_274 = arith.constant 131 : i32
        %lt3A_275 = arith.cmpi slt, %add3A_273, %lt3A_274 : i32
        %convert_element_type3A_276 = arith.extui %lt3A_275 : i1 to i32
        %cond3A_277 = arith.constant 0 : i32
        %cond3A_278 = arith.cmpi ne, %convert_element_type3A_276, %cond3A_277 : i32
        scf.if %cond3A_278 {
          %gt3A = arith.constant 0 : i32
          %gt3A_420 = arith.cmpi sgt, %add3A_258, %gt3A : i32
          %convert_element_type3A_421 = arith.extui %gt3A_420 : i1 to i32
          %cond3A_422 = arith.constant 0 : i32
          %cond3A_423 = arith.cmpi ne, %convert_element_type3A_421, %cond3A_422 : i32
          scf.if %cond3A_423 {
            %dma_wait3A_435 = arith.constant 0 : i32
            %dma_wait3A_436 = arith.constant 1 : i32
            %dma_wait3A_437 = arith.constant 0 : i32
            %dma_wait3A_438 = arith.constant 0 : i32
            %dma_wait3A_439 = tpu.memref_slice %arg10[%dma_wait3A_437, %dma_wait3A_438] : memref<768x16xf32, #tpu.memory_space<vmem>> -> memref<128x16xf32, #tpu.memory_space<vmem>>
            %dma_wait3A_440 = arith.constant 0 : i32
            %dma_wait3A_441 = tpu.memref_slice %arg8[%dma_wait3A_435, %dma_wait3A_436, %dma_wait3A_440] : memref<6x3x128xi32, #tpu.memory_space<vmem>> -> memref<1x1x128xi32, #tpu.memory_space<vmem>>
            %dma_wait3A_442 = tpu.memref_squeeze %dma_wait3A_441 : memref<1x1x128xi32, #tpu.memory_space<vmem>> -> memref<128xi32, #tpu.memory_space<vmem>>
            %dma_wait3A_443 = arith.constant 0 : i32
            %dma_wait3A_444 = arith.constant 0 : i32
            %dma_wait3A_445 = tpu.memref_slice %arg6[%dma_wait3A_443, %dma_wait3A_444] : memref<100096x16xf32, #tpu.memory_space<vmem_shared>> -> memref<100096x16xf32, #tpu.memory_space<vmem_shared>>
            tpu.wait_indirect_dma semaphore(%arg16 : memref<!tpu.dma_semaphore, #tpu.memory_space<semaphore_mem>>) src(%dma_wait3A_439 : memref<128x16xf32, #tpu.memory_space<vmem>>) dst(%dma_wait3A_445 : memref<100096x16xf32, #tpu.memory_space<vmem_shared>>)
            %dma_wait3A_446 = arith.constant 1 : i32
            %dma_wait3A_447 = arith.constant 1 : i32
            %dma_wait3A_448 = arith.constant 128 : i32
            %dma_wait3A_449 = arith.constant 0 : i32
            %dma_wait3A_450 = tpu.memref_slice %arg10[%dma_wait3A_448, %dma_wait3A_449] : memref<768x16xf32, #tpu.memory_space<vmem>> -> memref<128x16xf32, #tpu.memory_space<vmem>>
            %dma_wait3A_451 = arith.constant 0 : i32
            %dma_wait3A_452 = tpu.memref_slice %arg8[%dma_wait3A_446, %dma_wait3A_447, %dma_wait3A_451] : memref<6x3x128xi32, #tpu.memory_space<vmem>> -> memref<1x1x128xi32, #tpu.memory_space<vmem>>
            %dma_wait3A_453 = tpu.memref_squeeze %dma_wait3A_452 : memref<1x1x128xi32, #tpu.memory_space<vmem>> -> memref<128xi32, #tpu.memory_space<vmem>>
            %dma_wait3A_454 = arith.constant 0 : i32
            %dma_wait3A_455 = arith.constant 0 : i32
            %dma_wait3A_456 = tpu.memref_slice %arg6[%dma_wait3A_454, %dma_wait3A_455] : memref<100096x16xf32, #tpu.memory_space<vmem_shared>> -> memref<100096x16xf32, #tpu.memory_space<vmem_shared>>
            tpu.wait_indirect_dma semaphore(%arg16 : memref<!tpu.dma_semaphore, #tpu.memory_space<semaphore_mem>>) src(%dma_wait3A_450 : memref<128x16xf32, #tpu.memory_space<vmem>>) dst(%dma_wait3A_456 : memref<100096x16xf32, #tpu.memory_space<vmem_shared>>)
            %dma_wait3A_457 = arith.constant 2 : i32
            %dma_wait3A_458 = arith.constant 1 : i32
            %dma_wait3A_459 = arith.constant 256 : i32
            %dma_wait3A_460 = arith.constant 0 : i32
            %dma_wait3A_461 = tpu.memref_slice %arg10[%dma_wait3A_459, %dma_wait3A_460] : memref<768x16xf32, #tpu.memory_space<vmem>> -> memref<128x16xf32, #tpu.memory_space<vmem>>
            %dma_wait3A_462 = arith.constant 0 : i32
            %dma_wait3A_463 = tpu.memref_slice %arg8[%dma_wait3A_457, %dma_wait3A_458, %dma_wait3A_462] : memref<6x3x128xi32, #tpu.memory_space<vmem>> -> memref<1x1x128xi32, #tpu.memory_space<vmem>>
            %dma_wait3A_464 = tpu.memref_squeeze %dma_wait3A_463 : memref<1x1x128xi32, #tpu.memory_space<vmem>> -> memref<128xi32, #tpu.memory_space<vmem>>
            %dma_wait3A_465 = arith.constant 0 : i32
            %dma_wait3A_466 = arith.constant 0 : i32
            %dma_wait3A_467 = tpu.memref_slice %arg6[%dma_wait3A_465, %dma_wait3A_466] : memref<100096x16xf32, #tpu.memory_space<vmem_shared>> -> memref<100096x16xf32, #tpu.memory_space<vmem_shared>>
            tpu.wait_indirect_dma semaphore(%arg16 : memref<!tpu.dma_semaphore, #tpu.memory_space<semaphore_mem>>) src(%dma_wait3A_461 : memref<128x16xf32, #tpu.memory_space<vmem>>) dst(%dma_wait3A_467 : memref<100096x16xf32, #tpu.memory_space<vmem_shared>>)
            %dma_wait3A_468 = arith.constant 3 : i32
            %dma_wait3A_469 = arith.constant 1 : i32
            %dma_wait3A_470 = arith.constant 384 : i32
            %dma_wait3A_471 = arith.constant 0 : i32
            %dma_wait3A_472 = tpu.memref_slice %arg10[%dma_wait3A_470, %dma_wait3A_471] : memref<768x16xf32, #tpu.memory_space<vmem>> -> memref<128x16xf32, #tpu.memory_space<vmem>>
            %dma_wait3A_473 = arith.constant 0 : i32
            %dma_wait3A_474 = tpu.memref_slice %arg8[%dma_wait3A_468, %dma_wait3A_469, %dma_wait3A_473] : memref<6x3x128xi32, #tpu.memory_space<vmem>> -> memref<1x1x128xi32, #tpu.memory_space<vmem>>
            %dma_wait3A_475 = tpu.memref_squeeze %dma_wait3A_474 : memref<1x1x128xi32, #tpu.memory_space<vmem>> -> memref<128xi32, #tpu.memory_space<vmem>>
            %dma_wait3A_476 = arith.constant 0 : i32
            %dma_wait3A_477 = arith.constant 0 : i32
            %dma_wait3A_478 = tpu.memref_slice %arg6[%dma_wait3A_476, %dma_wait3A_477] : memref<100096x16xf32, #tpu.memory_space<vmem_shared>> -> memref<100096x16xf32, #tpu.memory_space<vmem_shared>>
            tpu.wait_indirect_dma semaphore(%arg16 : memref<!tpu.dma_semaphore, #tpu.memory_space<semaphore_mem>>) src(%dma_wait3A_472 : memref<128x16xf32, #tpu.memory_space<vmem>>) dst(%dma_wait3A_478 : memref<100096x16xf32, #tpu.memory_space<vmem_shared>>)
            %dma_wait3A_479 = arith.constant 4 : i32
            %dma_wait3A_480 = arith.constant 1 : i32
            %dma_wait3A_481 = arith.constant 512 : i32
            %dma_wait3A_482 = arith.constant 0 : i32
            %dma_wait3A_483 = tpu.memref_slice %arg10[%dma_wait3A_481, %dma_wait3A_482] : memref<768x16xf32, #tpu.memory_space<vmem>> -> memref<128x16xf32, #tpu.memory_space<vmem>>
            %dma_wait3A_484 = arith.constant 0 : i32
            %dma_wait3A_485 = tpu.memref_slice %arg8[%dma_wait3A_479, %dma_wait3A_480, %dma_wait3A_484] : memref<6x3x128xi32, #tpu.memory_space<vmem>> -> memref<1x1x128xi32, #tpu.memory_space<vmem>>
            %dma_wait3A_486 = tpu.memref_squeeze %dma_wait3A_485 : memref<1x1x128xi32, #tpu.memory_space<vmem>> -> memref<128xi32, #tpu.memory_space<vmem>>
            %dma_wait3A_487 = arith.constant 0 : i32
            %dma_wait3A_488 = arith.constant 0 : i32
            %dma_wait3A_489 = tpu.memref_slice %arg6[%dma_wait3A_487, %dma_wait3A_488] : memref<100096x16xf32, #tpu.memory_space<vmem_shared>> -> memref<100096x16xf32, #tpu.memory_space<vmem_shared>>
            tpu.wait_indirect_dma semaphore(%arg16 : memref<!tpu.dma_semaphore, #tpu.memory_space<semaphore_mem>>) src(%dma_wait3A_483 : memref<128x16xf32, #tpu.memory_space<vmem>>) dst(%dma_wait3A_489 : memref<100096x16xf32, #tpu.memory_space<vmem_shared>>)
            %dma_wait3A_490 = arith.constant 5 : i32
            %dma_wait3A_491 = arith.constant 1 : i32
            %dma_wait3A_492 = arith.constant 640 : i32
            %dma_wait3A_493 = arith.constant 0 : i32
            %dma_wait3A_494 = tpu.memref_slice %arg10[%dma_wait3A_492, %dma_wait3A_493] : memref<768x16xf32, #tpu.memory_space<vmem>> -> memref<128x16xf32, #tpu.memory_space<vmem>>
            %dma_wait3A_495 = arith.constant 0 : i32
            %dma_wait3A_496 = tpu.memref_slice %arg8[%dma_wait3A_490, %dma_wait3A_491, %dma_wait3A_495] : memref<6x3x128xi32, #tpu.memory_space<vmem>> -> memref<1x1x128xi32, #tpu.memory_space<vmem>>
            %dma_wait3A_497 = tpu.memref_squeeze %dma_wait3A_496 : memref<1x1x128xi32, #tpu.memory_space<vmem>> -> memref<128xi32, #tpu.memory_space<vmem>>
            %dma_wait3A_498 = arith.constant 0 : i32
            %dma_wait3A_499 = arith.constant 0 : i32
            %dma_wait3A_500 = tpu.memref_slice %arg6[%dma_wait3A_498, %dma_wait3A_499] : memref<100096x16xf32, #tpu.memory_space<vmem_shared>> -> memref<100096x16xf32, #tpu.memory_space<vmem_shared>>
            tpu.wait_indirect_dma semaphore(%arg16 : memref<!tpu.dma_semaphore, #tpu.memory_space<semaphore_mem>>) src(%dma_wait3A_494 : memref<128x16xf32, #tpu.memory_space<vmem>>) dst(%dma_wait3A_500 : memref<100096x16xf32, #tpu.memory_space<vmem_shared>>)
          } else {
          }
          %add3A_424 = arith.constant 1 : i32
          %add3A_425 = arith.addi %add3A_258, %add3A_424 : i32
          %mul3A_426 = arith.constant 6 : i32
          %mul3A_427 = arith.muli %add3A_425, %mul3A_426 : i32
          %add3A_428 = arith.addi %mul3A_27, %mul3A_427 : i32
          %dma_start3A_429 = arith.constant 0 : i32
          %dma_start3A_430 = arith.constant 0 : i32
          %dma_start3A_431 = tpu.memref_slice %arg3[%add3A_428, %dma_start3A_429, %dma_start3A_430] : memref<25152x3x128xi32, #tpu.memory_space<hbm>> -> memref<6x3x128xi32, #tpu.memory_space<hbm>>
          %dma_start3A_432 = arith.constant 0 : i32
          %dma_start3A_433 = arith.constant 0 : i32
          %dma_start3A_434 = tpu.memref_slice %arg3[%add3A_428, %dma_start3A_432, %dma_start3A_433] : memref<25152x3x128xi32, #tpu.memory_space<hbm>> -> memref<6x3x128xi32, #tpu.memory_space<hbm>>
          tpu.enqueue_dma source(%dma_start3A_434 : memref<6x3x128xi32, #tpu.memory_space<hbm>>) target(%arg8 : memref<6x3x128xi32, #tpu.memory_space<vmem>>) target_semaphore(%arg12 : memref<!tpu.dma_semaphore, #tpu.memory_space<semaphore_mem>>)
        } else {
        }
        %dma_wait3A_279 = arith.constant 0 : i32
        %dma_wait3A_280 = arith.constant 0 : i32
        %dma_wait3A_281 = arith.constant 0 : i32
        %dma_wait3A_282 = arith.constant 0 : i32
        %dma_wait3A_283 = tpu.memref_slice %arg9[%dma_wait3A_281, %dma_wait3A_282] : memref<768x16xf32, #tpu.memory_space<vmem>> -> memref<128x16xf32, #tpu.memory_space<vmem>>
        %dma_wait3A_284 = arith.constant 0 : i32
        %dma_wait3A_285 = tpu.memref_slice %arg7[%dma_wait3A_279, %dma_wait3A_280, %dma_wait3A_284] : memref<6x3x128xi32, #tpu.memory_space<vmem>> -> memref<1x1x128xi32, #tpu.memory_space<vmem>>
        %dma_wait3A_286 = tpu.memref_squeeze %dma_wait3A_285 : memref<1x1x128xi32, #tpu.memory_space<vmem>> -> memref<128xi32, #tpu.memory_space<vmem>>
        %dma_wait3A_287 = arith.constant 0 : i32
        %dma_wait3A_288 = arith.constant 0 : i32
        %dma_wait3A_289 = tpu.memref_slice %arg2[%dma_wait3A_287, %dma_wait3A_288] : memref<100000x16xf32, #tpu.memory_space<hbm>> -> memref<100000x16xf32, #tpu.memory_space<hbm>>
        tpu.wait_indirect_dma semaphore(%arg13 : memref<!tpu.dma_semaphore, #tpu.memory_space<semaphore_mem>>) src(%dma_wait3A_289 : memref<100000x16xf32, #tpu.memory_space<hbm>>) dst(%dma_wait3A_283 : memref<128x16xf32, #tpu.memory_space<vmem>>)
        %dma_wait3A_290 = arith.constant 1 : i32
        %dma_wait3A_291 = arith.constant 0 : i32
        %dma_wait3A_292 = arith.constant 128 : i32
        %dma_wait3A_293 = arith.constant 0 : i32
        %dma_wait3A_294 = tpu.memref_slice %arg9[%dma_wait3A_292, %dma_wait3A_293] : memref<768x16xf32, #tpu.memory_space<vmem>> -> memref<128x16xf32, #tpu.memory_space<vmem>>
        %dma_wait3A_295 = arith.constant 0 : i32
        %dma_wait3A_296 = tpu.memref_slice %arg7[%dma_wait3A_290, %dma_wait3A_291, %dma_wait3A_295] : memref<6x3x128xi32, #tpu.memory_space<vmem>> -> memref<1x1x128xi32, #tpu.memory_space<vmem>>
        %dma_wait3A_297 = tpu.memref_squeeze %dma_wait3A_296 : memref<1x1x128xi32, #tpu.memory_space<vmem>> -> memref<128xi32, #tpu.memory_space<vmem>>
        %dma_wait3A_298 = arith.constant 0 : i32
        %dma_wait3A_299 = arith.constant 0 : i32
        %dma_wait3A_300 = tpu.memref_slice %arg2[%dma_wait3A_298, %dma_wait3A_299] : memref<100000x16xf32, #tpu.memory_space<hbm>> -> memref<100000x16xf32, #tpu.memory_space<hbm>>
        tpu.wait_indirect_dma semaphore(%arg13 : memref<!tpu.dma_semaphore, #tpu.memory_space<semaphore_mem>>) src(%dma_wait3A_300 : memref<100000x16xf32, #tpu.memory_space<hbm>>) dst(%dma_wait3A_294 : memref<128x16xf32, #tpu.memory_space<vmem>>)
        %dma_wait3A_301 = arith.constant 2 : i32
        %dma_wait3A_302 = arith.constant 0 : i32
        %dma_wait3A_303 = arith.constant 256 : i32
        %dma_wait3A_304 = arith.constant 0 : i32
        %dma_wait3A_305 = tpu.memref_slice %arg9[%dma_wait3A_303, %dma_wait3A_304] : memref<768x16xf32, #tpu.memory_space<vmem>> -> memref<128x16xf32, #tpu.memory_space<vmem>>
        %dma_wait3A_306 = arith.constant 0 : i32
        %dma_wait3A_307 = tpu.memref_slice %arg7[%dma_wait3A_301, %dma_wait3A_302, %dma_wait3A_306] : memref<6x3x128xi32, #tpu.memory_space<vmem>> -> memref<1x1x128xi32, #tpu.memory_space<vmem>>
        %dma_wait3A_308 = tpu.memref_squeeze %dma_wait3A_307 : memref<1x1x128xi32, #tpu.memory_space<vmem>> -> memref<128xi32, #tpu.memory_space<vmem>>
        %dma_wait3A_309 = arith.constant 0 : i32
        %dma_wait3A_310 = arith.constant 0 : i32
        %dma_wait3A_311 = tpu.memref_slice %arg2[%dma_wait3A_309, %dma_wait3A_310] : memref<100000x16xf32, #tpu.memory_space<hbm>> -> memref<100000x16xf32, #tpu.memory_space<hbm>>
        tpu.wait_indirect_dma semaphore(%arg13 : memref<!tpu.dma_semaphore, #tpu.memory_space<semaphore_mem>>) src(%dma_wait3A_311 : memref<100000x16xf32, #tpu.memory_space<hbm>>) dst(%dma_wait3A_305 : memref<128x16xf32, #tpu.memory_space<vmem>>)
        %dma_wait3A_312 = arith.constant 3 : i32
        %dma_wait3A_313 = arith.constant 0 : i32
        %dma_wait3A_314 = arith.constant 384 : i32
        %dma_wait3A_315 = arith.constant 0 : i32
        %dma_wait3A_316 = tpu.memref_slice %arg9[%dma_wait3A_314, %dma_wait3A_315] : memref<768x16xf32, #tpu.memory_space<vmem>> -> memref<128x16xf32, #tpu.memory_space<vmem>>
        %dma_wait3A_317 = arith.constant 0 : i32
        %dma_wait3A_318 = tpu.memref_slice %arg7[%dma_wait3A_312, %dma_wait3A_313, %dma_wait3A_317] : memref<6x3x128xi32, #tpu.memory_space<vmem>> -> memref<1x1x128xi32, #tpu.memory_space<vmem>>
        %dma_wait3A_319 = tpu.memref_squeeze %dma_wait3A_318 : memref<1x1x128xi32, #tpu.memory_space<vmem>> -> memref<128xi32, #tpu.memory_space<vmem>>
        %dma_wait3A_320 = arith.constant 0 : i32
        %dma_wait3A_321 = arith.constant 0 : i32
        %dma_wait3A_322 = tpu.memref_slice %arg2[%dma_wait3A_320, %dma_wait3A_321] : memref<100000x16xf32, #tpu.memory_space<hbm>> -> memref<100000x16xf32, #tpu.memory_space<hbm>>
        tpu.wait_indirect_dma semaphore(%arg13 : memref<!tpu.dma_semaphore, #tpu.memory_space<semaphore_mem>>) src(%dma_wait3A_322 : memref<100000x16xf32, #tpu.memory_space<hbm>>) dst(%dma_wait3A_316 : memref<128x16xf32, #tpu.memory_space<vmem>>)
        %dma_wait3A_323 = arith.constant 4 : i32
        %dma_wait3A_324 = arith.constant 0 : i32
        %dma_wait3A_325 = arith.constant 512 : i32
        %dma_wait3A_326 = arith.constant 0 : i32
        %dma_wait3A_327 = tpu.memref_slice %arg9[%dma_wait3A_325, %dma_wait3A_326] : memref<768x16xf32, #tpu.memory_space<vmem>> -> memref<128x16xf32, #tpu.memory_space<vmem>>
        %dma_wait3A_328 = arith.constant 0 : i32
        %dma_wait3A_329 = tpu.memref_slice %arg7[%dma_wait3A_323, %dma_wait3A_324, %dma_wait3A_328] : memref<6x3x128xi32, #tpu.memory_space<vmem>> -> memref<1x1x128xi32, #tpu.memory_space<vmem>>
        %dma_wait3A_330 = tpu.memref_squeeze %dma_wait3A_329 : memref<1x1x128xi32, #tpu.memory_space<vmem>> -> memref<128xi32, #tpu.memory_space<vmem>>
        %dma_wait3A_331 = arith.constant 0 : i32
        %dma_wait3A_332 = arith.constant 0 : i32
        %dma_wait3A_333 = tpu.memref_slice %arg2[%dma_wait3A_331, %dma_wait3A_332] : memref<100000x16xf32, #tpu.memory_space<hbm>> -> memref<100000x16xf32, #tpu.memory_space<hbm>>
        tpu.wait_indirect_dma semaphore(%arg13 : memref<!tpu.dma_semaphore, #tpu.memory_space<semaphore_mem>>) src(%dma_wait3A_333 : memref<100000x16xf32, #tpu.memory_space<hbm>>) dst(%dma_wait3A_327 : memref<128x16xf32, #tpu.memory_space<vmem>>)
        %dma_wait3A_334 = arith.constant 5 : i32
        %dma_wait3A_335 = arith.constant 0 : i32
        %dma_wait3A_336 = arith.constant 640 : i32
        %dma_wait3A_337 = arith.constant 0 : i32
        %dma_wait3A_338 = tpu.memref_slice %arg9[%dma_wait3A_336, %dma_wait3A_337] : memref<768x16xf32, #tpu.memory_space<vmem>> -> memref<128x16xf32, #tpu.memory_space<vmem>>
        %dma_wait3A_339 = arith.constant 0 : i32
        %dma_wait3A_340 = tpu.memref_slice %arg7[%dma_wait3A_334, %dma_wait3A_335, %dma_wait3A_339] : memref<6x3x128xi32, #tpu.memory_space<vmem>> -> memref<1x1x128xi32, #tpu.memory_space<vmem>>
        %dma_wait3A_341 = tpu.memref_squeeze %dma_wait3A_340 : memref<1x1x128xi32, #tpu.memory_space<vmem>> -> memref<128xi32, #tpu.memory_space<vmem>>
        %dma_wait3A_342 = arith.constant 0 : i32
        %dma_wait3A_343 = arith.constant 0 : i32
        %dma_wait3A_344 = tpu.memref_slice %arg2[%dma_wait3A_342, %dma_wait3A_343] : memref<100000x16xf32, #tpu.memory_space<hbm>> -> memref<100000x16xf32, #tpu.memory_space<hbm>>
        tpu.wait_indirect_dma semaphore(%arg13 : memref<!tpu.dma_semaphore, #tpu.memory_space<semaphore_mem>>) src(%dma_wait3A_344 : memref<100000x16xf32, #tpu.memory_space<hbm>>) dst(%dma_wait3A_338 : memref<128x16xf32, #tpu.memory_space<vmem>>)
        %parallel_loop3A = arith.constant 0 : i32
        %parallel_loop3A_345 = arith.constant 48 : i32
        %parallel_loop3A_346 = arith.constant 1 : i32
        scf.for %parallel_loop3A_420 = %parallel_loop3A to %parallel_loop3A_345 step %parallel_loop3A_346  : i32 {
          %parallel_loop3A_421 = arith.constant 8 : i32
          %parallel_loop3A_422 = arith.divsi %parallel_loop3A_420, %parallel_loop3A_421 : i32
          %parallel_loop3A_423 = arith.constant 0 : i32
          %parallel_loop3A_424 = arith.cmpi sgt, %parallel_loop3A_420, %parallel_loop3A_423 : i32
          %parallel_loop3A_425 = arith.extui %parallel_loop3A_424 : i1 to i32
          %parallel_loop3A_426 = arith.constant 0 : i32
          %parallel_loop3A_427 = arith.cmpi slt, %parallel_loop3A_420, %parallel_loop3A_426 : i32
          %parallel_loop3A_428 = arith.extui %parallel_loop3A_427 : i1 to i32
          %parallel_loop3A_429 = arith.subi %parallel_loop3A_425, %parallel_loop3A_428 : i32
          %parallel_loop3A_430 = arith.constant 0 : i32
          %parallel_loop3A_431 = arith.cmpi sgt, %parallel_loop3A_421, %parallel_loop3A_430 : i32
          %parallel_loop3A_432 = arith.extui %parallel_loop3A_431 : i1 to i32
          %parallel_loop3A_433 = arith.constant 0 : i32
          %parallel_loop3A_434 = arith.cmpi slt, %parallel_loop3A_421, %parallel_loop3A_433 : i32
          %parallel_loop3A_435 = arith.extui %parallel_loop3A_434 : i1 to i32
          %parallel_loop3A_436 = arith.subi %parallel_loop3A_432, %parallel_loop3A_435 : i32
          %parallel_loop3A_437 = arith.cmpi ne, %parallel_loop3A_429, %parallel_loop3A_436 : i32
          %parallel_loop3A_438 = arith.remsi %parallel_loop3A_420, %parallel_loop3A_421 : i32
          %parallel_loop3A_439 = arith.constant 0 : i32
          %parallel_loop3A_440 = arith.cmpi ne, %parallel_loop3A_438, %parallel_loop3A_439 : i32
          %parallel_loop3A_441 = arith.andi %parallel_loop3A_437, %parallel_loop3A_440 : i1
          %parallel_loop3A_442 = arith.constant 1 : i32
          %parallel_loop3A_443 = arith.subi %parallel_loop3A_422, %parallel_loop3A_442 : i32
          %parallel_loop3A_444 = arith.select %parallel_loop3A_441, %parallel_loop3A_443, %parallel_loop3A_422 : i32
          %parallel_loop3A_445 = arith.constant 8 : i32
          %parallel_loop3A_446 = arith.muli %parallel_loop3A_444, %parallel_loop3A_445 : i32
          %parallel_loop3A_447 = arith.subi %parallel_loop3A_420, %parallel_loop3A_446 : i32
          %parallel_loop3A_448 = arith.constant 16 : i32
          %parallel_loop3A_449 = arith.muli %parallel_loop3A_447, %parallel_loop3A_448 : i32
          %parallel_loop3A_450 = arith.constant 2 : i32
          %parallel_loop3A_451 = arith.index_cast %parallel_loop3A_444 : i32 to index
          %parallel_loop3A_452 = arith.index_cast %parallel_loop3A_450 : i32 to index
          %parallel_loop3A_453 = arith.index_cast %parallel_loop3A_449 : i32 to index
          %parallel_loop3A_454 = tpu.vector_load %arg7[%parallel_loop3A_451, %parallel_loop3A_452, %parallel_loop3A_453] {strides = array<i32>} : memref<6x3x128xi32, #tpu.memory_space<vmem>>, vector<1x1x16xi32>,
          %parallel_loop3A_455 = vector.shape_cast %parallel_loop3A_454 : vector<1x1x16xi32> to vector<16xi32>
          %parallel_loop3A_456 = tpu.bitcast %parallel_loop3A_455 : vector<16xi32> -> vector<16xf32>
          %parallel_loop3A_457 = arith.constant 16 : i32
          %parallel_loop3A_458 = arith.muli %parallel_loop3A_420, %parallel_loop3A_457 : i32
          %parallel_loop3A_459 = arith.constant 0 : i32
          %parallel_loop3A_460 = arith.addi %parallel_loop3A_458, %parallel_loop3A_459 : i32
          %parallel_loop3A_461 = arith.index_cast %parallel_loop3A_460 : i32 to index
          %parallel_loop3A_462 = arith.constant 0 : index
          %parallel_loop3A_463 = tpu.vector_load %arg9[%parallel_loop3A_461, %parallel_loop3A_462] {strides = array<i32>} : memref<768x16xf32, #tpu.memory_space<vmem>>, vector<1x16xf32>,
          %parallel_loop3A_464 = vector.shape_cast %parallel_loop3A_463 : vector<1x16xf32> to vector<16xf32>
          %parallel_loop3A_465 = vector.extract_strided_slice %parallel_loop3A_456 {offsets = [0], sizes = [1], strides = [1]} : vector<16xf32> to vector<1xf32>
          %parallel_loop3A_466 = vector.extract %parallel_loop3A_465[0] : f32 from vector<1xf32>
          %parallel_loop3A_467 = vector.broadcast %parallel_loop3A_466 : f32 to vector<16xf32>
          %parallel_loop3A_468 = arith.mulf %parallel_loop3A_464, %parallel_loop3A_467 : vector<16xf32>
          %parallel_loop3A_469 = arith.index_cast %parallel_loop3A_460 : i32 to index
          %parallel_loop3A_470 = arith.constant 0 : index
          %parallel_loop3A_471 = tpu.vector_load %arg9[%parallel_loop3A_469, %parallel_loop3A_470] {strides = array<i32>} : memref<768x16xf32, #tpu.memory_space<vmem>>, vector<1x16xf32>,
          %parallel_loop3A_472 = vector.shape_cast %parallel_loop3A_471 : vector<1x16xf32> to vector<16xf32>
          %parallel_loop3A_473 = vector.shape_cast %parallel_loop3A_468 : vector<16xf32> to vector<1x16xf32>
          tpu.vector_store %arg9[%parallel_loop3A_469, %parallel_loop3A_470], %parallel_loop3A_473 {strides = array<i32>} : memref<768x16xf32, #tpu.memory_space<vmem>>, vector<1x16xf32>,
          %parallel_loop3A_474 = arith.constant 16 : i32
          %parallel_loop3A_475 = arith.muli %parallel_loop3A_420, %parallel_loop3A_474 : i32
          %parallel_loop3A_476 = arith.constant 1 : i32
          %parallel_loop3A_477 = arith.addi %parallel_loop3A_475, %parallel_loop3A_476 : i32
          %parallel_loop3A_478 = arith.index_cast %parallel_loop3A_477 : i32 to index
          %parallel_loop3A_479 = arith.constant 0 : index
          %parallel_loop3A_480 = tpu.vector_load %arg9[%parallel_loop3A_478, %parallel_loop3A_479] {strides = array<i32>} : memref<768x16xf32, #tpu.memory_space<vmem>>, vector<1x16xf32>,
          %parallel_loop3A_481 = vector.shape_cast %parallel_loop3A_480 : vector<1x16xf32> to vector<16xf32>
          %parallel_loop3A_482 = vector.extract_strided_slice %parallel_loop3A_456 {offsets = [1], sizes = [1], strides = [1]} : vector<16xf32> to vector<1xf32>
          %parallel_loop3A_483 = vector.extract %parallel_loop3A_482[0] : f32 from vector<1xf32>
          %parallel_loop3A_484 = vector.broadcast %parallel_loop3A_483 : f32 to vector<16xf32>
          %parallel_loop3A_485 = arith.mulf %parallel_loop3A_481, %parallel_loop3A_484 : vector<16xf32>
          %parallel_loop3A_486 = arith.index_cast %parallel_loop3A_477 : i32 to index
          %parallel_loop3A_487 = arith.constant 0 : index
          %parallel_loop3A_488 = tpu.vector_load %arg9[%parallel_loop3A_486, %parallel_loop3A_487] {strides = array<i32>} : memref<768x16xf32, #tpu.memory_space<vmem>>, vector<1x16xf32>,
          %parallel_loop3A_489 = vector.shape_cast %parallel_loop3A_488 : vector<1x16xf32> to vector<16xf32>
          %parallel_loop3A_490 = vector.shape_cast %parallel_loop3A_485 : vector<16xf32> to vector<1x16xf32>
          tpu.vector_store %arg9[%parallel_loop3A_486, %parallel_loop3A_487], %parallel_loop3A_490 {strides = array<i32>} : memref<768x16xf32, #tpu.memory_space<vmem>>, vector<1x16xf32>,
          %parallel_loop3A_491 = arith.constant 16 : i32
          %parallel_loop3A_492 = arith.muli %parallel_loop3A_420, %parallel_loop3A_491 : i32
          %parallel_loop3A_493 = arith.constant 2 : i32
          %parallel_loop3A_494 = arith.addi %parallel_loop3A_492, %parallel_loop3A_493 : i32
          %parallel_loop3A_495 = arith.index_cast %parallel_loop3A_494 : i32 to index
          %parallel_loop3A_496 = arith.constant 0 : index
          %parallel_loop3A_497 = tpu.vector_load %arg9[%parallel_loop3A_495, %parallel_loop3A_496] {strides = array<i32>} : memref<768x16xf32, #tpu.memory_space<vmem>>, vector<1x16xf32>,
          %parallel_loop3A_498 = vector.shape_cast %parallel_loop3A_497 : vector<1x16xf32> to vector<16xf32>
          %parallel_loop3A_499 = vector.extract_strided_slice %parallel_loop3A_456 {offsets = [2], sizes = [1], strides = [1]} : vector<16xf32> to vector<1xf32>
          %parallel_loop3A_500 = vector.extract %parallel_loop3A_499[0] : f32 from vector<1xf32>
          %parallel_loop3A_501 = vector.broadcast %parallel_loop3A_500 : f32 to vector<16xf32>
          %parallel_loop3A_502 = arith.mulf %parallel_loop3A_498, %parallel_loop3A_501 : vector<16xf32>
          %parallel_loop3A_503 = arith.index_cast %parallel_loop3A_494 : i32 to index
          %parallel_loop3A_504 = arith.constant 0 : index
          %parallel_loop3A_505 = tpu.vector_load %arg9[%parallel_loop3A_503, %parallel_loop3A_504] {strides = array<i32>} : memref<768x16xf32, #tpu.memory_space<vmem>>, vector<1x16xf32>,
          %parallel_loop3A_506 = vector.shape_cast %parallel_loop3A_505 : vector<1x16xf32> to vector<16xf32>
          %parallel_loop3A_507 = vector.shape_cast %parallel_loop3A_502 : vector<16xf32> to vector<1x16xf32>
          tpu.vector_store %arg9[%parallel_loop3A_503, %parallel_loop3A_504], %parallel_loop3A_507 {strides = array<i32>} : memref<768x16xf32, #tpu.memory_space<vmem>>, vector<1x16xf32>,
          %parallel_loop3A_508 = arith.constant 16 : i32
          %parallel_loop3A_509 = arith.muli %parallel_loop3A_420, %parallel_loop3A_508 : i32
          %parallel_loop3A_510 = arith.constant 3 : i32
          %parallel_loop3A_511 = arith.addi %parallel_loop3A_509, %parallel_loop3A_510 : i32
          %parallel_loop3A_512 = arith.index_cast %parallel_loop3A_511 : i32 to index
          %parallel_loop3A_513 = arith.constant 0 : index
          %parallel_loop3A_514 = tpu.vector_load %arg9[%parallel_loop3A_512, %parallel_loop3A_513] {strides = array<i32>} : memref<768x16xf32, #tpu.memory_space<vmem>>, vector<1x16xf32>,
          %parallel_loop3A_515 = vector.shape_cast %parallel_loop3A_514 : vector<1x16xf32> to vector<16xf32>
          %parallel_loop3A_516 = vector.extract_strided_slice %parallel_loop3A_456 {offsets = [3], sizes = [1], strides = [1]} : vector<16xf32> to vector<1xf32>
          %parallel_loop3A_517 = vector.extract %parallel_loop3A_516[0] : f32 from vector<1xf32>
          %parallel_loop3A_518 = vector.broadcast %parallel_loop3A_517 : f32 to vector<16xf32>
          %parallel_loop3A_519 = arith.mulf %parallel_loop3A_515, %parallel_loop3A_518 : vector<16xf32>
          %parallel_loop3A_520 = arith.index_cast %parallel_loop3A_511 : i32 to index
          %parallel_loop3A_521 = arith.constant 0 : index
          %parallel_loop3A_522 = tpu.vector_load %arg9[%parallel_loop3A_520, %parallel_loop3A_521] {strides = array<i32>} : memref<768x16xf32, #tpu.memory_space<vmem>>, vector<1x16xf32>,
          %parallel_loop3A_523 = vector.shape_cast %parallel_loop3A_522 : vector<1x16xf32> to vector<16xf32>
          %parallel_loop3A_524 = vector.shape_cast %parallel_loop3A_519 : vector<16xf32> to vector<1x16xf32>
          tpu.vector_store %arg9[%parallel_loop3A_520, %parallel_loop3A_521], %parallel_loop3A_524 {strides = array<i32>} : memref<768x16xf32, #tpu.memory_space<vmem>>, vector<1x16xf32>,
          %parallel_loop3A_525 = arith.constant 16 : i32
          %parallel_loop3A_526 = arith.muli %parallel_loop3A_420, %parallel_loop3A_525 : i32
          %parallel_loop3A_527 = arith.constant 4 : i32
          %parallel_loop3A_528 = arith.addi %parallel_loop3A_526, %parallel_loop3A_527 : i32
          %parallel_loop3A_529 = arith.index_cast %parallel_loop3A_528 : i32 to index
          %parallel_loop3A_530 = arith.constant 0 : index
          %parallel_loop3A_531 = tpu.vector_load %arg9[%parallel_loop3A_529, %parallel_loop3A_530] {strides = array<i32>} : memref<768x16xf32, #tpu.memory_space<vmem>>, vector<1x16xf32>,
          %parallel_loop3A_532 = vector.shape_cast %parallel_loop3A_531 : vector<1x16xf32> to vector<16xf32>
          %parallel_loop3A_533 = vector.extract_strided_slice %parallel_loop3A_456 {offsets = [4], sizes = [1], strides = [1]} : vector<16xf32> to vector<1xf32>
          %parallel_loop3A_534 = vector.extract %parallel_loop3A_533[0] : f32 from vector<1xf32>
          %parallel_loop3A_535 = vector.broadcast %parallel_loop3A_534 : f32 to vector<16xf32>
          %parallel_loop3A_536 = arith.mulf %parallel_loop3A_532, %parallel_loop3A_535 : vector<16xf32>
          %parallel_loop3A_537 = arith.index_cast %parallel_loop3A_528 : i32 to index
          %parallel_loop3A_538 = arith.constant 0 : index
          %parallel_loop3A_539 = tpu.vector_load %arg9[%parallel_loop3A_537, %parallel_loop3A_538] {strides = array<i32>} : memref<768x16xf32, #tpu.memory_space<vmem>>, vector<1x16xf32>,
          %parallel_loop3A_540 = vector.shape_cast %parallel_loop3A_539 : vector<1x16xf32> to vector<16xf32>
          %parallel_loop3A_541 = vector.shape_cast %parallel_loop3A_536 : vector<16xf32> to vector<1x16xf32>
          tpu.vector_store %arg9[%parallel_loop3A_537, %parallel_loop3A_538], %parallel_loop3A_541 {strides = array<i32>} : memref<768x16xf32, #tpu.memory_space<vmem>>, vector<1x16xf32>,
          %parallel_loop3A_542 = arith.constant 16 : i32
          %parallel_loop3A_543 = arith.muli %parallel_loop3A_420, %parallel_loop3A_542 : i32
          %parallel_loop3A_544 = arith.constant 5 : i32
          %parallel_loop3A_545 = arith.addi %parallel_loop3A_543, %parallel_loop3A_544 : i32
          %parallel_loop3A_546 = arith.index_cast %parallel_loop3A_545 : i32 to index
          %parallel_loop3A_547 = arith.constant 0 : index
          %parallel_loop3A_548 = tpu.vector_load %arg9[%parallel_loop3A_546, %parallel_loop3A_547] {strides = array<i32>} : memref<768x16xf32, #tpu.memory_space<vmem>>, vector<1x16xf32>,
          %parallel_loop3A_549 = vector.shape_cast %parallel_loop3A_548 : vector<1x16xf32> to vector<16xf32>
          %parallel_loop3A_550 = vector.extract_strided_slice %parallel_loop3A_456 {offsets = [5], sizes = [1], strides = [1]} : vector<16xf32> to vector<1xf32>
          %parallel_loop3A_551 = vector.extract %parallel_loop3A_550[0] : f32 from vector<1xf32>
          %parallel_loop3A_552 = vector.broadcast %parallel_loop3A_551 : f32 to vector<16xf32>
          %parallel_loop3A_553 = arith.mulf %parallel_loop3A_549, %parallel_loop3A_552 : vector<16xf32>
          %parallel_loop3A_554 = arith.index_cast %parallel_loop3A_545 : i32 to index
          %parallel_loop3A_555 = arith.constant 0 : index
          %parallel_loop3A_556 = tpu.vector_load %arg9[%parallel_loop3A_554, %parallel_loop3A_555] {strides = array<i32>} : memref<768x16xf32, #tpu.memory_space<vmem>>, vector<1x16xf32>,
          %parallel_loop3A_557 = vector.shape_cast %parallel_loop3A_556 : vector<1x16xf32> to vector<16xf32>
          %parallel_loop3A_558 = vector.shape_cast %parallel_loop3A_553 : vector<16xf32> to vector<1x16xf32>
          tpu.vector_store %arg9[%parallel_loop3A_554, %parallel_loop3A_555], %parallel_loop3A_558 {strides = array<i32>} : memref<768x16xf32, #tpu.memory_space<vmem>>, vector<1x16xf32>,
          %parallel_loop3A_559 = arith.constant 16 : i32
          %parallel_loop3A_560 = arith.muli %parallel_loop3A_420, %parallel_loop3A_559 : i32
          %parallel_loop3A_561 = arith.constant 6 : i32
          %parallel_loop3A_562 = arith.addi %parallel_loop3A_560, %parallel_loop3A_561 : i32
          %parallel_loop3A_563 = arith.index_cast %parallel_loop3A_562 : i32 to index
          %parallel_loop3A_564 = arith.constant 0 : index
          %parallel_loop3A_565 = tpu.vector_load %arg9[%parallel_loop3A_563, %parallel_loop3A_564] {strides = array<i32>} : memref<768x16xf32, #tpu.memory_space<vmem>>, vector<1x16xf32>,
          %parallel_loop3A_566 = vector.shape_cast %parallel_loop3A_565 : vector<1x16xf32> to vector<16xf32>
          %parallel_loop3A_567 = vector.extract_strided_slice %parallel_loop3A_456 {offsets = [6], sizes = [1], strides = [1]} : vector<16xf32> to vector<1xf32>
          %parallel_loop3A_568 = vector.extract %parallel_loop3A_567[0] : f32 from vector<1xf32>
          %parallel_loop3A_569 = vector.broadcast %parallel_loop3A_568 : f32 to vector<16xf32>
          %parallel_loop3A_570 = arith.mulf %parallel_loop3A_566, %parallel_loop3A_569 : vector<16xf32>
          %parallel_loop3A_571 = arith.index_cast %parallel_loop3A_562 : i32 to index
          %parallel_loop3A_572 = arith.constant 0 : index
          %parallel_loop3A_573 = tpu.vector_load %arg9[%parallel_loop3A_571, %parallel_loop3A_572] {strides = array<i32>} : memref<768x16xf32, #tpu.memory_space<vmem>>, vector<1x16xf32>,
          %parallel_loop3A_574 = vector.shape_cast %parallel_loop3A_573 : vector<1x16xf32> to vector<16xf32>
          %parallel_loop3A_575 = vector.shape_cast %parallel_loop3A_570 : vector<16xf32> to vector<1x16xf32>
          tpu.vector_store %arg9[%parallel_loop3A_571, %parallel_loop3A_572], %parallel_loop3A_575 {strides = array<i32>} : memref<768x16xf32, #tpu.memory_space<vmem>>, vector<1x16xf32>,
          %parallel_loop3A_576 = arith.constant 16 : i32
          %parallel_loop3A_577 = arith.muli %parallel_loop3A_420, %parallel_loop3A_576 : i32
          %parallel_loop3A_578 = arith.constant 7 : i32
          %parallel_loop3A_579 = arith.addi %parallel_loop3A_577, %parallel_loop3A_578 : i32
          %parallel_loop3A_580 = arith.index_cast %parallel_loop3A_579 : i32 to index
          %parallel_loop3A_581 = arith.constant 0 : index
          %parallel_loop3A_582 = tpu.vector_load %arg9[%parallel_loop3A_580, %parallel_loop3A_581] {strides = array<i32>} : memref<768x16xf32, #tpu.memory_space<vmem>>, vector<1x16xf32>,
          %parallel_loop3A_583 = vector.shape_cast %parallel_loop3A_582 : vector<1x16xf32> to vector<16xf32>
          %parallel_loop3A_584 = vector.extract_strided_slice %parallel_loop3A_456 {offsets = [7], sizes = [1], strides = [1]} : vector<16xf32> to vector<1xf32>
          %parallel_loop3A_585 = vector.extract %parallel_loop3A_584[0] : f32 from vector<1xf32>
          %parallel_loop3A_586 = vector.broadcast %parallel_loop3A_585 : f32 to vector<16xf32>
          %parallel_loop3A_587 = arith.mulf %parallel_loop3A_583, %parallel_loop3A_586 : vector<16xf32>
          %parallel_loop3A_588 = arith.index_cast %parallel_loop3A_579 : i32 to index
          %parallel_loop3A_589 = arith.constant 0 : index
          %parallel_loop3A_590 = tpu.vector_load %arg9[%parallel_loop3A_588, %parallel_loop3A_589] {strides = array<i32>} : memref<768x16xf32, #tpu.memory_space<vmem>>, vector<1x16xf32>,
          %parallel_loop3A_591 = vector.shape_cast %parallel_loop3A_590 : vector<1x16xf32> to vector<16xf32>
          %parallel_loop3A_592 = vector.shape_cast %parallel_loop3A_587 : vector<16xf32> to vector<1x16xf32>
          tpu.vector_store %arg9[%parallel_loop3A_588, %parallel_loop3A_589], %parallel_loop3A_592 {strides = array<i32>} : memref<768x16xf32, #tpu.memory_space<vmem>>, vector<1x16xf32>,
          %parallel_loop3A_593 = arith.constant 16 : i32
          %parallel_loop3A_594 = arith.muli %parallel_loop3A_420, %parallel_loop3A_593 : i32
          %parallel_loop3A_595 = arith.constant 8 : i32
          %parallel_loop3A_596 = arith.addi %parallel_loop3A_594, %parallel_loop3A_595 : i32
          %parallel_loop3A_597 = arith.index_cast %parallel_loop3A_596 : i32 to index
          %parallel_loop3A_598 = arith.constant 0 : index
          %parallel_loop3A_599 = tpu.vector_load %arg9[%parallel_loop3A_597, %parallel_loop3A_598] {strides = array<i32>} : memref<768x16xf32, #tpu.memory_space<vmem>>, vector<1x16xf32>,
          %parallel_loop3A_600 = vector.shape_cast %parallel_loop3A_599 : vector<1x16xf32> to vector<16xf32>
          %parallel_loop3A_601 = vector.extract_strided_slice %parallel_loop3A_456 {offsets = [8], sizes = [1], strides = [1]} : vector<16xf32> to vector<1xf32>
          %parallel_loop3A_602 = vector.extract %parallel_loop3A_601[0] : f32 from vector<1xf32>
          %parallel_loop3A_603 = vector.broadcast %parallel_loop3A_602 : f32 to vector<16xf32>
          %parallel_loop3A_604 = arith.mulf %parallel_loop3A_600, %parallel_loop3A_603 : vector<16xf32>
          %parallel_loop3A_605 = arith.index_cast %parallel_loop3A_596 : i32 to index
          %parallel_loop3A_606 = arith.constant 0 : index
          %parallel_loop3A_607 = tpu.vector_load %arg9[%parallel_loop3A_605, %parallel_loop3A_606] {strides = array<i32>} : memref<768x16xf32, #tpu.memory_space<vmem>>, vector<1x16xf32>,
          %parallel_loop3A_608 = vector.shape_cast %parallel_loop3A_607 : vector<1x16xf32> to vector<16xf32>
          %parallel_loop3A_609 = vector.shape_cast %parallel_loop3A_604 : vector<16xf32> to vector<1x16xf32>
          tpu.vector_store %arg9[%parallel_loop3A_605, %parallel_loop3A_606], %parallel_loop3A_609 {strides = array<i32>} : memref<768x16xf32, #tpu.memory_space<vmem>>, vector<1x16xf32>,
          %parallel_loop3A_610 = arith.constant 16 : i32
          %parallel_loop3A_611 = arith.muli %parallel_loop3A_420, %parallel_loop3A_610 : i32
          %parallel_loop3A_612 = arith.constant 9 : i32
          %parallel_loop3A_613 = arith.addi %parallel_loop3A_611, %parallel_loop3A_612 : i32
          %parallel_loop3A_614 = arith.index_cast %parallel_loop3A_613 : i32 to index
          %parallel_loop3A_615 = arith.constant 0 : index
          %parallel_loop3A_616 = tpu.vector_load %arg9[%parallel_loop3A_614, %parallel_loop3A_615] {strides = array<i32>} : memref<768x16xf32, #tpu.memory_space<vmem>>, vector<1x16xf32>,
          %parallel_loop3A_617 = vector.shape_cast %parallel_loop3A_616 : vector<1x16xf32> to vector<16xf32>
          %parallel_loop3A_618 = vector.extract_strided_slice %parallel_loop3A_456 {offsets = [9], sizes = [1], strides = [1]} : vector<16xf32> to vector<1xf32>
          %parallel_loop3A_619 = vector.extract %parallel_loop3A_618[0] : f32 from vector<1xf32>
          %parallel_loop3A_620 = vector.broadcast %parallel_loop3A_619 : f32 to vector<16xf32>
          %parallel_loop3A_621 = arith.mulf %parallel_loop3A_617, %parallel_loop3A_620 : vector<16xf32>
          %parallel_loop3A_622 = arith.index_cast %parallel_loop3A_613 : i32 to index
          %parallel_loop3A_623 = arith.constant 0 : index
          %parallel_loop3A_624 = tpu.vector_load %arg9[%parallel_loop3A_622, %parallel_loop3A_623] {strides = array<i32>} : memref<768x16xf32, #tpu.memory_space<vmem>>, vector<1x16xf32>,
          %parallel_loop3A_625 = vector.shape_cast %parallel_loop3A_624 : vector<1x16xf32> to vector<16xf32>
          %parallel_loop3A_626 = vector.shape_cast %parallel_loop3A_621 : vector<16xf32> to vector<1x16xf32>
          tpu.vector_store %arg9[%parallel_loop3A_622, %parallel_loop3A_623], %parallel_loop3A_626 {strides = array<i32>} : memref<768x16xf32, #tpu.memory_space<vmem>>, vector<1x16xf32>,
          %parallel_loop3A_627 = arith.constant 16 : i32
          %parallel_loop3A_628 = arith.muli %parallel_loop3A_420, %parallel_loop3A_627 : i32
          %parallel_loop3A_629 = arith.constant 10 : i32
          %parallel_loop3A_630 = arith.addi %parallel_loop3A_628, %parallel_loop3A_629 : i32
          %parallel_loop3A_631 = arith.index_cast %parallel_loop3A_630 : i32 to index
          %parallel_loop3A_632 = arith.constant 0 : index
          %parallel_loop3A_633 = tpu.vector_load %arg9[%parallel_loop3A_631, %parallel_loop3A_632] {strides = array<i32>} : memref<768x16xf32, #tpu.memory_space<vmem>>, vector<1x16xf32>,
          %parallel_loop3A_634 = vector.shape_cast %parallel_loop3A_633 : vector<1x16xf32> to vector<16xf32>
          %parallel_loop3A_635 = vector.extract_strided_slice %parallel_loop3A_456 {offsets = [10], sizes = [1], strides = [1]} : vector<16xf32> to vector<1xf32>
          %parallel_loop3A_636 = vector.extract %parallel_loop3A_635[0] : f32 from vector<1xf32>
          %parallel_loop3A_637 = vector.broadcast %parallel_loop3A_636 : f32 to vector<16xf32>
          %parallel_loop3A_638 = arith.mulf %parallel_loop3A_634, %parallel_loop3A_637 : vector<16xf32>
          %parallel_loop3A_639 = arith.index_cast %parallel_loop3A_630 : i32 to index
          %parallel_loop3A_640 = arith.constant 0 : index
          %parallel_loop3A_641 = tpu.vector_load %arg9[%parallel_loop3A_639, %parallel_loop3A_640] {strides = array<i32>} : memref<768x16xf32, #tpu.memory_space<vmem>>, vector<1x16xf32>,
          %parallel_loop3A_642 = vector.shape_cast %parallel_loop3A_641 : vector<1x16xf32> to vector<16xf32>
          %parallel_loop3A_643 = vector.shape_cast %parallel_loop3A_638 : vector<16xf32> to vector<1x16xf32>
          tpu.vector_store %arg9[%parallel_loop3A_639, %parallel_loop3A_640], %parallel_loop3A_643 {strides = array<i32>} : memref<768x16xf32, #tpu.memory_space<vmem>>, vector<1x16xf32>,
          %parallel_loop3A_644 = arith.constant 16 : i32
          %parallel_loop3A_645 = arith.muli %parallel_loop3A_420, %parallel_loop3A_644 : i32
          %parallel_loop3A_646 = arith.constant 11 : i32
          %parallel_loop3A_647 = arith.addi %parallel_loop3A_645, %parallel_loop3A_646 : i32
          %parallel_loop3A_648 = arith.index_cast %parallel_loop3A_647 : i32 to index
          %parallel_loop3A_649 = arith.constant 0 : index
          %parallel_loop3A_650 = tpu.vector_load %arg9[%parallel_loop3A_648, %parallel_loop3A_649] {strides = array<i32>} : memref<768x16xf32, #tpu.memory_space<vmem>>, vector<1x16xf32>,
          %parallel_loop3A_651 = vector.shape_cast %parallel_loop3A_650 : vector<1x16xf32> to vector<16xf32>
          %parallel_loop3A_652 = vector.extract_strided_slice %parallel_loop3A_456 {offsets = [11], sizes = [1], strides = [1]} : vector<16xf32> to vector<1xf32>
          %parallel_loop3A_653 = vector.extract %parallel_loop3A_652[0] : f32 from vector<1xf32>
          %parallel_loop3A_654 = vector.broadcast %parallel_loop3A_653 : f32 to vector<16xf32>
          %parallel_loop3A_655 = arith.mulf %parallel_loop3A_651, %parallel_loop3A_654 : vector<16xf32>
          %parallel_loop3A_656 = arith.index_cast %parallel_loop3A_647 : i32 to index
          %parallel_loop3A_657 = arith.constant 0 : index
          %parallel_loop3A_658 = tpu.vector_load %arg9[%parallel_loop3A_656, %parallel_loop3A_657] {strides = array<i32>} : memref<768x16xf32, #tpu.memory_space<vmem>>, vector<1x16xf32>,
          %parallel_loop3A_659 = vector.shape_cast %parallel_loop3A_658 : vector<1x16xf32> to vector<16xf32>
          %parallel_loop3A_660 = vector.shape_cast %parallel_loop3A_655 : vector<16xf32> to vector<1x16xf32>
          tpu.vector_store %arg9[%parallel_loop3A_656, %parallel_loop3A_657], %parallel_loop3A_660 {strides = array<i32>} : memref<768x16xf32, #tpu.memory_space<vmem>>, vector<1x16xf32>,
          %parallel_loop3A_661 = arith.constant 16 : i32
          %parallel_loop3A_662 = arith.muli %parallel_loop3A_420, %parallel_loop3A_661 : i32
          %parallel_loop3A_663 = arith.constant 12 : i32
          %parallel_loop3A_664 = arith.addi %parallel_loop3A_662, %parallel_loop3A_663 : i32
          %parallel_loop3A_665 = arith.index_cast %parallel_loop3A_664 : i32 to index
          %parallel_loop3A_666 = arith.constant 0 : index
          %parallel_loop3A_667 = tpu.vector_load %arg9[%parallel_loop3A_665, %parallel_loop3A_666] {strides = array<i32>} : memref<768x16xf32, #tpu.memory_space<vmem>>, vector<1x16xf32>,
          %parallel_loop3A_668 = vector.shape_cast %parallel_loop3A_667 : vector<1x16xf32> to vector<16xf32>
          %parallel_loop3A_669 = vector.extract_strided_slice %parallel_loop3A_456 {offsets = [12], sizes = [1], strides = [1]} : vector<16xf32> to vector<1xf32>
          %parallel_loop3A_670 = vector.extract %parallel_loop3A_669[0] : f32 from vector<1xf32>
          %parallel_loop3A_671 = vector.broadcast %parallel_loop3A_670 : f32 to vector<16xf32>
          %parallel_loop3A_672 = arith.mulf %parallel_loop3A_668, %parallel_loop3A_671 : vector<16xf32>
          %parallel_loop3A_673 = arith.index_cast %parallel_loop3A_664 : i32 to index
          %parallel_loop3A_674 = arith.constant 0 : index
          %parallel_loop3A_675 = tpu.vector_load %arg9[%parallel_loop3A_673, %parallel_loop3A_674] {strides = array<i32>} : memref<768x16xf32, #tpu.memory_space<vmem>>, vector<1x16xf32>,
          %parallel_loop3A_676 = vector.shape_cast %parallel_loop3A_675 : vector<1x16xf32> to vector<16xf32>
          %parallel_loop3A_677 = vector.shape_cast %parallel_loop3A_672 : vector<16xf32> to vector<1x16xf32>
          tpu.vector_store %arg9[%parallel_loop3A_673, %parallel_loop3A_674], %parallel_loop3A_677 {strides = array<i32>} : memref<768x16xf32, #tpu.memory_space<vmem>>, vector<1x16xf32>,
          %parallel_loop3A_678 = arith.constant 16 : i32
          %parallel_loop3A_679 = arith.muli %parallel_loop3A_420, %parallel_loop3A_678 : i32
          %parallel_loop3A_680 = arith.constant 13 : i32
          %parallel_loop3A_681 = arith.addi %parallel_loop3A_679, %parallel_loop3A_680 : i32
          %parallel_loop3A_682 = arith.index_cast %parallel_loop3A_681 : i32 to index
          %parallel_loop3A_683 = arith.constant 0 : index
          %parallel_loop3A_684 = tpu.vector_load %arg9[%parallel_loop3A_682, %parallel_loop3A_683] {strides = array<i32>} : memref<768x16xf32, #tpu.memory_space<vmem>>, vector<1x16xf32>,
          %parallel_loop3A_685 = vector.shape_cast %parallel_loop3A_684 : vector<1x16xf32> to vector<16xf32>
          %parallel_loop3A_686 = vector.extract_strided_slice %parallel_loop3A_456 {offsets = [13], sizes = [1], strides = [1]} : vector<16xf32> to vector<1xf32>
          %parallel_loop3A_687 = vector.extract %parallel_loop3A_686[0] : f32 from vector<1xf32>
          %parallel_loop3A_688 = vector.broadcast %parallel_loop3A_687 : f32 to vector<16xf32>
          %parallel_loop3A_689 = arith.mulf %parallel_loop3A_685, %parallel_loop3A_688 : vector<16xf32>
          %parallel_loop3A_690 = arith.index_cast %parallel_loop3A_681 : i32 to index
          %parallel_loop3A_691 = arith.constant 0 : index
          %parallel_loop3A_692 = tpu.vector_load %arg9[%parallel_loop3A_690, %parallel_loop3A_691] {strides = array<i32>} : memref<768x16xf32, #tpu.memory_space<vmem>>, vector<1x16xf32>,
          %parallel_loop3A_693 = vector.shape_cast %parallel_loop3A_692 : vector<1x16xf32> to vector<16xf32>
          %parallel_loop3A_694 = vector.shape_cast %parallel_loop3A_689 : vector<16xf32> to vector<1x16xf32>
          tpu.vector_store %arg9[%parallel_loop3A_690, %parallel_loop3A_691], %parallel_loop3A_694 {strides = array<i32>} : memref<768x16xf32, #tpu.memory_space<vmem>>, vector<1x16xf32>,
          %parallel_loop3A_695 = arith.constant 16 : i32
          %parallel_loop3A_696 = arith.muli %parallel_loop3A_420, %parallel_loop3A_695 : i32
          %parallel_loop3A_697 = arith.constant 14 : i32
          %parallel_loop3A_698 = arith.addi %parallel_loop3A_696, %parallel_loop3A_697 : i32
          %parallel_loop3A_699 = arith.index_cast %parallel_loop3A_698 : i32 to index
          %parallel_loop3A_700 = arith.constant 0 : index
          %parallel_loop3A_701 = tpu.vector_load %arg9[%parallel_loop3A_699, %parallel_loop3A_700] {strides = array<i32>} : memref<768x16xf32, #tpu.memory_space<vmem>>, vector<1x16xf32>,
          %parallel_loop3A_702 = vector.shape_cast %parallel_loop3A_701 : vector<1x16xf32> to vector<16xf32>
          %parallel_loop3A_703 = vector.extract_strided_slice %parallel_loop3A_456 {offsets = [14], sizes = [1], strides = [1]} : vector<16xf32> to vector<1xf32>
          %parallel_loop3A_704 = vector.extract %parallel_loop3A_703[0] : f32 from vector<1xf32>
          %parallel_loop3A_705 = vector.broadcast %parallel_loop3A_704 : f32 to vector<16xf32>
          %parallel_loop3A_706 = arith.mulf %parallel_loop3A_702, %parallel_loop3A_705 : vector<16xf32>
          %parallel_loop3A_707 = arith.index_cast %parallel_loop3A_698 : i32 to index
          %parallel_loop3A_708 = arith.constant 0 : index
          %parallel_loop3A_709 = tpu.vector_load %arg9[%parallel_loop3A_707, %parallel_loop3A_708] {strides = array<i32>} : memref<768x16xf32, #tpu.memory_space<vmem>>, vector<1x16xf32>,
          %parallel_loop3A_710 = vector.shape_cast %parallel_loop3A_709 : vector<1x16xf32> to vector<16xf32>
          %parallel_loop3A_711 = vector.shape_cast %parallel_loop3A_706 : vector<16xf32> to vector<1x16xf32>
          tpu.vector_store %arg9[%parallel_loop3A_707, %parallel_loop3A_708], %parallel_loop3A_711 {strides = array<i32>} : memref<768x16xf32, #tpu.memory_space<vmem>>, vector<1x16xf32>,
          %parallel_loop3A_712 = arith.constant 16 : i32
          %parallel_loop3A_713 = arith.muli %parallel_loop3A_420, %parallel_loop3A_712 : i32
          %parallel_loop3A_714 = arith.constant 15 : i32
          %parallel_loop3A_715 = arith.addi %parallel_loop3A_713, %parallel_loop3A_714 : i32
          %parallel_loop3A_716 = arith.index_cast %parallel_loop3A_715 : i32 to index
          %parallel_loop3A_717 = arith.constant 0 : index
          %parallel_loop3A_718 = tpu.vector_load %arg9[%parallel_loop3A_716, %parallel_loop3A_717] {strides = array<i32>} : memref<768x16xf32, #tpu.memory_space<vmem>>, vector<1x16xf32>,
          %parallel_loop3A_719 = vector.shape_cast %parallel_loop3A_718 : vector<1x16xf32> to vector<16xf32>
          %parallel_loop3A_720 = vector.extract_strided_slice %parallel_loop3A_456 {offsets = [15], sizes = [1], strides = [1]} : vector<16xf32> to vector<1xf32>
          %parallel_loop3A_721 = vector.extract %parallel_loop3A_720[0] : f32 from vector<1xf32>
          %parallel_loop3A_722 = vector.broadcast %parallel_loop3A_721 : f32 to vector<16xf32>
          %parallel_loop3A_723 = arith.mulf %parallel_loop3A_719, %parallel_loop3A_722 : vector<16xf32>
          %parallel_loop3A_724 = arith.index_cast %parallel_loop3A_715 : i32 to index
          %parallel_loop3A_725 = arith.constant 0 : index
          %parallel_loop3A_726 = tpu.vector_load %arg9[%parallel_loop3A_724, %parallel_loop3A_725] {strides = array<i32>} : memref<768x16xf32, #tpu.memory_space<vmem>>, vector<1x16xf32>,
          %parallel_loop3A_727 = vector.shape_cast %parallel_loop3A_726 : vector<1x16xf32> to vector<16xf32>
          %parallel_loop3A_728 = vector.shape_cast %parallel_loop3A_723 : vector<16xf32> to vector<1x16xf32>
          tpu.vector_store %arg9[%parallel_loop3A_724, %parallel_loop3A_725], %parallel_loop3A_728 {strides = array<i32>} : memref<768x16xf32, #tpu.memory_space<vmem>>, vector<1x16xf32>,
        } {sc.loop_unroll_factor = 2 : i64, sc.parallel_access}
        %dma_start3A_347 = arith.constant 0 : i32
        %dma_start3A_348 = arith.constant 1 : i32
        %dma_start3A_349 = arith.constant 0 : i32
        %dma_start3A_350 = arith.constant 0 : i32
        %dma_start3A_351 = tpu.memref_slice %arg9[%dma_start3A_349, %dma_start3A_350] : memref<768x16xf32, #tpu.memory_space<vmem>> -> memref<128x16xf32, #tpu.memory_space<vmem>>
        %dma_start3A_352 = arith.constant 0 : i32
        %dma_start3A_353 = tpu.memref_slice %arg7[%dma_start3A_347, %dma_start3A_348, %dma_start3A_352] : memref<6x3x128xi32, #tpu.memory_space<vmem>> -> memref<1x1x128xi32, #tpu.memory_space<vmem>>
        %dma_start3A_354 = tpu.memref_squeeze %dma_start3A_353 : memref<1x1x128xi32, #tpu.memory_space<vmem>> -> memref<128xi32, #tpu.memory_space<vmem>>
        %dma_start3A_355 = arith.constant 0 : i32
        %dma_start3A_356 = arith.constant 0 : i32
        %dma_start3A_357 = tpu.memref_slice %arg6[%dma_start3A_355, %dma_start3A_356] : memref<100096x16xf32, #tpu.memory_space<vmem_shared>> -> memref<100096x16xf32, #tpu.memory_space<vmem_shared>>
        tpu.enqueue_indirect_dma source(%dma_start3A_351 : memref<128x16xf32, #tpu.memory_space<vmem>>) target(%dma_start3A_357 : memref<100096x16xf32, #tpu.memory_space<vmem_shared>>) offsets(%dma_start3A_354 : memref<128xi32, #tpu.memory_space<vmem>>) semaphore(%arg15 : memref<!tpu.dma_semaphore, #tpu.memory_space<semaphore_mem>>) {add = true}
        %dma_start3A_358 = arith.constant 1 : i32
        %dma_start3A_359 = arith.constant 1 : i32
        %dma_start3A_360 = arith.constant 128 : i32
        %dma_start3A_361 = arith.constant 0 : i32
        %dma_start3A_362 = tpu.memref_slice %arg9[%dma_start3A_360, %dma_start3A_361] : memref<768x16xf32, #tpu.memory_space<vmem>> -> memref<128x16xf32, #tpu.memory_space<vmem>>
        %dma_start3A_363 = arith.constant 0 : i32
        %dma_start3A_364 = tpu.memref_slice %arg7[%dma_start3A_358, %dma_start3A_359, %dma_start3A_363] : memref<6x3x128xi32, #tpu.memory_space<vmem>> -> memref<1x1x128xi32, #tpu.memory_space<vmem>>
        %dma_start3A_365 = tpu.memref_squeeze %dma_start3A_364 : memref<1x1x128xi32, #tpu.memory_space<vmem>> -> memref<128xi32, #tpu.memory_space<vmem>>
        %dma_start3A_366 = arith.constant 0 : i32
        %dma_start3A_367 = arith.constant 0 : i32
        %dma_start3A_368 = tpu.memref_slice %arg6[%dma_start3A_366, %dma_start3A_367] : memref<100096x16xf32, #tpu.memory_space<vmem_shared>> -> memref<100096x16xf32, #tpu.memory_space<vmem_shared>>
        tpu.enqueue_indirect_dma source(%dma_start3A_362 : memref<128x16xf32, #tpu.memory_space<vmem>>) target(%dma_start3A_368 : memref<100096x16xf32, #tpu.memory_space<vmem_shared>>) offsets(%dma_start3A_365 : memref<128xi32, #tpu.memory_space<vmem>>) semaphore(%arg15 : memref<!tpu.dma_semaphore, #tpu.memory_space<semaphore_mem>>) {add = true}
        %dma_start3A_369 = arith.constant 2 : i32
        %dma_start3A_370 = arith.constant 1 : i32
        %dma_start3A_371 = arith.constant 256 : i32
        %dma_start3A_372 = arith.constant 0 : i32
        %dma_start3A_373 = tpu.memref_slice %arg9[%dma_start3A_371, %dma_start3A_372] : memref<768x16xf32, #tpu.memory_space<vmem>> -> memref<128x16xf32, #tpu.memory_space<vmem>>
        %dma_start3A_374 = arith.constant 0 : i32
        %dma_start3A_375 = tpu.memref_slice %arg7[%dma_start3A_369, %dma_start3A_370, %dma_start3A_374] : memref<6x3x128xi32, #tpu.memory_space<vmem>> -> memref<1x1x128xi32, #tpu.memory_space<vmem>>
        %dma_start3A_376 = tpu.memref_squeeze %dma_start3A_375 : memref<1x1x128xi32, #tpu.memory_space<vmem>> -> memref<128xi32, #tpu.memory_space<vmem>>
        %dma_start3A_377 = arith.constant 0 : i32
        %dma_start3A_378 = arith.constant 0 : i32
        %dma_start3A_379 = tpu.memref_slice %arg6[%dma_start3A_377, %dma_start3A_378] : memref<100096x16xf32, #tpu.memory_space<vmem_shared>> -> memref<100096x16xf32, #tpu.memory_space<vmem_shared>>
        tpu.enqueue_indirect_dma source(%dma_start3A_373 : memref<128x16xf32, #tpu.memory_space<vmem>>) target(%dma_start3A_379 : memref<100096x16xf32, #tpu.memory_space<vmem_shared>>) offsets(%dma_start3A_376 : memref<128xi32, #tpu.memory_space<vmem>>) semaphore(%arg15 : memref<!tpu.dma_semaphore, #tpu.memory_space<semaphore_mem>>) {add = true}
        %dma_start3A_380 = arith.constant 3 : i32
        %dma_start3A_381 = arith.constant 1 : i32
        %dma_start3A_382 = arith.constant 384 : i32
        %dma_start3A_383 = arith.constant 0 : i32
        %dma_start3A_384 = tpu.memref_slice %arg9[%dma_start3A_382, %dma_start3A_383] : memref<768x16xf32, #tpu.memory_space<vmem>> -> memref<128x16xf32, #tpu.memory_space<vmem>>
        %dma_start3A_385 = arith.constant 0 : i32
        %dma_start3A_386 = tpu.memref_slice %arg7[%dma_start3A_380, %dma_start3A_381, %dma_start3A_385] : memref<6x3x128xi32, #tpu.memory_space<vmem>> -> memref<1x1x128xi32, #tpu.memory_space<vmem>>
        %dma_start3A_387 = tpu.memref_squeeze %dma_start3A_386 : memref<1x1x128xi32, #tpu.memory_space<vmem>> -> memref<128xi32, #tpu.memory_space<vmem>>
        %dma_start3A_388 = arith.constant 0 : i32
        %dma_start3A_389 = arith.constant 0 : i32
        %dma_start3A_390 = tpu.memref_slice %arg6[%dma_start3A_388, %dma_start3A_389] : memref<100096x16xf32, #tpu.memory_space<vmem_shared>> -> memref<100096x16xf32, #tpu.memory_space<vmem_shared>>
        tpu.enqueue_indirect_dma source(%dma_start3A_384 : memref<128x16xf32, #tpu.memory_space<vmem>>) target(%dma_start3A_390 : memref<100096x16xf32, #tpu.memory_space<vmem_shared>>) offsets(%dma_start3A_387 : memref<128xi32, #tpu.memory_space<vmem>>) semaphore(%arg15 : memref<!tpu.dma_semaphore, #tpu.memory_space<semaphore_mem>>) {add = true}
        %dma_start3A_391 = arith.constant 4 : i32
        %dma_start3A_392 = arith.constant 1 : i32
        %dma_start3A_393 = arith.constant 512 : i32
        %dma_start3A_394 = arith.constant 0 : i32
        %dma_start3A_395 = tpu.memref_slice %arg9[%dma_start3A_393, %dma_start3A_394] : memref<768x16xf32, #tpu.memory_space<vmem>> -> memref<128x16xf32, #tpu.memory_space<vmem>>
        %dma_start3A_396 = arith.constant 0 : i32
        %dma_start3A_397 = tpu.memref_slice %arg7[%dma_start3A_391, %dma_start3A_392, %dma_start3A_396] : memref<6x3x128xi32, #tpu.memory_space<vmem>> -> memref<1x1x128xi32, #tpu.memory_space<vmem>>
        %dma_start3A_398 = tpu.memref_squeeze %dma_start3A_397 : memref<1x1x128xi32, #tpu.memory_space<vmem>> -> memref<128xi32, #tpu.memory_space<vmem>>
        %dma_start3A_399 = arith.constant 0 : i32
        %dma_start3A_400 = arith.constant 0 : i32
        %dma_start3A_401 = tpu.memref_slice %arg6[%dma_start3A_399, %dma_start3A_400] : memref<100096x16xf32, #tpu.memory_space<vmem_shared>> -> memref<100096x16xf32, #tpu.memory_space<vmem_shared>>
        tpu.enqueue_indirect_dma source(%dma_start3A_395 : memref<128x16xf32, #tpu.memory_space<vmem>>) target(%dma_start3A_401 : memref<100096x16xf32, #tpu.memory_space<vmem_shared>>) offsets(%dma_start3A_398 : memref<128xi32, #tpu.memory_space<vmem>>) semaphore(%arg15 : memref<!tpu.dma_semaphore, #tpu.memory_space<semaphore_mem>>) {add = true}
        %dma_start3A_402 = arith.constant 5 : i32
        %dma_start3A_403 = arith.constant 1 : i32
        %dma_start3A_404 = arith.constant 640 : i32
        %dma_start3A_405 = arith.constant 0 : i32
        %dma_start3A_406 = tpu.memref_slice %arg9[%dma_start3A_404, %dma_start3A_405] : memref<768x16xf32, #tpu.memory_space<vmem>> -> memref<128x16xf32, #tpu.memory_space<vmem>>
        %dma_start3A_407 = arith.constant 0 : i32
        %dma_start3A_408 = tpu.memref_slice %arg7[%dma_start3A_402, %dma_start3A_403, %dma_start3A_407] : memref<6x3x128xi32, #tpu.memory_space<vmem>> -> memref<1x1x128xi32, #tpu.memory_space<vmem>>
        %dma_start3A_409 = tpu.memref_squeeze %dma_start3A_408 : memref<1x1x128xi32, #tpu.memory_space<vmem>> -> memref<128xi32, #tpu.memory_space<vmem>>
        %dma_start3A_410 = arith.constant 0 : i32
        %dma_start3A_411 = arith.constant 0 : i32
        %dma_start3A_412 = tpu.memref_slice %arg6[%dma_start3A_410, %dma_start3A_411] : memref<100096x16xf32, #tpu.memory_space<vmem_shared>> -> memref<100096x16xf32, #tpu.memory_space<vmem_shared>>
        tpu.enqueue_indirect_dma source(%dma_start3A_406 : memref<128x16xf32, #tpu.memory_space<vmem>>) target(%dma_start3A_412 : memref<100096x16xf32, #tpu.memory_space<vmem_shared>>) offsets(%dma_start3A_409 : memref<128xi32, #tpu.memory_space<vmem>>) semaphore(%arg15 : memref<!tpu.dma_semaphore, #tpu.memory_space<semaphore_mem>>) {add = true}
        %add3A_413 = arith.constant 1 : i32
        %add3A_414 = arith.addi %add3A_258, %add3A_413 : i32
        %lt3A_415 = arith.constant 131 : i32
        %lt3A_416 = arith.cmpi slt, %add3A_414, %lt3A_415 : i32
        %convert_element_type3A_417 = arith.extui %lt3A_416 : i1 to i32
        %cond3A_418 = arith.constant 0 : i32
        %cond3A_419 = arith.cmpi ne, %convert_element_type3A_417, %cond3A_418 : i32
        scf.if %cond3A_419 {
          %add3A_420 = arith.constant 1 : i32
          %add3A_421 = arith.addi %add3A_258, %add3A_420 : i32
          %mul3A_422 = arith.constant 6 : i32
          %mul3A_423 = arith.muli %add3A_421, %mul3A_422 : i32
          %add3A_424 = arith.addi %mul3A_27, %mul3A_423 : i32
          %dma_wait3A_425 = arith.constant 0 : i32
          %dma_wait3A_426 = arith.constant 0 : i32
          %dma_wait3A_427 = tpu.memref_slice %arg3[%add3A_424, %dma_wait3A_425, %dma_wait3A_426] : memref<25152x3x128xi32, #tpu.memory_space<hbm>> -> memref<6x3x128xi32, #tpu.memory_space<hbm>>
          %dma_wait3A_428 = arith.constant 0 : i32
          %dma_wait3A_429 = arith.constant 0 : i32
          %dma_wait3A_430 = tpu.memref_slice %arg3[%add3A_424, %dma_wait3A_428, %dma_wait3A_429] : memref<25152x3x128xi32, #tpu.memory_space<hbm>> -> memref<6x3x128xi32, #tpu.memory_space<hbm>>
          tpu.wait_dma2 semaphore(%arg12 : memref<!tpu.dma_semaphore, #tpu.memory_space<semaphore_mem>>) src(%dma_wait3A_430 : memref<6x3x128xi32, #tpu.memory_space<hbm>>) dst(%arg8 : memref<6x3x128xi32, #tpu.memory_space<vmem>>)
          %dma_start3A_431 = arith.constant 0 : i32
          %dma_start3A_432 = arith.constant 0 : i32
          %dma_start3A_433 = arith.constant 0 : i32
          %dma_start3A_434 = arith.constant 0 : i32
          %dma_start3A_435 = tpu.memref_slice %arg10[%dma_start3A_433, %dma_start3A_434] : memref<768x16xf32, #tpu.memory_space<vmem>> -> memref<128x16xf32, #tpu.memory_space<vmem>>
          %dma_start3A_436 = arith.constant 0 : i32
          %dma_start3A_437 = tpu.memref_slice %arg8[%dma_start3A_431, %dma_start3A_432, %dma_start3A_436] : memref<6x3x128xi32, #tpu.memory_space<vmem>> -> memref<1x1x128xi32, #tpu.memory_space<vmem>>
          %dma_start3A_438 = tpu.memref_squeeze %dma_start3A_437 : memref<1x1x128xi32, #tpu.memory_space<vmem>> -> memref<128xi32, #tpu.memory_space<vmem>>
          %dma_start3A_439 = arith.constant 0 : i32
          %dma_start3A_440 = arith.constant 0 : i32
          %dma_start3A_441 = tpu.memref_slice %arg2[%dma_start3A_439, %dma_start3A_440] : memref<100000x16xf32, #tpu.memory_space<hbm>> -> memref<100000x16xf32, #tpu.memory_space<hbm>>
          tpu.enqueue_indirect_dma source(%dma_start3A_441 : memref<100000x16xf32, #tpu.memory_space<hbm>>) target(%dma_start3A_435 : memref<128x16xf32, #tpu.memory_space<vmem>>) offsets(%dma_start3A_438 : memref<128xi32, #tpu.memory_space<vmem>>) semaphore(%arg14 : memref<!tpu.dma_semaphore, #tpu.memory_space<semaphore_mem>>)
          %dma_start3A_442 = arith.constant 1 : i32
          %dma_start3A_443 = arith.constant 0 : i32
          %dma_start3A_444 = arith.constant 128 : i32
          %dma_start3A_445 = arith.constant 0 : i32
          %dma_start3A_446 = tpu.memref_slice %arg10[%dma_start3A_444, %dma_start3A_445] : memref<768x16xf32, #tpu.memory_space<vmem>> -> memref<128x16xf32, #tpu.memory_space<vmem>>
          %dma_start3A_447 = arith.constant 0 : i32
          %dma_start3A_448 = tpu.memref_slice %arg8[%dma_start3A_442, %dma_start3A_443, %dma_start3A_447] : memref<6x3x128xi32, #tpu.memory_space<vmem>> -> memref<1x1x128xi32, #tpu.memory_space<vmem>>
          %dma_start3A_449 = tpu.memref_squeeze %dma_start3A_448 : memref<1x1x128xi32, #tpu.memory_space<vmem>> -> memref<128xi32, #tpu.memory_space<vmem>>
          %dma_start3A_450 = arith.constant 0 : i32
          %dma_start3A_451 = arith.constant 0 : i32
          %dma_start3A_452 = tpu.memref_slice %arg2[%dma_start3A_450, %dma_start3A_451] : memref<100000x16xf32, #tpu.memory_space<hbm>> -> memref<100000x16xf32, #tpu.memory_space<hbm>>
          tpu.enqueue_indirect_dma source(%dma_start3A_452 : memref<100000x16xf32, #tpu.memory_space<hbm>>) target(%dma_start3A_446 : memref<128x16xf32, #tpu.memory_space<vmem>>) offsets(%dma_start3A_449 : memref<128xi32, #tpu.memory_space<vmem>>) semaphore(%arg14 : memref<!tpu.dma_semaphore, #tpu.memory_space<semaphore_mem>>)
          %dma_start3A_453 = arith.constant 2 : i32
          %dma_start3A_454 = arith.constant 0 : i32
          %dma_start3A_455 = arith.constant 256 : i32
          %dma_start3A_456 = arith.constant 0 : i32
          %dma_start3A_457 = tpu.memref_slice %arg10[%dma_start3A_455, %dma_start3A_456] : memref<768x16xf32, #tpu.memory_space<vmem>> -> memref<128x16xf32, #tpu.memory_space<vmem>>
          %dma_start3A_458 = arith.constant 0 : i32
          %dma_start3A_459 = tpu.memref_slice %arg8[%dma_start3A_453, %dma_start3A_454, %dma_start3A_458] : memref<6x3x128xi32, #tpu.memory_space<vmem>> -> memref<1x1x128xi32, #tpu.memory_space<vmem>>
          %dma_start3A_460 = tpu.memref_squeeze %dma_start3A_459 : memref<1x1x128xi32, #tpu.memory_space<vmem>> -> memref<128xi32, #tpu.memory_space<vmem>>
          %dma_start3A_461 = arith.constant 0 : i32
          %dma_start3A_462 = arith.constant 0 : i32
          %dma_start3A_463 = tpu.memref_slice %arg2[%dma_start3A_461, %dma_start3A_462] : memref<100000x16xf32, #tpu.memory_space<hbm>> -> memref<100000x16xf32, #tpu.memory_space<hbm>>
          tpu.enqueue_indirect_dma source(%dma_start3A_463 : memref<100000x16xf32, #tpu.memory_space<hbm>>) target(%dma_start3A_457 : memref<128x16xf32, #tpu.memory_space<vmem>>) offsets(%dma_start3A_460 : memref<128xi32, #tpu.memory_space<vmem>>) semaphore(%arg14 : memref<!tpu.dma_semaphore, #tpu.memory_space<semaphore_mem>>)
          %dma_start3A_464 = arith.constant 3 : i32
          %dma_start3A_465 = arith.constant 0 : i32
          %dma_start3A_466 = arith.constant 384 : i32
          %dma_start3A_467 = arith.constant 0 : i32
          %dma_start3A_468 = tpu.memref_slice %arg10[%dma_start3A_466, %dma_start3A_467] : memref<768x16xf32, #tpu.memory_space<vmem>> -> memref<128x16xf32, #tpu.memory_space<vmem>>
          %dma_start3A_469 = arith.constant 0 : i32
          %dma_start3A_470 = tpu.memref_slice %arg8[%dma_start3A_464, %dma_start3A_465, %dma_start3A_469] : memref<6x3x128xi32, #tpu.memory_space<vmem>> -> memref<1x1x128xi32, #tpu.memory_space<vmem>>
          %dma_start3A_471 = tpu.memref_squeeze %dma_start3A_470 : memref<1x1x128xi32, #tpu.memory_space<vmem>> -> memref<128xi32, #tpu.memory_space<vmem>>
          %dma_start3A_472 = arith.constant 0 : i32
          %dma_start3A_473 = arith.constant 0 : i32
          %dma_start3A_474 = tpu.memref_slice %arg2[%dma_start3A_472, %dma_start3A_473] : memref<100000x16xf32, #tpu.memory_space<hbm>> -> memref<100000x16xf32, #tpu.memory_space<hbm>>
          tpu.enqueue_indirect_dma source(%dma_start3A_474 : memref<100000x16xf32, #tpu.memory_space<hbm>>) target(%dma_start3A_468 : memref<128x16xf32, #tpu.memory_space<vmem>>) offsets(%dma_start3A_471 : memref<128xi32, #tpu.memory_space<vmem>>) semaphore(%arg14 : memref<!tpu.dma_semaphore, #tpu.memory_space<semaphore_mem>>)
          %dma_start3A_475 = arith.constant 4 : i32
          %dma_start3A_476 = arith.constant 0 : i32
          %dma_start3A_477 = arith.constant 512 : i32
          %dma_start3A_478 = arith.constant 0 : i32
          %dma_start3A_479 = tpu.memref_slice %arg10[%dma_start3A_477, %dma_start3A_478] : memref<768x16xf32, #tpu.memory_space<vmem>> -> memref<128x16xf32, #tpu.memory_space<vmem>>
          %dma_start3A_480 = arith.constant 0 : i32
          %dma_start3A_481 = tpu.memref_slice %arg8[%dma_start3A_475, %dma_start3A_476, %dma_start3A_480] : memref<6x3x128xi32, #tpu.memory_space<vmem>> -> memref<1x1x128xi32, #tpu.memory_space<vmem>>
          %dma_start3A_482 = tpu.memref_squeeze %dma_start3A_481 : memref<1x1x128xi32, #tpu.memory_space<vmem>> -> memref<128xi32, #tpu.memory_space<vmem>>
          %dma_start3A_483 = arith.constant 0 : i32
          %dma_start3A_484 = arith.constant 0 : i32
          %dma_start3A_485 = tpu.memref_slice %arg2[%dma_start3A_483, %dma_start3A_484] : memref<100000x16xf32, #tpu.memory_space<hbm>> -> memref<100000x16xf32, #tpu.memory_space<hbm>>
          tpu.enqueue_indirect_dma source(%dma_start3A_485 : memref<100000x16xf32, #tpu.memory_space<hbm>>) target(%dma_start3A_479 : memref<128x16xf32, #tpu.memory_space<vmem>>) offsets(%dma_start3A_482 : memref<128xi32, #tpu.memory_space<vmem>>) semaphore(%arg14 : memref<!tpu.dma_semaphore, #tpu.memory_space<semaphore_mem>>)
          %dma_start3A_486 = arith.constant 5 : i32
          %dma_start3A_487 = arith.constant 0 : i32
          %dma_start3A_488 = arith.constant 640 : i32
          %dma_start3A_489 = arith.constant 0 : i32
          %dma_start3A_490 = tpu.memref_slice %arg10[%dma_start3A_488, %dma_start3A_489] : memref<768x16xf32, #tpu.memory_space<vmem>> -> memref<128x16xf32, #tpu.memory_space<vmem>>
          %dma_start3A_491 = arith.constant 0 : i32
          %dma_start3A_492 = tpu.memref_slice %arg8[%dma_start3A_486, %dma_start3A_487, %dma_start3A_491] : memref<6x3x128xi32, #tpu.memory_space<vmem>> -> memref<1x1x128xi32, #tpu.memory_space<vmem>>
          %dma_start3A_493 = tpu.memref_squeeze %dma_start3A_492 : memref<1x1x128xi32, #tpu.memory_space<vmem>> -> memref<128xi32, #tpu.memory_space<vmem>>
          %dma_start3A_494 = arith.constant 0 : i32
          %dma_start3A_495 = arith.constant 0 : i32
          %dma_start3A_496 = tpu.memref_slice %arg2[%dma_start3A_494, %dma_start3A_495] : memref<100000x16xf32, #tpu.memory_space<hbm>> -> memref<100000x16xf32, #tpu.memory_space<hbm>>
          tpu.enqueue_indirect_dma source(%dma_start3A_496 : memref<100000x16xf32, #tpu.memory_space<hbm>>) target(%dma_start3A_490 : memref<128x16xf32, #tpu.memory_space<vmem>>) offsets(%dma_start3A_493 : memref<128xi32, #tpu.memory_space<vmem>>) semaphore(%arg14 : memref<!tpu.dma_semaphore, #tpu.memory_space<semaphore_mem>>)
        } else {
        }
      } else {
      }
      %mul3A_263 = arith.constant 2 : i32
      %mul3A_264 = arith.muli %mul3A_263, %scan3A_254 : i32
      %add3A_265 = arith.constant 1 : i32
      %add3A_266 = arith.addi %mul3A_264, %add3A_265 : i32
      %lt3A_267 = arith.constant 131 : i32
      %lt3A_268 = arith.cmpi slt, %add3A_266, %lt3A_267 : i32
      %convert_element_type3A_269 = arith.extui %lt3A_268 : i1 to i32
      %cond3A_270 = arith.constant 0 : i32
      %cond3A_271 = arith.cmpi ne, %convert_element_type3A_269, %cond3A_270 : i32
      scf.if %cond3A_271 {
        %add3A_272 = arith.constant 1 : i32
        %add3A_273 = arith.addi %add3A_266, %add3A_272 : i32
        %lt3A_274 = arith.constant 131 : i32
        %lt3A_275 = arith.cmpi slt, %add3A_273, %lt3A_274 : i32
        %convert_element_type3A_276 = arith.extui %lt3A_275 : i1 to i32
        %cond3A_277 = arith.constant 0 : i32
        %cond3A_278 = arith.cmpi ne, %convert_element_type3A_276, %cond3A_277 : i32
        scf.if %cond3A_278 {
          %gt3A = arith.constant 0 : i32
          %gt3A_420 = arith.cmpi sgt, %add3A_266, %gt3A : i32
          %convert_element_type3A_421 = arith.extui %gt3A_420 : i1 to i32
          %cond3A_422 = arith.constant 0 : i32
          %cond3A_423 = arith.cmpi ne, %convert_element_type3A_421, %cond3A_422 : i32
          scf.if %cond3A_423 {
            %dma_wait3A_435 = arith.constant 0 : i32
            %dma_wait3A_436 = arith.constant 1 : i32
            %dma_wait3A_437 = arith.constant 0 : i32
            %dma_wait3A_438 = arith.constant 0 : i32
            %dma_wait3A_439 = tpu.memref_slice %arg9[%dma_wait3A_437, %dma_wait3A_438] : memref<768x16xf32, #tpu.memory_space<vmem>> -> memref<128x16xf32, #tpu.memory_space<vmem>>
            %dma_wait3A_440 = arith.constant 0 : i32
            %dma_wait3A_441 = tpu.memref_slice %arg7[%dma_wait3A_435, %dma_wait3A_436, %dma_wait3A_440] : memref<6x3x128xi32, #tpu.memory_space<vmem>> -> memref<1x1x128xi32, #tpu.memory_space<vmem>>
            %dma_wait3A_442 = tpu.memref_squeeze %dma_wait3A_441 : memref<1x1x128xi32, #tpu.memory_space<vmem>> -> memref<128xi32, #tpu.memory_space<vmem>>
            %dma_wait3A_443 = arith.constant 0 : i32
            %dma_wait3A_444 = arith.constant 0 : i32
            %dma_wait3A_445 = tpu.memref_slice %arg6[%dma_wait3A_443, %dma_wait3A_444] : memref<100096x16xf32, #tpu.memory_space<vmem_shared>> -> memref<100096x16xf32, #tpu.memory_space<vmem_shared>>
            tpu.wait_indirect_dma semaphore(%arg15 : memref<!tpu.dma_semaphore, #tpu.memory_space<semaphore_mem>>) src(%dma_wait3A_439 : memref<128x16xf32, #tpu.memory_space<vmem>>) dst(%dma_wait3A_445 : memref<100096x16xf32, #tpu.memory_space<vmem_shared>>)
            %dma_wait3A_446 = arith.constant 1 : i32
            %dma_wait3A_447 = arith.constant 1 : i32
            %dma_wait3A_448 = arith.constant 128 : i32
            %dma_wait3A_449 = arith.constant 0 : i32
            %dma_wait3A_450 = tpu.memref_slice %arg9[%dma_wait3A_448, %dma_wait3A_449] : memref<768x16xf32, #tpu.memory_space<vmem>> -> memref<128x16xf32, #tpu.memory_space<vmem>>
            %dma_wait3A_451 = arith.constant 0 : i32
            %dma_wait3A_452 = tpu.memref_slice %arg7[%dma_wait3A_446, %dma_wait3A_447, %dma_wait3A_451] : memref<6x3x128xi32, #tpu.memory_space<vmem>> -> memref<1x1x128xi32, #tpu.memory_space<vmem>>
            %dma_wait3A_453 = tpu.memref_squeeze %dma_wait3A_452 : memref<1x1x128xi32, #tpu.memory_space<vmem>> -> memref<128xi32, #tpu.memory_space<vmem>>
            %dma_wait3A_454 = arith.constant 0 : i32
            %dma_wait3A_455 = arith.constant 0 : i32
            %dma_wait3A_456 = tpu.memref_slice %arg6[%dma_wait3A_454, %dma_wait3A_455] : memref<100096x16xf32, #tpu.memory_space<vmem_shared>> -> memref<100096x16xf32, #tpu.memory_space<vmem_shared>>
            tpu.wait_indirect_dma semaphore(%arg15 : memref<!tpu.dma_semaphore, #tpu.memory_space<semaphore_mem>>) src(%dma_wait3A_450 : memref<128x16xf32, #tpu.memory_space<vmem>>) dst(%dma_wait3A_456 : memref<100096x16xf32, #tpu.memory_space<vmem_shared>>)
            %dma_wait3A_457 = arith.constant 2 : i32
            %dma_wait3A_458 = arith.constant 1 : i32
            %dma_wait3A_459 = arith.constant 256 : i32
            %dma_wait3A_460 = arith.constant 0 : i32
            %dma_wait3A_461 = tpu.memref_slice %arg9[%dma_wait3A_459, %dma_wait3A_460] : memref<768x16xf32, #tpu.memory_space<vmem>> -> memref<128x16xf32, #tpu.memory_space<vmem>>
            %dma_wait3A_462 = arith.constant 0 : i32
            %dma_wait3A_463 = tpu.memref_slice %arg7[%dma_wait3A_457, %dma_wait3A_458, %dma_wait3A_462] : memref<6x3x128xi32, #tpu.memory_space<vmem>> -> memref<1x1x128xi32, #tpu.memory_space<vmem>>
            %dma_wait3A_464 = tpu.memref_squeeze %dma_wait3A_463 : memref<1x1x128xi32, #tpu.memory_space<vmem>> -> memref<128xi32, #tpu.memory_space<vmem>>
            %dma_wait3A_465 = arith.constant 0 : i32
            %dma_wait3A_466 = arith.constant 0 : i32
            %dma_wait3A_467 = tpu.memref_slice %arg6[%dma_wait3A_465, %dma_wait3A_466] : memref<100096x16xf32, #tpu.memory_space<vmem_shared>> -> memref<100096x16xf32, #tpu.memory_space<vmem_shared>>
            tpu.wait_indirect_dma semaphore(%arg15 : memref<!tpu.dma_semaphore, #tpu.memory_space<semaphore_mem>>) src(%dma_wait3A_461 : memref<128x16xf32, #tpu.memory_space<vmem>>) dst(%dma_wait3A_467 : memref<100096x16xf32, #tpu.memory_space<vmem_shared>>)
            %dma_wait3A_468 = arith.constant 3 : i32
            %dma_wait3A_469 = arith.constant 1 : i32
            %dma_wait3A_470 = arith.constant 384 : i32
            %dma_wait3A_471 = arith.constant 0 : i32
            %dma_wait3A_472 = tpu.memref_slice %arg9[%dma_wait3A_470, %dma_wait3A_471] : memref<768x16xf32, #tpu.memory_space<vmem>> -> memref<128x16xf32, #tpu.memory_space<vmem>>
            %dma_wait3A_473 = arith.constant 0 : i32
            %dma_wait3A_474 = tpu.memref_slice %arg7[%dma_wait3A_468, %dma_wait3A_469, %dma_wait3A_473] : memref<6x3x128xi32, #tpu.memory_space<vmem>> -> memref<1x1x128xi32, #tpu.memory_space<vmem>>
            %dma_wait3A_475 = tpu.memref_squeeze %dma_wait3A_474 : memref<1x1x128xi32, #tpu.memory_space<vmem>> -> memref<128xi32, #tpu.memory_space<vmem>>
            %dma_wait3A_476 = arith.constant 0 : i32
            %dma_wait3A_477 = arith.constant 0 : i32
            %dma_wait3A_478 = tpu.memref_slice %arg6[%dma_wait3A_476, %dma_wait3A_477] : memref<100096x16xf32, #tpu.memory_space<vmem_shared>> -> memref<100096x16xf32, #tpu.memory_space<vmem_shared>>
            tpu.wait_indirect_dma semaphore(%arg15 : memref<!tpu.dma_semaphore, #tpu.memory_space<semaphore_mem>>) src(%dma_wait3A_472 : memref<128x16xf32, #tpu.memory_space<vmem>>) dst(%dma_wait3A_478 : memref<100096x16xf32, #tpu.memory_space<vmem_shared>>)
            %dma_wait3A_479 = arith.constant 4 : i32
            %dma_wait3A_480 = arith.constant 1 : i32
            %dma_wait3A_481 = arith.constant 512 : i32
            %dma_wait3A_482 = arith.constant 0 : i32
            %dma_wait3A_483 = tpu.memref_slice %arg9[%dma_wait3A_481, %dma_wait3A_482] : memref<768x16xf32, #tpu.memory_space<vmem>> -> memref<128x16xf32, #tpu.memory_space<vmem>>
            %dma_wait3A_484 = arith.constant 0 : i32
            %dma_wait3A_485 = tpu.memref_slice %arg7[%dma_wait3A_479, %dma_wait3A_480, %dma_wait3A_484] : memref<6x3x128xi32, #tpu.memory_space<vmem>> -> memref<1x1x128xi32, #tpu.memory_space<vmem>>
            %dma_wait3A_486 = tpu.memref_squeeze %dma_wait3A_485 : memref<1x1x128xi32, #tpu.memory_space<vmem>> -> memref<128xi32, #tpu.memory_space<vmem>>
            %dma_wait3A_487 = arith.constant 0 : i32
            %dma_wait3A_488 = arith.constant 0 : i32
            %dma_wait3A_489 = tpu.memref_slice %arg6[%dma_wait3A_487, %dma_wait3A_488] : memref<100096x16xf32, #tpu.memory_space<vmem_shared>> -> memref<100096x16xf32, #tpu.memory_space<vmem_shared>>
            tpu.wait_indirect_dma semaphore(%arg15 : memref<!tpu.dma_semaphore, #tpu.memory_space<semaphore_mem>>) src(%dma_wait3A_483 : memref<128x16xf32, #tpu.memory_space<vmem>>) dst(%dma_wait3A_489 : memref<100096x16xf32, #tpu.memory_space<vmem_shared>>)
            %dma_wait3A_490 = arith.constant 5 : i32
            %dma_wait3A_491 = arith.constant 1 : i32
            %dma_wait3A_492 = arith.constant 640 : i32
            %dma_wait3A_493 = arith.constant 0 : i32
            %dma_wait3A_494 = tpu.memref_slice %arg9[%dma_wait3A_492, %dma_wait3A_493] : memref<768x16xf32, #tpu.memory_space<vmem>> -> memref<128x16xf32, #tpu.memory_space<vmem>>
            %dma_wait3A_495 = arith.constant 0 : i32
            %dma_wait3A_496 = tpu.memref_slice %arg7[%dma_wait3A_490, %dma_wait3A_491, %dma_wait3A_495] : memref<6x3x128xi32, #tpu.memory_space<vmem>> -> memref<1x1x128xi32, #tpu.memory_space<vmem>>
            %dma_wait3A_497 = tpu.memref_squeeze %dma_wait3A_496 : memref<1x1x128xi32, #tpu.memory_space<vmem>> -> memref<128xi32, #tpu.memory_space<vmem>>
            %dma_wait3A_498 = arith.constant 0 : i32
            %dma_wait3A_499 = arith.constant 0 : i32
            %dma_wait3A_500 = tpu.memref_slice %arg6[%dma_wait3A_498, %dma_wait3A_499] : memref<100096x16xf32, #tpu.memory_space<vmem_shared>> -> memref<100096x16xf32, #tpu.memory_space<vmem_shared>>
            tpu.wait_indirect_dma semaphore(%arg15 : memref<!tpu.dma_semaphore, #tpu.memory_space<semaphore_mem>>) src(%dma_wait3A_494 : memref<128x16xf32, #tpu.memory_space<vmem>>) dst(%dma_wait3A_500 : memref<100096x16xf32, #tpu.memory_space<vmem_shared>>)
          } else {
          }
          %add3A_424 = arith.constant 1 : i32
          %add3A_425 = arith.addi %add3A_266, %add3A_424 : i32
          %mul3A_426 = arith.constant 6 : i32
          %mul3A_427 = arith.muli %add3A_425, %mul3A_426 : i32
          %add3A_428 = arith.addi %mul3A_27, %mul3A_427 : i32
          %dma_start3A_429 = arith.constant 0 : i32
          %dma_start3A_430 = arith.constant 0 : i32
          %dma_start3A_431 = tpu.memref_slice %arg3[%add3A_428, %dma_start3A_429, %dma_start3A_430] : memref<25152x3x128xi32, #tpu.memory_space<hbm>> -> memref<6x3x128xi32, #tpu.memory_space<hbm>>
          %dma_start3A_432 = arith.constant 0 : i32
          %dma_start3A_433 = arith.constant 0 : i32
          %dma_start3A_434 = tpu.memref_slice %arg3[%add3A_428, %dma_start3A_432, %dma_start3A_433] : memref<25152x3x128xi32, #tpu.memory_space<hbm>> -> memref<6x3x128xi32, #tpu.memory_space<hbm>>
          tpu.enqueue_dma source(%dma_start3A_434 : memref<6x3x128xi32, #tpu.memory_space<hbm>>) target(%arg7 : memref<6x3x128xi32, #tpu.memory_space<vmem>>) target_semaphore(%arg11 : memref<!tpu.dma_semaphore, #tpu.memory_space<semaphore_mem>>)
        } else {
        }
        %dma_wait3A_279 = arith.constant 0 : i32
        %dma_wait3A_280 = arith.constant 0 : i32
        %dma_wait3A_281 = arith.constant 0 : i32
        %dma_wait3A_282 = arith.constant 0 : i32
        %dma_wait3A_283 = tpu.memref_slice %arg10[%dma_wait3A_281, %dma_wait3A_282] : memref<768x16xf32, #tpu.memory_space<vmem>> -> memref<128x16xf32, #tpu.memory_space<vmem>>
        %dma_wait3A_284 = arith.constant 0 : i32
        %dma_wait3A_285 = tpu.memref_slice %arg8[%dma_wait3A_279, %dma_wait3A_280, %dma_wait3A_284] : memref<6x3x128xi32, #tpu.memory_space<vmem>> -> memref<1x1x128xi32, #tpu.memory_space<vmem>>
        %dma_wait3A_286 = tpu.memref_squeeze %dma_wait3A_285 : memref<1x1x128xi32, #tpu.memory_space<vmem>> -> memref<128xi32, #tpu.memory_space<vmem>>
        %dma_wait3A_287 = arith.constant 0 : i32
        %dma_wait3A_288 = arith.constant 0 : i32
        %dma_wait3A_289 = tpu.memref_slice %arg2[%dma_wait3A_287, %dma_wait3A_288] : memref<100000x16xf32, #tpu.memory_space<hbm>> -> memref<100000x16xf32, #tpu.memory_space<hbm>>
        tpu.wait_indirect_dma semaphore(%arg14 : memref<!tpu.dma_semaphore, #tpu.memory_space<semaphore_mem>>) src(%dma_wait3A_289 : memref<100000x16xf32, #tpu.memory_space<hbm>>) dst(%dma_wait3A_283 : memref<128x16xf32, #tpu.memory_space<vmem>>)
        %dma_wait3A_290 = arith.constant 1 : i32
        %dma_wait3A_291 = arith.constant 0 : i32
        %dma_wait3A_292 = arith.constant 128 : i32
        %dma_wait3A_293 = arith.constant 0 : i32
        %dma_wait3A_294 = tpu.memref_slice %arg10[%dma_wait3A_292, %dma_wait3A_293] : memref<768x16xf32, #tpu.memory_space<vmem>> -> memref<128x16xf32, #tpu.memory_space<vmem>>
        %dma_wait3A_295 = arith.constant 0 : i32
        %dma_wait3A_296 = tpu.memref_slice %arg8[%dma_wait3A_290, %dma_wait3A_291, %dma_wait3A_295] : memref<6x3x128xi32, #tpu.memory_space<vmem>> -> memref<1x1x128xi32, #tpu.memory_space<vmem>>
        %dma_wait3A_297 = tpu.memref_squeeze %dma_wait3A_296 : memref<1x1x128xi32, #tpu.memory_space<vmem>> -> memref<128xi32, #tpu.memory_space<vmem>>
        %dma_wait3A_298 = arith.constant 0 : i32
        %dma_wait3A_299 = arith.constant 0 : i32
        %dma_wait3A_300 = tpu.memref_slice %arg2[%dma_wait3A_298, %dma_wait3A_299] : memref<100000x16xf32, #tpu.memory_space<hbm>> -> memref<100000x16xf32, #tpu.memory_space<hbm>>
        tpu.wait_indirect_dma semaphore(%arg14 : memref<!tpu.dma_semaphore, #tpu.memory_space<semaphore_mem>>) src(%dma_wait3A_300 : memref<100000x16xf32, #tpu.memory_space<hbm>>) dst(%dma_wait3A_294 : memref<128x16xf32, #tpu.memory_space<vmem>>)
        %dma_wait3A_301 = arith.constant 2 : i32
        %dma_wait3A_302 = arith.constant 0 : i32
        %dma_wait3A_303 = arith.constant 256 : i32
        %dma_wait3A_304 = arith.constant 0 : i32
        %dma_wait3A_305 = tpu.memref_slice %arg10[%dma_wait3A_303, %dma_wait3A_304] : memref<768x16xf32, #tpu.memory_space<vmem>> -> memref<128x16xf32, #tpu.memory_space<vmem>>
        %dma_wait3A_306 = arith.constant 0 : i32
        %dma_wait3A_307 = tpu.memref_slice %arg8[%dma_wait3A_301, %dma_wait3A_302, %dma_wait3A_306] : memref<6x3x128xi32, #tpu.memory_space<vmem>> -> memref<1x1x128xi32, #tpu.memory_space<vmem>>
        %dma_wait3A_308 = tpu.memref_squeeze %dma_wait3A_307 : memref<1x1x128xi32, #tpu.memory_space<vmem>> -> memref<128xi32, #tpu.memory_space<vmem>>
        %dma_wait3A_309 = arith.constant 0 : i32
        %dma_wait3A_310 = arith.constant 0 : i32
        %dma_wait3A_311 = tpu.memref_slice %arg2[%dma_wait3A_309, %dma_wait3A_310] : memref<100000x16xf32, #tpu.memory_space<hbm>> -> memref<100000x16xf32, #tpu.memory_space<hbm>>
        tpu.wait_indirect_dma semaphore(%arg14 : memref<!tpu.dma_semaphore, #tpu.memory_space<semaphore_mem>>) src(%dma_wait3A_311 : memref<100000x16xf32, #tpu.memory_space<hbm>>) dst(%dma_wait3A_305 : memref<128x16xf32, #tpu.memory_space<vmem>>)
        %dma_wait3A_312 = arith.constant 3 : i32
        %dma_wait3A_313 = arith.constant 0 : i32
        %dma_wait3A_314 = arith.constant 384 : i32
        %dma_wait3A_315 = arith.constant 0 : i32
        %dma_wait3A_316 = tpu.memref_slice %arg10[%dma_wait3A_314, %dma_wait3A_315] : memref<768x16xf32, #tpu.memory_space<vmem>> -> memref<128x16xf32, #tpu.memory_space<vmem>>
        %dma_wait3A_317 = arith.constant 0 : i32
        %dma_wait3A_318 = tpu.memref_slice %arg8[%dma_wait3A_312, %dma_wait3A_313, %dma_wait3A_317] : memref<6x3x128xi32, #tpu.memory_space<vmem>> -> memref<1x1x128xi32, #tpu.memory_space<vmem>>
        %dma_wait3A_319 = tpu.memref_squeeze %dma_wait3A_318 : memref<1x1x128xi32, #tpu.memory_space<vmem>> -> memref<128xi32, #tpu.memory_space<vmem>>
        %dma_wait3A_320 = arith.constant 0 : i32
        %dma_wait3A_321 = arith.constant 0 : i32
        %dma_wait3A_322 = tpu.memref_slice %arg2[%dma_wait3A_320, %dma_wait3A_321] : memref<100000x16xf32, #tpu.memory_space<hbm>> -> memref<100000x16xf32, #tpu.memory_space<hbm>>
        tpu.wait_indirect_dma semaphore(%arg14 : memref<!tpu.dma_semaphore, #tpu.memory_space<semaphore_mem>>) src(%dma_wait3A_322 : memref<100000x16xf32, #tpu.memory_space<hbm>>) dst(%dma_wait3A_316 : memref<128x16xf32, #tpu.memory_space<vmem>>)
        %dma_wait3A_323 = arith.constant 4 : i32
        %dma_wait3A_324 = arith.constant 0 : i32
        %dma_wait3A_325 = arith.constant 512 : i32
        %dma_wait3A_326 = arith.constant 0 : i32
        %dma_wait3A_327 = tpu.memref_slice %arg10[%dma_wait3A_325, %dma_wait3A_326] : memref<768x16xf32, #tpu.memory_space<vmem>> -> memref<128x16xf32, #tpu.memory_space<vmem>>
        %dma_wait3A_328 = arith.constant 0 : i32
        %dma_wait3A_329 = tpu.memref_slice %arg8[%dma_wait3A_323, %dma_wait3A_324, %dma_wait3A_328] : memref<6x3x128xi32, #tpu.memory_space<vmem>> -> memref<1x1x128xi32, #tpu.memory_space<vmem>>
        %dma_wait3A_330 = tpu.memref_squeeze %dma_wait3A_329 : memref<1x1x128xi32, #tpu.memory_space<vmem>> -> memref<128xi32, #tpu.memory_space<vmem>>
        %dma_wait3A_331 = arith.constant 0 : i32
        %dma_wait3A_332 = arith.constant 0 : i32
        %dma_wait3A_333 = tpu.memref_slice %arg2[%dma_wait3A_331, %dma_wait3A_332] : memref<100000x16xf32, #tpu.memory_space<hbm>> -> memref<100000x16xf32, #tpu.memory_space<hbm>>
        tpu.wait_indirect_dma semaphore(%arg14 : memref<!tpu.dma_semaphore, #tpu.memory_space<semaphore_mem>>) src(%dma_wait3A_333 : memref<100000x16xf32, #tpu.memory_space<hbm>>) dst(%dma_wait3A_327 : memref<128x16xf32, #tpu.memory_space<vmem>>)
        %dma_wait3A_334 = arith.constant 5 : i32
        %dma_wait3A_335 = arith.constant 0 : i32
        %dma_wait3A_336 = arith.constant 640 : i32
        %dma_wait3A_337 = arith.constant 0 : i32
        %dma_wait3A_338 = tpu.memref_slice %arg10[%dma_wait3A_336, %dma_wait3A_337] : memref<768x16xf32, #tpu.memory_space<vmem>> -> memref<128x16xf32, #tpu.memory_space<vmem>>
        %dma_wait3A_339 = arith.constant 0 : i32
        %dma_wait3A_340 = tpu.memref_slice %arg8[%dma_wait3A_334, %dma_wait3A_335, %dma_wait3A_339] : memref<6x3x128xi32, #tpu.memory_space<vmem>> -> memref<1x1x128xi32, #tpu.memory_space<vmem>>
        %dma_wait3A_341 = tpu.memref_squeeze %dma_wait3A_340 : memref<1x1x128xi32, #tpu.memory_space<vmem>> -> memref<128xi32, #tpu.memory_space<vmem>>
        %dma_wait3A_342 = arith.constant 0 : i32
        %dma_wait3A_343 = arith.constant 0 : i32
        %dma_wait3A_344 = tpu.memref_slice %arg2[%dma_wait3A_342, %dma_wait3A_343] : memref<100000x16xf32, #tpu.memory_space<hbm>> -> memref<100000x16xf32, #tpu.memory_space<hbm>>
        tpu.wait_indirect_dma semaphore(%arg14 : memref<!tpu.dma_semaphore, #tpu.memory_space<semaphore_mem>>) src(%dma_wait3A_344 : memref<100000x16xf32, #tpu.memory_space<hbm>>) dst(%dma_wait3A_338 : memref<128x16xf32, #tpu.memory_space<vmem>>)
        %parallel_loop3A = arith.constant 0 : i32
        %parallel_loop3A_345 = arith.constant 48 : i32
        %parallel_loop3A_346 = arith.constant 1 : i32
        scf.for %parallel_loop3A_420 = %parallel_loop3A to %parallel_loop3A_345 step %parallel_loop3A_346  : i32 {
          %parallel_loop3A_421 = arith.constant 8 : i32
          %parallel_loop3A_422 = arith.divsi %parallel_loop3A_420, %parallel_loop3A_421 : i32
          %parallel_loop3A_423 = arith.constant 0 : i32
          %parallel_loop3A_424 = arith.cmpi sgt, %parallel_loop3A_420, %parallel_loop3A_423 : i32
          %parallel_loop3A_425 = arith.extui %parallel_loop3A_424 : i1 to i32
          %parallel_loop3A_426 = arith.constant 0 : i32
          %parallel_loop3A_427 = arith.cmpi slt, %parallel_loop3A_420, %parallel_loop3A_426 : i32
          %parallel_loop3A_428 = arith.extui %parallel_loop3A_427 : i1 to i32
          %parallel_loop3A_429 = arith.subi %parallel_loop3A_425, %parallel_loop3A_428 : i32
          %parallel_loop3A_430 = arith.constant 0 : i32
          %parallel_loop3A_431 = arith.cmpi sgt, %parallel_loop3A_421, %parallel_loop3A_430 : i32
          %parallel_loop3A_432 = arith.extui %parallel_loop3A_431 : i1 to i32
          %parallel_loop3A_433 = arith.constant 0 : i32
          %parallel_loop3A_434 = arith.cmpi slt, %parallel_loop3A_421, %parallel_loop3A_433 : i32
          %parallel_loop3A_435 = arith.extui %parallel_loop3A_434 : i1 to i32
          %parallel_loop3A_436 = arith.subi %parallel_loop3A_432, %parallel_loop3A_435 : i32
          %parallel_loop3A_437 = arith.cmpi ne, %parallel_loop3A_429, %parallel_loop3A_436 : i32
          %parallel_loop3A_438 = arith.remsi %parallel_loop3A_420, %parallel_loop3A_421 : i32
          %parallel_loop3A_439 = arith.constant 0 : i32
          %parallel_loop3A_440 = arith.cmpi ne, %parallel_loop3A_438, %parallel_loop3A_439 : i32
          %parallel_loop3A_441 = arith.andi %parallel_loop3A_437, %parallel_loop3A_440 : i1
          %parallel_loop3A_442 = arith.constant 1 : i32
          %parallel_loop3A_443 = arith.subi %parallel_loop3A_422, %parallel_loop3A_442 : i32
          %parallel_loop3A_444 = arith.select %parallel_loop3A_441, %parallel_loop3A_443, %parallel_loop3A_422 : i32
          %parallel_loop3A_445 = arith.constant 8 : i32
          %parallel_loop3A_446 = arith.muli %parallel_loop3A_444, %parallel_loop3A_445 : i32
          %parallel_loop3A_447 = arith.subi %parallel_loop3A_420, %parallel_loop3A_446 : i32
          %parallel_loop3A_448 = arith.constant 16 : i32
          %parallel_loop3A_449 = arith.muli %parallel_loop3A_447, %parallel_loop3A_448 : i32
          %parallel_loop3A_450 = arith.constant 2 : i32
          %parallel_loop3A_451 = arith.index_cast %parallel_loop3A_444 : i32 to index
          %parallel_loop3A_452 = arith.index_cast %parallel_loop3A_450 : i32 to index
          %parallel_loop3A_453 = arith.index_cast %parallel_loop3A_449 : i32 to index
          %parallel_loop3A_454 = tpu.vector_load %arg8[%parallel_loop3A_451, %parallel_loop3A_452, %parallel_loop3A_453] {strides = array<i32>} : memref<6x3x128xi32, #tpu.memory_space<vmem>>, vector<1x1x16xi32>,
          %parallel_loop3A_455 = vector.shape_cast %parallel_loop3A_454 : vector<1x1x16xi32> to vector<16xi32>
          %parallel_loop3A_456 = tpu.bitcast %parallel_loop3A_455 : vector<16xi32> -> vector<16xf32>
          %parallel_loop3A_457 = arith.constant 16 : i32
          %parallel_loop3A_458 = arith.muli %parallel_loop3A_420, %parallel_loop3A_457 : i32
          %parallel_loop3A_459 = arith.constant 0 : i32
          %parallel_loop3A_460 = arith.addi %parallel_loop3A_458, %parallel_loop3A_459 : i32
          %parallel_loop3A_461 = arith.index_cast %parallel_loop3A_460 : i32 to index
          %parallel_loop3A_462 = arith.constant 0 : index
          %parallel_loop3A_463 = tpu.vector_load %arg10[%parallel_loop3A_461, %parallel_loop3A_462] {strides = array<i32>} : memref<768x16xf32, #tpu.memory_space<vmem>>, vector<1x16xf32>,
          %parallel_loop3A_464 = vector.shape_cast %parallel_loop3A_463 : vector<1x16xf32> to vector<16xf32>
          %parallel_loop3A_465 = vector.extract_strided_slice %parallel_loop3A_456 {offsets = [0], sizes = [1], strides = [1]} : vector<16xf32> to vector<1xf32>
          %parallel_loop3A_466 = vector.extract %parallel_loop3A_465[0] : f32 from vector<1xf32>
          %parallel_loop3A_467 = vector.broadcast %parallel_loop3A_466 : f32 to vector<16xf32>
          %parallel_loop3A_468 = arith.mulf %parallel_loop3A_464, %parallel_loop3A_467 : vector<16xf32>
          %parallel_loop3A_469 = arith.index_cast %parallel_loop3A_460 : i32 to index
          %parallel_loop3A_470 = arith.constant 0 : index
          %parallel_loop3A_471 = tpu.vector_load %arg10[%parallel_loop3A_469, %parallel_loop3A_470] {strides = array<i32>} : memref<768x16xf32, #tpu.memory_space<vmem>>, vector<1x16xf32>,
          %parallel_loop3A_472 = vector.shape_cast %parallel_loop3A_471 : vector<1x16xf32> to vector<16xf32>
          %parallel_loop3A_473 = vector.shape_cast %parallel_loop3A_468 : vector<16xf32> to vector<1x16xf32>
          tpu.vector_store %arg10[%parallel_loop3A_469, %parallel_loop3A_470], %parallel_loop3A_473 {strides = array<i32>} : memref<768x16xf32, #tpu.memory_space<vmem>>, vector<1x16xf32>,
          %parallel_loop3A_474 = arith.constant 16 : i32
          %parallel_loop3A_475 = arith.muli %parallel_loop3A_420, %parallel_loop3A_474 : i32
          %parallel_loop3A_476 = arith.constant 1 : i32
          %parallel_loop3A_477 = arith.addi %parallel_loop3A_475, %parallel_loop3A_476 : i32
          %parallel_loop3A_478 = arith.index_cast %parallel_loop3A_477 : i32 to index
          %parallel_loop3A_479 = arith.constant 0 : index
          %parallel_loop3A_480 = tpu.vector_load %arg10[%parallel_loop3A_478, %parallel_loop3A_479] {strides = array<i32>} : memref<768x16xf32, #tpu.memory_space<vmem>>, vector<1x16xf32>,
          %parallel_loop3A_481 = vector.shape_cast %parallel_loop3A_480 : vector<1x16xf32> to vector<16xf32>
          %parallel_loop3A_482 = vector.extract_strided_slice %parallel_loop3A_456 {offsets = [1], sizes = [1], strides = [1]} : vector<16xf32> to vector<1xf32>
          %parallel_loop3A_483 = vector.extract %parallel_loop3A_482[0] : f32 from vector<1xf32>
          %parallel_loop3A_484 = vector.broadcast %parallel_loop3A_483 : f32 to vector<16xf32>
          %parallel_loop3A_485 = arith.mulf %parallel_loop3A_481, %parallel_loop3A_484 : vector<16xf32>
          %parallel_loop3A_486 = arith.index_cast %parallel_loop3A_477 : i32 to index
          %parallel_loop3A_487 = arith.constant 0 : index
          %parallel_loop3A_488 = tpu.vector_load %arg10[%parallel_loop3A_486, %parallel_loop3A_487] {strides = array<i32>} : memref<768x16xf32, #tpu.memory_space<vmem>>, vector<1x16xf32>,
          %parallel_loop3A_489 = vector.shape_cast %parallel_loop3A_488 : vector<1x16xf32> to vector<16xf32>
          %parallel_loop3A_490 = vector.shape_cast %parallel_loop3A_485 : vector<16xf32> to vector<1x16xf32>
          tpu.vector_store %arg10[%parallel_loop3A_486, %parallel_loop3A_487], %parallel_loop3A_490 {strides = array<i32>} : memref<768x16xf32, #tpu.memory_space<vmem>>, vector<1x16xf32>,
          %parallel_loop3A_491 = arith.constant 16 : i32
          %parallel_loop3A_492 = arith.muli %parallel_loop3A_420, %parallel_loop3A_491 : i32
          %parallel_loop3A_493 = arith.constant 2 : i32
          %parallel_loop3A_494 = arith.addi %parallel_loop3A_492, %parallel_loop3A_493 : i32
          %parallel_loop3A_495 = arith.index_cast %parallel_loop3A_494 : i32 to index
          %parallel_loop3A_496 = arith.constant 0 : index
          %parallel_loop3A_497 = tpu.vector_load %arg10[%parallel_loop3A_495, %parallel_loop3A_496] {strides = array<i32>} : memref<768x16xf32, #tpu.memory_space<vmem>>, vector<1x16xf32>,
          %parallel_loop3A_498 = vector.shape_cast %parallel_loop3A_497 : vector<1x16xf32> to vector<16xf32>
          %parallel_loop3A_499 = vector.extract_strided_slice %parallel_loop3A_456 {offsets = [2], sizes = [1], strides = [1]} : vector<16xf32> to vector<1xf32>
          %parallel_loop3A_500 = vector.extract %parallel_loop3A_499[0] : f32 from vector<1xf32>
          %parallel_loop3A_501 = vector.broadcast %parallel_loop3A_500 : f32 to vector<16xf32>
          %parallel_loop3A_502 = arith.mulf %parallel_loop3A_498, %parallel_loop3A_501 : vector<16xf32>
          %parallel_loop3A_503 = arith.index_cast %parallel_loop3A_494 : i32 to index
          %parallel_loop3A_504 = arith.constant 0 : index
          %parallel_loop3A_505 = tpu.vector_load %arg10[%parallel_loop3A_503, %parallel_loop3A_504] {strides = array<i32>} : memref<768x16xf32, #tpu.memory_space<vmem>>, vector<1x16xf32>,
          %parallel_loop3A_506 = vector.shape_cast %parallel_loop3A_505 : vector<1x16xf32> to vector<16xf32>
          %parallel_loop3A_507 = vector.shape_cast %parallel_loop3A_502 : vector<16xf32> to vector<1x16xf32>
          tpu.vector_store %arg10[%parallel_loop3A_503, %parallel_loop3A_504], %parallel_loop3A_507 {strides = array<i32>} : memref<768x16xf32, #tpu.memory_space<vmem>>, vector<1x16xf32>,
          %parallel_loop3A_508 = arith.constant 16 : i32
          %parallel_loop3A_509 = arith.muli %parallel_loop3A_420, %parallel_loop3A_508 : i32
          %parallel_loop3A_510 = arith.constant 3 : i32
          %parallel_loop3A_511 = arith.addi %parallel_loop3A_509, %parallel_loop3A_510 : i32
          %parallel_loop3A_512 = arith.index_cast %parallel_loop3A_511 : i32 to index
          %parallel_loop3A_513 = arith.constant 0 : index
          %parallel_loop3A_514 = tpu.vector_load %arg10[%parallel_loop3A_512, %parallel_loop3A_513] {strides = array<i32>} : memref<768x16xf32, #tpu.memory_space<vmem>>, vector<1x16xf32>,
          %parallel_loop3A_515 = vector.shape_cast %parallel_loop3A_514 : vector<1x16xf32> to vector<16xf32>
          %parallel_loop3A_516 = vector.extract_strided_slice %parallel_loop3A_456 {offsets = [3], sizes = [1], strides = [1]} : vector<16xf32> to vector<1xf32>
          %parallel_loop3A_517 = vector.extract %parallel_loop3A_516[0] : f32 from vector<1xf32>
          %parallel_loop3A_518 = vector.broadcast %parallel_loop3A_517 : f32 to vector<16xf32>
          %parallel_loop3A_519 = arith.mulf %parallel_loop3A_515, %parallel_loop3A_518 : vector<16xf32>
          %parallel_loop3A_520 = arith.index_cast %parallel_loop3A_511 : i32 to index
          %parallel_loop3A_521 = arith.constant 0 : index
          %parallel_loop3A_522 = tpu.vector_load %arg10[%parallel_loop3A_520, %parallel_loop3A_521] {strides = array<i32>} : memref<768x16xf32, #tpu.memory_space<vmem>>, vector<1x16xf32>,
          %parallel_loop3A_523 = vector.shape_cast %parallel_loop3A_522 : vector<1x16xf32> to vector<16xf32>
          %parallel_loop3A_524 = vector.shape_cast %parallel_loop3A_519 : vector<16xf32> to vector<1x16xf32>
          tpu.vector_store %arg10[%parallel_loop3A_520, %parallel_loop3A_521], %parallel_loop3A_524 {strides = array<i32>} : memref<768x16xf32, #tpu.memory_space<vmem>>, vector<1x16xf32>,
          %parallel_loop3A_525 = arith.constant 16 : i32
          %parallel_loop3A_526 = arith.muli %parallel_loop3A_420, %parallel_loop3A_525 : i32
          %parallel_loop3A_527 = arith.constant 4 : i32
          %parallel_loop3A_528 = arith.addi %parallel_loop3A_526, %parallel_loop3A_527 : i32
          %parallel_loop3A_529 = arith.index_cast %parallel_loop3A_528 : i32 to index
          %parallel_loop3A_530 = arith.constant 0 : index
          %parallel_loop3A_531 = tpu.vector_load %arg10[%parallel_loop3A_529, %parallel_loop3A_530] {strides = array<i32>} : memref<768x16xf32, #tpu.memory_space<vmem>>, vector<1x16xf32>,
          %parallel_loop3A_532 = vector.shape_cast %parallel_loop3A_531 : vector<1x16xf32> to vector<16xf32>
          %parallel_loop3A_533 = vector.extract_strided_slice %parallel_loop3A_456 {offsets = [4], sizes = [1], strides = [1]} : vector<16xf32> to vector<1xf32>
          %parallel_loop3A_534 = vector.extract %parallel_loop3A_533[0] : f32 from vector<1xf32>
          %parallel_loop3A_535 = vector.broadcast %parallel_loop3A_534 : f32 to vector<16xf32>
          %parallel_loop3A_536 = arith.mulf %parallel_loop3A_532, %parallel_loop3A_535 : vector<16xf32>
          %parallel_loop3A_537 = arith.index_cast %parallel_loop3A_528 : i32 to index
          %parallel_loop3A_538 = arith.constant 0 : index
          %parallel_loop3A_539 = tpu.vector_load %arg10[%parallel_loop3A_537, %parallel_loop3A_538] {strides = array<i32>} : memref<768x16xf32, #tpu.memory_space<vmem>>, vector<1x16xf32>,
          %parallel_loop3A_540 = vector.shape_cast %parallel_loop3A_539 : vector<1x16xf32> to vector<16xf32>
          %parallel_loop3A_541 = vector.shape_cast %parallel_loop3A_536 : vector<16xf32> to vector<1x16xf32>
          tpu.vector_store %arg10[%parallel_loop3A_537, %parallel_loop3A_538], %parallel_loop3A_541 {strides = array<i32>} : memref<768x16xf32, #tpu.memory_space<vmem>>, vector<1x16xf32>,
          %parallel_loop3A_542 = arith.constant 16 : i32
          %parallel_loop3A_543 = arith.muli %parallel_loop3A_420, %parallel_loop3A_542 : i32
          %parallel_loop3A_544 = arith.constant 5 : i32
          %parallel_loop3A_545 = arith.addi %parallel_loop3A_543, %parallel_loop3A_544 : i32
          %parallel_loop3A_546 = arith.index_cast %parallel_loop3A_545 : i32 to index
          %parallel_loop3A_547 = arith.constant 0 : index
          %parallel_loop3A_548 = tpu.vector_load %arg10[%parallel_loop3A_546, %parallel_loop3A_547] {strides = array<i32>} : memref<768x16xf32, #tpu.memory_space<vmem>>, vector<1x16xf32>,
          %parallel_loop3A_549 = vector.shape_cast %parallel_loop3A_548 : vector<1x16xf32> to vector<16xf32>
          %parallel_loop3A_550 = vector.extract_strided_slice %parallel_loop3A_456 {offsets = [5], sizes = [1], strides = [1]} : vector<16xf32> to vector<1xf32>
          %parallel_loop3A_551 = vector.extract %parallel_loop3A_550[0] : f32 from vector<1xf32>
          %parallel_loop3A_552 = vector.broadcast %parallel_loop3A_551 : f32 to vector<16xf32>
          %parallel_loop3A_553 = arith.mulf %parallel_loop3A_549, %parallel_loop3A_552 : vector<16xf32>
          %parallel_loop3A_554 = arith.index_cast %parallel_loop3A_545 : i32 to index
          %parallel_loop3A_555 = arith.constant 0 : index
          %parallel_loop3A_556 = tpu.vector_load %arg10[%parallel_loop3A_554, %parallel_loop3A_555] {strides = array<i32>} : memref<768x16xf32, #tpu.memory_space<vmem>>, vector<1x16xf32>,
          %parallel_loop3A_557 = vector.shape_cast %parallel_loop3A_556 : vector<1x16xf32> to vector<16xf32>
          %parallel_loop3A_558 = vector.shape_cast %parallel_loop3A_553 : vector<16xf32> to vector<1x16xf32>
          tpu.vector_store %arg10[%parallel_loop3A_554, %parallel_loop3A_555], %parallel_loop3A_558 {strides = array<i32>} : memref<768x16xf32, #tpu.memory_space<vmem>>, vector<1x16xf32>,
          %parallel_loop3A_559 = arith.constant 16 : i32
          %parallel_loop3A_560 = arith.muli %parallel_loop3A_420, %parallel_loop3A_559 : i32
          %parallel_loop3A_561 = arith.constant 6 : i32
          %parallel_loop3A_562 = arith.addi %parallel_loop3A_560, %parallel_loop3A_561 : i32
          %parallel_loop3A_563 = arith.index_cast %parallel_loop3A_562 : i32 to index
          %parallel_loop3A_564 = arith.constant 0 : index
          %parallel_loop3A_565 = tpu.vector_load %arg10[%parallel_loop3A_563, %parallel_loop3A_564] {strides = array<i32>} : memref<768x16xf32, #tpu.memory_space<vmem>>, vector<1x16xf32>,
          %parallel_loop3A_566 = vector.shape_cast %parallel_loop3A_565 : vector<1x16xf32> to vector<16xf32>
          %parallel_loop3A_567 = vector.extract_strided_slice %parallel_loop3A_456 {offsets = [6], sizes = [1], strides = [1]} : vector<16xf32> to vector<1xf32>
          %parallel_loop3A_568 = vector.extract %parallel_loop3A_567[0] : f32 from vector<1xf32>
          %parallel_loop3A_569 = vector.broadcast %parallel_loop3A_568 : f32 to vector<16xf32>
          %parallel_loop3A_570 = arith.mulf %parallel_loop3A_566, %parallel_loop3A_569 : vector<16xf32>
          %parallel_loop3A_571 = arith.index_cast %parallel_loop3A_562 : i32 to index
          %parallel_loop3A_572 = arith.constant 0 : index
          %parallel_loop3A_573 = tpu.vector_load %arg10[%parallel_loop3A_571, %parallel_loop3A_572] {strides = array<i32>} : memref<768x16xf32, #tpu.memory_space<vmem>>, vector<1x16xf32>,
          %parallel_loop3A_574 = vector.shape_cast %parallel_loop3A_573 : vector<1x16xf32> to vector<16xf32>
          %parallel_loop3A_575 = vector.shape_cast %parallel_loop3A_570 : vector<16xf32> to vector<1x16xf32>
          tpu.vector_store %arg10[%parallel_loop3A_571, %parallel_loop3A_572], %parallel_loop3A_575 {strides = array<i32>} : memref<768x16xf32, #tpu.memory_space<vmem>>, vector<1x16xf32>,
          %parallel_loop3A_576 = arith.constant 16 : i32
          %parallel_loop3A_577 = arith.muli %parallel_loop3A_420, %parallel_loop3A_576 : i32
          %parallel_loop3A_578 = arith.constant 7 : i32
          %parallel_loop3A_579 = arith.addi %parallel_loop3A_577, %parallel_loop3A_578 : i32
          %parallel_loop3A_580 = arith.index_cast %parallel_loop3A_579 : i32 to index
          %parallel_loop3A_581 = arith.constant 0 : index
          %parallel_loop3A_582 = tpu.vector_load %arg10[%parallel_loop3A_580, %parallel_loop3A_581] {strides = array<i32>} : memref<768x16xf32, #tpu.memory_space<vmem>>, vector<1x16xf32>,
          %parallel_loop3A_583 = vector.shape_cast %parallel_loop3A_582 : vector<1x16xf32> to vector<16xf32>
          %parallel_loop3A_584 = vector.extract_strided_slice %parallel_loop3A_456 {offsets = [7], sizes = [1], strides = [1]} : vector<16xf32> to vector<1xf32>
          %parallel_loop3A_585 = vector.extract %parallel_loop3A_584[0] : f32 from vector<1xf32>
          %parallel_loop3A_586 = vector.broadcast %parallel_loop3A_585 : f32 to vector<16xf32>
          %parallel_loop3A_587 = arith.mulf %parallel_loop3A_583, %parallel_loop3A_586 : vector<16xf32>
          %parallel_loop3A_588 = arith.index_cast %parallel_loop3A_579 : i32 to index
          %parallel_loop3A_589 = arith.constant 0 : index
          %parallel_loop3A_590 = tpu.vector_load %arg10[%parallel_loop3A_588, %parallel_loop3A_589] {strides = array<i32>} : memref<768x16xf32, #tpu.memory_space<vmem>>, vector<1x16xf32>,
          %parallel_loop3A_591 = vector.shape_cast %parallel_loop3A_590 : vector<1x16xf32> to vector<16xf32>
          %parallel_loop3A_592 = vector.shape_cast %parallel_loop3A_587 : vector<16xf32> to vector<1x16xf32>
          tpu.vector_store %arg10[%parallel_loop3A_588, %parallel_loop3A_589], %parallel_loop3A_592 {strides = array<i32>} : memref<768x16xf32, #tpu.memory_space<vmem>>, vector<1x16xf32>,
          %parallel_loop3A_593 = arith.constant 16 : i32
          %parallel_loop3A_594 = arith.muli %parallel_loop3A_420, %parallel_loop3A_593 : i32
          %parallel_loop3A_595 = arith.constant 8 : i32
          %parallel_loop3A_596 = arith.addi %parallel_loop3A_594, %parallel_loop3A_595 : i32
          %parallel_loop3A_597 = arith.index_cast %parallel_loop3A_596 : i32 to index
          %parallel_loop3A_598 = arith.constant 0 : index
          %parallel_loop3A_599 = tpu.vector_load %arg10[%parallel_loop3A_597, %parallel_loop3A_598] {strides = array<i32>} : memref<768x16xf32, #tpu.memory_space<vmem>>, vector<1x16xf32>,
          %parallel_loop3A_600 = vector.shape_cast %parallel_loop3A_599 : vector<1x16xf32> to vector<16xf32>
          %parallel_loop3A_601 = vector.extract_strided_slice %parallel_loop3A_456 {offsets = [8], sizes = [1], strides = [1]} : vector<16xf32> to vector<1xf32>
          %parallel_loop3A_602 = vector.extract %parallel_loop3A_601[0] : f32 from vector<1xf32>
          %parallel_loop3A_603 = vector.broadcast %parallel_loop3A_602 : f32 to vector<16xf32>
          %parallel_loop3A_604 = arith.mulf %parallel_loop3A_600, %parallel_loop3A_603 : vector<16xf32>
          %parallel_loop3A_605 = arith.index_cast %parallel_loop3A_596 : i32 to index
          %parallel_loop3A_606 = arith.constant 0 : index
          %parallel_loop3A_607 = tpu.vector_load %arg10[%parallel_loop3A_605, %parallel_loop3A_606] {strides = array<i32>} : memref<768x16xf32, #tpu.memory_space<vmem>>, vector<1x16xf32>,
          %parallel_loop3A_608 = vector.shape_cast %parallel_loop3A_607 : vector<1x16xf32> to vector<16xf32>
          %parallel_loop3A_609 = vector.shape_cast %parallel_loop3A_604 : vector<16xf32> to vector<1x16xf32>
          tpu.vector_store %arg10[%parallel_loop3A_605, %parallel_loop3A_606], %parallel_loop3A_609 {strides = array<i32>} : memref<768x16xf32, #tpu.memory_space<vmem>>, vector<1x16xf32>,
          %parallel_loop3A_610 = arith.constant 16 : i32
          %parallel_loop3A_611 = arith.muli %parallel_loop3A_420, %parallel_loop3A_610 : i32
          %parallel_loop3A_612 = arith.constant 9 : i32
          %parallel_loop3A_613 = arith.addi %parallel_loop3A_611, %parallel_loop3A_612 : i32
          %parallel_loop3A_614 = arith.index_cast %parallel_loop3A_613 : i32 to index
          %parallel_loop3A_615 = arith.constant 0 : index
          %parallel_loop3A_616 = tpu.vector_load %arg10[%parallel_loop3A_614, %parallel_loop3A_615] {strides = array<i32>} : memref<768x16xf32, #tpu.memory_space<vmem>>, vector<1x16xf32>,
          %parallel_loop3A_617 = vector.shape_cast %parallel_loop3A_616 : vector<1x16xf32> to vector<16xf32>
          %parallel_loop3A_618 = vector.extract_strided_slice %parallel_loop3A_456 {offsets = [9], sizes = [1], strides = [1]} : vector<16xf32> to vector<1xf32>
          %parallel_loop3A_619 = vector.extract %parallel_loop3A_618[0] : f32 from vector<1xf32>
          %parallel_loop3A_620 = vector.broadcast %parallel_loop3A_619 : f32 to vector<16xf32>
          %parallel_loop3A_621 = arith.mulf %parallel_loop3A_617, %parallel_loop3A_620 : vector<16xf32>
          %parallel_loop3A_622 = arith.index_cast %parallel_loop3A_613 : i32 to index
          %parallel_loop3A_623 = arith.constant 0 : index
          %parallel_loop3A_624 = tpu.vector_load %arg10[%parallel_loop3A_622, %parallel_loop3A_623] {strides = array<i32>} : memref<768x16xf32, #tpu.memory_space<vmem>>, vector<1x16xf32>,
          %parallel_loop3A_625 = vector.shape_cast %parallel_loop3A_624 : vector<1x16xf32> to vector<16xf32>
          %parallel_loop3A_626 = vector.shape_cast %parallel_loop3A_621 : vector<16xf32> to vector<1x16xf32>
          tpu.vector_store %arg10[%parallel_loop3A_622, %parallel_loop3A_623], %parallel_loop3A_626 {strides = array<i32>} : memref<768x16xf32, #tpu.memory_space<vmem>>, vector<1x16xf32>,
          %parallel_loop3A_627 = arith.constant 16 : i32
          %parallel_loop3A_628 = arith.muli %parallel_loop3A_420, %parallel_loop3A_627 : i32
          %parallel_loop3A_629 = arith.constant 10 : i32
          %parallel_loop3A_630 = arith.addi %parallel_loop3A_628, %parallel_loop3A_629 : i32
          %parallel_loop3A_631 = arith.index_cast %parallel_loop3A_630 : i32 to index
          %parallel_loop3A_632 = arith.constant 0 : index
          %parallel_loop3A_633 = tpu.vector_load %arg10[%parallel_loop3A_631, %parallel_loop3A_632] {strides = array<i32>} : memref<768x16xf32, #tpu.memory_space<vmem>>, vector<1x16xf32>,
          %parallel_loop3A_634 = vector.shape_cast %parallel_loop3A_633 : vector<1x16xf32> to vector<16xf32>
          %parallel_loop3A_635 = vector.extract_strided_slice %parallel_loop3A_456 {offsets = [10], sizes = [1], strides = [1]} : vector<16xf32> to vector<1xf32>
          %parallel_loop3A_636 = vector.extract %parallel_loop3A_635[0] : f32 from vector<1xf32>
          %parallel_loop3A_637 = vector.broadcast %parallel_loop3A_636 : f32 to vector<16xf32>
          %parallel_loop3A_638 = arith.mulf %parallel_loop3A_634, %parallel_loop3A_637 : vector<16xf32>
          %parallel_loop3A_639 = arith.index_cast %parallel_loop3A_630 : i32 to index
          %parallel_loop3A_640 = arith.constant 0 : index
          %parallel_loop3A_641 = tpu.vector_load %arg10[%parallel_loop3A_639, %parallel_loop3A_640] {strides = array<i32>} : memref<768x16xf32, #tpu.memory_space<vmem>>, vector<1x16xf32>,
          %parallel_loop3A_642 = vector.shape_cast %parallel_loop3A_641 : vector<1x16xf32> to vector<16xf32>
          %parallel_loop3A_643 = vector.shape_cast %parallel_loop3A_638 : vector<16xf32> to vector<1x16xf32>
          tpu.vector_store %arg10[%parallel_loop3A_639, %parallel_loop3A_640], %parallel_loop3A_643 {strides = array<i32>} : memref<768x16xf32, #tpu.memory_space<vmem>>, vector<1x16xf32>,
          %parallel_loop3A_644 = arith.constant 16 : i32
          %parallel_loop3A_645 = arith.muli %parallel_loop3A_420, %parallel_loop3A_644 : i32
          %parallel_loop3A_646 = arith.constant 11 : i32
          %parallel_loop3A_647 = arith.addi %parallel_loop3A_645, %parallel_loop3A_646 : i32
          %parallel_loop3A_648 = arith.index_cast %parallel_loop3A_647 : i32 to index
          %parallel_loop3A_649 = arith.constant 0 : index
          %parallel_loop3A_650 = tpu.vector_load %arg10[%parallel_loop3A_648, %parallel_loop3A_649] {strides = array<i32>} : memref<768x16xf32, #tpu.memory_space<vmem>>, vector<1x16xf32>,
          %parallel_loop3A_651 = vector.shape_cast %parallel_loop3A_650 : vector<1x16xf32> to vector<16xf32>
          %parallel_loop3A_652 = vector.extract_strided_slice %parallel_loop3A_456 {offsets = [11], sizes = [1], strides = [1]} : vector<16xf32> to vector<1xf32>
          %parallel_loop3A_653 = vector.extract %parallel_loop3A_652[0] : f32 from vector<1xf32>
          %parallel_loop3A_654 = vector.broadcast %parallel_loop3A_653 : f32 to vector<16xf32>
          %parallel_loop3A_655 = arith.mulf %parallel_loop3A_651, %parallel_loop3A_654 : vector<16xf32>
          %parallel_loop3A_656 = arith.index_cast %parallel_loop3A_647 : i32 to index
          %parallel_loop3A_657 = arith.constant 0 : index
          %parallel_loop3A_658 = tpu.vector_load %arg10[%parallel_loop3A_656, %parallel_loop3A_657] {strides = array<i32>} : memref<768x16xf32, #tpu.memory_space<vmem>>, vector<1x16xf32>,
          %parallel_loop3A_659 = vector.shape_cast %parallel_loop3A_658 : vector<1x16xf32> to vector<16xf32>
          %parallel_loop3A_660 = vector.shape_cast %parallel_loop3A_655 : vector<16xf32> to vector<1x16xf32>
          tpu.vector_store %arg10[%parallel_loop3A_656, %parallel_loop3A_657], %parallel_loop3A_660 {strides = array<i32>} : memref<768x16xf32, #tpu.memory_space<vmem>>, vector<1x16xf32>,
          %parallel_loop3A_661 = arith.constant 16 : i32
          %parallel_loop3A_662 = arith.muli %parallel_loop3A_420, %parallel_loop3A_661 : i32
          %parallel_loop3A_663 = arith.constant 12 : i32
          %parallel_loop3A_664 = arith.addi %parallel_loop3A_662, %parallel_loop3A_663 : i32
          %parallel_loop3A_665 = arith.index_cast %parallel_loop3A_664 : i32 to index
          %parallel_loop3A_666 = arith.constant 0 : index
          %parallel_loop3A_667 = tpu.vector_load %arg10[%parallel_loop3A_665, %parallel_loop3A_666] {strides = array<i32>} : memref<768x16xf32, #tpu.memory_space<vmem>>, vector<1x16xf32>,
          %parallel_loop3A_668 = vector.shape_cast %parallel_loop3A_667 : vector<1x16xf32> to vector<16xf32>
          %parallel_loop3A_669 = vector.extract_strided_slice %parallel_loop3A_456 {offsets = [12], sizes = [1], strides = [1]} : vector<16xf32> to vector<1xf32>
          %parallel_loop3A_670 = vector.extract %parallel_loop3A_669[0] : f32 from vector<1xf32>
          %parallel_loop3A_671 = vector.broadcast %parallel_loop3A_670 : f32 to vector<16xf32>
          %parallel_loop3A_672 = arith.mulf %parallel_loop3A_668, %parallel_loop3A_671 : vector<16xf32>
          %parallel_loop3A_673 = arith.index_cast %parallel_loop3A_664 : i32 to index
          %parallel_loop3A_674 = arith.constant 0 : index
          %parallel_loop3A_675 = tpu.vector_load %arg10[%parallel_loop3A_673, %parallel_loop3A_674] {strides = array<i32>} : memref<768x16xf32, #tpu.memory_space<vmem>>, vector<1x16xf32>,
          %parallel_loop3A_676 = vector.shape_cast %parallel_loop3A_675 : vector<1x16xf32> to vector<16xf32>
          %parallel_loop3A_677 = vector.shape_cast %parallel_loop3A_672 : vector<16xf32> to vector<1x16xf32>
          tpu.vector_store %arg10[%parallel_loop3A_673, %parallel_loop3A_674], %parallel_loop3A_677 {strides = array<i32>} : memref<768x16xf32, #tpu.memory_space<vmem>>, vector<1x16xf32>,
          %parallel_loop3A_678 = arith.constant 16 : i32
          %parallel_loop3A_679 = arith.muli %parallel_loop3A_420, %parallel_loop3A_678 : i32
          %parallel_loop3A_680 = arith.constant 13 : i32
          %parallel_loop3A_681 = arith.addi %parallel_loop3A_679, %parallel_loop3A_680 : i32
          %parallel_loop3A_682 = arith.index_cast %parallel_loop3A_681 : i32 to index
          %parallel_loop3A_683 = arith.constant 0 : index
          %parallel_loop3A_684 = tpu.vector_load %arg10[%parallel_loop3A_682, %parallel_loop3A_683] {strides = array<i32>} : memref<768x16xf32, #tpu.memory_space<vmem>>, vector<1x16xf32>,
          %parallel_loop3A_685 = vector.shape_cast %parallel_loop3A_684 : vector<1x16xf32> to vector<16xf32>
          %parallel_loop3A_686 = vector.extract_strided_slice %parallel_loop3A_456 {offsets = [13], sizes = [1], strides = [1]} : vector<16xf32> to vector<1xf32>
          %parallel_loop3A_687 = vector.extract %parallel_loop3A_686[0] : f32 from vector<1xf32>
          %parallel_loop3A_688 = vector.broadcast %parallel_loop3A_687 : f32 to vector<16xf32>
          %parallel_loop3A_689 = arith.mulf %parallel_loop3A_685, %parallel_loop3A_688 : vector<16xf32>
          %parallel_loop3A_690 = arith.index_cast %parallel_loop3A_681 : i32 to index
          %parallel_loop3A_691 = arith.constant 0 : index
          %parallel_loop3A_692 = tpu.vector_load %arg10[%parallel_loop3A_690, %parallel_loop3A_691] {strides = array<i32>} : memref<768x16xf32, #tpu.memory_space<vmem>>, vector<1x16xf32>,
          %parallel_loop3A_693 = vector.shape_cast %parallel_loop3A_692 : vector<1x16xf32> to vector<16xf32>
          %parallel_loop3A_694 = vector.shape_cast %parallel_loop3A_689 : vector<16xf32> to vector<1x16xf32>
          tpu.vector_store %arg10[%parallel_loop3A_690, %parallel_loop3A_691], %parallel_loop3A_694 {strides = array<i32>} : memref<768x16xf32, #tpu.memory_space<vmem>>, vector<1x16xf32>,
          %parallel_loop3A_695 = arith.constant 16 : i32
          %parallel_loop3A_696 = arith.muli %parallel_loop3A_420, %parallel_loop3A_695 : i32
          %parallel_loop3A_697 = arith.constant 14 : i32
          %parallel_loop3A_698 = arith.addi %parallel_loop3A_696, %parallel_loop3A_697 : i32
          %parallel_loop3A_699 = arith.index_cast %parallel_loop3A_698 : i32 to index
          %parallel_loop3A_700 = arith.constant 0 : index
          %parallel_loop3A_701 = tpu.vector_load %arg10[%parallel_loop3A_699, %parallel_loop3A_700] {strides = array<i32>} : memref<768x16xf32, #tpu.memory_space<vmem>>, vector<1x16xf32>,
          %parallel_loop3A_702 = vector.shape_cast %parallel_loop3A_701 : vector<1x16xf32> to vector<16xf32>
          %parallel_loop3A_703 = vector.extract_strided_slice %parallel_loop3A_456 {offsets = [14], sizes = [1], strides = [1]} : vector<16xf32> to vector<1xf32>
          %parallel_loop3A_704 = vector.extract %parallel_loop3A_703[0] : f32 from vector<1xf32>
          %parallel_loop3A_705 = vector.broadcast %parallel_loop3A_704 : f32 to vector<16xf32>
          %parallel_loop3A_706 = arith.mulf %parallel_loop3A_702, %parallel_loop3A_705 : vector<16xf32>
          %parallel_loop3A_707 = arith.index_cast %parallel_loop3A_698 : i32 to index
          %parallel_loop3A_708 = arith.constant 0 : index
          %parallel_loop3A_709 = tpu.vector_load %arg10[%parallel_loop3A_707, %parallel_loop3A_708] {strides = array<i32>} : memref<768x16xf32, #tpu.memory_space<vmem>>, vector<1x16xf32>,
          %parallel_loop3A_710 = vector.shape_cast %parallel_loop3A_709 : vector<1x16xf32> to vector<16xf32>
          %parallel_loop3A_711 = vector.shape_cast %parallel_loop3A_706 : vector<16xf32> to vector<1x16xf32>
          tpu.vector_store %arg10[%parallel_loop3A_707, %parallel_loop3A_708], %parallel_loop3A_711 {strides = array<i32>} : memref<768x16xf32, #tpu.memory_space<vmem>>, vector<1x16xf32>,
          %parallel_loop3A_712 = arith.constant 16 : i32
          %parallel_loop3A_713 = arith.muli %parallel_loop3A_420, %parallel_loop3A_712 : i32
          %parallel_loop3A_714 = arith.constant 15 : i32
          %parallel_loop3A_715 = arith.addi %parallel_loop3A_713, %parallel_loop3A_714 : i32
          %parallel_loop3A_716 = arith.index_cast %parallel_loop3A_715 : i32 to index
          %parallel_loop3A_717 = arith.constant 0 : index
          %parallel_loop3A_718 = tpu.vector_load %arg10[%parallel_loop3A_716, %parallel_loop3A_717] {strides = array<i32>} : memref<768x16xf32, #tpu.memory_space<vmem>>, vector<1x16xf32>,
          %parallel_loop3A_719 = vector.shape_cast %parallel_loop3A_718 : vector<1x16xf32> to vector<16xf32>
          %parallel_loop3A_720 = vector.extract_strided_slice %parallel_loop3A_456 {offsets = [15], sizes = [1], strides = [1]} : vector<16xf32> to vector<1xf32>
          %parallel_loop3A_721 = vector.extract %parallel_loop3A_720[0] : f32 from vector<1xf32>
          %parallel_loop3A_722 = vector.broadcast %parallel_loop3A_721 : f32 to vector<16xf32>
          %parallel_loop3A_723 = arith.mulf %parallel_loop3A_719, %parallel_loop3A_722 : vector<16xf32>
          %parallel_loop3A_724 = arith.index_cast %parallel_loop3A_715 : i32 to index
          %parallel_loop3A_725 = arith.constant 0 : index
          %parallel_loop3A_726 = tpu.vector_load %arg10[%parallel_loop3A_724, %parallel_loop3A_725] {strides = array<i32>} : memref<768x16xf32, #tpu.memory_space<vmem>>, vector<1x16xf32>,
          %parallel_loop3A_727 = vector.shape_cast %parallel_loop3A_726 : vector<1x16xf32> to vector<16xf32>
          %parallel_loop3A_728 = vector.shape_cast %parallel_loop3A_723 : vector<16xf32> to vector<1x16xf32>
          tpu.vector_store %arg10[%parallel_loop3A_724, %parallel_loop3A_725], %parallel_loop3A_728 {strides = array<i32>} : memref<768x16xf32, #tpu.memory_space<vmem>>, vector<1x16xf32>,
        } {sc.loop_unroll_factor = 2 : i64, sc.parallel_access}
        %dma_start3A_347 = arith.constant 0 : i32
        %dma_start3A_348 = arith.constant 1 : i32
        %dma_start3A_349 = arith.constant 0 : i32
        %dma_start3A_350 = arith.constant 0 : i32
        %dma_start3A_351 = tpu.memref_slice %arg10[%dma_start3A_349, %dma_start3A_350] : memref<768x16xf32, #tpu.memory_space<vmem>> -> memref<128x16xf32, #tpu.memory_space<vmem>>
        %dma_start3A_352 = arith.constant 0 : i32
        %dma_start3A_353 = tpu.memref_slice %arg8[%dma_start3A_347, %dma_start3A_348, %dma_start3A_352] : memref<6x3x128xi32, #tpu.memory_space<vmem>> -> memref<1x1x128xi32, #tpu.memory_space<vmem>>
        %dma_start3A_354 = tpu.memref_squeeze %dma_start3A_353 : memref<1x1x128xi32, #tpu.memory_space<vmem>> -> memref<128xi32, #tpu.memory_space<vmem>>
        %dma_start3A_355 = arith.constant 0 : i32
        %dma_start3A_356 = arith.constant 0 : i32
        %dma_start3A_357 = tpu.memref_slice %arg6[%dma_start3A_355, %dma_start3A_356] : memref<100096x16xf32, #tpu.memory_space<vmem_shared>> -> memref<100096x16xf32, #tpu.memory_space<vmem_shared>>
        tpu.enqueue_indirect_dma source(%dma_start3A_351 : memref<128x16xf32, #tpu.memory_space<vmem>>) target(%dma_start3A_357 : memref<100096x16xf32, #tpu.memory_space<vmem_shared>>) offsets(%dma_start3A_354 : memref<128xi32, #tpu.memory_space<vmem>>) semaphore(%arg16 : memref<!tpu.dma_semaphore, #tpu.memory_space<semaphore_mem>>) {add = true}
        %dma_start3A_358 = arith.constant 1 : i32
        %dma_start3A_359 = arith.constant 1 : i32
        %dma_start3A_360 = arith.constant 128 : i32
        %dma_start3A_361 = arith.constant 0 : i32
        %dma_start3A_362 = tpu.memref_slice %arg10[%dma_start3A_360, %dma_start3A_361] : memref<768x16xf32, #tpu.memory_space<vmem>> -> memref<128x16xf32, #tpu.memory_space<vmem>>
        %dma_start3A_363 = arith.constant 0 : i32
        %dma_start3A_364 = tpu.memref_slice %arg8[%dma_start3A_358, %dma_start3A_359, %dma_start3A_363] : memref<6x3x128xi32, #tpu.memory_space<vmem>> -> memref<1x1x128xi32, #tpu.memory_space<vmem>>
        %dma_start3A_365 = tpu.memref_squeeze %dma_start3A_364 : memref<1x1x128xi32, #tpu.memory_space<vmem>> -> memref<128xi32, #tpu.memory_space<vmem>>
        %dma_start3A_366 = arith.constant 0 : i32
        %dma_start3A_367 = arith.constant 0 : i32
        %dma_start3A_368 = tpu.memref_slice %arg6[%dma_start3A_366, %dma_start3A_367] : memref<100096x16xf32, #tpu.memory_space<vmem_shared>> -> memref<100096x16xf32, #tpu.memory_space<vmem_shared>>
        tpu.enqueue_indirect_dma source(%dma_start3A_362 : memref<128x16xf32, #tpu.memory_space<vmem>>) target(%dma_start3A_368 : memref<100096x16xf32, #tpu.memory_space<vmem_shared>>) offsets(%dma_start3A_365 : memref<128xi32, #tpu.memory_space<vmem>>) semaphore(%arg16 : memref<!tpu.dma_semaphore, #tpu.memory_space<semaphore_mem>>) {add = true}
        %dma_start3A_369 = arith.constant 2 : i32
        %dma_start3A_370 = arith.constant 1 : i32
        %dma_start3A_371 = arith.constant 256 : i32
        %dma_start3A_372 = arith.constant 0 : i32
        %dma_start3A_373 = tpu.memref_slice %arg10[%dma_start3A_371, %dma_start3A_372] : memref<768x16xf32, #tpu.memory_space<vmem>> -> memref<128x16xf32, #tpu.memory_space<vmem>>
        %dma_start3A_374 = arith.constant 0 : i32
        %dma_start3A_375 = tpu.memref_slice %arg8[%dma_start3A_369, %dma_start3A_370, %dma_start3A_374] : memref<6x3x128xi32, #tpu.memory_space<vmem>> -> memref<1x1x128xi32, #tpu.memory_space<vmem>>
        %dma_start3A_376 = tpu.memref_squeeze %dma_start3A_375 : memref<1x1x128xi32, #tpu.memory_space<vmem>> -> memref<128xi32, #tpu.memory_space<vmem>>
        %dma_start3A_377 = arith.constant 0 : i32
        %dma_start3A_378 = arith.constant 0 : i32
        %dma_start3A_379 = tpu.memref_slice %arg6[%dma_start3A_377, %dma_start3A_378] : memref<100096x16xf32, #tpu.memory_space<vmem_shared>> -> memref<100096x16xf32, #tpu.memory_space<vmem_shared>>
        tpu.enqueue_indirect_dma source(%dma_start3A_373 : memref<128x16xf32, #tpu.memory_space<vmem>>) target(%dma_start3A_379 : memref<100096x16xf32, #tpu.memory_space<vmem_shared>>) offsets(%dma_start3A_376 : memref<128xi32, #tpu.memory_space<vmem>>) semaphore(%arg16 : memref<!tpu.dma_semaphore, #tpu.memory_space<semaphore_mem>>) {add = true}
        %dma_start3A_380 = arith.constant 3 : i32
        %dma_start3A_381 = arith.constant 1 : i32
        %dma_start3A_382 = arith.constant 384 : i32
        %dma_start3A_383 = arith.constant 0 : i32
        %dma_start3A_384 = tpu.memref_slice %arg10[%dma_start3A_382, %dma_start3A_383] : memref<768x16xf32, #tpu.memory_space<vmem>> -> memref<128x16xf32, #tpu.memory_space<vmem>>
        %dma_start3A_385 = arith.constant 0 : i32
        %dma_start3A_386 = tpu.memref_slice %arg8[%dma_start3A_380, %dma_start3A_381, %dma_start3A_385] : memref<6x3x128xi32, #tpu.memory_space<vmem>> -> memref<1x1x128xi32, #tpu.memory_space<vmem>>
        %dma_start3A_387 = tpu.memref_squeeze %dma_start3A_386 : memref<1x1x128xi32, #tpu.memory_space<vmem>> -> memref<128xi32, #tpu.memory_space<vmem>>
        %dma_start3A_388 = arith.constant 0 : i32
        %dma_start3A_389 = arith.constant 0 : i32
        %dma_start3A_390 = tpu.memref_slice %arg6[%dma_start3A_388, %dma_start3A_389] : memref<100096x16xf32, #tpu.memory_space<vmem_shared>> -> memref<100096x16xf32, #tpu.memory_space<vmem_shared>>
        tpu.enqueue_indirect_dma source(%dma_start3A_384 : memref<128x16xf32, #tpu.memory_space<vmem>>) target(%dma_start3A_390 : memref<100096x16xf32, #tpu.memory_space<vmem_shared>>) offsets(%dma_start3A_387 : memref<128xi32, #tpu.memory_space<vmem>>) semaphore(%arg16 : memref<!tpu.dma_semaphore, #tpu.memory_space<semaphore_mem>>) {add = true}
        %dma_start3A_391 = arith.constant 4 : i32
        %dma_start3A_392 = arith.constant 1 : i32
        %dma_start3A_393 = arith.constant 512 : i32
        %dma_start3A_394 = arith.constant 0 : i32
        %dma_start3A_395 = tpu.memref_slice %arg10[%dma_start3A_393, %dma_start3A_394] : memref<768x16xf32, #tpu.memory_space<vmem>> -> memref<128x16xf32, #tpu.memory_space<vmem>>
        %dma_start3A_396 = arith.constant 0 : i32
        %dma_start3A_397 = tpu.memref_slice %arg8[%dma_start3A_391, %dma_start3A_392, %dma_start3A_396] : memref<6x3x128xi32, #tpu.memory_space<vmem>> -> memref<1x1x128xi32, #tpu.memory_space<vmem>>
        %dma_start3A_398 = tpu.memref_squeeze %dma_start3A_397 : memref<1x1x128xi32, #tpu.memory_space<vmem>> -> memref<128xi32, #tpu.memory_space<vmem>>
        %dma_start3A_399 = arith.constant 0 : i32
        %dma_start3A_400 = arith.constant 0 : i32
        %dma_start3A_401 = tpu.memref_slice %arg6[%dma_start3A_399, %dma_start3A_400] : memref<100096x16xf32, #tpu.memory_space<vmem_shared>> -> memref<100096x16xf32, #tpu.memory_space<vmem_shared>>
        tpu.enqueue_indirect_dma source(%dma_start3A_395 : memref<128x16xf32, #tpu.memory_space<vmem>>) target(%dma_start3A_401 : memref<100096x16xf32, #tpu.memory_space<vmem_shared>>) offsets(%dma_start3A_398 : memref<128xi32, #tpu.memory_space<vmem>>) semaphore(%arg16 : memref<!tpu.dma_semaphore, #tpu.memory_space<semaphore_mem>>) {add = true}
        %dma_start3A_402 = arith.constant 5 : i32
        %dma_start3A_403 = arith.constant 1 : i32
        %dma_start3A_404 = arith.constant 640 : i32
        %dma_start3A_405 = arith.constant 0 : i32
        %dma_start3A_406 = tpu.memref_slice %arg10[%dma_start3A_404, %dma_start3A_405] : memref<768x16xf32, #tpu.memory_space<vmem>> -> memref<128x16xf32, #tpu.memory_space<vmem>>
        %dma_start3A_407 = arith.constant 0 : i32
        %dma_start3A_408 = tpu.memref_slice %arg8[%dma_start3A_402, %dma_start3A_403, %dma_start3A_407] : memref<6x3x128xi32, #tpu.memory_space<vmem>> -> memref<1x1x128xi32, #tpu.memory_space<vmem>>
        %dma_start3A_409 = tpu.memref_squeeze %dma_start3A_408 : memref<1x1x128xi32, #tpu.memory_space<vmem>> -> memref<128xi32, #tpu.memory_space<vmem>>
        %dma_start3A_410 = arith.constant 0 : i32
        %dma_start3A_411 = arith.constant 0 : i32
        %dma_start3A_412 = tpu.memref_slice %arg6[%dma_start3A_410, %dma_start3A_411] : memref<100096x16xf32, #tpu.memory_space<vmem_shared>> -> memref<100096x16xf32, #tpu.memory_space<vmem_shared>>
        tpu.enqueue_indirect_dma source(%dma_start3A_406 : memref<128x16xf32, #tpu.memory_space<vmem>>) target(%dma_start3A_412 : memref<100096x16xf32, #tpu.memory_space<vmem_shared>>) offsets(%dma_start3A_409 : memref<128xi32, #tpu.memory_space<vmem>>) semaphore(%arg16 : memref<!tpu.dma_semaphore, #tpu.memory_space<semaphore_mem>>) {add = true}
        %add3A_413 = arith.constant 1 : i32
        %add3A_414 = arith.addi %add3A_266, %add3A_413 : i32
        %lt3A_415 = arith.constant 131 : i32
        %lt3A_416 = arith.cmpi slt, %add3A_414, %lt3A_415 : i32
        %convert_element_type3A_417 = arith.extui %lt3A_416 : i1 to i32
        %cond3A_418 = arith.constant 0 : i32
        %cond3A_419 = arith.cmpi ne, %convert_element_type3A_417, %cond3A_418 : i32
        scf.if %cond3A_419 {
          %add3A_420 = arith.constant 1 : i32
          %add3A_421 = arith.addi %add3A_266, %add3A_420 : i32
          %mul3A_422 = arith.constant 6 : i32
          %mul3A_423 = arith.muli %add3A_421, %mul3A_422 : i32
          %add3A_424 = arith.addi %mul3A_27, %mul3A_423 : i32
          %dma_wait3A_425 = arith.constant 0 : i32
          %dma_wait3A_426 = arith.constant 0 : i32
          %dma_wait3A_427 = tpu.memref_slice %arg3[%add3A_424, %dma_wait3A_425, %dma_wait3A_426] : memref<25152x3x128xi32, #tpu.memory_space<hbm>> -> memref<6x3x128xi32, #tpu.memory_space<hbm>>
          %dma_wait3A_428 = arith.constant 0 : i32
          %dma_wait3A_429 = arith.constant 0 : i32
          %dma_wait3A_430 = tpu.memref_slice %arg3[%add3A_424, %dma_wait3A_428, %dma_wait3A_429] : memref<25152x3x128xi32, #tpu.memory_space<hbm>> -> memref<6x3x128xi32, #tpu.memory_space<hbm>>
          tpu.wait_dma2 semaphore(%arg11 : memref<!tpu.dma_semaphore, #tpu.memory_space<semaphore_mem>>) src(%dma_wait3A_430 : memref<6x3x128xi32, #tpu.memory_space<hbm>>) dst(%arg7 : memref<6x3x128xi32, #tpu.memory_space<vmem>>)
          %dma_start3A_431 = arith.constant 0 : i32
          %dma_start3A_432 = arith.constant 0 : i32
          %dma_start3A_433 = arith.constant 0 : i32
          %dma_start3A_434 = arith.constant 0 : i32
          %dma_start3A_435 = tpu.memref_slice %arg9[%dma_start3A_433, %dma_start3A_434] : memref<768x16xf32, #tpu.memory_space<vmem>> -> memref<128x16xf32, #tpu.memory_space<vmem>>
          %dma_start3A_436 = arith.constant 0 : i32
          %dma_start3A_437 = tpu.memref_slice %arg7[%dma_start3A_431, %dma_start3A_432, %dma_start3A_436] : memref<6x3x128xi32, #tpu.memory_space<vmem>> -> memref<1x1x128xi32, #tpu.memory_space<vmem>>
          %dma_start3A_438 = tpu.memref_squeeze %dma_start3A_437 : memref<1x1x128xi32, #tpu.memory_space<vmem>> -> memref<128xi32, #tpu.memory_space<vmem>>
          %dma_start3A_439 = arith.constant 0 : i32
          %dma_start3A_440 = arith.constant 0 : i32
          %dma_start3A_441 = tpu.memref_slice %arg2[%dma_start3A_439, %dma_start3A_440] : memref<100000x16xf32, #tpu.memory_space<hbm>> -> memref<100000x16xf32, #tpu.memory_space<hbm>>
          tpu.enqueue_indirect_dma source(%dma_start3A_441 : memref<100000x16xf32, #tpu.memory_space<hbm>>) target(%dma_start3A_435 : memref<128x16xf32, #tpu.memory_space<vmem>>) offsets(%dma_start3A_438 : memref<128xi32, #tpu.memory_space<vmem>>) semaphore(%arg13 : memref<!tpu.dma_semaphore, #tpu.memory_space<semaphore_mem>>)
          %dma_start3A_442 = arith.constant 1 : i32
          %dma_start3A_443 = arith.constant 0 : i32
          %dma_start3A_444 = arith.constant 128 : i32
          %dma_start3A_445 = arith.constant 0 : i32
          %dma_start3A_446 = tpu.memref_slice %arg9[%dma_start3A_444, %dma_start3A_445] : memref<768x16xf32, #tpu.memory_space<vmem>> -> memref<128x16xf32, #tpu.memory_space<vmem>>
          %dma_start3A_447 = arith.constant 0 : i32
          %dma_start3A_448 = tpu.memref_slice %arg7[%dma_start3A_442, %dma_start3A_443, %dma_start3A_447] : memref<6x3x128xi32, #tpu.memory_space<vmem>> -> memref<1x1x128xi32, #tpu.memory_space<vmem>>
          %dma_start3A_449 = tpu.memref_squeeze %dma_start3A_448 : memref<1x1x128xi32, #tpu.memory_space<vmem>> -> memref<128xi32, #tpu.memory_space<vmem>>
          %dma_start3A_450 = arith.constant 0 : i32
          %dma_start3A_451 = arith.constant 0 : i32
          %dma_start3A_452 = tpu.memref_slice %arg2[%dma_start3A_450, %dma_start3A_451] : memref<100000x16xf32, #tpu.memory_space<hbm>> -> memref<100000x16xf32, #tpu.memory_space<hbm>>
          tpu.enqueue_indirect_dma source(%dma_start3A_452 : memref<100000x16xf32, #tpu.memory_space<hbm>>) target(%dma_start3A_446 : memref<128x16xf32, #tpu.memory_space<vmem>>) offsets(%dma_start3A_449 : memref<128xi32, #tpu.memory_space<vmem>>) semaphore(%arg13 : memref<!tpu.dma_semaphore, #tpu.memory_space<semaphore_mem>>)
          %dma_start3A_453 = arith.constant 2 : i32
          %dma_start3A_454 = arith.constant 0 : i32
          %dma_start3A_455 = arith.constant 256 : i32
          %dma_start3A_456 = arith.constant 0 : i32
          %dma_start3A_457 = tpu.memref_slice %arg9[%dma_start3A_455, %dma_start3A_456] : memref<768x16xf32, #tpu.memory_space<vmem>> -> memref<128x16xf32, #tpu.memory_space<vmem>>
          %dma_start3A_458 = arith.constant 0 : i32
          %dma_start3A_459 = tpu.memref_slice %arg7[%dma_start3A_453, %dma_start3A_454, %dma_start3A_458] : memref<6x3x128xi32, #tpu.memory_space<vmem>> -> memref<1x1x128xi32, #tpu.memory_space<vmem>>
          %dma_start3A_460 = tpu.memref_squeeze %dma_start3A_459 : memref<1x1x128xi32, #tpu.memory_space<vmem>> -> memref<128xi32, #tpu.memory_space<vmem>>
          %dma_start3A_461 = arith.constant 0 : i32
          %dma_start3A_462 = arith.constant 0 : i32
          %dma_start3A_463 = tpu.memref_slice %arg2[%dma_start3A_461, %dma_start3A_462] : memref<100000x16xf32, #tpu.memory_space<hbm>> -> memref<100000x16xf32, #tpu.memory_space<hbm>>
          tpu.enqueue_indirect_dma source(%dma_start3A_463 : memref<100000x16xf32, #tpu.memory_space<hbm>>) target(%dma_start3A_457 : memref<128x16xf32, #tpu.memory_space<vmem>>) offsets(%dma_start3A_460 : memref<128xi32, #tpu.memory_space<vmem>>) semaphore(%arg13 : memref<!tpu.dma_semaphore, #tpu.memory_space<semaphore_mem>>)
          %dma_start3A_464 = arith.constant 3 : i32
          %dma_start3A_465 = arith.constant 0 : i32
          %dma_start3A_466 = arith.constant 384 : i32
          %dma_start3A_467 = arith.constant 0 : i32
          %dma_start3A_468 = tpu.memref_slice %arg9[%dma_start3A_466, %dma_start3A_467] : memref<768x16xf32, #tpu.memory_space<vmem>> -> memref<128x16xf32, #tpu.memory_space<vmem>>
          %dma_start3A_469 = arith.constant 0 : i32
          %dma_start3A_470 = tpu.memref_slice %arg7[%dma_start3A_464, %dma_start3A_465, %dma_start3A_469] : memref<6x3x128xi32, #tpu.memory_space<vmem>> -> memref<1x1x128xi32, #tpu.memory_space<vmem>>
          %dma_start3A_471 = tpu.memref_squeeze %dma_start3A_470 : memref<1x1x128xi32, #tpu.memory_space<vmem>> -> memref<128xi32, #tpu.memory_space<vmem>>
          %dma_start3A_472 = arith.constant 0 : i32
          %dma_start3A_473 = arith.constant 0 : i32
          %dma_start3A_474 = tpu.memref_slice %arg2[%dma_start3A_472, %dma_start3A_473] : memref<100000x16xf32, #tpu.memory_space<hbm>> -> memref<100000x16xf32, #tpu.memory_space<hbm>>
          tpu.enqueue_indirect_dma source(%dma_start3A_474 : memref<100000x16xf32, #tpu.memory_space<hbm>>) target(%dma_start3A_468 : memref<128x16xf32, #tpu.memory_space<vmem>>) offsets(%dma_start3A_471 : memref<128xi32, #tpu.memory_space<vmem>>) semaphore(%arg13 : memref<!tpu.dma_semaphore, #tpu.memory_space<semaphore_mem>>)
          %dma_start3A_475 = arith.constant 4 : i32
          %dma_start3A_476 = arith.constant 0 : i32
          %dma_start3A_477 = arith.constant 512 : i32
          %dma_start3A_478 = arith.constant 0 : i32
          %dma_start3A_479 = tpu.memref_slice %arg9[%dma_start3A_477, %dma_start3A_478] : memref<768x16xf32, #tpu.memory_space<vmem>> -> memref<128x16xf32, #tpu.memory_space<vmem>>
          %dma_start3A_480 = arith.constant 0 : i32
          %dma_start3A_481 = tpu.memref_slice %arg7[%dma_start3A_475, %dma_start3A_476, %dma_start3A_480] : memref<6x3x128xi32, #tpu.memory_space<vmem>> -> memref<1x1x128xi32, #tpu.memory_space<vmem>>
          %dma_start3A_482 = tpu.memref_squeeze %dma_start3A_481 : memref<1x1x128xi32, #tpu.memory_space<vmem>> -> memref<128xi32, #tpu.memory_space<vmem>>
          %dma_start3A_483 = arith.constant 0 : i32
          %dma_start3A_484 = arith.constant 0 : i32
          %dma_start3A_485 = tpu.memref_slice %arg2[%dma_start3A_483, %dma_start3A_484] : memref<100000x16xf32, #tpu.memory_space<hbm>> -> memref<100000x16xf32, #tpu.memory_space<hbm>>
          tpu.enqueue_indirect_dma source(%dma_start3A_485 : memref<100000x16xf32, #tpu.memory_space<hbm>>) target(%dma_start3A_479 : memref<128x16xf32, #tpu.memory_space<vmem>>) offsets(%dma_start3A_482 : memref<128xi32, #tpu.memory_space<vmem>>) semaphore(%arg13 : memref<!tpu.dma_semaphore, #tpu.memory_space<semaphore_mem>>)
          %dma_start3A_486 = arith.constant 5 : i32
          %dma_start3A_487 = arith.constant 0 : i32
          %dma_start3A_488 = arith.constant 640 : i32
          %dma_start3A_489 = arith.constant 0 : i32
          %dma_start3A_490 = tpu.memref_slice %arg9[%dma_start3A_488, %dma_start3A_489] : memref<768x16xf32, #tpu.memory_space<vmem>> -> memref<128x16xf32, #tpu.memory_space<vmem>>
          %dma_start3A_491 = arith.constant 0 : i32
          %dma_start3A_492 = tpu.memref_slice %arg7[%dma_start3A_486, %dma_start3A_487, %dma_start3A_491] : memref<6x3x128xi32, #tpu.memory_space<vmem>> -> memref<1x1x128xi32, #tpu.memory_space<vmem>>
          %dma_start3A_493 = tpu.memref_squeeze %dma_start3A_492 : memref<1x1x128xi32, #tpu.memory_space<vmem>> -> memref<128xi32, #tpu.memory_space<vmem>>
          %dma_start3A_494 = arith.constant 0 : i32
          %dma_start3A_495 = arith.constant 0 : i32
          %dma_start3A_496 = tpu.memref_slice %arg2[%dma_start3A_494, %dma_start3A_495] : memref<100000x16xf32, #tpu.memory_space<hbm>> -> memref<100000x16xf32, #tpu.memory_space<hbm>>
          tpu.enqueue_indirect_dma source(%dma_start3A_496 : memref<100000x16xf32, #tpu.memory_space<hbm>>) target(%dma_start3A_490 : memref<128x16xf32, #tpu.memory_space<vmem>>) offsets(%dma_start3A_493 : memref<128xi32, #tpu.memory_space<vmem>>) semaphore(%arg13 : memref<!tpu.dma_semaphore, #tpu.memory_space<semaphore_mem>>)
        } else {
        }
      } else {
      }
    }
    %scan3A_113 = arith.constant 66 : i32
    %dma_wait3A_114 = arith.constant 0 : i32
    %dma_wait3A_115 = arith.constant 1 : i32
    %dma_wait3A_116 = arith.constant 0 : i32
    %dma_wait3A_117 = arith.constant 0 : i32
    %dma_wait3A_118 = tpu.memref_slice %arg10[%dma_wait3A_116, %dma_wait3A_117] : memref<768x16xf32, #tpu.memory_space<vmem>> -> memref<128x16xf32, #tpu.memory_space<vmem>>
    %dma_wait3A_119 = arith.constant 0 : i32
    %dma_wait3A_120 = tpu.memref_slice %arg8[%dma_wait3A_114, %dma_wait3A_115, %dma_wait3A_119] : memref<6x3x128xi32, #tpu.memory_space<vmem>> -> memref<1x1x128xi32, #tpu.memory_space<vmem>>
    %dma_wait3A_121 = tpu.memref_squeeze %dma_wait3A_120 : memref<1x1x128xi32, #tpu.memory_space<vmem>> -> memref<128xi32, #tpu.memory_space<vmem>>
    %dma_wait3A_122 = arith.constant 0 : i32
    %dma_wait3A_123 = arith.constant 0 : i32
    %dma_wait3A_124 = tpu.memref_slice %arg6[%dma_wait3A_122, %dma_wait3A_123] : memref<100096x16xf32, #tpu.memory_space<vmem_shared>> -> memref<100096x16xf32, #tpu.memory_space<vmem_shared>>
    tpu.wait_indirect_dma semaphore(%arg16 : memref<!tpu.dma_semaphore, #tpu.memory_space<semaphore_mem>>) src(%dma_wait3A_118 : memref<128x16xf32, #tpu.memory_space<vmem>>) dst(%dma_wait3A_124 : memref<100096x16xf32, #tpu.memory_space<vmem_shared>>)
    %dma_wait3A_125 = arith.constant 1 : i32
    %dma_wait3A_126 = arith.constant 1 : i32
    %dma_wait3A_127 = arith.constant 128 : i32
    %dma_wait3A_128 = arith.constant 0 : i32
    %dma_wait3A_129 = tpu.memref_slice %arg10[%dma_wait3A_127, %dma_wait3A_128] : memref<768x16xf32, #tpu.memory_space<vmem>> -> memref<128x16xf32, #tpu.memory_space<vmem>>
    %dma_wait3A_130 = arith.constant 0 : i32
    %dma_wait3A_131 = tpu.memref_slice %arg8[%dma_wait3A_125, %dma_wait3A_126, %dma_wait3A_130] : memref<6x3x128xi32, #tpu.memory_space<vmem>> -> memref<1x1x128xi32, #tpu.memory_space<vmem>>
    %dma_wait3A_132 = tpu.memref_squeeze %dma_wait3A_131 : memref<1x1x128xi32, #tpu.memory_space<vmem>> -> memref<128xi32, #tpu.memory_space<vmem>>
    %dma_wait3A_133 = arith.constant 0 : i32
    %dma_wait3A_134 = arith.constant 0 : i32
    %dma_wait3A_135 = tpu.memref_slice %arg6[%dma_wait3A_133, %dma_wait3A_134] : memref<100096x16xf32, #tpu.memory_space<vmem_shared>> -> memref<100096x16xf32, #tpu.memory_space<vmem_shared>>
    tpu.wait_indirect_dma semaphore(%arg16 : memref<!tpu.dma_semaphore, #tpu.memory_space<semaphore_mem>>) src(%dma_wait3A_129 : memref<128x16xf32, #tpu.memory_space<vmem>>) dst(%dma_wait3A_135 : memref<100096x16xf32, #tpu.memory_space<vmem_shared>>)
    %dma_wait3A_136 = arith.constant 2 : i32
    %dma_wait3A_137 = arith.constant 1 : i32
    %dma_wait3A_138 = arith.constant 256 : i32
    %dma_wait3A_139 = arith.constant 0 : i32
    %dma_wait3A_140 = tpu.memref_slice %arg10[%dma_wait3A_138, %dma_wait3A_139] : memref<768x16xf32, #tpu.memory_space<vmem>> -> memref<128x16xf32, #tpu.memory_space<vmem>>
    %dma_wait3A_141 = arith.constant 0 : i32
    %dma_wait3A_142 = tpu.memref_slice %arg8[%dma_wait3A_136, %dma_wait3A_137, %dma_wait3A_141] : memref<6x3x128xi32, #tpu.memory_space<vmem>> -> memref<1x1x128xi32, #tpu.memory_space<vmem>>
    %dma_wait3A_143 = tpu.memref_squeeze %dma_wait3A_142 : memref<1x1x128xi32, #tpu.memory_space<vmem>> -> memref<128xi32, #tpu.memory_space<vmem>>
    %dma_wait3A_144 = arith.constant 0 : i32
    %dma_wait3A_145 = arith.constant 0 : i32
    %dma_wait3A_146 = tpu.memref_slice %arg6[%dma_wait3A_144, %dma_wait3A_145] : memref<100096x16xf32, #tpu.memory_space<vmem_shared>> -> memref<100096x16xf32, #tpu.memory_space<vmem_shared>>
    tpu.wait_indirect_dma semaphore(%arg16 : memref<!tpu.dma_semaphore, #tpu.memory_space<semaphore_mem>>) src(%dma_wait3A_140 : memref<128x16xf32, #tpu.memory_space<vmem>>) dst(%dma_wait3A_146 : memref<100096x16xf32, #tpu.memory_space<vmem_shared>>)
    %dma_wait3A_147 = arith.constant 3 : i32
    %dma_wait3A_148 = arith.constant 1 : i32
    %dma_wait3A_149 = arith.constant 384 : i32
    %dma_wait3A_150 = arith.constant 0 : i32
    %dma_wait3A_151 = tpu.memref_slice %arg10[%dma_wait3A_149, %dma_wait3A_150] : memref<768x16xf32, #tpu.memory_space<vmem>> -> memref<128x16xf32, #tpu.memory_space<vmem>>
    %dma_wait3A_152 = arith.constant 0 : i32
    %dma_wait3A_153 = tpu.memref_slice %arg8[%dma_wait3A_147, %dma_wait3A_148, %dma_wait3A_152] : memref<6x3x128xi32, #tpu.memory_space<vmem>> -> memref<1x1x128xi32, #tpu.memory_space<vmem>>
    %dma_wait3A_154 = tpu.memref_squeeze %dma_wait3A_153 : memref<1x1x128xi32, #tpu.memory_space<vmem>> -> memref<128xi32, #tpu.memory_space<vmem>>
    %dma_wait3A_155 = arith.constant 0 : i32
    %dma_wait3A_156 = arith.constant 0 : i32
    %dma_wait3A_157 = tpu.memref_slice %arg6[%dma_wait3A_155, %dma_wait3A_156] : memref<100096x16xf32, #tpu.memory_space<vmem_shared>> -> memref<100096x16xf32, #tpu.memory_space<vmem_shared>>
    tpu.wait_indirect_dma semaphore(%arg16 : memref<!tpu.dma_semaphore, #tpu.memory_space<semaphore_mem>>) src(%dma_wait3A_151 : memref<128x16xf32, #tpu.memory_space<vmem>>) dst(%dma_wait3A_157 : memref<100096x16xf32, #tpu.memory_space<vmem_shared>>)
    %dma_wait3A_158 = arith.constant 4 : i32
    %dma_wait3A_159 = arith.constant 1 : i32
    %dma_wait3A_160 = arith.constant 512 : i32
    %dma_wait3A_161 = arith.constant 0 : i32
    %dma_wait3A_162 = tpu.memref_slice %arg10[%dma_wait3A_160, %dma_wait3A_161] : memref<768x16xf32, #tpu.memory_space<vmem>> -> memref<128x16xf32, #tpu.memory_space<vmem>>
    %dma_wait3A_163 = arith.constant 0 : i32
    %dma_wait3A_164 = tpu.memref_slice %arg8[%dma_wait3A_158, %dma_wait3A_159, %dma_wait3A_163] : memref<6x3x128xi32, #tpu.memory_space<vmem>> -> memref<1x1x128xi32, #tpu.memory_space<vmem>>
    %dma_wait3A_165 = tpu.memref_squeeze %dma_wait3A_164 : memref<1x1x128xi32, #tpu.memory_space<vmem>> -> memref<128xi32, #tpu.memory_space<vmem>>
    %dma_wait3A_166 = arith.constant 0 : i32
    %dma_wait3A_167 = arith.constant 0 : i32
    %dma_wait3A_168 = tpu.memref_slice %arg6[%dma_wait3A_166, %dma_wait3A_167] : memref<100096x16xf32, #tpu.memory_space<vmem_shared>> -> memref<100096x16xf32, #tpu.memory_space<vmem_shared>>
    tpu.wait_indirect_dma semaphore(%arg16 : memref<!tpu.dma_semaphore, #tpu.memory_space<semaphore_mem>>) src(%dma_wait3A_162 : memref<128x16xf32, #tpu.memory_space<vmem>>) dst(%dma_wait3A_168 : memref<100096x16xf32, #tpu.memory_space<vmem_shared>>)
    %dma_wait3A_169 = arith.constant 5 : i32
    %dma_wait3A_170 = arith.constant 1 : i32
    %dma_wait3A_171 = arith.constant 640 : i32
    %dma_wait3A_172 = arith.constant 0 : i32
    %dma_wait3A_173 = tpu.memref_slice %arg10[%dma_wait3A_171, %dma_wait3A_172] : memref<768x16xf32, #tpu.memory_space<vmem>> -> memref<128x16xf32, #tpu.memory_space<vmem>>
    %dma_wait3A_174 = arith.constant 0 : i32
    %dma_wait3A_175 = tpu.memref_slice %arg8[%dma_wait3A_169, %dma_wait3A_170, %dma_wait3A_174] : memref<6x3x128xi32, #tpu.memory_space<vmem>> -> memref<1x1x128xi32, #tpu.memory_space<vmem>>
    %dma_wait3A_176 = tpu.memref_squeeze %dma_wait3A_175 : memref<1x1x128xi32, #tpu.memory_space<vmem>> -> memref<128xi32, #tpu.memory_space<vmem>>
    %dma_wait3A_177 = arith.constant 0 : i32
    %dma_wait3A_178 = arith.constant 0 : i32
    %dma_wait3A_179 = tpu.memref_slice %arg6[%dma_wait3A_177, %dma_wait3A_178] : memref<100096x16xf32, #tpu.memory_space<vmem_shared>> -> memref<100096x16xf32, #tpu.memory_space<vmem_shared>>
    tpu.wait_indirect_dma semaphore(%arg16 : memref<!tpu.dma_semaphore, #tpu.memory_space<semaphore_mem>>) src(%dma_wait3A_173 : memref<128x16xf32, #tpu.memory_space<vmem>>) dst(%dma_wait3A_179 : memref<100096x16xf32, #tpu.memory_space<vmem_shared>>)
    %dma_wait3A_180 = arith.constant 0 : i32
    %dma_wait3A_181 = arith.constant 1 : i32
    %dma_wait3A_182 = arith.constant 0 : i32
    %dma_wait3A_183 = arith.constant 0 : i32
    %dma_wait3A_184 = tpu.memref_slice %arg9[%dma_wait3A_182, %dma_wait3A_183] : memref<768x16xf32, #tpu.memory_space<vmem>> -> memref<128x16xf32, #tpu.memory_space<vmem>>
    %dma_wait3A_185 = arith.constant 0 : i32
    %dma_wait3A_186 = tpu.memref_slice %arg7[%dma_wait3A_180, %dma_wait3A_181, %dma_wait3A_185] : memref<6x3x128xi32, #tpu.memory_space<vmem>> -> memref<1x1x128xi32, #tpu.memory_space<vmem>>
    %dma_wait3A_187 = tpu.memref_squeeze %dma_wait3A_186 : memref<1x1x128xi32, #tpu.memory_space<vmem>> -> memref<128xi32, #tpu.memory_space<vmem>>
    %dma_wait3A_188 = arith.constant 0 : i32
    %dma_wait3A_189 = arith.constant 0 : i32
    %dma_wait3A_190 = tpu.memref_slice %arg6[%dma_wait3A_188, %dma_wait3A_189] : memref<100096x16xf32, #tpu.memory_space<vmem_shared>> -> memref<100096x16xf32, #tpu.memory_space<vmem_shared>>
    tpu.wait_indirect_dma semaphore(%arg15 : memref<!tpu.dma_semaphore, #tpu.memory_space<semaphore_mem>>) src(%dma_wait3A_184 : memref<128x16xf32, #tpu.memory_space<vmem>>) dst(%dma_wait3A_190 : memref<100096x16xf32, #tpu.memory_space<vmem_shared>>)
    %dma_wait3A_191 = arith.constant 1 : i32
    %dma_wait3A_192 = arith.constant 1 : i32
    %dma_wait3A_193 = arith.constant 128 : i32
    %dma_wait3A_194 = arith.constant 0 : i32
    %dma_wait3A_195 = tpu.memref_slice %arg9[%dma_wait3A_193, %dma_wait3A_194] : memref<768x16xf32, #tpu.memory_space<vmem>> -> memref<128x16xf32, #tpu.memory_space<vmem>>
    %dma_wait3A_196 = arith.constant 0 : i32
    %dma_wait3A_197 = tpu.memref_slice %arg7[%dma_wait3A_191, %dma_wait3A_192, %dma_wait3A_196] : memref<6x3x128xi32, #tpu.memory_space<vmem>> -> memref<1x1x128xi32, #tpu.memory_space<vmem>>
    %dma_wait3A_198 = tpu.memref_squeeze %dma_wait3A_197 : memref<1x1x128xi32, #tpu.memory_space<vmem>> -> memref<128xi32, #tpu.memory_space<vmem>>
    %dma_wait3A_199 = arith.constant 0 : i32
    %dma_wait3A_200 = arith.constant 0 : i32
    %dma_wait3A_201 = tpu.memref_slice %arg6[%dma_wait3A_199, %dma_wait3A_200] : memref<100096x16xf32, #tpu.memory_space<vmem_shared>> -> memref<100096x16xf32, #tpu.memory_space<vmem_shared>>
    tpu.wait_indirect_dma semaphore(%arg15 : memref<!tpu.dma_semaphore, #tpu.memory_space<semaphore_mem>>) src(%dma_wait3A_195 : memref<128x16xf32, #tpu.memory_space<vmem>>) dst(%dma_wait3A_201 : memref<100096x16xf32, #tpu.memory_space<vmem_shared>>)
    %dma_wait3A_202 = arith.constant 2 : i32
    %dma_wait3A_203 = arith.constant 1 : i32
    %dma_wait3A_204 = arith.constant 256 : i32
    %dma_wait3A_205 = arith.constant 0 : i32
    %dma_wait3A_206 = tpu.memref_slice %arg9[%dma_wait3A_204, %dma_wait3A_205] : memref<768x16xf32, #tpu.memory_space<vmem>> -> memref<128x16xf32, #tpu.memory_space<vmem>>
    %dma_wait3A_207 = arith.constant 0 : i32
    %dma_wait3A_208 = tpu.memref_slice %arg7[%dma_wait3A_202, %dma_wait3A_203, %dma_wait3A_207] : memref<6x3x128xi32, #tpu.memory_space<vmem>> -> memref<1x1x128xi32, #tpu.memory_space<vmem>>
    %dma_wait3A_209 = tpu.memref_squeeze %dma_wait3A_208 : memref<1x1x128xi32, #tpu.memory_space<vmem>> -> memref<128xi32, #tpu.memory_space<vmem>>
    %dma_wait3A_210 = arith.constant 0 : i32
    %dma_wait3A_211 = arith.constant 0 : i32
    %dma_wait3A_212 = tpu.memref_slice %arg6[%dma_wait3A_210, %dma_wait3A_211] : memref<100096x16xf32, #tpu.memory_space<vmem_shared>> -> memref<100096x16xf32, #tpu.memory_space<vmem_shared>>
    tpu.wait_indirect_dma semaphore(%arg15 : memref<!tpu.dma_semaphore, #tpu.memory_space<semaphore_mem>>) src(%dma_wait3A_206 : memref<128x16xf32, #tpu.memory_space<vmem>>) dst(%dma_wait3A_212 : memref<100096x16xf32, #tpu.memory_space<vmem_shared>>)
    %dma_wait3A_213 = arith.constant 3 : i32
    %dma_wait3A_214 = arith.constant 1 : i32
    %dma_wait3A_215 = arith.constant 384 : i32
    %dma_wait3A_216 = arith.constant 0 : i32
    %dma_wait3A_217 = tpu.memref_slice %arg9[%dma_wait3A_215, %dma_wait3A_216] : memref<768x16xf32, #tpu.memory_space<vmem>> -> memref<128x16xf32, #tpu.memory_space<vmem>>
    %dma_wait3A_218 = arith.constant 0 : i32
    %dma_wait3A_219 = tpu.memref_slice %arg7[%dma_wait3A_213, %dma_wait3A_214, %dma_wait3A_218] : memref<6x3x128xi32, #tpu.memory_space<vmem>> -> memref<1x1x128xi32, #tpu.memory_space<vmem>>
    %dma_wait3A_220 = tpu.memref_squeeze %dma_wait3A_219 : memref<1x1x128xi32, #tpu.memory_space<vmem>> -> memref<128xi32, #tpu.memory_space<vmem>>
    %dma_wait3A_221 = arith.constant 0 : i32
    %dma_wait3A_222 = arith.constant 0 : i32
    %dma_wait3A_223 = tpu.memref_slice %arg6[%dma_wait3A_221, %dma_wait3A_222] : memref<100096x16xf32, #tpu.memory_space<vmem_shared>> -> memref<100096x16xf32, #tpu.memory_space<vmem_shared>>
    tpu.wait_indirect_dma semaphore(%arg15 : memref<!tpu.dma_semaphore, #tpu.memory_space<semaphore_mem>>) src(%dma_wait3A_217 : memref<128x16xf32, #tpu.memory_space<vmem>>) dst(%dma_wait3A_223 : memref<100096x16xf32, #tpu.memory_space<vmem_shared>>)
    %dma_wait3A_224 = arith.constant 4 : i32
    %dma_wait3A_225 = arith.constant 1 : i32
    %dma_wait3A_226 = arith.constant 512 : i32
    %dma_wait3A_227 = arith.constant 0 : i32
    %dma_wait3A_228 = tpu.memref_slice %arg9[%dma_wait3A_226, %dma_wait3A_227] : memref<768x16xf32, #tpu.memory_space<vmem>> -> memref<128x16xf32, #tpu.memory_space<vmem>>
    %dma_wait3A_229 = arith.constant 0 : i32
    %dma_wait3A_230 = tpu.memref_slice %arg7[%dma_wait3A_224, %dma_wait3A_225, %dma_wait3A_229] : memref<6x3x128xi32, #tpu.memory_space<vmem>> -> memref<1x1x128xi32, #tpu.memory_space<vmem>>
    %dma_wait3A_231 = tpu.memref_squeeze %dma_wait3A_230 : memref<1x1x128xi32, #tpu.memory_space<vmem>> -> memref<128xi32, #tpu.memory_space<vmem>>
    %dma_wait3A_232 = arith.constant 0 : i32
    %dma_wait3A_233 = arith.constant 0 : i32
    %dma_wait3A_234 = tpu.memref_slice %arg6[%dma_wait3A_232, %dma_wait3A_233] : memref<100096x16xf32, #tpu.memory_space<vmem_shared>> -> memref<100096x16xf32, #tpu.memory_space<vmem_shared>>
    tpu.wait_indirect_dma semaphore(%arg15 : memref<!tpu.dma_semaphore, #tpu.memory_space<semaphore_mem>>) src(%dma_wait3A_228 : memref<128x16xf32, #tpu.memory_space<vmem>>) dst(%dma_wait3A_234 : memref<100096x16xf32, #tpu.memory_space<vmem_shared>>)
    %dma_wait3A_235 = arith.constant 5 : i32
    %dma_wait3A_236 = arith.constant 1 : i32
    %dma_wait3A_237 = arith.constant 640 : i32
    %dma_wait3A_238 = arith.constant 0 : i32
    %dma_wait3A_239 = tpu.memref_slice %arg9[%dma_wait3A_237, %dma_wait3A_238] : memref<768x16xf32, #tpu.memory_space<vmem>> -> memref<128x16xf32, #tpu.memory_space<vmem>>
    %dma_wait3A_240 = arith.constant 0 : i32
    %dma_wait3A_241 = tpu.memref_slice %arg7[%dma_wait3A_235, %dma_wait3A_236, %dma_wait3A_240] : memref<6x3x128xi32, #tpu.memory_space<vmem>> -> memref<1x1x128xi32, #tpu.memory_space<vmem>>
    %dma_wait3A_242 = tpu.memref_squeeze %dma_wait3A_241 : memref<1x1x128xi32, #tpu.memory_space<vmem>> -> memref<128xi32, #tpu.memory_space<vmem>>
    %dma_wait3A_243 = arith.constant 0 : i32
    %dma_wait3A_244 = arith.constant 0 : i32
    %dma_wait3A_245 = tpu.memref_slice %arg6[%dma_wait3A_243, %dma_wait3A_244] : memref<100096x16xf32, #tpu.memory_space<vmem_shared>> -> memref<100096x16xf32, #tpu.memory_space<vmem_shared>>
    tpu.wait_indirect_dma semaphore(%arg15 : memref<!tpu.dma_semaphore, #tpu.memory_space<semaphore_mem>>) src(%dma_wait3A_239 : memref<128x16xf32, #tpu.memory_space<vmem>>) dst(%dma_wait3A_245 : memref<100096x16xf32, #tpu.memory_space<vmem_shared>>)
    %barrier3A_246 = arith.constant 0 : index
    tpu.barrier barrier_id(%barrier3A_246)
    %eq3A = arith.constant 0 : i32
    %eq3A_247 = arith.cmpi eq, %arg0, %eq3A : i32
    %convert_element_type3A = arith.extui %eq3A_247 : i1 to i32
    %cond3A = arith.constant 0 : i32
    %cond3A_248 = arith.cmpi ne, %convert_element_type3A, %cond3A : i32
    scf.if %cond3A_248 {
      "tpu.region"() ({
        %run_scoped3A = tpu.sem_alloc : memref<!tpu.dma_semaphore, #tpu.memory_space<semaphore_mem>>
        %dma_start3A_254 = arith.constant 0 : i32
        %dma_start3A_255 = tpu.memref_slice %arg4[%mul3A_7, %dma_start3A_254] : memref<100096x16xf32, #tpu.memory_space<hbm>> -> memref<6256x16xf32, #tpu.memory_space<hbm>>
        %dma_start3A_256 = arith.constant 0 : i32
        %dma_start3A_257 = tpu.memref_slice %arg6[%mul3A_7, %dma_start3A_256] : memref<100096x16xf32, #tpu.memory_space<vmem_shared>> -> memref<6256x16xf32, #tpu.memory_space<vmem_shared>>
        tpu.enqueue_dma source(%dma_start3A_257 : memref<6256x16xf32, #tpu.memory_space<vmem_shared>>) target(%dma_start3A_255 : memref<6256x16xf32, #tpu.memory_space<hbm>>) target_semaphore(%run_scoped3A : memref<!tpu.dma_semaphore, #tpu.memory_space<semaphore_mem>>)
        %dma_wait3A_258 = arith.constant 0 : i32
        %dma_wait3A_259 = tpu.memref_slice %arg4[%mul3A_7, %dma_wait3A_258] : memref<100096x16xf32, #tpu.memory_space<hbm>> -> memref<6256x16xf32, #tpu.memory_space<hbm>>
        %dma_wait3A_260 = arith.constant 0 : i32
        %dma_wait3A_261 = tpu.memref_slice %arg6[%mul3A_7, %dma_wait3A_260] : memref<100096x16xf32, #tpu.memory_space<vmem_shared>> -> memref<6256x16xf32, #tpu.memory_space<vmem_shared>>
        tpu.wait_dma2 semaphore(%run_scoped3A : memref<!tpu.dma_semaphore, #tpu.memory_space<semaphore_mem>>) src(%dma_wait3A_261 : memref<6256x16xf32, #tpu.memory_space<vmem_shared>>) dst(%dma_wait3A_259 : memref<6256x16xf32, #tpu.memory_space<hbm>>)
        tpu.yield
      }) : () -> ()
    } else {
    }
    %eq3A_249 = arith.constant 1 : i32
    %eq3A_250 = arith.cmpi eq, %arg0, %eq3A_249 : i32
    %convert_element_type3A_251 = arith.extui %eq3A_250 : i1 to i32
    %cond3A_252 = arith.constant 0 : i32
    %cond3A_253 = arith.cmpi ne, %convert_element_type3A_251, %cond3A_252 : i32
    scf.if %cond3A_253 {
      "tpu.region"() ({
        %run_scoped3A = tpu.sem_alloc : memref<!tpu.dma_semaphore, #tpu.memory_space<semaphore_mem>>
        %dma_start3A_254 = arith.constant 0 : i32
        %dma_start3A_255 = tpu.memref_slice %arg5[%mul3A_7, %dma_start3A_254] : memref<100096x16xf32, #tpu.memory_space<hbm>> -> memref<6256x16xf32, #tpu.memory_space<hbm>>
        %dma_start3A_256 = arith.constant 0 : i32
        %dma_start3A_257 = tpu.memref_slice %arg6[%mul3A_7, %dma_start3A_256] : memref<100096x16xf32, #tpu.memory_space<vmem_shared>> -> memref<6256x16xf32, #tpu.memory_space<vmem_shared>>
        tpu.enqueue_dma source(%dma_start3A_257 : memref<6256x16xf32, #tpu.memory_space<vmem_shared>>) target(%dma_start3A_255 : memref<6256x16xf32, #tpu.memory_space<hbm>>) target_semaphore(%run_scoped3A : memref<!tpu.dma_semaphore, #tpu.memory_space<semaphore_mem>>)
        %dma_wait3A_258 = arith.constant 0 : i32
        %dma_wait3A_259 = tpu.memref_slice %arg5[%mul3A_7, %dma_wait3A_258] : memref<100096x16xf32, #tpu.memory_space<hbm>> -> memref<6256x16xf32, #tpu.memory_space<hbm>>
        %dma_wait3A_260 = arith.constant 0 : i32
        %dma_wait3A_261 = tpu.memref_slice %arg6[%mul3A_7, %dma_wait3A_260] : memref<100096x16xf32, #tpu.memory_space<vmem_shared>> -> memref<6256x16xf32, #tpu.memory_space<vmem_shared>>
        tpu.wait_dma2 semaphore(%run_scoped3A : memref<!tpu.dma_semaphore, #tpu.memory_space<semaphore_mem>>) src(%dma_wait3A_261 : memref<6256x16xf32, #tpu.memory_space<vmem_shared>>) dst(%dma_wait3A_259 : memref<6256x16xf32, #tpu.memory_space<hbm>>)
        tpu.yield
      }) : () -> ()
    } else {
    }
    return
  }
}

module attributes {stable_mosaic.version = 14 : i64} {
  func.func @_mm_body(%arg0: i32, %arg1: memref<1024x128xf32, #tpu.memory_space<vmem>>, %arg2: memref<128x128xf32, #tpu.memory_space<vmem>>, %arg3: memref<1024x128xf32, #tpu.memory_space<vmem>>) attributes {dimension_semantics = [#tpu.dimension_semantics<arbitrary>], iteration_bounds = array<i64: 13>, scalar_prefetch = 0 : i64, scratch_operands = 0 : i64, tpu.core_type = #tpu.core_type<tc>, window_params = [{transform_indices = @transform_0, window_bounds = array<i64: 1024, 128>}, {pipeline_mode = #tpu.pipeline_mode<synchronous>, transform_indices = @transform_1, window_bounds = array<i64: 128, 128>}, {transform_indices = @transform_2, window_bounds = array<i64: 1024, 128>}]} {
    %get3A = arith.constant 0 : index
    %get3A_0 = arith.constant 0 : index
    %get3A_1 = vector.load %arg1[%get3A, %get3A_0] : memref<1024x128xf32, #tpu.memory_space<vmem>>, vector<1024x128xf32>
    %get3A_2 = arith.constant 0 : index
    %get3A_3 = arith.constant 0 : index
    %get3A_4 = vector.load %arg2[%get3A_2, %get3A_3] : memref<128x128xf32, #tpu.memory_space<vmem>>, vector<128x128xf32>
    %dot_general3A = arith.constant dense<0.000000e+00> : vector<1024x128xf32>
    %dot_general3A_5 = tpu.matmul %get3A_1, %get3A_4, %dot_general3A {dimension_numbers = #tpu.dot_dimension_numbers<[1], [0], [0], [1], [0, 0, 1, 1], [], []>, transpose_lhs_hint = false} : vector<1024x128xf32>, vector<128x128xf32>, vector<1024x128xf32> -> vector<1024x128xf32>
    %swap3A = arith.constant 0 : index
    %swap3A_6 = arith.constant 0 : index
    %swap3A_7 = vector.load %arg3[%swap3A, %swap3A_6] : memref<1024x128xf32, #tpu.memory_space<vmem>>, vector<1024x128xf32>
    tpu.vector_store %arg3[%swap3A, %swap3A_6], %dot_general3A_5 {strides = array<i32>} : memref<1024x128xf32, #tpu.memory_space<vmem>>, vector<1024x128xf32>,
    return
  }
  func.func @transform_0(%arg0: i32) -> (i32, i32) {
    %c0_i32 = arith.constant 0 : i32
    %c0_i32_0 = arith.constant 0 : i32
    return %arg0, %c0_i32 : i32, i32
  }
  func.func @transform_1(%arg0: i32) -> (i32, i32) {
    %c0_i32 = arith.constant 0 : i32
    %c0_i32_0 = arith.constant 0 : i32
    %c0_i32_1 = arith.constant 0 : i32
    return %c0_i32, %c0_i32_0 : i32, i32
  }
  func.func @transform_2(%arg0: i32) -> (i32, i32) {
    %c0_i32 = arith.constant 0 : i32
    %c0_i32_0 = arith.constant 0 : i32
    return %arg0, %c0_i32 : i32, i32
  }
}

module attributes {stable_mosaic.version = 14 : i64} {
  func.func @_mid_body(%arg0: i32, %arg1: memref<1024x128xf32, #tpu.memory_space<vmem>>, %arg2: memref<1024x128xf32, #tpu.memory_space<vmem>>, %arg3: memref<1024x128xf32, #tpu.memory_space<vmem>>, %arg4: memref<128x128xf32, #tpu.memory_space<vmem>>, %arg5: memref<1x128xf32, #tpu.memory_space<vmem>>, %arg6: memref<128x128xf32, #tpu.memory_space<vmem>>, %arg7: memref<1024x128xf32, #tpu.memory_space<vmem>>, %arg8: memref<1024x128xf32, #tpu.memory_space<vmem>>) attributes {dimension_semantics = [#tpu.dimension_semantics<arbitrary>], iteration_bounds = array<i64: 13>, scalar_prefetch = 0 : i64, scratch_operands = 0 : i64, tpu.core_type = #tpu.core_type<tc>, window_params = [{transform_indices = @transform_0, window_bounds = array<i64: 1024, 128>}, {transform_indices = @transform_1, window_bounds = array<i64: 1024, 128>}, {transform_indices = @transform_2, window_bounds = array<i64: 1024, 128>}, {pipeline_mode = #tpu.pipeline_mode<synchronous>, transform_indices = @transform_3, window_bounds = array<i64: 128, 128>}, {pipeline_mode = #tpu.pipeline_mode<synchronous>, transform_indices = @transform_4, window_bounds = array<i64: 1, 128>}, {pipeline_mode = #tpu.pipeline_mode<synchronous>, transform_indices = @transform_5, window_bounds = array<i64: 128, 128>}, {transform_indices = @transform_6, window_bounds = array<i64: 1024, 128>}, {transform_indices = @transform_7, window_bounds = array<i64: 1024, 128>}]} {
    %get3A = arith.constant 0 : index
    %get3A_0 = arith.constant 0 : index
    %get3A_1 = vector.load %arg1[%get3A, %get3A_0] : memref<1024x128xf32, #tpu.memory_space<vmem>>, vector<1024x128xf32>
    %get3A_2 = arith.constant 0 : index
    %get3A_3 = arith.constant 0 : index
    %get3A_4 = vector.load %arg4[%get3A_2, %get3A_3] : memref<128x128xf32, #tpu.memory_space<vmem>>, vector<128x128xf32>
    %dot_general3A = arith.constant dense<0.000000e+00> : vector<1024x128xf32>
    %dot_general3A_5 = tpu.matmul %get3A_1, %get3A_4, %dot_general3A {dimension_numbers = #tpu.dot_dimension_numbers<[1], [0], [0], [1], [0, 0, 1, 1], [], []>, transpose_lhs_hint = false} : vector<1024x128xf32>, vector<128x128xf32>, vector<1024x128xf32> -> vector<1024x128xf32>
    %get3A_6 = arith.constant 0 : index
    %get3A_7 = arith.constant 0 : index
    %get3A_8 = vector.load %arg2[%get3A_6, %get3A_7] : memref<1024x128xf32, #tpu.memory_space<vmem>>, vector<1024x128xf32>
    %add3A = arith.addf %dot_general3A_5, %get3A_8 : vector<1024x128xf32>
    %get3A_9 = arith.constant 0 : index
    %get3A_10 = arith.constant 0 : index
    %get3A_11 = vector.load %arg3[%get3A_9, %get3A_10] : memref<1024x128xf32, #tpu.memory_space<vmem>>, vector<1024x128xf32>
    %add3A_12 = arith.addf %add3A, %get3A_11 : vector<1024x128xf32>
    %get3A_13 = arith.constant 0 : index
    %get3A_14 = arith.constant 0 : index
    %get3A_15 = vector.load %arg5[%get3A_13, %get3A_14] : memref<1x128xf32, #tpu.memory_space<vmem>>, vector<1x128xf32>
    %add3A_16 = vector.broadcast %get3A_15 : vector<1x128xf32> to vector<1024x128xf32>
    %add3A_17 = arith.addf %add3A_12, %add3A_16 : vector<1024x128xf32>
    %max3A = arith.constant 0.000000e+00 : f32
    %max3A_18 = vector.broadcast %max3A : f32 to vector<1024x128xf32>
    %max3A_19 = arith.maximumf %add3A_17, %max3A_18 : vector<1024x128xf32>
    %swap3A = arith.constant 0 : index
    %swap3A_20 = arith.constant 0 : index
    %swap3A_21 = vector.load %arg7[%swap3A, %swap3A_20] : memref<1024x128xf32, #tpu.memory_space<vmem>>, vector<1024x128xf32>
    tpu.vector_store %arg7[%swap3A, %swap3A_20], %max3A_19 {strides = array<i32>} : memref<1024x128xf32, #tpu.memory_space<vmem>>, vector<1024x128xf32>,
    %get3A_22 = arith.constant 0 : index
    %get3A_23 = arith.constant 0 : index
    %get3A_24 = vector.load %arg6[%get3A_22, %get3A_23] : memref<128x128xf32, #tpu.memory_space<vmem>>, vector<128x128xf32>
    %dot_general3A_25 = arith.constant dense<0.000000e+00> : vector<1024x128xf32>
    %dot_general3A_26 = tpu.matmul %max3A_19, %get3A_24, %dot_general3A_25 {dimension_numbers = #tpu.dot_dimension_numbers<[1], [0], [0], [1], [0, 0, 1, 1], [], []>, transpose_lhs_hint = false} : vector<1024x128xf32>, vector<128x128xf32>, vector<1024x128xf32> -> vector<1024x128xf32>
    %swap3A_27 = arith.constant 0 : index
    %swap3A_28 = arith.constant 0 : index
    %swap3A_29 = vector.load %arg8[%swap3A_27, %swap3A_28] : memref<1024x128xf32, #tpu.memory_space<vmem>>, vector<1024x128xf32>
    tpu.vector_store %arg8[%swap3A_27, %swap3A_28], %dot_general3A_26 {strides = array<i32>} : memref<1024x128xf32, #tpu.memory_space<vmem>>, vector<1024x128xf32>,
    return
  }
  func.func @transform_0(%arg0: i32) -> (i32, i32) {
    %c0_i32 = arith.constant 0 : i32
    %c0_i32_0 = arith.constant 0 : i32
    return %arg0, %c0_i32 : i32, i32
  }
  func.func @transform_1(%arg0: i32) -> (i32, i32) {
    %c0_i32 = arith.constant 0 : i32
    %c0_i32_0 = arith.constant 0 : i32
    return %arg0, %c0_i32 : i32, i32
  }
  func.func @transform_2(%arg0: i32) -> (i32, i32) {
    %c0_i32 = arith.constant 0 : i32
    %c0_i32_0 = arith.constant 0 : i32
    return %arg0, %c0_i32 : i32, i32
  }
  func.func @transform_3(%arg0: i32) -> (i32, i32) {
    %c0_i32 = arith.constant 0 : i32
    %c0_i32_0 = arith.constant 0 : i32
    %c0_i32_1 = arith.constant 0 : i32
    return %c0_i32, %c0_i32_0 : i32, i32
  }
  func.func @transform_4(%arg0: i32) -> (i32, i32) {
    %c0_i32 = arith.constant 0 : i32
    %c0_i32_0 = arith.constant 0 : i32
    %c0_i32_1 = arith.constant 0 : i32
    return %c0_i32, %c0_i32_0 : i32, i32
  }
  func.func @transform_5(%arg0: i32) -> (i32, i32) {
    %c0_i32 = arith.constant 0 : i32
    %c0_i32_0 = arith.constant 0 : i32
    %c0_i32_1 = arith.constant 0 : i32
    return %c0_i32, %c0_i32_0 : i32, i32
  }
  func.func @transform_6(%arg0: i32) -> (i32, i32) {
    %c0_i32 = arith.constant 0 : i32
    %c0_i32_0 = arith.constant 0 : i32
    return %arg0, %c0_i32 : i32, i32
  }
  func.func @transform_7(%arg0: i32) -> (i32, i32) {
    %c0_i32 = arith.constant 0 : i32
    %c0_i32_0 = arith.constant 0 : i32
    return %arg0, %c0_i32 : i32, i32
  }
}

module attributes {stable_mosaic.version = 14 : i64} {
  func.func @_fin_body(%arg0: i32, %arg1: memref<1024x128xf32, #tpu.memory_space<vmem>>, %arg2: memref<1024x128xf32, #tpu.memory_space<vmem>>, %arg3: memref<1024x128xf32, #tpu.memory_space<vmem>>, %arg4: memref<128x128xf32, #tpu.memory_space<vmem>>, %arg5: memref<1x128xf32, #tpu.memory_space<vmem>>, %arg6: memref<1024x128xf32, #tpu.memory_space<vmem>>) attributes {dimension_semantics = [#tpu.dimension_semantics<arbitrary>], iteration_bounds = array<i64: 13>, scalar_prefetch = 0 : i64, scratch_operands = 0 : i64, tpu.core_type = #tpu.core_type<tc>, window_params = [{transform_indices = @transform_0, window_bounds = array<i64: 1024, 128>}, {transform_indices = @transform_1, window_bounds = array<i64: 1024, 128>}, {transform_indices = @transform_2, window_bounds = array<i64: 1024, 128>}, {pipeline_mode = #tpu.pipeline_mode<synchronous>, transform_indices = @transform_3, window_bounds = array<i64: 128, 128>}, {pipeline_mode = #tpu.pipeline_mode<synchronous>, transform_indices = @transform_4, window_bounds = array<i64: 1, 128>}, {transform_indices = @transform_5, window_bounds = array<i64: 1024, 128>}]} {
    %get3A = arith.constant 0 : index
    %get3A_0 = arith.constant 0 : index
    %get3A_1 = vector.load %arg1[%get3A, %get3A_0] : memref<1024x128xf32, #tpu.memory_space<vmem>>, vector<1024x128xf32>
    %get3A_2 = arith.constant 0 : index
    %get3A_3 = arith.constant 0 : index
    %get3A_4 = vector.load %arg4[%get3A_2, %get3A_3] : memref<128x128xf32, #tpu.memory_space<vmem>>, vector<128x128xf32>
    %dot_general3A = arith.constant dense<0.000000e+00> : vector<1024x128xf32>
    %dot_general3A_5 = tpu.matmul %get3A_1, %get3A_4, %dot_general3A {dimension_numbers = #tpu.dot_dimension_numbers<[1], [0], [0], [1], [0, 0, 1, 1], [], []>, transpose_lhs_hint = false} : vector<1024x128xf32>, vector<128x128xf32>, vector<1024x128xf32> -> vector<1024x128xf32>
    %get3A_6 = arith.constant 0 : index
    %get3A_7 = arith.constant 0 : index
    %get3A_8 = vector.load %arg2[%get3A_6, %get3A_7] : memref<1024x128xf32, #tpu.memory_space<vmem>>, vector<1024x128xf32>
    %add3A = arith.addf %dot_general3A_5, %get3A_8 : vector<1024x128xf32>
    %get3A_9 = arith.constant 0 : index
    %get3A_10 = arith.constant 0 : index
    %get3A_11 = vector.load %arg3[%get3A_9, %get3A_10] : memref<1024x128xf32, #tpu.memory_space<vmem>>, vector<1024x128xf32>
    %add3A_12 = arith.addf %add3A, %get3A_11 : vector<1024x128xf32>
    %get3A_13 = arith.constant 0 : index
    %get3A_14 = arith.constant 0 : index
    %get3A_15 = vector.load %arg5[%get3A_13, %get3A_14] : memref<1x128xf32, #tpu.memory_space<vmem>>, vector<1x128xf32>
    %add3A_16 = vector.broadcast %get3A_15 : vector<1x128xf32> to vector<1024x128xf32>
    %add3A_17 = arith.addf %add3A_12, %add3A_16 : vector<1024x128xf32>
    %swap3A = arith.constant 0 : index
    %swap3A_18 = arith.constant 0 : index
    %swap3A_19 = vector.load %arg6[%swap3A, %swap3A_18] : memref<1024x128xf32, #tpu.memory_space<vmem>>, vector<1024x128xf32>
    tpu.vector_store %arg6[%swap3A, %swap3A_18], %add3A_17 {strides = array<i32>} : memref<1024x128xf32, #tpu.memory_space<vmem>>, vector<1024x128xf32>,
    return
  }
  func.func @transform_0(%arg0: i32) -> (i32, i32) {
    %c0_i32 = arith.constant 0 : i32
    %c0_i32_0 = arith.constant 0 : i32
    return %arg0, %c0_i32 : i32, i32
  }
  func.func @transform_1(%arg0: i32) -> (i32, i32) {
    %c0_i32 = arith.constant 0 : i32
    %c0_i32_0 = arith.constant 0 : i32
    return %arg0, %c0_i32 : i32, i32
  }
  func.func @transform_2(%arg0: i32) -> (i32, i32) {
    %c0_i32 = arith.constant 0 : i32
    %c0_i32_0 = arith.constant 0 : i32
    return %arg0, %c0_i32 : i32, i32
  }
  func.func @transform_3(%arg0: i32) -> (i32, i32) {
    %c0_i32 = arith.constant 0 : i32
    %c0_i32_0 = arith.constant 0 : i32
    %c0_i32_1 = arith.constant 0 : i32
    return %c0_i32, %c0_i32_0 : i32, i32
  }
  func.func @transform_4(%arg0: i32) -> (i32, i32) {
    %c0_i32 = arith.constant 0 : i32
    %c0_i32_0 = arith.constant 0 : i32
    %c0_i32_1 = arith.constant 0 : i32
    return %c0_i32, %c0_i32_0 : i32, i32
  }
  func.func @transform_5(%arg0: i32) -> (i32, i32) {
    %c0_i32 = arith.constant 0 : i32
    %c0_i32_0 = arith.constant 0 : i32
    return %arg0, %c0_i32 : i32, i32
  }
}

</mosaic_0001>

<sc_bundles>
// kernel: kernel.10.cloned.1.call-start
scs
__scs_entry_jumppad:
0x0: {  	(pc) =	sbr.rel $0x88, $3  }
0x1: {  	(tag) =	ssettag $0x0;
	lr =	simm.s32 $0x1  }
0x2: {  	[smem:$0x3F98] =	sst lr;
	_ =	strace $0xD0000000  }
0x3: {  	_ = 	snop  }
0x4: {  	_ = 	snop  }
0x5: {  	_ = 	snop  }
0x6: {  	_ = 	snop  }
0x7: {  	_ = 	snop  }
__scs_overlays_trampoline_lowered:
0x8: {  	[smem:$0x3FA7] =	sst s0  }
0x9: {  	[smem:$0x3FA8] =	sst s1  }
0xa: {  	[smem:$0x3FA9] =	sst s2  }
0xb: {  	[smem:$0x3FAA] =	sst s3  }
0xc: {  	[smem:$0x3FAB] =	sst s4  }
0xd: {  	[smem:$0x3FAC] =	sst s5  }
0xe: {  	[smem:$0x3FAD] =	sst s6  }
0xf: {  	[smem:$0x3FAE] =	sst s7  }
0x10: {  	[smem:$0x3FAF] =	sst s8  }
0x11: {  	[smem:$0x3FB0] =	sst s9;
	s0 =	simm.s32 @!p0 $0x0  }
0x12: {  	s1 =	sld [smem:$0x3F96];
	s0 =	simm.s32 @p0 $0x1  }
0x13: {  	[smem:$0x3FB1] =	sst s0;
	s0 =	simm.s32 @!p1 $0x0  }
0x14: {  	s2 =	sld [smem:$0x3F95];
	s0 =	simm.s32 @p1 $0x1  }
0x15: {  	[smem:$0x3FB2] =	sst s0;
	s0 =	simm.s32 @!p2 $0x0  }
0x16: {  	s3 =	sld [smem:$0x3FDB];
	s0 =	simm.s32 @p2 $0x1  }
0x17: {  	s4 =	simm.s32 $0x1BF5;
	[smem:$0x3FB4] =	sst s0  }
0x18: {  	s0 =	sld [smem:$0x3F97];
	_ =	swait.ge [sflag:s4], $0x0  }
0x19: {  	s7 =	sld [smem:$0x3F98]  }
0x1a: {  	s8 =	sadd.s32 $0xFFFFE003, lr  }
0x1b: {  	s9 =	sadd.s32 $0xFFFFFEF7, lr;
	s5 =	simm.s32 $0xFFFFFFFF;
	p2 =	slt.u32 s8, $0xFFFFF086  }
0x1c: {  	p1 =	slt.u32 s9, $0xF7A;
	s5 =	simm.s32 @!p2 $0x0  }
0x1d: {  	s5 =	simm.s32 @p1 $0x1;
	p0 =	seq.s32 s7, s2  }
0x1e: {  	s7 =	smul.u32 @!p0 $0xF7A, s2;
	p2 =	seq.s32 @!p0 s5, $0x0  }
0x1f: {  	s9 =	smul.u32 $0xF7A, s1;
	s8 =	simm.s32 @!p0 $0x1BF5;
	p2 =	por !p2, p0  }
0x20: {  	[sflag:s8] =	ssyncset.s32 @!p0 $0xFFFFF086;
	s6 =	sadd.s32 @!p0 s3, s7;
	s7 =	simm.s32 @!p0 $0x108  }
0x21: {  	s3 =	sadd.s32 s3, s9;
	s6 =	sadd.s32 @!p0 $0x88, s6;
	s7 =	simm.s32 @p2 $0x1082  }
0x22: {  	[simem:s7], [sflag:s8] =	dma.local @!p0 [hbm:s6], $0xF7A  }
0x23: {  	s9 =	sor.u32 $0xD0000000, s2;
	s6 =	simm.s32 $0x108;
	_ =	swait.ge @!p0 [sflag:s8], $0x0  }
0x24: {  	s3 =	sadd.s32 $0x88, s3;
	s6 =	simm.s32 @!p1 $0x1082;
	[sflag:s4] =	ssyncset.s32 $0xFFFFF086  }
0x25: {  	[simem:s6], [sflag:s4] =	dma.local [hbm:s3], $0xF7A  }
0x26: {  	[smem:$0x3F98] =	sst s1;
	(tag) =	ssettag s2;
	_ =	strace s9  }
0x27: {  	s1 =	sld [smem:$0x3FA8]  }
0x28: {  	s2 =	sld [smem:$0x3FA9]  }
0x29: {  	s4 =	sld [smem:$0x3FAB]  }
0x2a: {  	p0 =	seq.s32 s5, $0x0;
	s5 =	sld [smem:$0x3FAC]  }
0x2b: {  	s6 =	sld [smem:$0x3FAD]  }
0x2c: {  	s7 =	sld [smem:$0x3FAE]  }
0x2d: {  	s3 =	simm.s32 $0x108;
	s8 =	sld [smem:$0x3FAF]  }
0x2e: {  	s3 =	simm.s32 @!p0 $0x1082;
	s9 =	sld [smem:$0x3FB0]  }
0x2f: {  	lr =	sadd.s32 s0, s3;
	s0 =	sld [smem:$0x3FA7]  }
0x30: {  	s3 =	sld [smem:$0x3FAA]  }
0x31: {  	[smem:$0x3FB3] =	sst s10  }
0x32: {  	s10 =	sld [smem:$0x3FB1];
	_ =	sdelay $0x3  }
0x33: {  	p0 =	seq.s32 s10, $0x1;
	s10 =	sld [smem:$0x3FB3];
	_ =	sdelay $0x3  }
0x34: {  	[smem:$0x3FB3] =	sst s10  }
0x35: {  	s10 =	sld [smem:$0x3FB2];
	_ =	sdelay $0x3  }
0x36: {  	p1 =	seq.s32 s10, $0x1;
	s10 =	sld [smem:$0x3FB3];
	_ =	sdelay $0x3  }
0x37: {  	[smem:$0x3FB3] =	sst s10  }
0x38: {  	s10 =	sld [smem:$0x3FB4]  }
0x39: {  	_ = 	snop;
	(pc) =	sbr.ind lr, $3  }
0x3a: {  	_ = 	snop  }
0x3b: {  	_ = 	snop  }
0x3c: {  	p2 =	seq.s32 s10, $0x1;
	s10 =	sld [smem:$0x3FB3]  }
0x3d: {  	_ =	shalt  }
0x3e: {  	_ =	shalt  }
0x3f: {  	_ =	shalt  }
0x40: {  	_ =	shalt  }
0x41: {  	_ =	shalt  }
0x42: {  	_ =	shalt  }
0x43: {  	_ =	shalt  }
0x44: {  	_ =	shalt  }
0x45: {  	_ =	shalt  }
0x46: {  	_ =	shalt  }
0x47: {  	_ =	shalt  }
0x48: {  	_ =	shalt  }
0x49: {  	_ =	shalt  }
0x4a: {  	_ =	shalt  }
0x4b: {  	_ =	shalt  }
0x4c: {  	_ =	shalt  }
0x4d: {  	_ =	shalt  }
0x4e: {  	_ =	shalt  }
0x4f: {  	_ =	shalt  }
0x50: {  	_ =	shalt  }
0x51: {  	_ =	shalt  }
0x52: {  	_ =	shalt  }
0x53: {  	_ =	shalt  }
0x54: {  	_ =	shalt  }
0x55: {  	_ =	shalt  }
0x56: {  	_ =	shalt  }
0x57: {  	_ =	shalt  }
0x58: {  	_ =	shalt  }
0x59: {  	_ =	shalt  }
0x5a: {  	_ =	shalt  }
0x5b: {  	_ =	shalt  }
0x5c: {  	_ =	shalt  }
0x5d: {  	_ =	shalt  }
0x5e: {  	_ =	shalt  }
0x5f: {  	_ =	shalt  }
0x60: {  	_ =	shalt  }
0x61: {  	_ =	shalt  }
0x62: {  	_ =	shalt  }
0x63: {  	_ =	shalt  }
0x64: {  	_ =	shalt  }
0x65: {  	_ =	shalt  }
0x66: {  	_ =	shalt  }
0x67: {  	_ =	shalt  }
0x68: {  	_ =	shalt  }
0x69: {  	_ =	shalt  }
0x6a: {  	_ =	shalt  }
0x6b: {  	_ =	shalt  }
0x6c: {  	_ =	shalt  }
0x6d: {  	_ =	shalt  }
0x6e: {  	_ =	shalt  }
0x6f: {  	_ =	shalt  }
0x70: {  	_ =	shalt  }
0x71: {  	_ =	shalt  }
0x72: {  	_ =	shalt  }
0x73: {  	_ =	shalt  }
0x74: {  	_ =	shalt  }
0x75: {  	_ =	shalt  }
0x76: {  	_ =	shalt  }
0x77: {  	_ =	shalt  }
0x78: {  	_ =	shalt  }
0x79: {  	_ =	shalt  }
0x7a: {  	_ =	shalt  }
0x7b: {  	_ =	shalt  }
0x7c: {  	_ =	shalt  }
0x7d: {  	_ =	shalt  }
0x7e: {  	_ =	shalt  }
0x7f: {  	_ =	shalt  }
0x80: {  	_ =	shalt  }
0x81: {  	_ =	shalt  }
0x82: {  	_ =	shalt  }
0x83: {  	_ =	shalt  }
0x84: {  	_ =	shalt  }
0x85: {  	_ =	shalt  }
0x86: {  	_ =	shalt  }
0x87: {  	_ =	shalt  }
.Lfunc_end0:
.L_simem_size_0:
called_computation.1_lowered:
.L_overlay_start_0:
0x88: {  	s2 =	sld [smem:$0x3FD9]  }
0x89: {  	s3 =	sld [smem:$0x3FFE];
	_ =	sdelay $0x1  }
0x8a: {  	s1 =	srdreg.scid  }
0x8b: {  	s0 =	sand.u32 $0x1, s1  }
0x8c: {  	s17 =	sshll.u32 s0, $0xA;
	s2 =	sadd.s32 s3, s2  }
0x8d: {  	s2 =	sadd.s32 s2, s17  }
0x8e: {  	[smem:$0x3FBF] =	sst s2  }
0x8f: {  	_ = 	snop  }
0x90: {  	s2 =	sld [smem:$0x3FD0];
	(tm) =	ssettm $0x1  }
0x91: {  	s18 =	sld [smem:$0x3FFB];
	_ =	sdelay $0x3  }
0x92: {  	_ =	strace s18  }
0x93: {  	s3 =	sld [smem:$0x3FFC];
	_ =	sdelay $0x3  }
0x94: {  	_ =	strace s3  }
0x95: {  	s3 =	sld [smem:$0x3FFD];
	_ =	sdelay $0x3  }
0x96: {  	_ =	strace s3  }
0x97: {  	_ =	strace $0x8FFFFFFF  }
0x98: {  	s19 =	sld [smem:$0x3FDB];
	_ =	sdelay $0x1  }
0x99: {  	s4 =	simm.s32 $_scs_section_size  }
0x9a: {  	s5 =	simm.s32 $_size__tile_overlayer_lowered;
	s6 =	simm.s32 $_tile_overlayer_lowered  }
0x9b: {  	s22 =	simm.s32 $0x1BFF;
	s21 =	sshll.u32 s6, $0x1;
	s3 =	sadd.s32 s4, s19  }
0x9c: {  	s7 =	simm.s32 $0x0;
	s20 =	sshll.u32 s5, $0x1;
	s5 =	sadd.s32 s21, s3  }
0x9d: {  	[timem:s7], [sflag:s22] =	dma.local [hbm:s5], s20  }
0x9e: {  	_ =	swait.ge [sflag:s22], s20  }
0x9f: {  	s4 =	ssub.s32 $0x0, s20;
	[sflag:s22] =	ssyncset.done $0x0  }
0xa0: {  	[sflag:s22] =	ssyncadd.s32 s4;
	_ =	sdelay $0x1  }
0xa1: {  	s23 =	simm.s32 $0x1B8B  }
0xa2: {  	_ =	swait.ge [sflag:s23], $0x1  }
0xa3: {  	[sflag:s23] =	ssyncset.done $0x0  }
0xa4: {  	s25 =	simm.s32 $0x1B8E;
	s24 =	sld [smem:$0x3FFE];
	[sflag:s23] =	ssyncadd.s32 $0xFFFFFFFF  }
0xa5: {  	s26 =	simm.s32 $execute0_lowered;
	[smem:$0x3FD2] =	sst s25  }
0xa6: {  	s5 =	sshll.u32 s26, $0x1;
	_ =	strace $0x80000049;
	[dreg:$0x1] =	wrdreg $0xFFFFFFFF  }
0xa7: {  	s28 =	simm.s32 $_size_execute0_lowered;
	s3 =	sadd.s32 s3, s5;
	[dreg:$0x0] =	wrdreg $0x0  }
0xa8: {  	s5 =	sshll.u32 s28, $0x1;
	[dreg:$0x2] =	wrdreg s3  }
0xa9: {  	[dreg:$0x3] =	wrdreg s5  }
0xaa: {  	[dreg:$0x4] =	wrdreg $0xC0  }
0xab: {  	_ =	task [dreg:s7], $0x5FFFF  }
0xac: {  	[dreg:$0x1] =	wrdreg $0xFFFFFFFF  }
0xad: {  	[dreg:$0x0] =	wrdreg $0x60  }
0xae: {  	[dreg:$0x2] =	wrdreg s24  }
0xaf: {  	[dreg:$0x3] =	wrdreg s2  }
0xb0: {  	[dreg:$0x4] =	wrdreg $0x0  }
0xb1: {  	[dreg:$0x5] =	wrdreg $0x9  }
0xb2: {  	_ =	task.clear_ibuf [dreg:s7], $0x6FFFF;
	_ =	strace $0x90000049  }
0xb3: {  	s29 =	simm.s32 $0x9;
	_ =	strace $0x8000004B  }
0xb4: {  	_ =	swait.ge [sflag:s29], $0x1  }
0xb5: {  	[sflag:s29] =	ssyncadd.s32 $0xFFFFFFFF  }
0xb6: {  	_ =	strace $0x9000004B  }
0xb7: {  	_ =	sfence  }
0xb8: {  	s30 =	sld [smem:$0x0];
	_ =	sdelay $0x2  }
0xb9: {  	s31 =	sshll.u32 s1, $0xD;
	s1 =	sshrl.u32 s1, $0x2  }
0xba: {  	s3 =	sand.u32 $0x4000, s31;
	s1 =	sadd.s32 s1, s30  }
0xbb: {  	s0 =	sor.u32 s3, s0;
	s1 =	sshll.u32 s1, $0x11  }
0xbc: {  	s0 =	sor.u32 s1, s0  }
0xbd: {  	s0 =	sadd.s32 $0x8F2B, s0  }
0xbe: {  	[sflag:s0] =	ssyncadd.remote.s32 $0x1  }
0xbf: {  	_ =	sfence.sel $0xFFFF  }
0xc0: {  	[dreg:$0x0] =	wrdreg $0xFFFFFFFF;
	(pc) =	sbr.abs _section_cstart, $3  }
0xc1: {  	[dreg:$0x1] =	wrdreg $0xFFFFFFFF  }
0xc2: {  	_ =	task.clear_ibuf [dreg:s7], $0x2FFFF;
	_ =	strace $0x9FFFFFFF  }
0xc3: {  	(tm) =	ssettm $0x7FFFFFFF  }
tec
execute0_lowered:
.L_overlay_start_1:
0x0: {  	(tag) =	ssettag $0x1  }
0x1: {  	s0 =	rddreg [dreg:$0x0]  }
0x2: {  	s2 =	rddreg [dreg:$0x1]  }
0x3: {  	s1 =	rddreg [dreg:$0x2]  }
0x4: {  	s11 =	simm.s32 $0x0;
	s3 =	srdreg.scid;
	s10 =	stileid.u32  }
0x5: {  	s14 =	simm.s32 $0x7;
	s29 =	simm.s32 $0x1A900;
	s31 =	simm.s32 $0x1B100  }
0x6: {  	s28 =	simm.s32 $0x1E900;
	s30 =	simm.s32 $0x1F100;
	[smem:$0x7FF] =	sst s11  }
0x7: {  	s4 =	sadd.s32 $0xF600, s0;
	s3 =	sand.u32 $0x1, s3;
	s6 =	smul.u32 $0x61C00, s10  }
0x8: {  	s5 =	sadd.s32 $0x1FAA00, s0;
	s0 =	sadd.s32 $0x40400, s0;
	s9 =	smul.u32 $0x18700, s10  }
0x9: {  	_ =	strace $0x8000004A;
	s7 =	ssub.s32 $0x2, s3;
	s16 =	sshll.u32 s3, $0x4  }
0xa: {  	p0 =	seq.s32 s3, $0x1;
	s3 =	simm.s32 $0x1D900;
	s6 =	sshrl.u32 s6, $0x2  }
0xb: {  	s13 =	sadd.s32 s9, s1;
	s25 =	sshrl.u32 s9, $0x3;
	s2 =	smov.u32 @p0 s0  }
0xc: {  	s6 =	sadd.s32 s6, s1;
	s0 =	sadd.s32 s2, s25;
	[dreg:$0x5] =	wrdreg s13  }
0xd: {  	s8 =	sshrl.u32 s7, $0x1;
	s17 =	sadd.s32 $0x3000, s6;
	[dreg:$0x11] =	wrdreg s0  }
0xe: {  	s9 =	simm.s32 $0x3;
	s18 =	sadd.s32 $0x6000, s6;
	[dreg:$0x6] =	wrdreg s17  }
0xf: {  	s7 =	ssub.s32 s7, s8;
	s19 =	sadd.s32 $0x9000, s6;
	[dreg:$0x7] =	wrdreg s18  }
0x10: {  	s8 =	sor.u32 s10, s16;
	s12 =	sadd.s32 $0xC000, s6;
	[dreg:$0x8] =	wrdreg s19  }
0x11: {  	s2 =	simm.s32 $0x1B900;
	s20 =	sadd.s32 $0xF000, s6;
	[dreg:$0x9] =	wrdreg s12  }
0x12: {  	s25 =	simm.s32 $0x1E100;
	s21 =	sadd.s32 $0x12000, s6;
	[dreg:$0xa] =	wrdreg s20  }
0x13: {  	s10 =	smul.u32 $0x312, s8;
	s22 =	sadd.s32 $0x15000, s6;
	[dreg:$0xb] =	wrdreg s21  }
0x14: {  	s8 =	smul.u32 $0x9360, s8;
	s6 =	sadd.s32 $0x18000, s6;
	[dreg:$0xc] =	wrdreg s22  }
0x15: {  	s26 =	smax.u32 s7, $0x1;
	s0 =	simm.s32 $0x5;
	[dreg:$0xd] =	wrdreg s6  }
.Ltmp0:
0x16: {  	s7 =	simm.s32 $0x4;
	[dreg:$0x10] =	wrdreg s26;
	(pc) =	sbr.rel .LBB2_1-.Ltmp0, $4  }
0x17: {  	s20 =	simm.s32 $0x19900;
	s22 =	simm.s32 $0x18700;
	s26 =	simm.s32 $0x1A100  }
0x18: {  	s18 =	simm.s32 $0x2;
	s19 =	simm.s32 $0x1D100;
	s23 =	sadd.s32 s5, s8  }
0x19: {  	s24 =	sadd.s32 $0xC, s10;
	s8 =	simm.s32 $0x1C100;
	[dreg:$0xe] =	wrdreg s23  }
0x1a: {  	v0 =	vimm.f32 $0.0e+00;
	[dreg:$0xf] =	wrdreg s24;
	s23 =	simm.s32 $0x1;
	s24 =	simm.s32 $0x80  }
.LBB2_11:
0x1b: {  	s6 =	simm.s32 $0x6  }
0x1c: {  	_ =	swait.ge [sflag:s6], $0x800  }
0x1d: {  	[sflag:s6] =	ssyncset.done $0x0  }
0x1e: {  	[sflag:s6] =	ssyncadd.s32 $0xFFFFF800  }
0x1f: {  	_ =	swait.ge [sflag:s6], $0x800  }
0x20: {  	[sflag:s6] =	ssyncset.done $0x0  }
0x21: {  	[sflag:s6] =	ssyncadd.s32 $0xFFFFF800  }
0x22: {  	_ =	swait.ge [sflag:s6], $0x800  }
0x23: {  	[sflag:s6] =	ssyncset.done $0x0  }
0x24: {  	[sflag:s6] =	ssyncadd.s32 $0xFFFFF800  }
0x25: {  	_ =	swait.ge [sflag:s6], $0x800  }
0x26: {  	[sflag:s6] =	ssyncset.done $0x0  }
0x27: {  	[sflag:s6] =	ssyncadd.s32 $0xFFFFF800  }
0x28: {  	_ =	swait.ge [sflag:s6], $0x800  }
0x29: {  	[sflag:s6] =	ssyncset.done $0x0  }
0x2a: {  	[sflag:s6] =	ssyncadd.s32 $0xFFFFF800  }
0x2b: {  	_ =	swait.ge [sflag:s6], $0x800  }
0x2c: {  	[sflag:s6] =	ssyncset.done $0x0  }
0x2d: {  	[sflag:s6] =	ssyncadd.s32 $0xFFFFF800  }
0x2e: {  	_ =	swait.ge [sflag:s0], $0x800  }
0x2f: {  	[sflag:s0] =	ssyncset.done $0x0  }
0x30: {  	[sflag:s0] =	ssyncadd.s32 $0xFFFFF800  }
0x31: {  	_ =	swait.ge [sflag:s0], $0x800  }
0x32: {  	[sflag:s0] =	ssyncset.done $0x0  }
0x33: {  	[sflag:s0] =	ssyncadd.s32 $0xFFFFF800  }
0x34: {  	_ =	swait.ge [sflag:s0], $0x800  }
0x35: {  	[sflag:s0] =	ssyncset.done $0x0  }
0x36: {  	[sflag:s0] =	ssyncadd.s32 $0xFFFFF800  }
0x37: {  	_ =	swait.ge [sflag:s0], $0x800  }
0x38: {  	[sflag:s0] =	ssyncset.done $0x0  }
0x39: {  	[sflag:s0] =	ssyncadd.s32 $0xFFFFF800  }
0x3a: {  	_ =	swait.ge [sflag:s0], $0x800  }
0x3b: {  	[sflag:s0] =	ssyncset.done $0x0  }
0x3c: {  	[sflag:s0] =	ssyncadd.s32 $0xFFFFF800  }
0x3d: {  	_ =	swait.ge [sflag:s0], $0x800  }
0x3e: {  	[sflag:s0] =	ssyncset.done $0x0  }
0x3f: {  	[sflag:s0] =	ssyncadd.s32 $0xFFFFF800  }
0x40: {  	s16 =	stileid.u32;
	[bflag:$0x0] =	sbarrier.arrive $0xFFFF  }
0x41: {  	s14 =	simm.s32 $0x7;
	s6 =	sshll.u32 s16, $0x6;
	s13 =	rddreg [dreg:$0x5]  }
0x42: {  	s6 =	sor.u32 $0x1C07, s6;
	s12 =	rddreg [dreg:$0x11];
	s11 =	sshrl.u32 s13, $0x3  }
0x43: {  	[hbm:s12], [sflag:s6] =	dma.local [spmem:s11], $0x30E0  }
0x44: {  	_ =	swait.ge [sflag:s14], $0x30E0  }
0x45: {  	s17 =	rddreg [dreg:$0x4]  }
0x46: {  	s21 =	rddreg [dreg:$0x10];
	s11 =	sadd.s32 $0x1, s17  }
0x47: {  	p0 =	sne.s32 s11, s21  }
.Ltmp1:
0x48: {  	_ = 	snop;
	(pc) =	sbr.rel @!p0 .LBB2_12-.Ltmp1, $3  }
0x49: {  	_ =	sdelay $0x1  }
0x4a: {  	[sflag:s14] =	ssyncset.done $0x0  }
0x4b: {  	[sflag:s14] =	ssyncadd.s32 $0xFFFFCF20  }
.LBB2_1:
0x4c: {  	[dreg:$0x4] =	wrdreg s11;
	s11 =	simm.s32 $0x19940  }
0x4d: {  	[tilespmem:s11+$0xFFFFFFC0] =	vst v0  }
0x4e: {  	[tilespmem:s11+$0x30] =	vst v0  }
0x4f: {  	[tilespmem:s11+$0x20] =	vst v0  }
0x50: {  	[tilespmem:s11+$0x10] =	vst v0  }
0x51: {  	[tilespmem:s11+$0x0] =	vst v0  }
0x52: {  	[tilespmem:s11+$0xFFFFFFF0] =	vst v0  }
0x53: {  	s12 =	simm.s32 $0x0;
	[tilespmem:s11+$0xFFFFFFE0] =	vst v0  }
.LBB2_2:
0x54: {  	s12 =	sadd.s32 $0x8, s12;
	[tilespmem:s11+$0xFFFFFFD0] =	vst v0;
	s11 =	sadd.s32 $0x80, s11  }
0x55: {  	[tilespmem:s11+$0xFFFFFFC0] =	vst v0;
	p0 =	slt.u32 s12, $0x2F8  }
0x56: {  	[tilespmem:s11+$0x30] =	vst v0  }
.Ltmp2:
0x57: {  	[tilespmem:s11+$0x20] =	vst v0;
	(pc) =	sbr.rel @p0 .LBB2_2-.Ltmp2, $4  }
0x58: {  	[tilespmem:s11+$0x10] =	vst v0  }
0x59: {  	[tilespmem:s11+$0x0] =	vst v0  }
0x5a: {  	[tilespmem:s11+$0xFFFFFFF0] =	vst v0  }
0x5b: {  	[tilespmem:s11+$0xFFFFFFE0] =	vst v0  }
0x5c: {  	[tilespmem:s11+$0xFFFFFFD0] =	vst v0  }
0x5d: {  	[spmem:s13] =	stream.linear.scatter [tilespmem:s20], [sflag:$0x7], $0x3000, $0x38;
	[tilespmem:$0x1F900] =	vst v63  }
0x5e: {  	_ =	swait.ge [sflag:s14], $0x3000  }
0x5f: {  	[sflag:s14] =	ssyncset.done $0x0  }
0x60: {  	s6 =	rddreg [dreg:$0x6];
	[sflag:s14] =	ssyncadd.s32 $0xFFFFD000  }
0x61: {  	[spmem:s6] =	stream.linear.scatter [tilespmem:s20], [sflag:$0x7], $0x3000, $0x38;
	[tilespmem:$0x1F900] =	vst v63  }
0x62: {  	_ =	swait.ge [sflag:s14], $0x3000  }
0x63: {  	[sflag:s14] =	ssyncset.done $0x0  }
0x64: {  	s12 =	rddreg [dreg:$0x7];
	[sflag:s14] =	ssyncadd.s32 $0xFFFFD000  }
0x65: {  	[spmem:s12] =	stream.linear.scatter [tilespmem:s20], [sflag:$0x7], $0x3000, $0x38;
	[tilespmem:$0x1F900] =	vst v63  }
0x66: {  	_ =	swait.ge [sflag:s14], $0x3000  }
0x67: {  	[sflag:s14] =	ssyncset.done $0x0  }
0x68: {  	s13 =	rddreg [dreg:$0x8];
	[sflag:s14] =	ssyncadd.s32 $0xFFFFD000  }
0x69: {  	[spmem:s13] =	stream.linear.scatter [tilespmem:s20], [sflag:$0x7], $0x3000, $0x38;
	[tilespmem:$0x1F900] =	vst v63  }
0x6a: {  	_ =	swait.ge [sflag:s14], $0x3000  }
0x6b: {  	[sflag:s14] =	ssyncset.done $0x0  }
0x6c: {  	s15 =	rddreg [dreg:$0x9];
	[sflag:s14] =	ssyncadd.s32 $0xFFFFD000  }
0x6d: {  	[spmem:s15] =	stream.linear.scatter [tilespmem:s20], [sflag:$0x7], $0x3000, $0x38;
	[tilespmem:$0x1F900] =	vst v63  }
0x6e: {  	_ =	swait.ge [sflag:s14], $0x3000  }
0x6f: {  	[sflag:s14] =	ssyncset.done $0x0  }
0x70: {  	s16 =	rddreg [dreg:$0xa];
	[sflag:s14] =	ssyncadd.s32 $0xFFFFD000  }
0x71: {  	[spmem:s16] =	stream.linear.scatter [tilespmem:s20], [sflag:$0x7], $0x3000, $0x38;
	[tilespmem:$0x1F900] =	vst v63  }
0x72: {  	_ =	swait.ge [sflag:s14], $0x3000  }
0x73: {  	[sflag:s14] =	ssyncset.done $0x0  }
0x74: {  	s17 =	rddreg [dreg:$0xb];
	[sflag:s14] =	ssyncadd.s32 $0xFFFFD000  }
0x75: {  	[spmem:s17] =	stream.linear.scatter [tilespmem:s20], [sflag:$0x7], $0x3000, $0x38;
	[tilespmem:$0x1F900] =	vst v63  }
0x76: {  	_ =	swait.ge [sflag:s14], $0x3000  }
0x77: {  	[sflag:s14] =	ssyncset.done $0x0  }
0x78: {  	s21 =	rddreg [dreg:$0xc];
	[sflag:s14] =	ssyncadd.s32 $0xFFFFD000  }
0x79: {  	[spmem:s21] =	stream.linear.scatter [tilespmem:s20], [sflag:$0x7], $0x3000, $0x38;
	[tilespmem:$0x1F900] =	vst v63  }
0x7a: {  	_ =	swait.ge [sflag:s14], $0x3000  }
0x7b: {  	[sflag:s14] =	ssyncset.done $0x0  }
0x7c: {  	s11 =	rddreg [dreg:$0xd];
	[sflag:s14] =	ssyncadd.s32 $0xFFFFD000  }
0x7d: {  	[spmem:s11] =	stream.linear.scatter [tilespmem:s20], [sflag:$0x7], $0x700, $0x38;
	[tilespmem:$0x1F900] =	vst v63  }
0x7e: {  	_ =	swait.ge [sflag:s14], $0x700  }
0x7f: {  	[sflag:s14] =	ssyncset.done $0x0  }
0x80: {  	[sflag:s14] =	ssyncadd.s32 $0xFFFFF900  }
0x81: {  	[bflag:$0x0] =	sbarrier.arrive $0xFFFF  }
0x82: {  	s21 =	simm.s32 $0x0;
	s12 =	rddreg [dreg:$0xe]  }
0x83: {  	[tilespmem:s22], [sflag:$0x1] =	stream.linear.gather [hbm4b:s12+s21], $0x900, $0x38;
	[tilespmem:$0x1F900] =	vst v63  }
0x84: {  	_ =	swait.ge [sflag:s23], $0x900  }
0x85: {  	[sflag:s23] =	ssyncset.done $0x0  }
0x86: {  	[sflag:s23] =	ssyncadd.s32 $0xFFFFF700  }
0x87: {  	[tilespmem:s20], [sflag:$0x3] =	stream.indirect.gather [hbm4b:s4+s24], $0x10, s22, s24, $0xb8;
	[tilespmem:$0x1F900] =	vst v63  }
0x88: {  	s13 =	simm.s32 $0x18880  }
0x89: {  	[tilespmem:s26], [sflag:$0x3] =	stream.indirect.gather [hbm4b:s4+s24], $0x10, s13, s24, $0xb8;
	[tilespmem:$0x1F900] =	vst v63  }
0x8a: {  	s14 =	simm.s32 $0x18A00  }
0x8b: {  	[tilespmem:s29], [sflag:$0x3] =	stream.indirect.gather [hbm4b:s4+s24], $0x10, s14, s24, $0xb8;
	[tilespmem:$0x1F900] =	vst v63  }
0x8c: {  	s15 =	simm.s32 $0x18B80  }
0x8d: {  	[tilespmem:s31], [sflag:$0x3] =	stream.indirect.gather [hbm4b:s4+s24], $0x10, s15, s24, $0xb8;
	[tilespmem:$0x1F900] =	vst v63  }
.Ltmp3:
0x8e: {  	_ = 	snop;
	(pc) =	sbr.rel .LBB2_4-.Ltmp3, $4  }
0x8f: {  	s16 =	simm.s32 $0x18D00  }
0x90: {  	[tilespmem:s2], [sflag:$0x3] =	stream.indirect.gather [hbm4b:s4+s24], $0x10, s16, s24, $0xb8;
	[tilespmem:$0x1F900] =	vst v63  }
0x91: {  	s17 =	simm.s32 $0x18E80  }
0x92: {  	[tilespmem:s8], [sflag:$0x3] =	stream.indirect.gather [hbm4b:s4+s24], $0x10, s17, s24, $0xb8;
	[tilespmem:$0x1F900] =	vst v63  }
.LBB2_10:
0x93: {  	s21 =	sadd.s32 $0x1, s21  }
0x94: {  	p0 =	sne.s32 s21, $0x42  }
.Ltmp4:
0x95: {  	_ = 	snop;
	(pc) =	sbr.rel @!p0 .LBB2_11-.Ltmp4, $1  }
0x96: {  	_ =	sdelay $0x3  }
.LBB2_4:
0x97: {  	s11 =	sshllo.u32 s21, $0x1  }
0x98: {  	p0 =	sgt.u32 s11, $0x82  }
0x99: {  	p1 =	seq.s32 @!p0 s21, $0x0  }
0x9a: {  	p1 =	por p1, p0  }
0x9b: {  	s12 =	simm.s32 @!p1 $0x6  }
0x9c: {  	_ =	swait.ge @!p1 [sflag:s12], $0x800  }
0x9d: {  	[sflag:s12] =	ssyncset.done @!p1 $0x0  }
0x9e: {  	[sflag:s12] =	ssyncadd.s32 @!p1 $0xFFFFF800  }
0x9f: {  	_ =	swait.ge @!p1 [sflag:s12], $0x800  }
0xa0: {  	[sflag:s12] =	ssyncset.done @!p1 $0x0  }
0xa1: {  	[sflag:s12] =	ssyncadd.s32 @!p1 $0xFFFFF800  }
0xa2: {  	_ =	swait.ge @!p1 [sflag:s12], $0x800  }
0xa3: {  	[sflag:s12] =	ssyncset.done @!p1 $0x0  }
0xa4: {  	[sflag:s12] =	ssyncadd.s32 @!p1 $0xFFFFF800  }
0xa5: {  	_ =	swait.ge @!p1 [sflag:s12], $0x800  }
0xa6: {  	[sflag:s12] =	ssyncset.done @!p1 $0x0  }
0xa7: {  	[sflag:s12] =	ssyncadd.s32 @!p1 $0xFFFFF800  }
0xa8: {  	s11 =	smul.u32 @!p0 $0x6, s11;
	_ =	swait.ge @!p1 [sflag:s12], $0x800  }
0xa9: {  	[sflag:s12] =	ssyncset.done @!p1 $0x0  }
0xaa: {  	s11 =	sadd.s32 @!p0 s10, s11;
	[sflag:s12] =	ssyncadd.s32 @!p1 $0xFFFFF800  }
0xab: {  	s11 =	smul.u32 @!p0 $0x30, s11;
	_ =	swait.ge @!p1 [sflag:s12], $0x800  }
0xac: {  	s13 =	simm.s32 @!p0 $0x19000;
	[sflag:s12] =	ssyncset.done @!p1 $0x0  }
0xad: {  	s11 =	sadd.s32 @!p0 s5, s11;
	[sflag:s12] =	ssyncadd.s32 @!p1 $0xFFFFF800;
	s12 =	simm.s32 @!p0 $0x0  }
0xae: {  	[tilespmem:s13], [sflag:$0x2] =	stream.linear.gather @!p0 [hbm4b:s11+s12], $0x900, $0x38;
	[tilespmem:$0x1F900] =	vst v63  }
0xaf: {  	_ =	swait.ge [sflag:s9], $0x800  }
0xb0: {  	[sflag:s9] =	ssyncset.done $0x0  }
0xb1: {  	[sflag:s9] =	ssyncadd.s32 $0xFFFFF800  }
0xb2: {  	_ =	swait.ge [sflag:s9], $0x800  }
0xb3: {  	[sflag:s9] =	ssyncset.done $0x0  }
0xb4: {  	[sflag:s9] =	ssyncadd.s32 $0xFFFFF800  }
0xb5: {  	_ =	swait.ge [sflag:s9], $0x800  }
0xb6: {  	[sflag:s9] =	ssyncset.done $0x0  }
0xb7: {  	[sflag:s9] =	ssyncadd.s32 $0xFFFFF800  }
0xb8: {  	_ =	swait.ge [sflag:s9], $0x800  }
0xb9: {  	[sflag:s9] =	ssyncset.done $0x0  }
0xba: {  	[sflag:s9] =	ssyncadd.s32 $0xFFFFF800  }
0xbb: {  	_ =	swait.ge [sflag:s9], $0x800  }
0xbc: {  	[sflag:s9] =	ssyncset.done $0x0  }
0xbd: {  	[sflag:s9] =	ssyncadd.s32 $0xFFFFF800  }
0xbe: {  	s16 =	simm.s32 $0x0;
	_ =	swait.ge [sflag:s9], $0x800  }
0xbf: {  	s11 =	sand.u32 $0x3FFFFF00, s16;
	[sflag:s9] =	ssyncset.done $0x0  }
0xc0: {  	s17 =	sadd.s32 $0x18810, s11;
	[sflag:s9] =	ssyncadd.s32 $0xFFFFF800  }
0xc1: {  	s11 =	sadd.s32 $0x18800, s11;
	v2 =	vld [tilespmem:s17+$0x0]  }
0xc2: {  	s17 =	simm.s32 $0x19A00;
	v1 =	vld [tilespmem:s11+$0x0]  }
0xc3: {  	v3 =	vld [tilespmem:s17+$0xF0]  }
0xc4: {  	v13 =	vld [tilespmem:s17+$0xFFFFFF00]  }
0xc5: {  	v14 =	vld [tilespmem:s17+$0xFFFFFF10]  }
0xc6: {  	v15 =	vld [tilespmem:s17+$0xFFFFFF20];
	v18 =	vbroadcast v2, $0x0;
	v4 =	vbroadcast v2, $0xF  }
0xc7: {  	v19 =	vld [tilespmem:s17+$0xFFFFFF30];
	v16 =	vbroadcast v1, $0x0;
	v17 =	vbroadcast v1, $0x1  }
0xc8: {  	v21 =	vld [tilespmem:s17+$0xFFFFFF40];
	v20 =	vbroadcast v1, $0x2;
	v22 =	vbroadcast v1, $0x3  }
0xc9: {  	v24 =	vld [tilespmem:s17+$0xFFFFFF50];
	v23 =	vbroadcast v1, $0x4;
	v25 =	vbroadcast v1, $0x5  }
0xca: {  	v26 =	vld [tilespmem:s17+$0xFFFFFF60];
	v27 =	vbroadcast v1, $0x6;
	v29 =	vbroadcast v1, $0x7  }
0xcb: {  	v28 =	vld [tilespmem:s17+$0xFFFFFF70];
	v30 =	vbroadcast v1, $0x8;
	v33 =	vbroadcast v1, $0x9  }
0xcc: {  	v31 =	vld [tilespmem:s17+$0xFFFFFF80];
	v34 =	vbroadcast v1, $0xA;
	v36 =	vbroadcast v1, $0xB  }
0xcd: {  	v35 =	vld [tilespmem:s17+$0xFFFFFF90];
	v37 =	vbroadcast v1, $0xC;
	v39 =	vbroadcast v1, $0xD  }
0xce: {  	v38 =	vld [tilespmem:s17+$0xFFFFFFA0];
	v40 =	vbroadcast v1, $0xE;
	v42 =	vbroadcast v1, $0xF  }
0xcf: {  	v41 =	vld [tilespmem:s17+$0xFFFFFFB0];
	v43 =	vbroadcast v2, $0x1;
	v45 =	vbroadcast v2, $0x2  }
0xd0: {  	v44 =	vld [tilespmem:s17+$0xFFFFFFC0];
	v11 =	vbroadcast v2, $0x3;
	v12 =	vbroadcast v2, $0x4  }
0xd1: {  	v46 =	vld [tilespmem:s17+$0xFFFFFFD0];
	v8 =	vbroadcast v2, $0x5;
	v10 =	vbroadcast v2, $0x6  }
0xd2: {  	v47 =	vld [tilespmem:s17+$0xFFFFFFE0];
	v6 =	vbroadcast v2, $0x7;
	v9 =	vbroadcast v2, $0x8  }
0xd3: {  	v48 =	vld [tilespmem:s17+$0xFFFFFFF0];
	v5 =	vbroadcast v2, $0x9;
	v7 =	vbroadcast v2, $0xA  }
0xd4: {  	v49 =	vld [tilespmem:s17+$0x0];
	v1 =	vbroadcast v2, $0xD;
	v3 =	vmul.f32 v3, v4  }
0xd5: {  	v50 =	vld [tilespmem:s17+$0x10];
	v4 =	vbroadcast v2, $0xB;
	v16 =	vmul.f32 v16, v13  }
0xd6: {  	v51 =	vld [tilespmem:s17+$0x20];
	v17 =	vmul.f32 v14, v17;
	v20 =	vmul.f32 v15, v20  }
0xd7: {  	v13 =	vld [tilespmem:s17+$0x30];
	v19 =	vmul.f32 v19, v22;
	v21 =	vmul.f32 v21, v23;
	[tilespmem:s17+$0xF0] =	vst v3  }
0xd8: {  	v14 =	vld [tilespmem:s17+$0x40];
	v22 =	vmul.f32 v24, v25;
	v24 =	vmul.f32 v26, v27;
	[tilespmem:s17+$0xFFFFFF00] =	vst v16  }
0xd9: {  	v15 =	vld [tilespmem:s17+$0x50];
	v52 =	vmul.f32 v28, v29;
	v32 =	vmul.f32 v31, v30;
	[tilespmem:s17+$0xFFFFFF10] =	vst v17  }
0xda: {  	v31 =	vmul.f32 v35, v33;
	v28 =	vmul.f32 v38, v34;
	v27 =	vld [tilespmem:s17+$0xA0];
	[tilespmem:s17+$0xFFFFFF20] =	vst v20  }
0xdb: {  	v29 =	vmul.f32 v41, v36;
	v25 =	vmul.f32 v44, v37;
	v16 =	vld [tilespmem:s17+$0x60];
	[tilespmem:s17+$0xFFFFFF30] =	vst v19  }
0xdc: {  	v26 =	vmul.f32 v46, v39;
	v23 =	vmul.f32 v47, v40;
	v17 =	vld [tilespmem:s17+$0x70];
	[tilespmem:s17+$0xFFFFFF40] =	vst v21  }
0xdd: {  	v3 =	vbroadcast v2, $0xC;
	v2 =	vbroadcast v2, $0xE;
	v19 =	vld [tilespmem:s17+$0x80];
	[tilespmem:s17+$0xFFFFFF50] =	vst v22  }
0xde: {  	s14 =	simm.s32 $0x0;
	s15 =	simm.s32 $0x2;
	v21 =	vld [tilespmem:s17+$0x90];
	[tilespmem:s17+$0xFFFFFF60] =	vst v24;
	v24 =	vmul.f32 v48, v42;
	v20 =	vmul.f32 v18, v49  }
0xdf: {  	s12 =	simm.s32 $0x18800;
	s13 =	simm.s32 $0x18810;
	s11 =	simm.s32 $0x19A00;
	v30 =	vld [tilespmem:s17+$0xB0];
	[tilespmem:s17+$0xFFFFFF70] =	vst v52;
	v22 =	vmul.f32 v50, v43;
	v18 =	vmul.f32 v51, v45  }
.LBB2_5:
0xe0: {  	s16 =	sshll.u32 s15, $0x5;
	s14 =	sadd.s32 $0x2, s14;
	[tilespmem:s17+$0xFFFFFF80] =	vst v32;
	v11 =	vmul.f32 v13, v11;
	v12 =	vmul.f32 v14, v12;
	v13 =	vld [tilespmem:s17+$0xC0];
	s12 =	sadd.s32 $0x20, s12  }
0xe1: {  	v8 =	vmul.f32 v15, v8;
	v10 =	vmul.f32 v16, v10;
	s13 =	sadd.s32 $0x20, s13;
	s16 =	sand.u32 $0x3FFFFF00, s16;
	p1 =	slt.u32 s14, $0x2E;
	[tilespmem:s17+$0xFFFFFF90] =	vst v31;
	v14 =	vld [tilespmem:s17+$0xD0]  }
0xe2: {  	v6 =	vmul.f32 v17, v6;
	v9 =	vmul.f32 v19, v9;
	s6 =	sadd.s32 s16, s12;
	s16 =	sadd.s32 s16, s13;
	[tilespmem:s17+$0xFFFFFFA0] =	vst v28;
	v15 =	vld [tilespmem:s17+$0xE0]  }
0xe3: {  	v5 =	vmul.f32 v21, v5;
	v16 =	vld [tilespmem:s16+$0x0];
	[tilespmem:s17+$0xFFFFFFB0] =	vst v29;
	v7 =	vmul.f32 v27, v7  }
0xe4: {  	s17 =	sadd.s32 $0x200, s17;
	v17 =	vld [tilespmem:s6+$0x0];
	[tilespmem:s11+$0xFFFFFFC0] =	vst v25;
	v4 =	vmul.f32 v30, v4  }
0xe5: {  	v19 =	vld [tilespmem:s17+$0xF0];
	[tilespmem:s11+$0xFFFFFFD0] =	vst v26;
	v3 =	vmul.f32 v13, v3  }
0xe6: {  	v13 =	vld [tilespmem:s17+$0xFFFFFF00];
	[tilespmem:s11+$0xFFFFFFE0] =	vst v23;
	v1 =	vmul.f32 v14, v1  }
0xe7: {  	v14 =	vld [tilespmem:s17+$0xFFFFFF10];
	[tilespmem:s11+$0xFFFFFFF0] =	vst v24;
	v2 =	vmul.f32 v15, v2  }
0xe8: {  	v15 =	vld [tilespmem:s17+$0xFFFFFF20];
	v27 =	vbroadcast v16, $0x0;
	v21 =	vbroadcast v16, $0xF;
	[tilespmem:s11+$0x0] =	vst v20  }
0xe9: {  	v20 =	vbroadcast v17, $0x0;
	v23 =	vbroadcast v17, $0x1;
	v24 =	vld [tilespmem:s17+$0xFFFFFF30];
	[tilespmem:s11+$0x10] =	vst v22  }
0xea: {  	v22 =	vbroadcast v17, $0x2;
	v25 =	vld [tilespmem:s17+$0xFFFFFF40];
	v19 =	vmul.f32 v19, v21;
	[tilespmem:s11+$0x20] =	vst v18  }
0xeb: {  	v18 =	vbroadcast v17, $0x3;
	v21 =	vbroadcast v17, $0x4;
	v26 =	vld [tilespmem:s17+$0xFFFFFF50];
	[tilespmem:s11+$0x30] =	vst v11  }
0xec: {  	v28 =	vbroadcast v17, $0x5;
	v30 =	vbroadcast v17, $0x6;
	v29 =	vld [tilespmem:s17+$0xFFFFFF60];
	[tilespmem:s17+$0xF0] =	vst v19  }
0xed: {  	v31 =	vbroadcast v17, $0x7;
	v32 =	vbroadcast v17, $0x8;
	v19 =	vld [tilespmem:s17+$0xFFFFFF70];
	[tilespmem:s11+$0x40] =	vst v12  }
0xee: {  	v34 =	vbroadcast v17, $0x9;
	v35 =	vbroadcast v17, $0xA;
	v33 =	vld [tilespmem:s17+$0xFFFFFF80];
	[tilespmem:s11+$0x50] =	vst v8  }
0xef: {  	v37 =	vbroadcast v17, $0xB;
	v38 =	vbroadcast v17, $0xC;
	v36 =	vld [tilespmem:s17+$0xFFFFFF90];
	[tilespmem:s11+$0x60] =	vst v10  }
0xf0: {  	v40 =	vbroadcast v17, $0xD;
	v41 =	vbroadcast v17, $0xE;
	v39 =	vld [tilespmem:s17+$0xFFFFFFA0];
	[tilespmem:s11+$0x70] =	vst v6  }
0xf1: {  	v44 =	vbroadcast v16, $0x1;
	v43 =	vbroadcast v17, $0xF;
	v42 =	vld [tilespmem:s17+$0xFFFFFFB0];
	[tilespmem:s11+$0x80] =	vst v9  }
0xf2: {  	v46 =	vbroadcast v16, $0x2;
	v11 =	vbroadcast v16, $0x3;
	v45 =	vld [tilespmem:s17+$0xFFFFFFC0];
	[tilespmem:s11+$0x90] =	vst v5  }
0xf3: {  	v12 =	vbroadcast v16, $0x4;
	v8 =	vbroadcast v16, $0x5;
	v47 =	vld [tilespmem:s17+$0xFFFFFFD0];
	[tilespmem:s11+$0xA0] =	vst v7  }
0xf4: {  	v10 =	vbroadcast v16, $0x6;
	v6 =	vbroadcast v16, $0x7;
	v48 =	vld [tilespmem:s17+$0xFFFFFFE0];
	[tilespmem:s11+$0xB0] =	vst v4  }
0xf5: {  	v9 =	vbroadcast v16, $0x8;
	v5 =	vbroadcast v16, $0x9;
	v49 =	vld [tilespmem:s17+$0xFFFFFFF0];
	[tilespmem:s11+$0xC0] =	vst v3  }
0xf6: {  	v7 =	vbroadcast v16, $0xA;
	v4 =	vbroadcast v16, $0xB;
	v50 =	vld [tilespmem:s17+$0x0];
	[tilespmem:s11+$0xD0] =	vst v1  }
0xf7: {  	v3 =	vbroadcast v16, $0xC;
	v1 =	vbroadcast v16, $0xD;
	v51 =	vld [tilespmem:s17+$0x10];
	[tilespmem:s11+$0xE0] =	vst v2;
	s11 =	smov.u32 s17  }
0xf8: {  	v17 =	vmul.f32 v20, v13;
	v2 =	vbroadcast v16, $0xE;
	v52 =	vld [tilespmem:s17+$0x20]  }
0xf9: {  	v20 =	vmul.f32 v15, v22;
	v16 =	vmul.f32 v14, v23;
	v13 =	vld [tilespmem:s17+$0x30]  }
0xfa: {  	[tilespmem:s17+$0xFFFFFF00] =	vst v17;
	v17 =	vmul.f32 v24, v18;
	v18 =	vmul.f32 v25, v21;
	v14 =	vld [tilespmem:s17+$0x40]  }
0xfb: {  	v22 =	vmul.f32 v29, v30;
	v21 =	vmul.f32 v26, v28;
	[tilespmem:s17+$0xFFFFFF10] =	vst v16;
	v15 =	vld [tilespmem:s17+$0x50]  }
0xfc: {  	v30 =	vmul.f32 v19, v31;
	v32 =	vmul.f32 v33, v32;
	[tilespmem:s17+$0xFFFFFF20] =	vst v20;
	v16 =	vld [tilespmem:s17+$0x60]  }
.Ltmp5:
0xfd: {  	v31 =	vmul.f32 v36, v34;
	v28 =	vmul.f32 v39, v35;
	[tilespmem:s17+$0xFFFFFF30] =	vst v17;
	v17 =	vld [tilespmem:s17+$0x70];
	(pc) =	sbr.rel @p1 .LBB2_5-.Ltmp5, $4  }
0xfe: {  	v29 =	vmul.f32 v42, v37;
	v25 =	vmul.f32 v45, v38;
	[tilespmem:s17+$0xFFFFFF40] =	vst v18;
	v19 =	vld [tilespmem:s17+$0x80]  }
0xff: {  	v23 =	vmul.f32 v48, v41;
	v26 =	vmul.f32 v47, v40;
	[tilespmem:s17+$0xFFFFFF50] =	vst v21;
	v21 =	vld [tilespmem:s17+$0x90]  }
0x100: {  	v24 =	vmul.f32 v49, v43;
	v20 =	vmul.f32 v27, v50;
	[tilespmem:s17+$0xFFFFFF60] =	vst v22;
	v27 =	vld [tilespmem:s17+$0xA0]  }
0x101: {  	s15 =	sadd.s32 $0x2, s15;
	v18 =	vmul.f32 v52, v46;
	v22 =	vmul.f32 v51, v44;
	[tilespmem:s17+$0xFFFFFF70] =	vst v30;
	v30 =	vld [tilespmem:s17+$0xB0]  }
0x102: {  	[tilespmem:s17+$0xFFFFFF80] =	vst v32  }
0x103: {  	[tilespmem:s17+$0xFFFFFF90] =	vst v31  }
0x104: {  	[tilespmem:s17+$0xFFFFFFA0] =	vst v28;
	v59 =	vld [tilespmem:s17+$0xC0]  }
0x105: {  	[tilespmem:s17+$0xFFFFFFB0] =	vst v29;
	v60 =	vld [tilespmem:s17+$0xD0]  }
0x106: {  	v61 =	vld [tilespmem:s17+$0xE0];
	[tilespmem:s11+$0x0] =	vst v20  }
0x107: {  	[tilespmem:s11+$0xFFFFFFC0] =	vst v25  }
0x108: {  	[tilespmem:s11+$0xFFFFFFD0] =	vst v26  }
0x109: {  	[tilespmem:s11+$0xFFFFFFE0] =	vst v23  }
0x10a: {  	[tilespmem:s11+$0xFFFFFFF0] =	vst v24  }
0x10b: {  	v11 =	vmul.f32 v13, v11;
	[tilespmem:s11+$0x10] =	vst v22  }
0x10c: {  	v12 =	vmul.f32 v14, v12;
	[tilespmem:s11+$0x20] =	vst v18  }
0x10d: {  	v8 =	vmul.f32 v15, v8;
	[tilespmem:s11+$0x30] =	vst v11  }
0x10e: {  	v10 =	vmul.f32 v16, v10;
	[tilespmem:s11+$0x40] =	vst v12  }
0x10f: {  	v6 =	vmul.f32 v17, v6;
	[tilespmem:s11+$0x50] =	vst v8  }
0x110: {  	v62 =	vmul.f32 v19, v9;
	[tilespmem:s11+$0x60] =	vst v10  }
0x111: {  	v5 =	vmul.f32 v21, v5;
	[tilespmem:s11+$0x70] =	vst v6  }
0x112: {  	v63 =	vmul.f32 v27, v7;
	[tilespmem:s11+$0x80] =	vst v62  }
0x113: {  	v4 =	vmul.f32 v30, v4;
	[tilespmem:s11+$0x90] =	vst v5  }
0x114: {  	v3 =	vmul.f32 v59, v3;
	[tilespmem:s11+$0xA0] =	vst v63  }
0x115: {  	v1 =	vmul.f32 v60, v1;
	[tilespmem:s11+$0xB0] =	vst v4  }
0x116: {  	v2 =	vmul.f32 v61, v2;
	[tilespmem:s11+$0xC0] =	vst v3  }
0x117: {  	[tilespmem:s11+$0xD0] =	vst v1  }
0x118: {  	s6 =	simm.s32 $0x18780;
	[tilespmem:s11+$0xE0] =	vst v2  }
0x119: {  	[spmem:s1] =	stream.indirect.scatter.add.f32 [tilespmem:s20], [sflag:$0x5], $0x10, s6, s24, $0xb8;
	[tilespmem:$0x1F900] =	vst v63  }
0x11a: {  	s13 =	simm.s32 $0x18900  }
0x11b: {  	[spmem:s1] =	stream.indirect.scatter.add.f32 [tilespmem:s26], [sflag:$0x5], $0x10, s13, s24, $0xb8;
	[tilespmem:$0x1F900] =	vst v63  }
0x11c: {  	s14 =	simm.s32 $0x18A80  }
0x11d: {  	[spmem:s1] =	stream.indirect.scatter.add.f32 [tilespmem:s29], [sflag:$0x5], $0x10, s14, s24, $0xb8;
	[tilespmem:$0x1F900] =	vst v63  }
0x11e: {  	s15 =	simm.s32 $0x18C00  }
0x11f: {  	[spmem:s1] =	stream.indirect.scatter.add.f32 [tilespmem:s31], [sflag:$0x5], $0x10, s15, s24, $0xb8;
	[tilespmem:$0x1F900] =	vst v63  }
.Ltmp6:
0x120: {  	_ = 	snop;
	(pc) =	sbr.rel @p0 .LBB2_10-.Ltmp6, $4  }
0x121: {  	s16 =	simm.s32 $0x18D80  }
0x122: {  	[spmem:s1] =	stream.indirect.scatter.add.f32 [tilespmem:s2], [sflag:$0x5], $0x10, s16, s24, $0xb8;
	[tilespmem:$0x1F900] =	vst v63  }
0x123: {  	s17 =	simm.s32 $0x18F00  }
0x124: {  	[spmem:s1] =	stream.indirect.scatter.add.f32 [tilespmem:s8], [sflag:$0x5], $0x10, s17, s24, $0xb8;
	[tilespmem:$0x1F900] =	vst v63  }
0x125: {  	_ =	swait.ge [sflag:s18], $0x900  }
0x126: {  	[sflag:s18] =	ssyncset.done $0x0  }
0x127: {  	s6 =	simm.s32 $0x19000;
	s11 =	simm.s32 $0x1C900;
	[sflag:s18] =	ssyncadd.s32 $0xFFFFF700  }
0x128: {  	[tilespmem:s11], [sflag:$0x4] =	stream.indirect.gather [hbm4b:s4+s24], $0x10, s6, s24, $0xb8;
	[tilespmem:$0x1F900] =	vst v63  }
0x129: {  	s15 =	simm.s32 $0x19180  }
0x12a: {  	[tilespmem:s19], [sflag:$0x4] =	stream.indirect.gather [hbm4b:s4+s24], $0x10, s15, s24, $0xb8;
	[tilespmem:$0x1F900] =	vst v63  }
0x12b: {  	s16 =	simm.s32 $0x19300  }
0x12c: {  	[tilespmem:s3], [sflag:$0x4] =	stream.indirect.gather [hbm4b:s4+s24], $0x10, s16, s24, $0xb8;
	[tilespmem:$0x1F900] =	vst v63  }
0x12d: {  	s17 =	simm.s32 $0x19480  }
0x12e: {  	[tilespmem:s25], [sflag:$0x4] =	stream.indirect.gather [hbm4b:s4+s24], $0x10, s17, s24, $0xb8;
	[tilespmem:$0x1F900] =	vst v63  }
0x12f: {  	s11 =	simm.s32 $0x19600  }
0x130: {  	[tilespmem:s28], [sflag:$0x4] =	stream.indirect.gather [hbm4b:s4+s24], $0x10, s11, s24, $0xb8;
	[tilespmem:$0x1F900] =	vst v63  }
0x131: {  	s12 =	simm.s32 $0x19780  }
0x132: {  	[tilespmem:s30], [sflag:$0x4] =	stream.indirect.gather [hbm4b:s4+s24], $0x10, s12, s24, $0xb8;
	[tilespmem:$0x1F900] =	vst v63  }
0x133: {  	_ =	swait.ge [sflag:s0], $0x800  }
0x134: {  	[sflag:s0] =	ssyncset.done $0x0  }
0x135: {  	[sflag:s0] =	ssyncadd.s32 $0xFFFFF800  }
0x136: {  	_ =	swait.ge [sflag:s0], $0x800  }
0x137: {  	[sflag:s0] =	ssyncset.done $0x0  }
0x138: {  	[sflag:s0] =	ssyncadd.s32 $0xFFFFF800  }
0x139: {  	_ =	swait.ge [sflag:s0], $0x800  }
0x13a: {  	[sflag:s0] =	ssyncset.done $0x0  }
0x13b: {  	[sflag:s0] =	ssyncadd.s32 $0xFFFFF800  }
0x13c: {  	_ =	swait.ge [sflag:s0], $0x800  }
0x13d: {  	[sflag:s0] =	ssyncset.done $0x0  }
0x13e: {  	[sflag:s0] =	ssyncadd.s32 $0xFFFFF800  }
0x13f: {  	s13 =	smul.u32 $0xC, s21;
	_ =	swait.ge [sflag:s0], $0x800  }
0x140: {  	[sflag:s0] =	ssyncset.done $0x0;
	s14 =	rddreg [dreg:$0xf]  }
0x141: {  	[sflag:s0] =	ssyncadd.s32 $0xFFFFF800;
	s6 =	sadd.s32 s13, s14  }
0x142: {  	_ =	swait.ge [sflag:s0], $0x800;
	s6 =	smul.u32 $0x30, s6  }
0x143: {  	[sflag:s0] =	ssyncset.done $0x0  }
0x144: {  	s15 =	simm.s32 $0x0;
	[sflag:s0] =	ssyncadd.s32 $0xFFFFF800;
	s6 =	sadd.s32 s5, s6  }
0x145: {  	[tilespmem:s22], [sflag:$0x1] =	stream.linear.gather [hbm4b:s6+s15], $0x900, $0x38;
	[tilespmem:$0x1F900] =	vst v63  }
0x146: {  	_ =	swait.ge [sflag:s7], $0x800  }
0x147: {  	[sflag:s7] =	ssyncset.done $0x0  }
0x148: {  	[sflag:s7] =	ssyncadd.s32 $0xFFFFF800  }
0x149: {  	_ =	swait.ge [sflag:s7], $0x800  }
0x14a: {  	[sflag:s7] =	ssyncset.done $0x0  }
0x14b: {  	[sflag:s7] =	ssyncadd.s32 $0xFFFFF800  }
0x14c: {  	_ =	swait.ge [sflag:s7], $0x800  }
0x14d: {  	[sflag:s7] =	ssyncset.done $0x0  }
0x14e: {  	[sflag:s7] =	ssyncadd.s32 $0xFFFFF800  }
0x14f: {  	_ =	swait.ge [sflag:s7], $0x800  }
0x150: {  	[sflag:s7] =	ssyncset.done $0x0  }
0x151: {  	[sflag:s7] =	ssyncadd.s32 $0xFFFFF800  }
0x152: {  	_ =	swait.ge [sflag:s7], $0x800  }
0x153: {  	[sflag:s7] =	ssyncset.done $0x0  }
0x154: {  	[sflag:s7] =	ssyncadd.s32 $0xFFFFF800  }
0x155: {  	s16 =	simm.s32 $0x0;
	_ =	swait.ge [sflag:s7], $0x800  }
0x156: {  	s6 =	sand.u32 $0x3FFFFF00, s16;
	[sflag:s7] =	ssyncset.done $0x0  }
0x157: {  	s17 =	sadd.s32 $0x19110, s6;
	[sflag:s7] =	ssyncadd.s32 $0xFFFFF800  }
0x158: {  	s6 =	sadd.s32 $0x19100, s6;
	v2 =	vld [tilespmem:s17+$0x0]  }
0x159: {  	s17 =	simm.s32 $0x1CA00;
	v1 =	vld [tilespmem:s6+$0x0]  }
0x15a: {  	v3 =	vld [tilespmem:s17+$0xF0]  }
0x15b: {  	v13 =	vld [tilespmem:s17+$0xFFFFFF00]  }
0x15c: {  	v14 =	vld [tilespmem:s17+$0xFFFFFF10]  }
0x15d: {  	v15 =	vld [tilespmem:s17+$0xFFFFFF20];
	v18 =	vbroadcast v2, $0x0;
	v4 =	vbroadcast v2, $0xF  }
0x15e: {  	v19 =	vld [tilespmem:s17+$0xFFFFFF30];
	v16 =	vbroadcast v1, $0x0;
	v17 =	vbroadcast v1, $0x1  }
0x15f: {  	v21 =	vld [tilespmem:s17+$0xFFFFFF40];
	v20 =	vbroadcast v1, $0x2;
	v22 =	vbroadcast v1, $0x3  }
0x160: {  	v24 =	vld [tilespmem:s17+$0xFFFFFF50];
	v23 =	vbroadcast v1, $0x4;
	v25 =	vbroadcast v1, $0x5  }
0x161: {  	v26 =	vld [tilespmem:s17+$0xFFFFFF60];
	v27 =	vbroadcast v1, $0x6;
	v29 =	vbroadcast v1, $0x7  }
0x162: {  	v28 =	vld [tilespmem:s17+$0xFFFFFF70];
	v30 =	vbroadcast v1, $0x8;
	v33 =	vbroadcast v1, $0x9  }
0x163: {  	v31 =	vld [tilespmem:s17+$0xFFFFFF80];
	v34 =	vbroadcast v1, $0xA;
	v36 =	vbroadcast v1, $0xB  }
0x164: {  	v35 =	vld [tilespmem:s17+$0xFFFFFF90];
	v37 =	vbroadcast v1, $0xC;
	v39 =	vbroadcast v1, $0xD  }
0x165: {  	v38 =	vld [tilespmem:s17+$0xFFFFFFA0];
	v40 =	vbroadcast v1, $0xE;
	v42 =	vbroadcast v1, $0xF  }
0x166: {  	v41 =	vld [tilespmem:s17+$0xFFFFFFB0];
	v43 =	vbroadcast v2, $0x1;
	v45 =	vbroadcast v2, $0x2  }
0x167: {  	v44 =	vld [tilespmem:s17+$0xFFFFFFC0];
	v11 =	vbroadcast v2, $0x3;
	v12 =	vbroadcast v2, $0x4  }
0x168: {  	v46 =	vld [tilespmem:s17+$0xFFFFFFD0];
	v8 =	vbroadcast v2, $0x5;
	v10 =	vbroadcast v2, $0x6  }
0x169: {  	v47 =	vld [tilespmem:s17+$0xFFFFFFE0];
	v6 =	vbroadcast v2, $0x7;
	v9 =	vbroadcast v2, $0x8  }
0x16a: {  	v48 =	vld [tilespmem:s17+$0xFFFFFFF0];
	v5 =	vbroadcast v2, $0x9;
	v7 =	vbroadcast v2, $0xA  }
0x16b: {  	v49 =	vld [tilespmem:s17+$0x0];
	v1 =	vbroadcast v2, $0xD;
	v3 =	vmul.f32 v3, v4  }
0x16c: {  	v50 =	vld [tilespmem:s17+$0x10];
	v4 =	vbroadcast v2, $0xB;
	v16 =	vmul.f32 v16, v13  }
0x16d: {  	v51 =	vld [tilespmem:s17+$0x20];
	v17 =	vmul.f32 v14, v17;
	v20 =	vmul.f32 v15, v20  }
0x16e: {  	v13 =	vld [tilespmem:s17+$0x30];
	v19 =	vmul.f32 v19, v22;
	v21 =	vmul.f32 v21, v23;
	[tilespmem:s17+$0xF0] =	vst v3  }
0x16f: {  	v14 =	vld [tilespmem:s17+$0x40];
	v22 =	vmul.f32 v24, v25;
	v24 =	vmul.f32 v26, v27;
	[tilespmem:s17+$0xFFFFFF00] =	vst v16  }
0x170: {  	v15 =	vld [tilespmem:s17+$0x50];
	v52 =	vmul.f32 v28, v29;
	v32 =	vmul.f32 v31, v30;
	[tilespmem:s17+$0xFFFFFF10] =	vst v17  }
0x171: {  	v31 =	vmul.f32 v35, v33;
	v28 =	vmul.f32 v38, v34;
	v27 =	vld [tilespmem:s17+$0xA0];
	[tilespmem:s17+$0xFFFFFF20] =	vst v20  }
0x172: {  	v29 =	vmul.f32 v41, v36;
	v25 =	vmul.f32 v44, v37;
	v16 =	vld [tilespmem:s17+$0x60];
	[tilespmem:s17+$0xFFFFFF30] =	vst v19  }
0x173: {  	v26 =	vmul.f32 v46, v39;
	v23 =	vmul.f32 v47, v40;
	v17 =	vld [tilespmem:s17+$0x70];
	[tilespmem:s17+$0xFFFFFF40] =	vst v21  }
0x174: {  	v3 =	vbroadcast v2, $0xC;
	v2 =	vbroadcast v2, $0xE;
	v19 =	vld [tilespmem:s17+$0x80];
	[tilespmem:s17+$0xFFFFFF50] =	vst v22  }
0x175: {  	s11 =	simm.s32 $0x1CA00;
	s12 =	simm.s32 $0x19100;
	v21 =	vld [tilespmem:s17+$0x90];
	[tilespmem:s17+$0xFFFFFF60] =	vst v24;
	v24 =	vmul.f32 v48, v42;
	v20 =	vmul.f32 v18, v49  }
0x176: {  	s13 =	simm.s32 $0x19110;
	s14 =	simm.s32 $0x0;
	s15 =	simm.s32 $0x2;
	v30 =	vld [tilespmem:s17+$0xB0];
	[tilespmem:s17+$0xFFFFFF70] =	vst v52;
	v22 =	vmul.f32 v50, v43;
	v18 =	vmul.f32 v51, v45  }
.LBB2_8:
0x177: {  	s6 =	sshll.u32 s15, $0x5;
	s14 =	sadd.s32 $0x2, s14;
	[tilespmem:s17+$0xFFFFFF80] =	vst v32;
	v11 =	vmul.f32 v13, v11;
	v12 =	vmul.f32 v14, v12;
	v13 =	vld [tilespmem:s17+$0xC0];
	s12 =	sadd.s32 $0x20, s12  }
0x178: {  	v8 =	vmul.f32 v15, v8;
	v10 =	vmul.f32 v16, v10;
	s13 =	sadd.s32 $0x20, s13;
	s6 =	sand.u32 $0x3FFFFF00, s6;
	p0 =	slt.u32 s14, $0x2E;
	[tilespmem:s17+$0xFFFFFF90] =	vst v31;
	v14 =	vld [tilespmem:s17+$0xD0]  }
0x179: {  	v6 =	vmul.f32 v17, v6;
	v9 =	vmul.f32 v19, v9;
	s16 =	sadd.s32 s6, s12;
	s6 =	sadd.s32 s6, s13;
	[tilespmem:s17+$0xFFFFFFA0] =	vst v28;
	v15 =	vld [tilespmem:s17+$0xE0]  }
0x17a: {  	v5 =	vmul.f32 v21, v5;
	v16 =	vld [tilespmem:s6+$0x0];
	[tilespmem:s17+$0xFFFFFFB0] =	vst v29;
	v7 =	vmul.f32 v27, v7  }
0x17b: {  	s17 =	sadd.s32 $0x200, s17;
	v17 =	vld [tilespmem:s16+$0x0];
	[tilespmem:s11+$0xFFFFFFC0] =	vst v25;
	v4 =	vmul.f32 v30, v4  }
0x17c: {  	v19 =	vld [tilespmem:s17+$0xF0];
	[tilespmem:s11+$0xFFFFFFD0] =	vst v26;
	v3 =	vmul.f32 v13, v3  }
0x17d: {  	v13 =	vld [tilespmem:s17+$0xFFFFFF00];
	[tilespmem:s11+$0xFFFFFFE0] =	vst v23;
	v1 =	vmul.f32 v14, v1  }
0x17e: {  	v14 =	vld [tilespmem:s17+$0xFFFFFF10];
	[tilespmem:s11+$0xFFFFFFF0] =	vst v24;
	v2 =	vmul.f32 v15, v2  }
0x17f: {  	v15 =	vld [tilespmem:s17+$0xFFFFFF20];
	v27 =	vbroadcast v16, $0x0;
	v21 =	vbroadcast v16, $0xF;
	[tilespmem:s11+$0x0] =	vst v20  }
0x180: {  	v20 =	vbroadcast v17, $0x0;
	v23 =	vbroadcast v17, $0x1;
	v24 =	vld [tilespmem:s17+$0xFFFFFF30];
	[tilespmem:s11+$0x10] =	vst v22  }
0x181: {  	v22 =	vbroadcast v17, $0x2;
	v25 =	vld [tilespmem:s17+$0xFFFFFF40];
	v19 =	vmul.f32 v19, v21;
	[tilespmem:s11+$0x20] =	vst v18  }
0x182: {  	v18 =	vbroadcast v17, $0x3;
	v21 =	vbroadcast v17, $0x4;
	v26 =	vld [tilespmem:s17+$0xFFFFFF50];
	[tilespmem:s11+$0x30] =	vst v11  }
0x183: {  	v28 =	vbroadcast v17, $0x5;
	v30 =	vbroadcast v17, $0x6;
	v29 =	vld [tilespmem:s17+$0xFFFFFF60];
	[tilespmem:s17+$0xF0] =	vst v19  }
0x184: {  	v31 =	vbroadcast v17, $0x7;
	v32 =	vbroadcast v17, $0x8;
	v19 =	vld [tilespmem:s17+$0xFFFFFF70];
	[tilespmem:s11+$0x40] =	vst v12  }
0x185: {  	v34 =	vbroadcast v17, $0x9;
	v35 =	vbroadcast v17, $0xA;
	v33 =	vld [tilespmem:s17+$0xFFFFFF80];
	[tilespmem:s11+$0x50] =	vst v8  }
0x186: {  	v37 =	vbroadcast v17, $0xB;
	v38 =	vbroadcast v17, $0xC;
	v36 =	vld [tilespmem:s17+$0xFFFFFF90];
	[tilespmem:s11+$0x60] =	vst v10  }
0x187: {  	v40 =	vbroadcast v17, $0xD;
	v41 =	vbroadcast v17, $0xE;
	v39 =	vld [tilespmem:s17+$0xFFFFFFA0];
	[tilespmem:s11+$0x70] =	vst v6  }
0x188: {  	v44 =	vbroadcast v16, $0x1;
	v43 =	vbroadcast v17, $0xF;
	v42 =	vld [tilespmem:s17+$0xFFFFFFB0];
	[tilespmem:s11+$0x80] =	vst v9  }
0x189: {  	v46 =	vbroadcast v16, $0x2;
	v11 =	vbroadcast v16, $0x3;
	v45 =	vld [tilespmem:s17+$0xFFFFFFC0];
	[tilespmem:s11+$0x90] =	vst v5  }
0x18a: {  	v12 =	vbroadcast v16, $0x4;
	v8 =	vbroadcast v16, $0x5;
	v47 =	vld [tilespmem:s17+$0xFFFFFFD0];
	[tilespmem:s11+$0xA0] =	vst v7  }
0x18b: {  	v10 =	vbroadcast v16, $0x6;
	v6 =	vbroadcast v16, $0x7;
	v48 =	vld [tilespmem:s17+$0xFFFFFFE0];
	[tilespmem:s11+$0xB0] =	vst v4  }
0x18c: {  	v9 =	vbroadcast v16, $0x8;
	v5 =	vbroadcast v16, $0x9;
	v49 =	vld [tilespmem:s17+$0xFFFFFFF0];
	[tilespmem:s11+$0xC0] =	vst v3  }
0x18d: {  	v7 =	vbroadcast v16, $0xA;
	v4 =	vbroadcast v16, $0xB;
	v50 =	vld [tilespmem:s17+$0x0];
	[tilespmem:s11+$0xD0] =	vst v1  }
0x18e: {  	v3 =	vbroadcast v16, $0xC;
	v1 =	vbroadcast v16, $0xD;
	v51 =	vld [tilespmem:s17+$0x10];
	[tilespmem:s11+$0xE0] =	vst v2;
	s11 =	smov.u32 s17  }
0x18f: {  	v17 =	vmul.f32 v20, v13;
	v2 =	vbroadcast v16, $0xE;
	v52 =	vld [tilespmem:s17+$0x20]  }
0x190: {  	v20 =	vmul.f32 v15, v22;
	v16 =	vmul.f32 v14, v23;
	v13 =	vld [tilespmem:s17+$0x30]  }
0x191: {  	[tilespmem:s17+$0xFFFFFF00] =	vst v17;
	v17 =	vmul.f32 v24, v18;
	v18 =	vmul.f32 v25, v21;
	v14 =	vld [tilespmem:s17+$0x40]  }
0x192: {  	v22 =	vmul.f32 v29, v30;
	v21 =	vmul.f32 v26, v28;
	[tilespmem:s17+$0xFFFFFF10] =	vst v16;
	v15 =	vld [tilespmem:s17+$0x50]  }
0x193: {  	v30 =	vmul.f32 v19, v31;
	v32 =	vmul.f32 v33, v32;
	[tilespmem:s17+$0xFFFFFF20] =	vst v20;
	v16 =	vld [tilespmem:s17+$0x60]  }
.Ltmp7:
0x194: {  	v31 =	vmul.f32 v36, v34;
	v28 =	vmul.f32 v39, v35;
	[tilespmem:s17+$0xFFFFFF30] =	vst v17;
	v17 =	vld [tilespmem:s17+$0x70];
	(pc) =	sbr.rel @p0 .LBB2_8-.Ltmp7, $4  }
0x195: {  	v29 =	vmul.f32 v42, v37;
	v25 =	vmul.f32 v45, v38;
	[tilespmem:s17+$0xFFFFFF40] =	vst v18;
	v19 =	vld [tilespmem:s17+$0x80]  }
0x196: {  	v23 =	vmul.f32 v48, v41;
	v26 =	vmul.f32 v47, v40;
	[tilespmem:s17+$0xFFFFFF50] =	vst v21;
	v21 =	vld [tilespmem:s17+$0x90]  }
0x197: {  	v24 =	vmul.f32 v49, v43;
	v20 =	vmul.f32 v27, v50;
	[tilespmem:s17+$0xFFFFFF60] =	vst v22;
	v27 =	vld [tilespmem:s17+$0xA0]  }
0x198: {  	s15 =	sadd.s32 $0x2, s15;
	v18 =	vmul.f32 v52, v46;
	v22 =	vmul.f32 v51, v44;
	[tilespmem:s17+$0xFFFFFF70] =	vst v30;
	v30 =	vld [tilespmem:s17+$0xB0]  }
0x199: {  	[tilespmem:s17+$0xFFFFFF80] =	vst v32  }
0x19a: {  	[tilespmem:s17+$0xFFFFFF90] =	vst v31  }
0x19b: {  	[tilespmem:s17+$0xFFFFFFA0] =	vst v28;
	v59 =	vld [tilespmem:s17+$0xC0]  }
0x19c: {  	[tilespmem:s17+$0xFFFFFFB0] =	vst v29;
	v60 =	vld [tilespmem:s17+$0xD0]  }
0x19d: {  	v61 =	vld [tilespmem:s17+$0xE0];
	[tilespmem:s11+$0x0] =	vst v20  }
0x19e: {  	[tilespmem:s11+$0xFFFFFFC0] =	vst v25  }
0x19f: {  	[tilespmem:s11+$0xFFFFFFD0] =	vst v26  }
0x1a0: {  	[tilespmem:s11+$0xFFFFFFE0] =	vst v23  }
0x1a1: {  	[tilespmem:s11+$0xFFFFFFF0] =	vst v24  }
0x1a2: {  	v11 =	vmul.f32 v13, v11;
	[tilespmem:s11+$0x10] =	vst v22  }
0x1a3: {  	v12 =	vmul.f32 v14, v12;
	[tilespmem:s11+$0x20] =	vst v18  }
0x1a4: {  	v8 =	vmul.f32 v15, v8;
	[tilespmem:s11+$0x30] =	vst v11  }
0x1a5: {  	v10 =	vmul.f32 v16, v10;
	[tilespmem:s11+$0x40] =	vst v12  }
0x1a6: {  	v6 =	vmul.f32 v17, v6;
	[tilespmem:s11+$0x50] =	vst v8  }
0x1a7: {  	v62 =	vmul.f32 v19, v9;
	[tilespmem:s11+$0x60] =	vst v10  }
0x1a8: {  	v5 =	vmul.f32 v21, v5;
	[tilespmem:s11+$0x70] =	vst v6  }
0x1a9: {  	v63 =	vmul.f32 v27, v7;
	[tilespmem:s11+$0x80] =	vst v62  }
0x1aa: {  	v4 =	vmul.f32 v30, v4;
	[tilespmem:s11+$0x90] =	vst v5  }
0x1ab: {  	v3 =	vmul.f32 v59, v3;
	[tilespmem:s11+$0xA0] =	vst v63  }
0x1ac: {  	v1 =	vmul.f32 v60, v1;
	[tilespmem:s11+$0xB0] =	vst v4  }
0x1ad: {  	v2 =	vmul.f32 v61, v2;
	[tilespmem:s11+$0xC0] =	vst v3  }
0x1ae: {  	[tilespmem:s11+$0xD0] =	vst v1  }
0x1af: {  	s6 =	simm.s32 $0x1C900;
	s14 =	simm.s32 $0x19080;
	[tilespmem:s11+$0xE0] =	vst v2  }
0x1b0: {  	[spmem:s1] =	stream.indirect.scatter.add.f32 [tilespmem:s6], [sflag:$0x6], $0x10, s14, s24, $0xb8;
	[tilespmem:$0x1F900] =	vst v63  }
0x1b1: {  	s15 =	simm.s32 $0x19200  }
0x1b2: {  	[spmem:s1] =	stream.indirect.scatter.add.f32 [tilespmem:s19], [sflag:$0x6], $0x10, s15, s24, $0xb8;
	[tilespmem:$0x1F900] =	vst v63  }
0x1b3: {  	s16 =	simm.s32 $0x19380  }
0x1b4: {  	[spmem:s1] =	stream.indirect.scatter.add.f32 [tilespmem:s3], [sflag:$0x6], $0x10, s16, s24, $0xb8;
	[tilespmem:$0x1F900] =	vst v63  }
0x1b5: {  	s17 =	simm.s32 $0x19500  }
0x1b6: {  	[spmem:s1] =	stream.indirect.scatter.add.f32 [tilespmem:s25], [sflag:$0x6], $0x10, s17, s24, $0xb8;
	[tilespmem:$0x1F900] =	vst v63  }
0x1b7: {  	s11 =	simm.s32 $0x19680  }
0x1b8: {  	[spmem:s1] =	stream.indirect.scatter.add.f32 [tilespmem:s28], [sflag:$0x6], $0x10, s11, s24, $0xb8;
	[tilespmem:$0x1F900] =	vst v63  }
0x1b9: {  	s12 =	simm.s32 $0x19800  }
0x1ba: {  	[spmem:s1] =	stream.indirect.scatter.add.f32 [tilespmem:s30], [sflag:$0x6], $0x10, s12, s24, $0xb8;
	[tilespmem:$0x1F900] =	vst v63  }
0x1bb: {  	_ =	swait.ge [sflag:s23], $0x900  }
0x1bc: {  	[sflag:s23] =	ssyncset.done $0x0  }
0x1bd: {  	[sflag:s23] =	ssyncadd.s32 $0xFFFFF700  }
0x1be: {  	[tilespmem:s20], [sflag:$0x3] =	stream.indirect.gather [hbm4b:s4+s24], $0x10, s22, s24, $0xb8;
	[tilespmem:$0x1F900] =	vst v63  }
0x1bf: {  	s13 =	simm.s32 $0x18880  }
0x1c0: {  	[tilespmem:s26], [sflag:$0x3] =	stream.indirect.gather [hbm4b:s4+s24], $0x10, s13, s24, $0xb8;
	[tilespmem:$0x1F900] =	vst v63  }
0x1c1: {  	s14 =	simm.s32 $0x18A00  }
0x1c2: {  	[tilespmem:s29], [sflag:$0x3] =	stream.indirect.gather [hbm4b:s4+s24], $0x10, s14, s24, $0xb8;
	[tilespmem:$0x1F900] =	vst v63  }
0x1c3: {  	s15 =	simm.s32 $0x18B80  }
0x1c4: {  	[tilespmem:s31], [sflag:$0x3] =	stream.indirect.gather [hbm4b:s4+s24], $0x10, s15, s24, $0xb8;
	[tilespmem:$0x1F900] =	vst v63  }
.Ltmp8:
0x1c5: {  	_ = 	snop;
	(pc) =	sbr.rel .LBB2_10-.Ltmp8, $4  }
0x1c6: {  	s16 =	simm.s32 $0x18D00  }
0x1c7: {  	[tilespmem:s2], [sflag:$0x3] =	stream.indirect.gather [hbm4b:s4+s24], $0x10, s16, s24, $0xb8;
	[tilespmem:$0x1F900] =	vst v63  }
0x1c8: {  	s17 =	simm.s32 $0x18E80  }
0x1c9: {  	[tilespmem:s8], [sflag:$0x3] =	stream.indirect.gather [hbm4b:s4+s24], $0x10, s17, s24, $0xb8;
	[tilespmem:$0x1F900] =	vst v63  }
.LBB2_12:
0x1ca: {  	_ =	sfence.sel $0x180000  }
0x1cb: {  	[bflag:$0x0] =	sbarrier.arrive $0xFFFF  }
0x1cc: {  	_ =	strace $0x9000004A  }
0x1cd: {  	s0 =	stileid.u32;
	[bflag:$0x2] =	sbarrier.arrive $0xFFFF  }
0x1ce: {  	p0 =	sne.s32 s0, $0x0;
	s0 =	rddreg [dreg:$0x3]  }
0x1cf: {  	s0 =	sadd.s32 @!p0 $0x100000, s0  }
0x1d0: {  	[sflag:s0] =	ssyncadd.tile.s32 @!p0 $0x1;
	_ =	shalt  }
.Lfunc_end2:
_tile_overlayer_lowered:
.L_overlay_start_2:
0x1d1: {  	(tag) =	ssettag $0x2  }
0x1d2: {  	s0 =	rddreg [dreg:$0x0];
	s2 =	stileid.u32  }
0x1d3: {  	s1 =	rddreg [dreg:$0x1];
	p0 =	sne.s32 s2, $0x0  }
0x1d4: {  	s3 =	rddreg [dreg:$0x2];
	[bflag:$0x3] =	sbarrier.arrive $0xFFFF;
	s2 =	simm.s32 @!p0 $0x1C07  }
0x1d5: {  	[timem:s3], [sflag:s2] =	dma.local @!p0 [hbm:s0], s1  }
0x1d6: {  	s0 =	simm.s32 @!p0 $0x7  }
0x1d7: {  	_ =	swait.ge @!p0 [sflag:s0], s1  }
0x1d8: {  	s1 =	ssub.s32 @!p0 $0x0, s1;
	[sflag:s0] =	ssyncset.done @!p0 $0x0  }
0x1d9: {  	[sflag:s0] =	ssyncadd.s32 @!p0 s1  }
0x1da: {  	[bflag:$0x3] =	sbarrier.arrive $0xFFFF  }
0x1db: {  	_ =	shalt  }

// kernel: kernel.7.cloned.1.call-start
scs
__scs_entry_jumppad:
0x0: {  	(pc) =	sbr.rel $0x88, $3  }
0x1: {  	(tag) =	ssettag $0x0;
	lr =	simm.s32 $0x1  }
0x2: {  	[smem:$0x3F98] =	sst lr;
	_ =	strace $0xD0000000  }
0x3: {  	_ = 	snop  }
0x4: {  	_ = 	snop  }
0x5: {  	_ = 	snop  }
0x6: {  	_ = 	snop  }
0x7: {  	_ = 	snop  }
__scs_overlays_trampoline_lowered:
0x8: {  	[smem:$0x3FA7] =	sst s0  }
0x9: {  	[smem:$0x3FA8] =	sst s1  }
0xa: {  	[smem:$0x3FA9] =	sst s2  }
0xb: {  	[smem:$0x3FAA] =	sst s3  }
0xc: {  	[smem:$0x3FAB] =	sst s4  }
0xd: {  	[smem:$0x3FAC] =	sst s5  }
0xe: {  	[smem:$0x3FAD] =	sst s6  }
0xf: {  	[smem:$0x3FAE] =	sst s7  }
0x10: {  	[smem:$0x3FAF] =	sst s8  }
0x11: {  	[smem:$0x3FB0] =	sst s9;
	s0 =	simm.s32 @!p0 $0x0  }
0x12: {  	s1 =	sld [smem:$0x3F96];
	s0 =	simm.s32 @p0 $0x1  }
0x13: {  	[smem:$0x3FB1] =	sst s0;
	s0 =	simm.s32 @!p1 $0x0  }
0x14: {  	s2 =	sld [smem:$0x3F95];
	s0 =	simm.s32 @p1 $0x1  }
0x15: {  	[smem:$0x3FB2] =	sst s0;
	s0 =	simm.s32 @!p2 $0x0  }
0x16: {  	s3 =	sld [smem:$0x3FDB];
	s0 =	simm.s32 @p2 $0x1  }
0x17: {  	s4 =	simm.s32 $0x1BF5;
	[smem:$0x3FB4] =	sst s0  }
0x18: {  	s0 =	sld [smem:$0x3F97];
	_ =	swait.ge [sflag:s4], $0x0  }
0x19: {  	s7 =	sld [smem:$0x3F98]  }
0x1a: {  	s8 =	sadd.s32 $0xFFFFE003, lr  }
0x1b: {  	s9 =	sadd.s32 $0xFFFFFEF7, lr;
	s5 =	simm.s32 $0xFFFFFFFF;
	p2 =	slt.u32 s8, $0xFFFFF086  }
0x1c: {  	p1 =	slt.u32 s9, $0xF7A;
	s5 =	simm.s32 @!p2 $0x0  }
0x1d: {  	s5 =	simm.s32 @p1 $0x1;
	p0 =	seq.s32 s7, s2  }
0x1e: {  	s7 =	smul.u32 @!p0 $0xF7A, s2;
	p2 =	seq.s32 @!p0 s5, $0x0  }
0x1f: {  	s9 =	smul.u32 $0xF7A, s1;
	s8 =	simm.s32 @!p0 $0x1BF5;
	p2 =	por !p2, p0  }
0x20: {  	[sflag:s8] =	ssyncset.s32 @!p0 $0xFFFFF086;
	s6 =	sadd.s32 @!p0 s3, s7;
	s7 =	simm.s32 @!p0 $0x108  }
0x21: {  	s3 =	sadd.s32 s3, s9;
	s6 =	sadd.s32 @!p0 $0x88, s6;
	s7 =	simm.s32 @p2 $0x1082  }
0x22: {  	[simem:s7], [sflag:s8] =	dma.local @!p0 [hbm:s6], $0xF7A  }
0x23: {  	s9 =	sor.u32 $0xD0000000, s2;
	s6 =	simm.s32 $0x108;
	_ =	swait.ge @!p0 [sflag:s8], $0x0  }
0x24: {  	s3 =	sadd.s32 $0x88, s3;
	s6 =	simm.s32 @!p1 $0x1082;
	[sflag:s4] =	ssyncset.s32 $0xFFFFF086  }
0x25: {  	[simem:s6], [sflag:s4] =	dma.local [hbm:s3], $0xF7A  }
0x26: {  	[smem:$0x3F98] =	sst s1;
	(tag) =	ssettag s2;
	_ =	strace s9  }
0x27: {  	s1 =	sld [smem:$0x3FA8]  }
0x28: {  	s2 =	sld [smem:$0x3FA9]  }
0x29: {  	s4 =	sld [smem:$0x3FAB]  }
0x2a: {  	p0 =	seq.s32 s5, $0x0;
	s5 =	sld [smem:$0x3FAC]  }
0x2b: {  	s6 =	sld [smem:$0x3FAD]  }
0x2c: {  	s7 =	sld [smem:$0x3FAE]  }
0x2d: {  	s3 =	simm.s32 $0x108;
	s8 =	sld [smem:$0x3FAF]  }
0x2e: {  	s3 =	simm.s32 @!p0 $0x1082;
	s9 =	sld [smem:$0x3FB0]  }
0x2f: {  	lr =	sadd.s32 s0, s3;
	s0 =	sld [smem:$0x3FA7]  }
0x30: {  	s3 =	sld [smem:$0x3FAA]  }
0x31: {  	[smem:$0x3FB3] =	sst s10  }
0x32: {  	s10 =	sld [smem:$0x3FB1];
	_ =	sdelay $0x3  }
0x33: {  	p0 =	seq.s32 s10, $0x1;
	s10 =	sld [smem:$0x3FB3];
	_ =	sdelay $0x3  }
0x34: {  	[smem:$0x3FB3] =	sst s10  }
0x35: {  	s10 =	sld [smem:$0x3FB2];
	_ =	sdelay $0x3  }
0x36: {  	p1 =	seq.s32 s10, $0x1;
	s10 =	sld [smem:$0x3FB3];
	_ =	sdelay $0x3  }
0x37: {  	[smem:$0x3FB3] =	sst s10  }
0x38: {  	s10 =	sld [smem:$0x3FB4]  }
0x39: {  	_ = 	snop;
	(pc) =	sbr.ind lr, $3  }
0x3a: {  	_ = 	snop  }
0x3b: {  	_ = 	snop  }
0x3c: {  	p2 =	seq.s32 s10, $0x1;
	s10 =	sld [smem:$0x3FB3]  }
0x3d: {  	_ =	shalt  }
0x3e: {  	_ =	shalt  }
0x3f: {  	_ =	shalt  }
0x40: {  	_ =	shalt  }
0x41: {  	_ =	shalt  }
0x42: {  	_ =	shalt  }
0x43: {  	_ =	shalt  }
0x44: {  	_ =	shalt  }
0x45: {  	_ =	shalt  }
0x46: {  	_ =	shalt  }
0x47: {  	_ =	shalt  }
0x48: {  	_ =	shalt  }
0x49: {  	_ =	shalt  }
0x4a: {  	_ =	shalt  }
0x4b: {  	_ =	shalt  }
0x4c: {  	_ =	shalt  }
0x4d: {  	_ =	shalt  }
0x4e: {  	_ =	shalt  }
0x4f: {  	_ =	shalt  }
0x50: {  	_ =	shalt  }
0x51: {  	_ =	shalt  }
0x52: {  	_ =	shalt  }
0x53: {  	_ =	shalt  }
0x54: {  	_ =	shalt  }
0x55: {  	_ =	shalt  }
0x56: {  	_ =	shalt  }
0x57: {  	_ =	shalt  }
0x58: {  	_ =	shalt  }
0x59: {  	_ =	shalt  }
0x5a: {  	_ =	shalt  }
0x5b: {  	_ =	shalt  }
0x5c: {  	_ =	shalt  }
0x5d: {  	_ =	shalt  }
0x5e: {  	_ =	shalt  }
0x5f: {  	_ =	shalt  }
0x60: {  	_ =	shalt  }
0x61: {  	_ =	shalt  }
0x62: {  	_ =	shalt  }
0x63: {  	_ =	shalt  }
0x64: {  	_ =	shalt  }
0x65: {  	_ =	shalt  }
0x66: {  	_ =	shalt  }
0x67: {  	_ =	shalt  }
0x68: {  	_ =	shalt  }
0x69: {  	_ =	shalt  }
0x6a: {  	_ =	shalt  }
0x6b: {  	_ =	shalt  }
0x6c: {  	_ =	shalt  }
0x6d: {  	_ =	shalt  }
0x6e: {  	_ =	shalt  }
0x6f: {  	_ =	shalt  }
0x70: {  	_ =	shalt  }
0x71: {  	_ =	shalt  }
0x72: {  	_ =	shalt  }
0x73: {  	_ =	shalt  }
0x74: {  	_ =	shalt  }
0x75: {  	_ =	shalt  }
0x76: {  	_ =	shalt  }
0x77: {  	_ =	shalt  }
0x78: {  	_ =	shalt  }
0x79: {  	_ =	shalt  }
0x7a: {  	_ =	shalt  }
0x7b: {  	_ =	shalt  }
0x7c: {  	_ =	shalt  }
0x7d: {  	_ =	shalt  }
0x7e: {  	_ =	shalt  }
0x7f: {  	_ =	shalt  }
0x80: {  	_ =	shalt  }
0x81: {  	_ =	shalt  }
0x82: {  	_ =	shalt  }
0x83: {  	_ =	shalt  }
0x84: {  	_ =	shalt  }
0x85: {  	_ =	shalt  }
0x86: {  	_ =	shalt  }
0x87: {  	_ =	shalt  }
.Lfunc_end0:
.L_simem_size_0:
called_computation_lowered:
.L_overlay_start_0:
0x88: {  	s2 =	sld [smem:$0x3FD9]  }
0x89: {  	s3 =	sld [smem:$0x3FFE];
	_ =	sdelay $0x1  }
0x8a: {  	s1 =	srdreg.scid  }
0x8b: {  	s0 =	sand.u32 $0x1, s1  }
0x8c: {  	s17 =	sshll.u32 s0, $0xA;
	s2 =	sadd.s32 s3, s2  }
0x8d: {  	s2 =	sadd.s32 s2, s17  }
0x8e: {  	[smem:$0x3FBF] =	sst s2  }
0x8f: {  	_ = 	snop  }
0x90: {  	s2 =	sld [smem:$0x3FD0];
	(tm) =	ssettm $0x1  }
0x91: {  	s18 =	sld [smem:$0x3FFB];
	_ =	sdelay $0x3  }
0x92: {  	_ =	strace s18  }
0x93: {  	s3 =	sld [smem:$0x3FFC];
	_ =	sdelay $0x3  }
0x94: {  	_ =	strace s3  }
0x95: {  	s3 =	sld [smem:$0x3FFD];
	_ =	sdelay $0x3  }
0x96: {  	_ =	strace s3  }
0x97: {  	_ =	strace $0x8FFFFFFF  }
0x98: {  	s19 =	sld [smem:$0x3FDB];
	_ =	sdelay $0x1  }
0x99: {  	s4 =	simm.s32 $_scs_section_size  }
0x9a: {  	s5 =	simm.s32 $_size__tile_overlayer_lowered;
	s6 =	simm.s32 $_tile_overlayer_lowered  }
0x9b: {  	s22 =	simm.s32 $0x1BFF;
	s21 =	sshll.u32 s6, $0x1;
	s3 =	sadd.s32 s4, s19  }
0x9c: {  	s7 =	simm.s32 $0x0;
	s20 =	sshll.u32 s5, $0x1;
	s5 =	sadd.s32 s21, s3  }
0x9d: {  	[timem:s7], [sflag:s22] =	dma.local [hbm:s5], s20  }
0x9e: {  	_ =	swait.ge [sflag:s22], s20  }
0x9f: {  	s4 =	ssub.s32 $0x0, s20;
	[sflag:s22] =	ssyncset.done $0x0  }
0xa0: {  	[sflag:s22] =	ssyncadd.s32 s4;
	_ =	sdelay $0x1  }
0xa1: {  	s23 =	simm.s32 $0x1B8B  }
0xa2: {  	_ =	swait.ge [sflag:s23], $0x1  }
0xa3: {  	[sflag:s23] =	ssyncset.done $0x0  }
0xa4: {  	s25 =	simm.s32 $0x1B8E;
	s24 =	sld [smem:$0x3FFE];
	[sflag:s23] =	ssyncadd.s32 $0xFFFFFFFF  }
0xa5: {  	s26 =	simm.s32 $execute0_lowered;
	[smem:$0x3FD2] =	sst s25  }
0xa6: {  	s5 =	sshll.u32 s26, $0x1;
	_ =	strace $0x80000046;
	[dreg:$0x1] =	wrdreg $0xFFFFFFFF  }
0xa7: {  	s28 =	simm.s32 $_size_execute0_lowered;
	s3 =	sadd.s32 s3, s5;
	[dreg:$0x0] =	wrdreg $0x0  }
0xa8: {  	s5 =	sshll.u32 s28, $0x1;
	[dreg:$0x2] =	wrdreg s3  }
0xa9: {  	[dreg:$0x3] =	wrdreg s5  }
0xaa: {  	[dreg:$0x4] =	wrdreg $0xC0  }
0xab: {  	_ =	task [dreg:s7], $0x5FFFF  }
0xac: {  	[dreg:$0x1] =	wrdreg $0xFFFFFFFF  }
0xad: {  	[dreg:$0x0] =	wrdreg $0x60  }
0xae: {  	[dreg:$0x2] =	wrdreg s24  }
0xaf: {  	[dreg:$0x3] =	wrdreg s2  }
0xb0: {  	[dreg:$0x4] =	wrdreg $0x0  }
0xb1: {  	[dreg:$0x5] =	wrdreg $0x9  }
0xb2: {  	_ =	task.clear_ibuf [dreg:s7], $0x6FFFF;
	_ =	strace $0x90000046  }
0xb3: {  	s29 =	simm.s32 $0x9;
	_ =	strace $0x80000048  }
0xb4: {  	_ =	swait.ge [sflag:s29], $0x1  }
0xb5: {  	[sflag:s29] =	ssyncadd.s32 $0xFFFFFFFF  }
0xb6: {  	_ =	strace $0x90000048  }
0xb7: {  	_ =	sfence  }
0xb8: {  	s30 =	sld [smem:$0x0];
	_ =	sdelay $0x2  }
0xb9: {  	s31 =	sshll.u32 s1, $0xD;
	s1 =	sshrl.u32 s1, $0x2  }
0xba: {  	s3 =	sand.u32 $0x4000, s31;
	s1 =	sadd.s32 s1, s30  }
0xbb: {  	s0 =	sor.u32 s3, s0;
	s1 =	sshll.u32 s1, $0x11  }
0xbc: {  	s0 =	sor.u32 s1, s0  }
0xbd: {  	s0 =	sadd.s32 $0x8F2B, s0  }
0xbe: {  	[sflag:s0] =	ssyncadd.remote.s32 $0x1  }
0xbf: {  	_ =	sfence.sel $0xFFFF  }
0xc0: {  	[dreg:$0x0] =	wrdreg $0xFFFFFFFF;
	(pc) =	sbr.abs _section_cstart, $3  }
0xc1: {  	[dreg:$0x1] =	wrdreg $0xFFFFFFFF  }
0xc2: {  	_ =	task.clear_ibuf [dreg:s7], $0x2FFFF;
	_ =	strace $0x9FFFFFFF  }
0xc3: {  	(tm) =	ssettm $0x7FFFFFFF  }
tec
execute0_lowered:
.L_overlay_start_1:
0x0: {  	(tag) =	ssettag $0x1  }
0x1: {  	s0 =	rddreg [dreg:$0x0]  }
0x2: {  	s2 =	rddreg [dreg:$0x1]  }
0x3: {  	s1 =	rddreg [dreg:$0x2]  }
0x4: {  	s11 =	simm.s32 $0x0;
	s3 =	srdreg.scid;
	s10 =	stileid.u32  }
0x5: {  	s14 =	simm.s32 $0x7;
	s29 =	simm.s32 $0x1A900;
	s31 =	simm.s32 $0x1B100  }
0x6: {  	s28 =	simm.s32 $0x1E900;
	s30 =	simm.s32 $0x1F100;
	[smem:$0x7FF] =	sst s11  }
0x7: {  	s4 =	sadd.s32 $0xF600, s0;
	s3 =	sand.u32 $0x1, s3;
	s6 =	smul.u32 $0x61C00, s10  }
0x8: {  	s5 =	sadd.s32 $0x1FAA00, s0;
	s0 =	sadd.s32 $0x40400, s0;
	s9 =	smul.u32 $0x18700, s10  }
0x9: {  	_ =	strace $0x80000047;
	s7 =	ssub.s32 $0x2, s3;
	s16 =	sshll.u32 s3, $0x4  }
0xa: {  	p0 =	seq.s32 s3, $0x1;
	s3 =	simm.s32 $0x1D900;
	s6 =	sshrl.u32 s6, $0x2  }
0xb: {  	s13 =	sadd.s32 s9, s1;
	s25 =	sshrl.u32 s9, $0x3;
	s2 =	smov.u32 @p0 s0  }
0xc: {  	s6 =	sadd.s32 s6, s1;
	s0 =	sadd.s32 s2, s25;
	[dreg:$0x5] =	wrdreg s13  }
0xd: {  	s8 =	sshrl.u32 s7, $0x1;
	s17 =	sadd.s32 $0x3000, s6;
	[dreg:$0x11] =	wrdreg s0  }
0xe: {  	s9 =	simm.s32 $0x3;
	s18 =	sadd.s32 $0x6000, s6;
	[dreg:$0x6] =	wrdreg s17  }
0xf: {  	s7 =	ssub.s32 s7, s8;
	s19 =	sadd.s32 $0x9000, s6;
	[dreg:$0x7] =	wrdreg s18  }
0x10: {  	s8 =	sor.u32 s10, s16;
	s12 =	sadd.s32 $0xC000, s6;
	[dreg:$0x8] =	wrdreg s19  }
0x11: {  	s2 =	simm.s32 $0x1B900;
	s20 =	sadd.s32 $0xF000, s6;
	[dreg:$0x9] =	wrdreg s12  }
0x12: {  	s25 =	simm.s32 $0x1E100;
	s21 =	sadd.s32 $0x12000, s6;
	[dreg:$0xa] =	wrdreg s20  }
0x13: {  	s10 =	smul.u32 $0x312, s8;
	s22 =	sadd.s32 $0x15000, s6;
	[dreg:$0xb] =	wrdreg s21  }
0x14: {  	s8 =	smul.u32 $0x9360, s8;
	s6 =	sadd.s32 $0x18000, s6;
	[dreg:$0xc] =	wrdreg s22  }
0x15: {  	s26 =	smax.u32 s7, $0x1;
	s0 =	simm.s32 $0x5;
	[dreg:$0xd] =	wrdreg s6  }
.Ltmp0:
0x16: {  	s7 =	simm.s32 $0x4;
	[dreg:$0x10] =	wrdreg s26;
	(pc) =	sbr.rel .LBB2_1-.Ltmp0, $4  }
0x17: {  	s20 =	simm.s32 $0x19900;
	s22 =	simm.s32 $0x18700;
	s26 =	simm.s32 $0x1A100  }
0x18: {  	s18 =	simm.s32 $0x2;
	s19 =	simm.s32 $0x1D100;
	s23 =	sadd.s32 s5, s8  }
0x19: {  	s24 =	sadd.s32 $0xC, s10;
	s8 =	simm.s32 $0x1C100;
	[dreg:$0xe] =	wrdreg s23  }
0x1a: {  	v0 =	vimm.f32 $0.0e+00;
	[dreg:$0xf] =	wrdreg s24;
	s23 =	simm.s32 $0x1;
	s24 =	simm.s32 $0x80  }
.LBB2_11:
0x1b: {  	s6 =	simm.s32 $0x6  }
0x1c: {  	_ =	swait.ge [sflag:s6], $0x800  }
0x1d: {  	[sflag:s6] =	ssyncset.done $0x0  }
0x1e: {  	[sflag:s6] =	ssyncadd.s32 $0xFFFFF800  }
0x1f: {  	_ =	swait.ge [sflag:s6], $0x800  }
0x20: {  	[sflag:s6] =	ssyncset.done $0x0  }
0x21: {  	[sflag:s6] =	ssyncadd.s32 $0xFFFFF800  }
0x22: {  	_ =	swait.ge [sflag:s6], $0x800  }
0x23: {  	[sflag:s6] =	ssyncset.done $0x0  }
0x24: {  	[sflag:s6] =	ssyncadd.s32 $0xFFFFF800  }
0x25: {  	_ =	swait.ge [sflag:s6], $0x800  }
0x26: {  	[sflag:s6] =	ssyncset.done $0x0  }
0x27: {  	[sflag:s6] =	ssyncadd.s32 $0xFFFFF800  }
0x28: {  	_ =	swait.ge [sflag:s6], $0x800  }
0x29: {  	[sflag:s6] =	ssyncset.done $0x0  }
0x2a: {  	[sflag:s6] =	ssyncadd.s32 $0xFFFFF800  }
0x2b: {  	_ =	swait.ge [sflag:s6], $0x800  }
0x2c: {  	[sflag:s6] =	ssyncset.done $0x0  }
0x2d: {  	[sflag:s6] =	ssyncadd.s32 $0xFFFFF800  }
0x2e: {  	_ =	swait.ge [sflag:s0], $0x800  }
0x2f: {  	[sflag:s0] =	ssyncset.done $0x0  }
0x30: {  	[sflag:s0] =	ssyncadd.s32 $0xFFFFF800  }
0x31: {  	_ =	swait.ge [sflag:s0], $0x800  }
0x32: {  	[sflag:s0] =	ssyncset.done $0x0  }
0x33: {  	[sflag:s0] =	ssyncadd.s32 $0xFFFFF800  }
0x34: {  	_ =	swait.ge [sflag:s0], $0x800  }
0x35: {  	[sflag:s0] =	ssyncset.done $0x0  }
0x36: {  	[sflag:s0] =	ssyncadd.s32 $0xFFFFF800  }
0x37: {  	_ =	swait.ge [sflag:s0], $0x800  }
0x38: {  	[sflag:s0] =	ssyncset.done $0x0  }
0x39: {  	[sflag:s0] =	ssyncadd.s32 $0xFFFFF800  }
0x3a: {  	_ =	swait.ge [sflag:s0], $0x800  }
0x3b: {  	[sflag:s0] =	ssyncset.done $0x0  }
0x3c: {  	[sflag:s0] =	ssyncadd.s32 $0xFFFFF800  }
0x3d: {  	_ =	swait.ge [sflag:s0], $0x800  }
0x3e: {  	[sflag:s0] =	ssyncset.done $0x0  }
0x3f: {  	[sflag:s0] =	ssyncadd.s32 $0xFFFFF800  }
0x40: {  	s16 =	stileid.u32;
	[bflag:$0x0] =	sbarrier.arrive $0xFFFF  }
0x41: {  	s14 =	simm.s32 $0x7;
	s6 =	sshll.u32 s16, $0x6;
	s13 =	rddreg [dreg:$0x5]  }
0x42: {  	s6 =	sor.u32 $0x1C07, s6;
	s12 =	rddreg [dreg:$0x11];
	s11 =	sshrl.u32 s13, $0x3  }
0x43: {  	[hbm:s12], [sflag:s6] =	dma.local [spmem:s11], $0x30E0  }
0x44: {  	_ =	swait.ge [sflag:s14], $0x30E0  }
0x45: {  	s17 =	rddreg [dreg:$0x4]  }
0x46: {  	s21 =	rddreg [dreg:$0x10];
	s11 =	sadd.s32 $0x1, s17  }
0x47: {  	p0 =	sne.s32 s11, s21  }
.Ltmp1:
0x48: {  	_ = 	snop;
	(pc) =	sbr.rel @!p0 .LBB2_12-.Ltmp1, $3  }
0x49: {  	_ =	sdelay $0x1  }
0x4a: {  	[sflag:s14] =	ssyncset.done $0x0  }
0x4b: {  	[sflag:s14] =	ssyncadd.s32 $0xFFFFCF20  }
.LBB2_1:
0x4c: {  	[dreg:$0x4] =	wrdreg s11;
	s11 =	simm.s32 $0x19940  }
0x4d: {  	[tilespmem:s11+$0xFFFFFFC0] =	vst v0  }
0x4e: {  	[tilespmem:s11+$0x30] =	vst v0  }
0x4f: {  	[tilespmem:s11+$0x20] =	vst v0  }
0x50: {  	[tilespmem:s11+$0x10] =	vst v0  }
0x51: {  	[tilespmem:s11+$0x0] =	vst v0  }
0x52: {  	[tilespmem:s11+$0xFFFFFFF0] =	vst v0  }
0x53: {  	s12 =	simm.s32 $0x0;
	[tilespmem:s11+$0xFFFFFFE0] =	vst v0  }
.LBB2_2:
0x54: {  	s12 =	sadd.s32 $0x8, s12;
	[tilespmem:s11+$0xFFFFFFD0] =	vst v0;
	s11 =	sadd.s32 $0x80, s11  }
0x55: {  	[tilespmem:s11+$0xFFFFFFC0] =	vst v0;
	p0 =	slt.u32 s12, $0x2F8  }
0x56: {  	[tilespmem:s11+$0x30] =	vst v0  }
.Ltmp2:
0x57: {  	[tilespmem:s11+$0x20] =	vst v0;
	(pc) =	sbr.rel @p0 .LBB2_2-.Ltmp2, $4  }
0x58: {  	[tilespmem:s11+$0x10] =	vst v0  }
0x59: {  	[tilespmem:s11+$0x0] =	vst v0  }
0x5a: {  	[tilespmem:s11+$0xFFFFFFF0] =	vst v0  }
0x5b: {  	[tilespmem:s11+$0xFFFFFFE0] =	vst v0  }
0x5c: {  	[tilespmem:s11+$0xFFFFFFD0] =	vst v0  }
0x5d: {  	[spmem:s13] =	stream.linear.scatter [tilespmem:s20], [sflag:$0x7], $0x3000, $0x38;
	[tilespmem:$0x1F900] =	vst v63  }
0x5e: {  	_ =	swait.ge [sflag:s14], $0x3000  }
0x5f: {  	[sflag:s14] =	ssyncset.done $0x0  }
0x60: {  	s6 =	rddreg [dreg:$0x6];
	[sflag:s14] =	ssyncadd.s32 $0xFFFFD000  }
0x61: {  	[spmem:s6] =	stream.linear.scatter [tilespmem:s20], [sflag:$0x7], $0x3000, $0x38;
	[tilespmem:$0x1F900] =	vst v63  }
0x62: {  	_ =	swait.ge [sflag:s14], $0x3000  }
0x63: {  	[sflag:s14] =	ssyncset.done $0x0  }
0x64: {  	s12 =	rddreg [dreg:$0x7];
	[sflag:s14] =	ssyncadd.s32 $0xFFFFD000  }
0x65: {  	[spmem:s12] =	stream.linear.scatter [tilespmem:s20], [sflag:$0x7], $0x3000, $0x38;
	[tilespmem:$0x1F900] =	vst v63  }
0x66: {  	_ =	swait.ge [sflag:s14], $0x3000  }
0x67: {  	[sflag:s14] =	ssyncset.done $0x0  }
0x68: {  	s13 =	rddreg [dreg:$0x8];
	[sflag:s14] =	ssyncadd.s32 $0xFFFFD000  }
0x69: {  	[spmem:s13] =	stream.linear.scatter [tilespmem:s20], [sflag:$0x7], $0x3000, $0x38;
	[tilespmem:$0x1F900] =	vst v63  }
0x6a: {  	_ =	swait.ge [sflag:s14], $0x3000  }
0x6b: {  	[sflag:s14] =	ssyncset.done $0x0  }
0x6c: {  	s15 =	rddreg [dreg:$0x9];
	[sflag:s14] =	ssyncadd.s32 $0xFFFFD000  }
0x6d: {  	[spmem:s15] =	stream.linear.scatter [tilespmem:s20], [sflag:$0x7], $0x3000, $0x38;
	[tilespmem:$0x1F900] =	vst v63  }
0x6e: {  	_ =	swait.ge [sflag:s14], $0x3000  }
0x6f: {  	[sflag:s14] =	ssyncset.done $0x0  }
0x70: {  	s16 =	rddreg [dreg:$0xa];
	[sflag:s14] =	ssyncadd.s32 $0xFFFFD000  }
0x71: {  	[spmem:s16] =	stream.linear.scatter [tilespmem:s20], [sflag:$0x7], $0x3000, $0x38;
	[tilespmem:$0x1F900] =	vst v63  }
0x72: {  	_ =	swait.ge [sflag:s14], $0x3000  }
0x73: {  	[sflag:s14] =	ssyncset.done $0x0  }
0x74: {  	s17 =	rddreg [dreg:$0xb];
	[sflag:s14] =	ssyncadd.s32 $0xFFFFD000  }
0x75: {  	[spmem:s17] =	stream.linear.scatter [tilespmem:s20], [sflag:$0x7], $0x3000, $0x38;
	[tilespmem:$0x1F900] =	vst v63  }
0x76: {  	_ =	swait.ge [sflag:s14], $0x3000  }
0x77: {  	[sflag:s14] =	ssyncset.done $0x0  }
0x78: {  	s21 =	rddreg [dreg:$0xc];
	[sflag:s14] =	ssyncadd.s32 $0xFFFFD000  }
0x79: {  	[spmem:s21] =	stream.linear.scatter [tilespmem:s20], [sflag:$0x7], $0x3000, $0x38;
	[tilespmem:$0x1F900] =	vst v63  }
0x7a: {  	_ =	swait.ge [sflag:s14], $0x3000  }
0x7b: {  	[sflag:s14] =	ssyncset.done $0x0  }
0x7c: {  	s11 =	rddreg [dreg:$0xd];
	[sflag:s14] =	ssyncadd.s32 $0xFFFFD000  }
0x7d: {  	[spmem:s11] =	stream.linear.scatter [tilespmem:s20], [sflag:$0x7], $0x700, $0x38;
	[tilespmem:$0x1F900] =	vst v63  }
0x7e: {  	_ =	swait.ge [sflag:s14], $0x700  }
0x7f: {  	[sflag:s14] =	ssyncset.done $0x0  }
0x80: {  	[sflag:s14] =	ssyncadd.s32 $0xFFFFF900  }
0x81: {  	[bflag:$0x0] =	sbarrier.arrive $0xFFFF  }
0x82: {  	s21 =	simm.s32 $0x0;
	s12 =	rddreg [dreg:$0xe]  }
0x83: {  	[tilespmem:s22], [sflag:$0x1] =	stream.linear.gather [hbm4b:s12+s21], $0x900, $0x38;
	[tilespmem:$0x1F900] =	vst v63  }
0x84: {  	_ =	swait.ge [sflag:s23], $0x900  }
0x85: {  	[sflag:s23] =	ssyncset.done $0x0  }
0x86: {  	[sflag:s23] =	ssyncadd.s32 $0xFFFFF700  }
0x87: {  	[tilespmem:s20], [sflag:$0x3] =	stream.indirect.gather [hbm4b:s4+s24], $0x10, s22, s24, $0xb8;
	[tilespmem:$0x1F900] =	vst v63  }
0x88: {  	s13 =	simm.s32 $0x18880  }
0x89: {  	[tilespmem:s26], [sflag:$0x3] =	stream.indirect.gather [hbm4b:s4+s24], $0x10, s13, s24, $0xb8;
	[tilespmem:$0x1F900] =	vst v63  }
0x8a: {  	s14 =	simm.s32 $0x18A00  }
0x8b: {  	[tilespmem:s29], [sflag:$0x3] =	stream.indirect.gather [hbm4b:s4+s24], $0x10, s14, s24, $0xb8;
	[tilespmem:$0x1F900] =	vst v63  }
0x8c: {  	s15 =	simm.s32 $0x18B80  }
0x8d: {  	[tilespmem:s31], [sflag:$0x3] =	stream.indirect.gather [hbm4b:s4+s24], $0x10, s15, s24, $0xb8;
	[tilespmem:$0x1F900] =	vst v63  }
.Ltmp3:
0x8e: {  	_ = 	snop;
	(pc) =	sbr.rel .LBB2_4-.Ltmp3, $4  }
0x8f: {  	s16 =	simm.s32 $0x18D00  }
0x90: {  	[tilespmem:s2], [sflag:$0x3] =	stream.indirect.gather [hbm4b:s4+s24], $0x10, s16, s24, $0xb8;
	[tilespmem:$0x1F900] =	vst v63  }
0x91: {  	s17 =	simm.s32 $0x18E80  }
0x92: {  	[tilespmem:s8], [sflag:$0x3] =	stream.indirect.gather [hbm4b:s4+s24], $0x10, s17, s24, $0xb8;
	[tilespmem:$0x1F900] =	vst v63  }
.LBB2_10:
0x93: {  	s21 =	sadd.s32 $0x1, s21  }
0x94: {  	p0 =	sne.s32 s21, $0x42  }
.Ltmp4:
0x95: {  	_ = 	snop;
	(pc) =	sbr.rel @!p0 .LBB2_11-.Ltmp4, $1  }
0x96: {  	_ =	sdelay $0x3  }
.LBB2_4:
0x97: {  	s11 =	sshllo.u32 s21, $0x1  }
0x98: {  	p0 =	sgt.u32 s11, $0x82  }
0x99: {  	p1 =	seq.s32 @!p0 s21, $0x0  }
0x9a: {  	p1 =	por p1, p0  }
0x9b: {  	s12 =	simm.s32 @!p1 $0x6  }
0x9c: {  	_ =	swait.ge @!p1 [sflag:s12], $0x800  }
0x9d: {  	[sflag:s12] =	ssyncset.done @!p1 $0x0  }
0x9e: {  	[sflag:s12] =	ssyncadd.s32 @!p1 $0xFFFFF800  }
0x9f: {  	_ =	swait.ge @!p1 [sflag:s12], $0x800  }
0xa0: {  	[sflag:s12] =	ssyncset.done @!p1 $0x0  }
0xa1: {  	[sflag:s12] =	ssyncadd.s32 @!p1 $0xFFFFF800  }
0xa2: {  	_ =	swait.ge @!p1 [sflag:s12], $0x800  }
0xa3: {  	[sflag:s12] =	ssyncset.done @!p1 $0x0  }
0xa4: {  	[sflag:s12] =	ssyncadd.s32 @!p1 $0xFFFFF800  }
0xa5: {  	_ =	swait.ge @!p1 [sflag:s12], $0x800  }
0xa6: {  	[sflag:s12] =	ssyncset.done @!p1 $0x0  }
0xa7: {  	[sflag:s12] =	ssyncadd.s32 @!p1 $0xFFFFF800  }
0xa8: {  	s11 =	smul.u32 @!p0 $0x6, s11;
	_ =	swait.ge @!p1 [sflag:s12], $0x800  }
0xa9: {  	[sflag:s12] =	ssyncset.done @!p1 $0x0  }
0xaa: {  	s11 =	sadd.s32 @!p0 s10, s11;
	[sflag:s12] =	ssyncadd.s32 @!p1 $0xFFFFF800  }
0xab: {  	s11 =	smul.u32 @!p0 $0x30, s11;
	_ =	swait.ge @!p1 [sflag:s12], $0x800  }
0xac: {  	s13 =	simm.s32 @!p0 $0x19000;
	[sflag:s12] =	ssyncset.done @!p1 $0x0  }
0xad: {  	s11 =	sadd.s32 @!p0 s5, s11;
	[sflag:s12] =	ssyncadd.s32 @!p1 $0xFFFFF800;
	s12 =	simm.s32 @!p0 $0x0  }
0xae: {  	[tilespmem:s13], [sflag:$0x2] =	stream.linear.gather @!p0 [hbm4b:s11+s12], $0x900, $0x38;
	[tilespmem:$0x1F900] =	vst v63  }
0xaf: {  	_ =	swait.ge [sflag:s9], $0x800  }
0xb0: {  	[sflag:s9] =	ssyncset.done $0x0  }
0xb1: {  	[sflag:s9] =	ssyncadd.s32 $0xFFFFF800  }
0xb2: {  	_ =	swait.ge [sflag:s9], $0x800  }
0xb3: {  	[sflag:s9] =	ssyncset.done $0x0  }
0xb4: {  	[sflag:s9] =	ssyncadd.s32 $0xFFFFF800  }
0xb5: {  	_ =	swait.ge [sflag:s9], $0x800  }
0xb6: {  	[sflag:s9] =	ssyncset.done $0x0  }
0xb7: {  	[sflag:s9] =	ssyncadd.s32 $0xFFFFF800  }
0xb8: {  	_ =	swait.ge [sflag:s9], $0x800  }
0xb9: {  	[sflag:s9] =	ssyncset.done $0x0  }
0xba: {  	[sflag:s9] =	ssyncadd.s32 $0xFFFFF800  }
0xbb: {  	_ =	swait.ge [sflag:s9], $0x800  }
0xbc: {  	[sflag:s9] =	ssyncset.done $0x0  }
0xbd: {  	[sflag:s9] =	ssyncadd.s32 $0xFFFFF800  }
0xbe: {  	s16 =	simm.s32 $0x0;
	_ =	swait.ge [sflag:s9], $0x800  }
0xbf: {  	s11 =	sand.u32 $0x3FFFFF00, s16;
	[sflag:s9] =	ssyncset.done $0x0  }
0xc0: {  	s17 =	sadd.s32 $0x18810, s11;
	[sflag:s9] =	ssyncadd.s32 $0xFFFFF800  }
0xc1: {  	s11 =	sadd.s32 $0x18800, s11;
	v2 =	vld [tilespmem:s17+$0x0]  }
0xc2: {  	s17 =	simm.s32 $0x19A00;
	v1 =	vld [tilespmem:s11+$0x0]  }
0xc3: {  	v3 =	vld [tilespmem:s17+$0xF0]  }
0xc4: {  	v13 =	vld [tilespmem:s17+$0xFFFFFF00]  }
0xc5: {  	v14 =	vld [tilespmem:s17+$0xFFFFFF10]  }
0xc6: {  	v15 =	vld [tilespmem:s17+$0xFFFFFF20];
	v18 =	vbroadcast v2, $0x0;
	v4 =	vbroadcast v2, $0xF  }
0xc7: {  	v19 =	vld [tilespmem:s17+$0xFFFFFF30];
	v16 =	vbroadcast v1, $0x0;
	v17 =	vbroadcast v1, $0x1  }
0xc8: {  	v21 =	vld [tilespmem:s17+$0xFFFFFF40];
	v20 =	vbroadcast v1, $0x2;
	v22 =	vbroadcast v1, $0x3  }
0xc9: {  	v24 =	vld [tilespmem:s17+$0xFFFFFF50];
	v23 =	vbroadcast v1, $0x4;
	v25 =	vbroadcast v1, $0x5  }
0xca: {  	v26 =	vld [tilespmem:s17+$0xFFFFFF60];
	v27 =	vbroadcast v1, $0x6;
	v29 =	vbroadcast v1, $0x7  }
0xcb: {  	v28 =	vld [tilespmem:s17+$0xFFFFFF70];
	v30 =	vbroadcast v1, $0x8;
	v33 =	vbroadcast v1, $0x9  }
0xcc: {  	v31 =	vld [tilespmem:s17+$0xFFFFFF80];
	v34 =	vbroadcast v1, $0xA;
	v36 =	vbroadcast v1, $0xB  }
0xcd: {  	v35 =	vld [tilespmem:s17+$0xFFFFFF90];
	v37 =	vbroadcast v1, $0xC;
	v39 =	vbroadcast v1, $0xD  }
0xce: {  	v38 =	vld [tilespmem:s17+$0xFFFFFFA0];
	v40 =	vbroadcast v1, $0xE;
	v42 =	vbroadcast v1, $0xF  }
0xcf: {  	v41 =	vld [tilespmem:s17+$0xFFFFFFB0];
	v43 =	vbroadcast v2, $0x1;
	v45 =	vbroadcast v2, $0x2  }
0xd0: {  	v44 =	vld [tilespmem:s17+$0xFFFFFFC0];
	v11 =	vbroadcast v2, $0x3;
	v12 =	vbroadcast v2, $0x4  }
0xd1: {  	v46 =	vld [tilespmem:s17+$0xFFFFFFD0];
	v8 =	vbroadcast v2, $0x5;
	v10 =	vbroadcast v2, $0x6  }
0xd2: {  	v47 =	vld [tilespmem:s17+$0xFFFFFFE0];
	v6 =	vbroadcast v2, $0x7;
	v9 =	vbroadcast v2, $0x8  }
0xd3: {  	v48 =	vld [tilespmem:s17+$0xFFFFFFF0];
	v5 =	vbroadcast v2, $0x9;
	v7 =	vbroadcast v2, $0xA  }
0xd4: {  	v49 =	vld [tilespmem:s17+$0x0];
	v1 =	vbroadcast v2, $0xD;
	v3 =	vmul.f32 v3, v4  }
0xd5: {  	v50 =	vld [tilespmem:s17+$0x10];
	v4 =	vbroadcast v2, $0xB;
	v16 =	vmul.f32 v16, v13  }
0xd6: {  	v51 =	vld [tilespmem:s17+$0x20];
	v17 =	vmul.f32 v14, v17;
	v20 =	vmul.f32 v15, v20  }
0xd7: {  	v13 =	vld [tilespmem:s17+$0x30];
	v19 =	vmul.f32 v19, v22;
	v21 =	vmul.f32 v21, v23;
	[tilespmem:s17+$0xF0] =	vst v3  }
0xd8: {  	v14 =	vld [tilespmem:s17+$0x40];
	v22 =	vmul.f32 v24, v25;
	v24 =	vmul.f32 v26, v27;
	[tilespmem:s17+$0xFFFFFF00] =	vst v16  }
0xd9: {  	v15 =	vld [tilespmem:s17+$0x50];
	v52 =	vmul.f32 v28, v29;
	v32 =	vmul.f32 v31, v30;
	[tilespmem:s17+$0xFFFFFF10] =	vst v17  }
0xda: {  	v31 =	vmul.f32 v35, v33;
	v28 =	vmul.f32 v38, v34;
	v27 =	vld [tilespmem:s17+$0xA0];
	[tilespmem:s17+$0xFFFFFF20] =	vst v20  }
0xdb: {  	v29 =	vmul.f32 v41, v36;
	v25 =	vmul.f32 v44, v37;
	v16 =	vld [tilespmem:s17+$0x60];
	[tilespmem:s17+$0xFFFFFF30] =	vst v19  }
0xdc: {  	v26 =	vmul.f32 v46, v39;
	v23 =	vmul.f32 v47, v40;
	v17 =	vld [tilespmem:s17+$0x70];
	[tilespmem:s17+$0xFFFFFF40] =	vst v21  }
0xdd: {  	v3 =	vbroadcast v2, $0xC;
	v2 =	vbroadcast v2, $0xE;
	v19 =	vld [tilespmem:s17+$0x80];
	[tilespmem:s17+$0xFFFFFF50] =	vst v22  }
0xde: {  	s14 =	simm.s32 $0x0;
	s15 =	simm.s32 $0x2;
	v21 =	vld [tilespmem:s17+$0x90];
	[tilespmem:s17+$0xFFFFFF60] =	vst v24;
	v24 =	vmul.f32 v48, v42;
	v20 =	vmul.f32 v18, v49  }
0xdf: {  	s12 =	simm.s32 $0x18800;
	s13 =	simm.s32 $0x18810;
	s11 =	simm.s32 $0x19A00;
	v30 =	vld [tilespmem:s17+$0xB0];
	[tilespmem:s17+$0xFFFFFF70] =	vst v52;
	v22 =	vmul.f32 v50, v43;
	v18 =	vmul.f32 v51, v45  }
.LBB2_5:
0xe0: {  	s16 =	sshll.u32 s15, $0x5;
	s14 =	sadd.s32 $0x2, s14;
	[tilespmem:s17+$0xFFFFFF80] =	vst v32;
	v11 =	vmul.f32 v13, v11;
	v12 =	vmul.f32 v14, v12;
	v13 =	vld [tilespmem:s17+$0xC0];
	s12 =	sadd.s32 $0x20, s12  }
0xe1: {  	v8 =	vmul.f32 v15, v8;
	v10 =	vmul.f32 v16, v10;
	s13 =	sadd.s32 $0x20, s13;
	s16 =	sand.u32 $0x3FFFFF00, s16;
	p1 =	slt.u32 s14, $0x2E;
	[tilespmem:s17+$0xFFFFFF90] =	vst v31;
	v14 =	vld [tilespmem:s17+$0xD0]  }
0xe2: {  	v6 =	vmul.f32 v17, v6;
	v9 =	vmul.f32 v19, v9;
	s6 =	sadd.s32 s16, s12;
	s16 =	sadd.s32 s16, s13;
	[tilespmem:s17+$0xFFFFFFA0] =	vst v28;
	v15 =	vld [tilespmem:s17+$0xE0]  }
0xe3: {  	v5 =	vmul.f32 v21, v5;
	v16 =	vld [tilespmem:s16+$0x0];
	[tilespmem:s17+$0xFFFFFFB0] =	vst v29;
	v7 =	vmul.f32 v27, v7  }
0xe4: {  	s17 =	sadd.s32 $0x200, s17;
	v17 =	vld [tilespmem:s6+$0x0];
	[tilespmem:s11+$0xFFFFFFC0] =	vst v25;
	v4 =	vmul.f32 v30, v4  }
0xe5: {  	v19 =	vld [tilespmem:s17+$0xF0];
	[tilespmem:s11+$0xFFFFFFD0] =	vst v26;
	v3 =	vmul.f32 v13, v3  }
0xe6: {  	v13 =	vld [tilespmem:s17+$0xFFFFFF00];
	[tilespmem:s11+$0xFFFFFFE0] =	vst v23;
	v1 =	vmul.f32 v14, v1  }
0xe7: {  	v14 =	vld [tilespmem:s17+$0xFFFFFF10];
	[tilespmem:s11+$0xFFFFFFF0] =	vst v24;
	v2 =	vmul.f32 v15, v2  }
0xe8: {  	v15 =	vld [tilespmem:s17+$0xFFFFFF20];
	v27 =	vbroadcast v16, $0x0;
	v21 =	vbroadcast v16, $0xF;
	[tilespmem:s11+$0x0] =	vst v20  }
0xe9: {  	v20 =	vbroadcast v17, $0x0;
	v23 =	vbroadcast v17, $0x1;
	v24 =	vld [tilespmem:s17+$0xFFFFFF30];
	[tilespmem:s11+$0x10] =	vst v22  }
0xea: {  	v22 =	vbroadcast v17, $0x2;
	v25 =	vld [tilespmem:s17+$0xFFFFFF40];
	v19 =	vmul.f32 v19, v21;
	[tilespmem:s11+$0x20] =	vst v18  }
0xeb: {  	v18 =	vbroadcast v17, $0x3;
	v21 =	vbroadcast v17, $0x4;
	v26 =	vld [tilespmem:s17+$0xFFFFFF50];
	[tilespmem:s11+$0x30] =	vst v11  }
0xec: {  	v28 =	vbroadcast v17, $0x5;
	v30 =	vbroadcast v17, $0x6;
	v29 =	vld [tilespmem:s17+$0xFFFFFF60];
	[tilespmem:s17+$0xF0] =	vst v19  }
0xed: {  	v31 =	vbroadcast v17, $0x7;
	v32 =	vbroadcast v17, $0x8;
	v19 =	vld [tilespmem:s17+$0xFFFFFF70];
	[tilespmem:s11+$0x40] =	vst v12  }
0xee: {  	v34 =	vbroadcast v17, $0x9;
	v35 =	vbroadcast v17, $0xA;
	v33 =	vld [tilespmem:s17+$0xFFFFFF80];
	[tilespmem:s11+$0x50] =	vst v8  }
0xef: {  	v37 =	vbroadcast v17, $0xB;
	v38 =	vbroadcast v17, $0xC;
	v36 =	vld [tilespmem:s17+$0xFFFFFF90];
	[tilespmem:s11+$0x60] =	vst v10  }
0xf0: {  	v40 =	vbroadcast v17, $0xD;
	v41 =	vbroadcast v17, $0xE;
	v39 =	vld [tilespmem:s17+$0xFFFFFFA0];
	[tilespmem:s11+$0x70] =	vst v6  }
0xf1: {  	v44 =	vbroadcast v16, $0x1;
	v43 =	vbroadcast v17, $0xF;
	v42 =	vld [tilespmem:s17+$0xFFFFFFB0];
	[tilespmem:s11+$0x80] =	vst v9  }
0xf2: {  	v46 =	vbroadcast v16, $0x2;
	v11 =	vbroadcast v16, $0x3;
	v45 =	vld [tilespmem:s17+$0xFFFFFFC0];
	[tilespmem:s11+$0x90] =	vst v5  }
0xf3: {  	v12 =	vbroadcast v16, $0x4;
	v8 =	vbroadcast v16, $0x5;
	v47 =	vld [tilespmem:s17+$0xFFFFFFD0];
	[tilespmem:s11+$0xA0] =	vst v7  }
0xf4: {  	v10 =	vbroadcast v16, $0x6;
	v6 =	vbroadcast v16, $0x7;
	v48 =	vld [tilespmem:s17+$0xFFFFFFE0];
	[tilespmem:s11+$0xB0] =	vst v4  }
0xf5: {  	v9 =	vbroadcast v16, $0x8;
	v5 =	vbroadcast v16, $0x9;
	v49 =	vld [tilespmem:s17+$0xFFFFFFF0];
	[tilespmem:s11+$0xC0] =	vst v3  }
0xf6: {  	v7 =	vbroadcast v16, $0xA;
	v4 =	vbroadcast v16, $0xB;
	v50 =	vld [tilespmem:s17+$0x0];
	[tilespmem:s11+$0xD0] =	vst v1  }
0xf7: {  	v3 =	vbroadcast v16, $0xC;
	v1 =	vbroadcast v16, $0xD;
	v51 =	vld [tilespmem:s17+$0x10];
	[tilespmem:s11+$0xE0] =	vst v2;
	s11 =	smov.u32 s17  }
0xf8: {  	v17 =	vmul.f32 v20, v13;
	v2 =	vbroadcast v16, $0xE;
	v52 =	vld [tilespmem:s17+$0x20]  }
0xf9: {  	v20 =	vmul.f32 v15, v22;
	v16 =	vmul.f32 v14, v23;
	v13 =	vld [tilespmem:s17+$0x30]  }
0xfa: {  	[tilespmem:s17+$0xFFFFFF00] =	vst v17;
	v17 =	vmul.f32 v24, v18;
	v18 =	vmul.f32 v25, v21;
	v14 =	vld [tilespmem:s17+$0x40]  }
0xfb: {  	v22 =	vmul.f32 v29, v30;
	v21 =	vmul.f32 v26, v28;
	[tilespmem:s17+$0xFFFFFF10] =	vst v16;
	v15 =	vld [tilespmem:s17+$0x50]  }
0xfc: {  	v30 =	vmul.f32 v19, v31;
	v32 =	vmul.f32 v33, v32;
	[tilespmem:s17+$0xFFFFFF20] =	vst v20;
	v16 =	vld [tilespmem:s17+$0x60]  }
.Ltmp5:
0xfd: {  	v31 =	vmul.f32 v36, v34;
	v28 =	vmul.f32 v39, v35;
	[tilespmem:s17+$0xFFFFFF30] =	vst v17;
	v17 =	vld [tilespmem:s17+$0x70];
	(pc) =	sbr.rel @p1 .LBB2_5-.Ltmp5, $4  }
0xfe: {  	v29 =	vmul.f32 v42, v37;
	v25 =	vmul.f32 v45, v38;
	[tilespmem:s17+$0xFFFFFF40] =	vst v18;
	v19 =	vld [tilespmem:s17+$0x80]  }
0xff: {  	v23 =	vmul.f32 v48, v41;
	v26 =	vmul.f32 v47, v40;
	[tilespmem:s17+$0xFFFFFF50] =	vst v21;
	v21 =	vld [tilespmem:s17+$0x90]  }
0x100: {  	v24 =	vmul.f32 v49, v43;
	v20 =	vmul.f32 v27, v50;
	[tilespmem:s17+$0xFFFFFF60] =	vst v22;
	v27 =	vld [tilespmem:s17+$0xA0]  }
0x101: {  	s15 =	sadd.s32 $0x2, s15;
	v18 =	vmul.f32 v52, v46;
	v22 =	vmul.f32 v51, v44;
	[tilespmem:s17+$0xFFFFFF70] =	vst v30;
	v30 =	vld [tilespmem:s17+$0xB0]  }
0x102: {  	[tilespmem:s17+$0xFFFFFF80] =	vst v32  }
0x103: {  	[tilespmem:s17+$0xFFFFFF90] =	vst v31  }
0x104: {  	[tilespmem:s17+$0xFFFFFFA0] =	vst v28;
	v59 =	vld [tilespmem:s17+$0xC0]  }
0x105: {  	[tilespmem:s17+$0xFFFFFFB0] =	vst v29;
	v60 =	vld [tilespmem:s17+$0xD0]  }
0x106: {  	v61 =	vld [tilespmem:s17+$0xE0];
	[tilespmem:s11+$0x0] =	vst v20  }
0x107: {  	[tilespmem:s11+$0xFFFFFFC0] =	vst v25  }
0x108: {  	[tilespmem:s11+$0xFFFFFFD0] =	vst v26  }
0x109: {  	[tilespmem:s11+$0xFFFFFFE0] =	vst v23  }
0x10a: {  	[tilespmem:s11+$0xFFFFFFF0] =	vst v24  }
0x10b: {  	v11 =	vmul.f32 v13, v11;
	[tilespmem:s11+$0x10] =	vst v22  }
0x10c: {  	v12 =	vmul.f32 v14, v12;
	[tilespmem:s11+$0x20] =	vst v18  }
0x10d: {  	v8 =	vmul.f32 v15, v8;
	[tilespmem:s11+$0x30] =	vst v11  }
0x10e: {  	v10 =	vmul.f32 v16, v10;
	[tilespmem:s11+$0x40] =	vst v12  }
0x10f: {  	v6 =	vmul.f32 v17, v6;
	[tilespmem:s11+$0x50] =	vst v8  }
0x110: {  	v62 =	vmul.f32 v19, v9;
	[tilespmem:s11+$0x60] =	vst v10  }
0x111: {  	v5 =	vmul.f32 v21, v5;
	[tilespmem:s11+$0x70] =	vst v6  }
0x112: {  	v63 =	vmul.f32 v27, v7;
	[tilespmem:s11+$0x80] =	vst v62  }
0x113: {  	v4 =	vmul.f32 v30, v4;
	[tilespmem:s11+$0x90] =	vst v5  }
0x114: {  	v3 =	vmul.f32 v59, v3;
	[tilespmem:s11+$0xA0] =	vst v63  }
0x115: {  	v1 =	vmul.f32 v60, v1;
	[tilespmem:s11+$0xB0] =	vst v4  }
0x116: {  	v2 =	vmul.f32 v61, v2;
	[tilespmem:s11+$0xC0] =	vst v3  }
0x117: {  	[tilespmem:s11+$0xD0] =	vst v1  }
0x118: {  	s6 =	simm.s32 $0x18780;
	[tilespmem:s11+$0xE0] =	vst v2  }
0x119: {  	[spmem:s1] =	stream.indirect.scatter.add.f32 [tilespmem:s20], [sflag:$0x5], $0x10, s6, s24, $0xb8;
	[tilespmem:$0x1F900] =	vst v63  }
0x11a: {  	s13 =	simm.s32 $0x18900  }
0x11b: {  	[spmem:s1] =	stream.indirect.scatter.add.f32 [tilespmem:s26], [sflag:$0x5], $0x10, s13, s24, $0xb8;
	[tilespmem:$0x1F900] =	vst v63  }
0x11c: {  	s14 =	simm.s32 $0x18A80  }
0x11d: {  	[spmem:s1] =	stream.indirect.scatter.add.f32 [tilespmem:s29], [sflag:$0x5], $0x10, s14, s24, $0xb8;
	[tilespmem:$0x1F900] =	vst v63  }
0x11e: {  	s15 =	simm.s32 $0x18C00  }
0x11f: {  	[spmem:s1] =	stream.indirect.scatter.add.f32 [tilespmem:s31], [sflag:$0x5], $0x10, s15, s24, $0xb8;
	[tilespmem:$0x1F900] =	vst v63  }
.Ltmp6:
0x120: {  	_ = 	snop;
	(pc) =	sbr.rel @p0 .LBB2_10-.Ltmp6, $4  }
0x121: {  	s16 =	simm.s32 $0x18D80  }
0x122: {  	[spmem:s1] =	stream.indirect.scatter.add.f32 [tilespmem:s2], [sflag:$0x5], $0x10, s16, s24, $0xb8;
	[tilespmem:$0x1F900] =	vst v63  }
0x123: {  	s17 =	simm.s32 $0x18F00  }
0x124: {  	[spmem:s1] =	stream.indirect.scatter.add.f32 [tilespmem:s8], [sflag:$0x5], $0x10, s17, s24, $0xb8;
	[tilespmem:$0x1F900] =	vst v63  }
0x125: {  	_ =	swait.ge [sflag:s18], $0x900  }
0x126: {  	[sflag:s18] =	ssyncset.done $0x0  }
0x127: {  	s6 =	simm.s32 $0x19000;
	s11 =	simm.s32 $0x1C900;
	[sflag:s18] =	ssyncadd.s32 $0xFFFFF700  }
0x128: {  	[tilespmem:s11], [sflag:$0x4] =	stream.indirect.gather [hbm4b:s4+s24], $0x10, s6, s24, $0xb8;
	[tilespmem:$0x1F900] =	vst v63  }
0x129: {  	s15 =	simm.s32 $0x19180  }
0x12a: {  	[tilespmem:s19], [sflag:$0x4] =	stream.indirect.gather [hbm4b:s4+s24], $0x10, s15, s24, $0xb8;
	[tilespmem:$0x1F900] =	vst v63  }
0x12b: {  	s16 =	simm.s32 $0x19300  }
0x12c: {  	[tilespmem:s3], [sflag:$0x4] =	stream.indirect.gather [hbm4b:s4+s24], $0x10, s16, s24, $0xb8;
	[tilespmem:$0x1F900] =	vst v63  }
0x12d: {  	s17 =	simm.s32 $0x19480  }
0x12e: {  	[tilespmem:s25], [sflag:$0x4] =	stream.indirect.gather [hbm4b:s4+s24], $0x10, s17, s24, $0xb8;
	[tilespmem:$0x1F900] =	vst v63  }
0x12f: {  	s11 =	simm.s32 $0x19600  }
0x130: {  	[tilespmem:s28], [sflag:$0x4] =	stream.indirect.gather [hbm4b:s4+s24], $0x10, s11, s24, $0xb8;
	[tilespmem:$0x1F900] =	vst v63  }
0x131: {  	s12 =	simm.s32 $0x19780  }
0x132: {  	[tilespmem:s30], [sflag:$0x4] =	stream.indirect.gather [hbm4b:s4+s24], $0x10, s12, s24, $0xb8;
	[tilespmem:$0x1F900] =	vst v63  }
0x133: {  	_ =	swait.ge [sflag:s0], $0x800  }
0x134: {  	[sflag:s0] =	ssyncset.done $0x0  }
0x135: {  	[sflag:s0] =	ssyncadd.s32 $0xFFFFF800  }
0x136: {  	_ =	swait.ge [sflag:s0], $0x800  }
0x137: {  	[sflag:s0] =	ssyncset.done $0x0  }
0x138: {  	[sflag:s0] =	ssyncadd.s32 $0xFFFFF800  }
0x139: {  	_ =	swait.ge [sflag:s0], $0x800  }
0x13a: {  	[sflag:s0] =	ssyncset.done $0x0  }
0x13b: {  	[sflag:s0] =	ssyncadd.s32 $0xFFFFF800  }
0x13c: {  	_ =	swait.ge [sflag:s0], $0x800  }
0x13d: {  	[sflag:s0] =	ssyncset.done $0x0  }
0x13e: {  	[sflag:s0] =	ssyncadd.s32 $0xFFFFF800  }
0x13f: {  	s13 =	smul.u32 $0xC, s21;
	_ =	swait.ge [sflag:s0], $0x800  }
0x140: {  	[sflag:s0] =	ssyncset.done $0x0;
	s14 =	rddreg [dreg:$0xf]  }
0x141: {  	[sflag:s0] =	ssyncadd.s32 $0xFFFFF800;
	s6 =	sadd.s32 s13, s14  }
0x142: {  	_ =	swait.ge [sflag:s0], $0x800;
	s6 =	smul.u32 $0x30, s6  }
0x143: {  	[sflag:s0] =	ssyncset.done $0x0  }
0x144: {  	s15 =	simm.s32 $0x0;
	[sflag:s0] =	ssyncadd.s32 $0xFFFFF800;
	s6 =	sadd.s32 s5, s6  }
0x145: {  	[tilespmem:s22], [sflag:$0x1] =	stream.linear.gather [hbm4b:s6+s15], $0x900, $0x38;
	[tilespmem:$0x1F900] =	vst v63  }
0x146: {  	_ =	swait.ge [sflag:s7], $0x800  }
0x147: {  	[sflag:s7] =	ssyncset.done $0x0  }
0x148: {  	[sflag:s7] =	ssyncadd.s32 $0xFFFFF800  }
0x149: {  	_ =	swait.ge [sflag:s7], $0x800  }
0x14a: {  	[sflag:s7] =	ssyncset.done $0x0  }
0x14b: {  	[sflag:s7] =	ssyncadd.s32 $0xFFFFF800  }
0x14c: {  	_ =	swait.ge [sflag:s7], $0x800  }
0x14d: {  	[sflag:s7] =	ssyncset.done $0x0  }
0x14e: {  	[sflag:s7] =	ssyncadd.s32 $0xFFFFF800  }
0x14f: {  	_ =	swait.ge [sflag:s7], $0x800  }
0x150: {  	[sflag:s7] =	ssyncset.done $0x0  }
0x151: {  	[sflag:s7] =	ssyncadd.s32 $0xFFFFF800  }
0x152: {  	_ =	swait.ge [sflag:s7], $0x800  }
0x153: {  	[sflag:s7] =	ssyncset.done $0x0  }
0x154: {  	[sflag:s7] =	ssyncadd.s32 $0xFFFFF800  }
0x155: {  	s16 =	simm.s32 $0x0;
	_ =	swait.ge [sflag:s7], $0x800  }
0x156: {  	s6 =	sand.u32 $0x3FFFFF00, s16;
	[sflag:s7] =	ssyncset.done $0x0  }
0x157: {  	s17 =	sadd.s32 $0x19110, s6;
	[sflag:s7] =	ssyncadd.s32 $0xFFFFF800  }
0x158: {  	s6 =	sadd.s32 $0x19100, s6;
	v2 =	vld [tilespmem:s17+$0x0]  }
0x159: {  	s17 =	simm.s32 $0x1CA00;
	v1 =	vld [tilespmem:s6+$0x0]  }
0x15a: {  	v3 =	vld [tilespmem:s17+$0xF0]  }
0x15b: {  	v13 =	vld [tilespmem:s17+$0xFFFFFF00]  }
0x15c: {  	v14 =	vld [tilespmem:s17+$0xFFFFFF10]  }
0x15d: {  	v15 =	vld [tilespmem:s17+$0xFFFFFF20];
	v18 =	vbroadcast v2, $0x0;
	v4 =	vbroadcast v2, $0xF  }
0x15e: {  	v19 =	vld [tilespmem:s17+$0xFFFFFF30];
	v16 =	vbroadcast v1, $0x0;
	v17 =	vbroadcast v1, $0x1  }
0x15f: {  	v21 =	vld [tilespmem:s17+$0xFFFFFF40];
	v20 =	vbroadcast v1, $0x2;
	v22 =	vbroadcast v1, $0x3  }
0x160: {  	v24 =	vld [tilespmem:s17+$0xFFFFFF50];
	v23 =	vbroadcast v1, $0x4;
	v25 =	vbroadcast v1, $0x5  }
0x161: {  	v26 =	vld [tilespmem:s17+$0xFFFFFF60];
	v27 =	vbroadcast v1, $0x6;
	v29 =	vbroadcast v1, $0x7  }
0x162: {  	v28 =	vld [tilespmem:s17+$0xFFFFFF70];
	v30 =	vbroadcast v1, $0x8;
	v33 =	vbroadcast v1, $0x9  }
0x163: {  	v31 =	vld [tilespmem:s17+$0xFFFFFF80];
	v34 =	vbroadcast v1, $0xA;
	v36 =	vbroadcast v1, $0xB  }
0x164: {  	v35 =	vld [tilespmem:s17+$0xFFFFFF90];
	v37 =	vbroadcast v1, $0xC;
	v39 =	vbroadcast v1, $0xD  }
0x165: {  	v38 =	vld [tilespmem:s17+$0xFFFFFFA0];
	v40 =	vbroadcast v1, $0xE;
	v42 =	vbroadcast v1, $0xF  }
0x166: {  	v41 =	vld [tilespmem:s17+$0xFFFFFFB0];
	v43 =	vbroadcast v2, $0x1;
	v45 =	vbroadcast v2, $0x2  }
0x167: {  	v44 =	vld [tilespmem:s17+$0xFFFFFFC0];
	v11 =	vbroadcast v2, $0x3;
	v12 =	vbroadcast v2, $0x4  }
0x168: {  	v46 =	vld [tilespmem:s17+$0xFFFFFFD0];
	v8 =	vbroadcast v2, $0x5;
	v10 =	vbroadcast v2, $0x6  }
0x169: {  	v47 =	vld [tilespmem:s17+$0xFFFFFFE0];
	v6 =	vbroadcast v2, $0x7;
	v9 =	vbroadcast v2, $0x8  }
0x16a: {  	v48 =	vld [tilespmem:s17+$0xFFFFFFF0];
	v5 =	vbroadcast v2, $0x9;
	v7 =	vbroadcast v2, $0xA  }
0x16b: {  	v49 =	vld [tilespmem:s17+$0x0];
	v1 =	vbroadcast v2, $0xD;
	v3 =	vmul.f32 v3, v4  }
0x16c: {  	v50 =	vld [tilespmem:s17+$0x10];
	v4 =	vbroadcast v2, $0xB;
	v16 =	vmul.f32 v16, v13  }
0x16d: {  	v51 =	vld [tilespmem:s17+$0x20];
	v17 =	vmul.f32 v14, v17;
	v20 =	vmul.f32 v15, v20  }
0x16e: {  	v13 =	vld [tilespmem:s17+$0x30];
	v19 =	vmul.f32 v19, v22;
	v21 =	vmul.f32 v21, v23;
	[tilespmem:s17+$0xF0] =	vst v3  }
0x16f: {  	v14 =	vld [tilespmem:s17+$0x40];
	v22 =	vmul.f32 v24, v25;
	v24 =	vmul.f32 v26, v27;
	[tilespmem:s17+$0xFFFFFF00] =	vst v16  }
0x170: {  	v15 =	vld [tilespmem:s17+$0x50];
	v52 =	vmul.f32 v28, v29;
	v32 =	vmul.f32 v31, v30;
	[tilespmem:s17+$0xFFFFFF10] =	vst v17  }
0x171: {  	v31 =	vmul.f32 v35, v33;
	v28 =	vmul.f32 v38, v34;
	v27 =	vld [tilespmem:s17+$0xA0];
	[tilespmem:s17+$0xFFFFFF20] =	vst v20  }
0x172: {  	v29 =	vmul.f32 v41, v36;
	v25 =	vmul.f32 v44, v37;
	v16 =	vld [tilespmem:s17+$0x60];
	[tilespmem:s17+$0xFFFFFF30] =	vst v19  }
0x173: {  	v26 =	vmul.f32 v46, v39;
	v23 =	vmul.f32 v47, v40;
	v17 =	vld [tilespmem:s17+$0x70];
	[tilespmem:s17+$0xFFFFFF40] =	vst v21  }
0x174: {  	v3 =	vbroadcast v2, $0xC;
	v2 =	vbroadcast v2, $0xE;
	v19 =	vld [tilespmem:s17+$0x80];
	[tilespmem:s17+$0xFFFFFF50] =	vst v22  }
0x175: {  	s11 =	simm.s32 $0x1CA00;
	s12 =	simm.s32 $0x19100;
	v21 =	vld [tilespmem:s17+$0x90];
	[tilespmem:s17+$0xFFFFFF60] =	vst v24;
	v24 =	vmul.f32 v48, v42;
	v20 =	vmul.f32 v18, v49  }
0x176: {  	s13 =	simm.s32 $0x19110;
	s14 =	simm.s32 $0x0;
	s15 =	simm.s32 $0x2;
	v30 =	vld [tilespmem:s17+$0xB0];
	[tilespmem:s17+$0xFFFFFF70] =	vst v52;
	v22 =	vmul.f32 v50, v43;
	v18 =	vmul.f32 v51, v45  }
.LBB2_8:
0x177: {  	s6 =	sshll.u32 s15, $0x5;
	s14 =	sadd.s32 $0x2, s14;
	[tilespmem:s17+$0xFFFFFF80] =	vst v32;
	v11 =	vmul.f32 v13, v11;
	v12 =	vmul.f32 v14, v12;
	v13 =	vld [tilespmem:s17+$0xC0];
	s12 =	sadd.s32 $0x20, s12  }
0x178: {  	v8 =	vmul.f32 v15, v8;
	v10 =	vmul.f32 v16, v10;
	s13 =	sadd.s32 $0x20, s13;
	s6 =	sand.u32 $0x3FFFFF00, s6;
	p0 =	slt.u32 s14, $0x2E;
	[tilespmem:s17+$0xFFFFFF90] =	vst v31;
	v14 =	vld [tilespmem:s17+$0xD0]  }
0x179: {  	v6 =	vmul.f32 v17, v6;
	v9 =	vmul.f32 v19, v9;
	s16 =	sadd.s32 s6, s12;
	s6 =	sadd.s32 s6, s13;
	[tilespmem:s17+$0xFFFFFFA0] =	vst v28;
	v15 =	vld [tilespmem:s17+$0xE0]  }
0x17a: {  	v5 =	vmul.f32 v21, v5;
	v16 =	vld [tilespmem:s6+$0x0];
	[tilespmem:s17+$0xFFFFFFB0] =	vst v29;
	v7 =	vmul.f32 v27, v7  }
0x17b: {  	s17 =	sadd.s32 $0x200, s17;
	v17 =	vld [tilespmem:s16+$0x0];
	[tilespmem:s11+$0xFFFFFFC0] =	vst v25;
	v4 =	vmul.f32 v30, v4  }
0x17c: {  	v19 =	vld [tilespmem:s17+$0xF0];
	[tilespmem:s11+$0xFFFFFFD0] =	vst v26;
	v3 =	vmul.f32 v13, v3  }
0x17d: {  	v13 =	vld [tilespmem:s17+$0xFFFFFF00];
	[tilespmem:s11+$0xFFFFFFE0] =	vst v23;
	v1 =	vmul.f32 v14, v1  }
0x17e: {  	v14 =	vld [tilespmem:s17+$0xFFFFFF10];
	[tilespmem:s11+$0xFFFFFFF0] =	vst v24;
	v2 =	vmul.f32 v15, v2  }
0x17f: {  	v15 =	vld [tilespmem:s17+$0xFFFFFF20];
	v27 =	vbroadcast v16, $0x0;
	v21 =	vbroadcast v16, $0xF;
	[tilespmem:s11+$0x0] =	vst v20  }
0x180: {  	v20 =	vbroadcast v17, $0x0;
	v23 =	vbroadcast v17, $0x1;
	v24 =	vld [tilespmem:s17+$0xFFFFFF30];
	[tilespmem:s11+$0x10] =	vst v22  }
0x181: {  	v22 =	vbroadcast v17, $0x2;
	v25 =	vld [tilespmem:s17+$0xFFFFFF40];
	v19 =	vmul.f32 v19, v21;
	[tilespmem:s11+$0x20] =	vst v18  }
0x182: {  	v18 =	vbroadcast v17, $0x3;
	v21 =	vbroadcast v17, $0x4;
	v26 =	vld [tilespmem:s17+$0xFFFFFF50];
	[tilespmem:s11+$0x30] =	vst v11  }
0x183: {  	v28 =	vbroadcast v17, $0x5;
	v30 =	vbroadcast v17, $0x6;
	v29 =	vld [tilespmem:s17+$0xFFFFFF60];
	[tilespmem:s17+$0xF0] =	vst v19  }
0x184: {  	v31 =	vbroadcast v17, $0x7;
	v32 =	vbroadcast v17, $0x8;
	v19 =	vld [tilespmem:s17+$0xFFFFFF70];
	[tilespmem:s11+$0x40] =	vst v12  }
0x185: {  	v34 =	vbroadcast v17, $0x9;
	v35 =	vbroadcast v17, $0xA;
	v33 =	vld [tilespmem:s17+$0xFFFFFF80];
	[tilespmem:s11+$0x50] =	vst v8  }
0x186: {  	v37 =	vbroadcast v17, $0xB;
	v38 =	vbroadcast v17, $0xC;
	v36 =	vld [tilespmem:s17+$0xFFFFFF90];
	[tilespmem:s11+$0x60] =	vst v10  }
0x187: {  	v40 =	vbroadcast v17, $0xD;
	v41 =	vbroadcast v17, $0xE;
	v39 =	vld [tilespmem:s17+$0xFFFFFFA0];
	[tilespmem:s11+$0x70] =	vst v6  }
0x188: {  	v44 =	vbroadcast v16, $0x1;
	v43 =	vbroadcast v17, $0xF;
	v42 =	vld [tilespmem:s17+$0xFFFFFFB0];
	[tilespmem:s11+$0x80] =	vst v9  }
0x189: {  	v46 =	vbroadcast v16, $0x2;
	v11 =	vbroadcast v16, $0x3;
	v45 =	vld [tilespmem:s17+$0xFFFFFFC0];
	[tilespmem:s11+$0x90] =	vst v5  }
0x18a: {  	v12 =	vbroadcast v16, $0x4;
	v8 =	vbroadcast v16, $0x5;
	v47 =	vld [tilespmem:s17+$0xFFFFFFD0];
	[tilespmem:s11+$0xA0] =	vst v7  }
0x18b: {  	v10 =	vbroadcast v16, $0x6;
	v6 =	vbroadcast v16, $0x7;
	v48 =	vld [tilespmem:s17+$0xFFFFFFE0];
	[tilespmem:s11+$0xB0] =	vst v4  }
0x18c: {  	v9 =	vbroadcast v16, $0x8;
	v5 =	vbroadcast v16, $0x9;
	v49 =	vld [tilespmem:s17+$0xFFFFFFF0];
	[tilespmem:s11+$0xC0] =	vst v3  }
0x18d: {  	v7 =	vbroadcast v16, $0xA;
	v4 =	vbroadcast v16, $0xB;
	v50 =	vld [tilespmem:s17+$0x0];
	[tilespmem:s11+$0xD0] =	vst v1  }
0x18e: {  	v3 =	vbroadcast v16, $0xC;
	v1 =	vbroadcast v16, $0xD;
	v51 =	vld [tilespmem:s17+$0x10];
	[tilespmem:s11+$0xE0] =	vst v2;
	s11 =	smov.u32 s17  }
0x18f: {  	v17 =	vmul.f32 v20, v13;
	v2 =	vbroadcast v16, $0xE;
	v52 =	vld [tilespmem:s17+$0x20]  }
0x190: {  	v20 =	vmul.f32 v15, v22;
	v16 =	vmul.f32 v14, v23;
	v13 =	vld [tilespmem:s17+$0x30]  }
0x191: {  	[tilespmem:s17+$0xFFFFFF00] =	vst v17;
	v17 =	vmul.f32 v24, v18;
	v18 =	vmul.f32 v25, v21;
	v14 =	vld [tilespmem:s17+$0x40]  }
0x192: {  	v22 =	vmul.f32 v29, v30;
	v21 =	vmul.f32 v26, v28;
	[tilespmem:s17+$0xFFFFFF10] =	vst v16;
	v15 =	vld [tilespmem:s17+$0x50]  }
0x193: {  	v30 =	vmul.f32 v19, v31;
	v32 =	vmul.f32 v33, v32;
	[tilespmem:s17+$0xFFFFFF20] =	vst v20;
	v16 =	vld [tilespmem:s17+$0x60]  }
.Ltmp7:
0x194: {  	v31 =	vmul.f32 v36, v34;
	v28 =	vmul.f32 v39, v35;
	[tilespmem:s17+$0xFFFFFF30] =	vst v17;
	v17 =	vld [tilespmem:s17+$0x70];
	(pc) =	sbr.rel @p0 .LBB2_8-.Ltmp7, $4  }
0x195: {  	v29 =	vmul.f32 v42, v37;
	v25 =	vmul.f32 v45, v38;
	[tilespmem:s17+$0xFFFFFF40] =	vst v18;
	v19 =	vld [tilespmem:s17+$0x80]  }
0x196: {  	v23 =	vmul.f32 v48, v41;
	v26 =	vmul.f32 v47, v40;
	[tilespmem:s17+$0xFFFFFF50] =	vst v21;
	v21 =	vld [tilespmem:s17+$0x90]  }
0x197: {  	v24 =	vmul.f32 v49, v43;
	v20 =	vmul.f32 v27, v50;
	[tilespmem:s17+$0xFFFFFF60] =	vst v22;
	v27 =	vld [tilespmem:s17+$0xA0]  }
0x198: {  	s15 =	sadd.s32 $0x2, s15;
	v18 =	vmul.f32 v52, v46;
	v22 =	vmul.f32 v51, v44;
	[tilespmem:s17+$0xFFFFFF70] =	vst v30;
	v30 =	vld [tilespmem:s17+$0xB0]  }
0x199: {  	[tilespmem:s17+$0xFFFFFF80] =	vst v32  }
0x19a: {  	[tilespmem:s17+$0xFFFFFF90] =	vst v31  }
0x19b: {  	[tilespmem:s17+$0xFFFFFFA0] =	vst v28;
	v59 =	vld [tilespmem:s17+$0xC0]  }
0x19c: {  	[tilespmem:s17+$0xFFFFFFB0] =	vst v29;
	v60 =	vld [tilespmem:s17+$0xD0]  }
0x19d: {  	v61 =	vld [tilespmem:s17+$0xE0];
	[tilespmem:s11+$0x0] =	vst v20  }
0x19e: {  	[tilespmem:s11+$0xFFFFFFC0] =	vst v25  }
0x19f: {  	[tilespmem:s11+$0xFFFFFFD0] =	vst v26  }
0x1a0: {  	[tilespmem:s11+$0xFFFFFFE0] =	vst v23  }
0x1a1: {  	[tilespmem:s11+$0xFFFFFFF0] =	vst v24  }
0x1a2: {  	v11 =	vmul.f32 v13, v11;
	[tilespmem:s11+$0x10] =	vst v22  }
0x1a3: {  	v12 =	vmul.f32 v14, v12;
	[tilespmem:s11+$0x20] =	vst v18  }
0x1a4: {  	v8 =	vmul.f32 v15, v8;
	[tilespmem:s11+$0x30] =	vst v11  }
0x1a5: {  	v10 =	vmul.f32 v16, v10;
	[tilespmem:s11+$0x40] =	vst v12  }
0x1a6: {  	v6 =	vmul.f32 v17, v6;
	[tilespmem:s11+$0x50] =	vst v8  }
0x1a7: {  	v62 =	vmul.f32 v19, v9;
	[tilespmem:s11+$0x60] =	vst v10  }
0x1a8: {  	v5 =	vmul.f32 v21, v5;
	[tilespmem:s11+$0x70] =	vst v6  }
0x1a9: {  	v63 =	vmul.f32 v27, v7;
	[tilespmem:s11+$0x80] =	vst v62  }
0x1aa: {  	v4 =	vmul.f32 v30, v4;
	[tilespmem:s11+$0x90] =	vst v5  }
0x1ab: {  	v3 =	vmul.f32 v59, v3;
	[tilespmem:s11+$0xA0] =	vst v63  }
0x1ac: {  	v1 =	vmul.f32 v60, v1;
	[tilespmem:s11+$0xB0] =	vst v4  }
0x1ad: {  	v2 =	vmul.f32 v61, v2;
	[tilespmem:s11+$0xC0] =	vst v3  }
0x1ae: {  	[tilespmem:s11+$0xD0] =	vst v1  }
0x1af: {  	s6 =	simm.s32 $0x1C900;
	s14 =	simm.s32 $0x19080;
	[tilespmem:s11+$0xE0] =	vst v2  }
0x1b0: {  	[spmem:s1] =	stream.indirect.scatter.add.f32 [tilespmem:s6], [sflag:$0x6], $0x10, s14, s24, $0xb8;
	[tilespmem:$0x1F900] =	vst v63  }
0x1b1: {  	s15 =	simm.s32 $0x19200  }
0x1b2: {  	[spmem:s1] =	stream.indirect.scatter.add.f32 [tilespmem:s19], [sflag:$0x6], $0x10, s15, s24, $0xb8;
	[tilespmem:$0x1F900] =	vst v63  }
0x1b3: {  	s16 =	simm.s32 $0x19380  }
0x1b4: {  	[spmem:s1] =	stream.indirect.scatter.add.f32 [tilespmem:s3], [sflag:$0x6], $0x10, s16, s24, $0xb8;
	[tilespmem:$0x1F900] =	vst v63  }
0x1b5: {  	s17 =	simm.s32 $0x19500  }
0x1b6: {  	[spmem:s1] =	stream.indirect.scatter.add.f32 [tilespmem:s25], [sflag:$0x6], $0x10, s17, s24, $0xb8;
	[tilespmem:$0x1F900] =	vst v63  }
0x1b7: {  	s11 =	simm.s32 $0x19680  }
0x1b8: {  	[spmem:s1] =	stream.indirect.scatter.add.f32 [tilespmem:s28], [sflag:$0x6], $0x10, s11, s24, $0xb8;
	[tilespmem:$0x1F900] =	vst v63  }
0x1b9: {  	s12 =	simm.s32 $0x19800  }
0x1ba: {  	[spmem:s1] =	stream.indirect.scatter.add.f32 [tilespmem:s30], [sflag:$0x6], $0x10, s12, s24, $0xb8;
	[tilespmem:$0x1F900] =	vst v63  }
0x1bb: {  	_ =	swait.ge [sflag:s23], $0x900  }
0x1bc: {  	[sflag:s23] =	ssyncset.done $0x0  }
0x1bd: {  	[sflag:s23] =	ssyncadd.s32 $0xFFFFF700  }
0x1be: {  	[tilespmem:s20], [sflag:$0x3] =	stream.indirect.gather [hbm4b:s4+s24], $0x10, s22, s24, $0xb8;
	[tilespmem:$0x1F900] =	vst v63  }
0x1bf: {  	s13 =	simm.s32 $0x18880  }
0x1c0: {  	[tilespmem:s26], [sflag:$0x3] =	stream.indirect.gather [hbm4b:s4+s24], $0x10, s13, s24, $0xb8;
	[tilespmem:$0x1F900] =	vst v63  }
0x1c1: {  	s14 =	simm.s32 $0x18A00  }
0x1c2: {  	[tilespmem:s29], [sflag:$0x3] =	stream.indirect.gather [hbm4b:s4+s24], $0x10, s14, s24, $0xb8;
	[tilespmem:$0x1F900] =	vst v63  }
0x1c3: {  	s15 =	simm.s32 $0x18B80  }
0x1c4: {  	[tilespmem:s31], [sflag:$0x3] =	stream.indirect.gather [hbm4b:s4+s24], $0x10, s15, s24, $0xb8;
	[tilespmem:$0x1F900] =	vst v63  }
.Ltmp8:
0x1c5: {  	_ = 	snop;
	(pc) =	sbr.rel .LBB2_10-.Ltmp8, $4  }
0x1c6: {  	s16 =	simm.s32 $0x18D00  }
0x1c7: {  	[tilespmem:s2], [sflag:$0x3] =	stream.indirect.gather [hbm4b:s4+s24], $0x10, s16, s24, $0xb8;
	[tilespmem:$0x1F900] =	vst v63  }
0x1c8: {  	s17 =	simm.s32 $0x18E80  }
0x1c9: {  	[tilespmem:s8], [sflag:$0x3] =	stream.indirect.gather [hbm4b:s4+s24], $0x10, s17, s24, $0xb8;
	[tilespmem:$0x1F900] =	vst v63  }
.LBB2_12:
0x1ca: {  	_ =	sfence.sel $0x180000  }
0x1cb: {  	[bflag:$0x0] =	sbarrier.arrive $0xFFFF  }
0x1cc: {  	_ =	strace $0x90000047  }
0x1cd: {  	s0 =	stileid.u32;
	[bflag:$0x2] =	sbarrier.arrive $0xFFFF  }
0x1ce: {  	p0 =	sne.s32 s0, $0x0;
	s0 =	rddreg [dreg:$0x3]  }
0x1cf: {  	s0 =	sadd.s32 @!p0 $0x100000, s0  }
0x1d0: {  	[sflag:s0] =	ssyncadd.tile.s32 @!p0 $0x1;
	_ =	shalt  }
.Lfunc_end2:
_tile_overlayer_lowered:
.L_overlay_start_2:
0x1d1: {  	(tag) =	ssettag $0x2  }
0x1d2: {  	s0 =	rddreg [dreg:$0x0];
	s2 =	stileid.u32  }
0x1d3: {  	s1 =	rddreg [dreg:$0x1];
	p0 =	sne.s32 s2, $0x0  }
0x1d4: {  	s3 =	rddreg [dreg:$0x2];
	[bflag:$0x3] =	sbarrier.arrive $0xFFFF;
	s2 =	simm.s32 @!p0 $0x1C07  }
0x1d5: {  	[timem:s3], [sflag:s2] =	dma.local @!p0 [hbm:s0], s1  }
0x1d6: {  	s0 =	simm.s32 @!p0 $0x7  }
0x1d7: {  	_ =	swait.ge @!p0 [sflag:s0], s1  }
0x1d8: {  	s1 =	ssub.s32 @!p0 $0x0, s1;
	[sflag:s0] =	ssyncset.done @!p0 $0x0  }
0x1d9: {  	[sflag:s0] =	ssyncadd.s32 @!p0 s1  }
0x1da: {  	[bflag:$0x3] =	sbarrier.arrive $0xFFFF  }
0x1db: {  	_ =	shalt  }

</sc_bundles>
